<compile_context>
chip_gen: v7x
topology: tpu7x:2x2x1
jax: 0.10.2.dev20260603
libtpu: 0.0.44.dev20260713+nightly
codegen_flags: <defaults>
</compile_context>

<pallas_src>
import functools

import jax
import jax.numpy as jnp
from jax import lax
from jax.experimental import pallas as pl
from jax.experimental.pallas import tpu as pltpu
from jax.experimental.pallas import tpu_sc as plsc

N = 10000
E = 320000
D = 128

_INFO = plsc.get_sparse_core_info()
NC = _INFO.num_cores
NS = _INFO.num_subcores
NW = NC * NS
CH = 100
SB = 20
NSB = 5
EPT = NSB * SB * CH
RPT = N // NS
NBUF = 3


def _scale_rows(buf, w_v, g):

    def row_body(r, c):
        q16 = jnp.minimum((r // 16) * 16, CH - 16)
        wrow = w_v[g, pl.ds(q16, 16)]
        idx = (jnp.zeros((16,), jnp.int32) + (r - q16))[:, None]
        wv = lax.gather(
            wrow, idx,
            lax.GatherDimensionNumbers(offset_dims=(),
                                       collapsed_slice_dims=(0,),
                                       start_index_map=(0,)),
            slice_sizes=(1,),
            mode=lax.GatherScatterMode.PROMISE_IN_BOUNDS)
        for j in range(D // 16):
            sl = (r, pl.ds(j * 16, 16))
            buf[sl] = buf[sl] * wv
        return c

    lax.fori_loop(0, CH, row_body, 0, unroll=False)


def _sc_aggregate(x, src3, dst3, w3, zeros):
    mesh = plsc.VectorSubcoreMesh(core_axis_name="c", subcore_axis_name="s")

    @functools.partial(
        pl.kernel,
        mesh=mesh,
        out_type=jax.ShapeDtypeStruct((NC, NS, RPT, D), jnp.float32),
        scratch_types=[
            pltpu.VMEM((SB, CH), jnp.int32),
            pltpu.VMEM((SB, CH), jnp.int32),
            pltpu.VMEM((SB, CH), jnp.float32),
            pltpu.VMEM((CH, D), jnp.float32),
            pltpu.VMEM((CH, D), jnp.float32),
            pltpu.VMEM((CH, D), jnp.float32),
            pltpu.VMEM_SHARED((N, D), jnp.float32),
            pltpu.SemaphoreType.DMA,
            pltpu.SemaphoreType.DMA,
            pltpu.SemaphoreType.DMA,
            pltpu.SemaphoreType.DMA,
            pltpu.SemaphoreType.DMA,
            pltpu.SemaphoreType.DMA,
        ],
    )
    def agg(x_hbm, src_hbm, dst_hbm, w_hbm, zeros_hbm, out_hbm,
            src_v, dst_v, w_v, buf0, buf1, buf2, acc,
            g0, g1, g2, s0, s1, s2):
        cid = lax.axis_index("c")
        sid = lax.axis_index("s")
        wid = sid * NC + cid
        bufs = (buf0, buf1, buf2)
        gsems = (g0, g1, g2)
        ssems = (s0, s1, s2)

        pltpu.sync_copy(zeros_hbm, acc.at[pl.ds(sid * RPT, RPT)])
        plsc.subcore_barrier()

        def super_body(sb, carry0):
            pltpu.sync_copy(src_hbm.at[wid, sb], src_v)
            pltpu.sync_copy(dst_hbm.at[wid, sb], dst_v)
            pltpu.sync_copy(w_hbm.at[wid, sb], w_v)

            gd = [None] * SB
            sd = [None] * SB
            for g in range(2):
                gd[g] = pltpu.async_copy(
                    x_hbm.at[src_v.at[g]], bufs[g % NBUF], gsems[g % NBUF])

            for g in range(SB):
                p = g % NBUF
                gd[g].wait()
                _scale_rows(bufs[p], w_v, g)
                if g + 2 < SB:
                    if g >= NBUF - 2:
                        sd[g - (NBUF - 2)].wait()
                    pn = (g + 2) % NBUF
                    gd[g + 2] = pltpu.async_copy(
                        x_hbm.at[src_v.at[g + 2]], bufs[pn], gsems[pn])
                sd[g] = pltpu.async_copy(
                    bufs[p], acc.at[dst_v.at[g]], ssems[p], add=True)
            for g in range(max(0, SB - NBUF), SB):
                sd[g].wait()
            return carry0

        lax.fori_loop(0, NSB, super_body, 0, unroll=False)

        plsc.subcore_barrier()
        pltpu.sync_copy(acc.at[pl.ds(sid * RPT, RPT)],
                        out_hbm.at[cid, sid])

    return agg(x, src3, dst3, w3, zeros)


def _tc_body(p_ref, w_ref, o_ref):
    s = p_ref[0] + p_ref[1]
    o_ref[...] = jnp.maximum(
        jnp.dot(s, w_ref[...], preferred_element_type=jnp.float32), 0.0)


_BM = 1000


def _tc_combine(partial, W):
    return pl.pallas_call(
        _tc_body,
        grid=(N // _BM,),
        in_specs=[
            pl.BlockSpec((NC, _BM, D), lambda i: (0, i, 0)),
            pl.BlockSpec((D, D), lambda i: (0, 0)),
        ],
        out_specs=pl.BlockSpec((_BM, D), lambda i: (i, 0)),
        out_shape=jax.ShapeDtypeStruct((N, D), jnp.float32),
    )(partial, W)


@jax.jit
def kernel(x, edge_index, edge_weight, W):
    pad = NW * EPT - E
    fill = jnp.arange(pad, dtype=jnp.int32) * 31 % N
    src = jnp.concatenate([edge_index[0], fill])
    dst = jnp.concatenate([edge_index[1], fill])
    w = jnp.pad(edge_weight, (0, pad))
    src3 = src.reshape(NW, NSB, SB, CH)
    dst3 = dst.reshape(NW, NSB, SB, CH)
    w3 = w.reshape(NW, NSB, SB, CH)
    zeros = jnp.zeros((RPT, D), jnp.float32)
    partial = _sc_aggregate(x, src3, dst3, w3, zeros).reshape(NC, N, D)
    return _tc_combine(partial, W)

# --- scband reference (transcript-rebuilt; emitter-appended) ---
"""Pipeline reference for scband-graph-convolution-43791486550471 (READ-ONLY COPY).

The authoritative reference and input builder live on the scoring server;
editing this copy changes nothing except your own understanding.
"""

import jax, jax.numpy as jnp
import numpy as np

N = 10000
E = 320000
D_IN = 128
D_OUT = 128


def setup_inputs(seed: int = 0) -> dict:
    key = jax.random.key(seed)
    k1, k2, k3, k4 = jax.random.split(key, 4)
    x = jax.random.normal(k1, (N, D_IN), dtype=jnp.float32)
    edge_index = jax.random.randint(k2, (2, E), 0, N, dtype=jnp.int32)
    edge_weight = jax.random.uniform(k3, (E,), dtype=jnp.float32)
    # xavier_uniform init for weight [D_IN, D_OUT]
    limit = float(np.sqrt(6.0 / (D_IN + D_OUT)))
    W = jax.random.uniform(k4, (D_IN, D_OUT), minval=-limit, maxval=limit, dtype=jnp.float32)
    return {"x": x, "edge_index": edge_index, "edge_weight": edge_weight, "W": W}


def reference(x, edge_index, edge_weight, W):
    # dropout p=0.0 -> identity
    support = x @ W                                    # dense mm: [N, D_OUT]
    src = edge_index[0]
    dst = edge_index[1]
    # spmm(adj, support) with adj given in COO form (dst <- src with edge_weight)
    msgs = jnp.take(support, src, axis=0) * edge_weight[:, None]
    out = jax.ops.segment_sum(msgs, dst, num_segments=N)  # scatter-add over dst
    return jax.nn.relu(out)

if __name__ == "__main__":
    import jax
    _d = setup_inputs()
    print(jax.jit(kernel)(*tuple(_d.values())))

</pallas_src>

<mosaic_0001>
#map = affine_map<(d0, d1) -> (0, 0)>
#map1 = affine_map<(d0, d1) -> (0, 0, 0, 0)>
module attributes {stable_mosaic.version = 14 : i64} {
  func.func @agg(%arg0: i32, %arg1: i32, %arg2: memref<10000x128xf32, #tpu.memory_space<hbm>>, %arg3: memref<32x5x20x100xi32, #tpu.memory_space<hbm>>, %arg4: memref<32x5x20x100xi32, #tpu.memory_space<hbm>>, %arg5: memref<32x5x20x100xf32, #tpu.memory_space<hbm>>, %arg6: memref<625x128xf32, #tpu.memory_space<hbm>>, %arg7: memref<2x16x625x128xf32, #tpu.memory_space<hbm>>, %arg8: memref<20x100xi32, #tpu.memory_space<vmem>>, %arg9: memref<20x100xi32, #tpu.memory_space<vmem>>, %arg10: memref<20x100xf32, #tpu.memory_space<vmem>>, %arg11: memref<100x128xf32, #tpu.memory_space<vmem>>, %arg12: memref<100x128xf32, #tpu.memory_space<vmem>>, %arg13: memref<100x128xf32, #tpu.memory_space<vmem>>, %arg14: memref<10000x128xf32, #tpu.memory_space<vmem_shared>>, %arg15: memref<!tpu.dma_semaphore, #tpu.memory_space<semaphore_mem>>, %arg16: memref<!tpu.dma_semaphore, #tpu.memory_space<semaphore_mem>>, %arg17: memref<!tpu.dma_semaphore, #tpu.memory_space<semaphore_mem>>, %arg18: memref<!tpu.dma_semaphore, #tpu.memory_space<semaphore_mem>>, %arg19: memref<!tpu.dma_semaphore, #tpu.memory_space<semaphore_mem>>, %arg20: memref<!tpu.dma_semaphore, #tpu.memory_space<semaphore_mem>>) attributes {dimension_semantics = [#tpu.dimension_semantics<core_parallel>, #tpu.dimension_semantics<subcore_parallel>], iteration_bounds = array<i64: 2, 16>, scalar_prefetch = 0 : i64, scratch_operands = 13 : i64, tpu.core_type = #tpu.core_type<sc_vector_subcore>, window_params = [{transform_indices = #map}, {transform_indices = #map1}, {transform_indices = #map1}, {transform_indices = #map1}, {transform_indices = #map}, {transform_indices = #map1}]} {
    %mul3A = arith.constant 2 : i32
    %mul3A_0 = arith.muli %arg1, %mul3A : i32
    %add3A = arith.addi %mul3A_0, %arg0 : i32
    %mul3A_1 = arith.constant 625 : i32
    %mul3A_2 = arith.muli %arg1, %mul3A_1 : i32
    "tpu.region"() ({
      %run_scoped3A = tpu.sem_alloc : memref<!tpu.dma_semaphore, #tpu.memory_space<semaphore_mem>>
      %dma_start3A = arith.constant 0 : i32
      %dma_start3A_11 = tpu.memref_slice %arg14[%mul3A_2, %dma_start3A] : memref<10000x128xf32, #tpu.memory_space<vmem_shared>> -> memref<625x128xf32, #tpu.memory_space<vmem_shared>>
      tpu.enqueue_dma source(%arg6 : memref<625x128xf32, #tpu.memory_space<hbm>>) target(%dma_start3A_11 : memref<625x128xf32, #tpu.memory_space<vmem_shared>>) target_semaphore(%run_scoped3A : memref<!tpu.dma_semaphore, #tpu.memory_space<semaphore_mem>>)
      %dma_wait3A = arith.constant 0 : i32
      %dma_wait3A_12 = tpu.memref_slice %arg14[%mul3A_2, %dma_wait3A] : memref<10000x128xf32, #tpu.memory_space<vmem_shared>> -> memref<625x128xf32, #tpu.memory_space<vmem_shared>>
      tpu.wait_dma2 semaphore(%run_scoped3A : memref<!tpu.dma_semaphore, #tpu.memory_space<semaphore_mem>>) src(%arg6 : memref<625x128xf32, #tpu.memory_space<hbm>>) dst(%dma_wait3A_12 : memref<625x128xf32, #tpu.memory_space<vmem_shared>>)
      tpu.yield
    }) : () -> ()
    %barrier3A = arith.constant 0 : index
    tpu.barrier barrier_id(%barrier3A)
    %scan3A = arith.constant 0 : i32
    %scan3A_3 = arith.constant 0 : i32
    %scan3A_4 = arith.constant 5 : i32
    %scan3A_5 = arith.addi %scan3A_3, %scan3A_4 : i32
    %scan3A_6 = arith.constant 1 : i32
    scf.for %scan3A_11 = %scan3A_3 to %scan3A_5 step %scan3A_6  : i32 {
      "tpu.region"() ({
        %run_scoped3A = tpu.sem_alloc : memref<!tpu.dma_semaphore, #tpu.memory_space<semaphore_mem>>
        %dma_start3A_690 = arith.constant 0 : i32
        %dma_start3A_691 = arith.constant 0 : i32
        %dma_start3A_692 = tpu.memref_slice %arg3[%add3A, %scan3A_11, %dma_start3A_690, %dma_start3A_691] : memref<32x5x20x100xi32, #tpu.memory_space<hbm>> -> memref<1x1x20x100xi32, #tpu.memory_space<hbm>>
        %dma_start3A_693 = tpu.memref_squeeze %dma_start3A_692 : memref<1x1x20x100xi32, #tpu.memory_space<hbm>> -> memref<20x100xi32, #tpu.memory_space<hbm>>
        %dma_start3A_694 = arith.constant 0 : i32
        %dma_start3A_695 = arith.constant 0 : i32
        %dma_start3A_696 = tpu.memref_slice %arg3[%add3A, %scan3A_11, %dma_start3A_694, %dma_start3A_695] : memref<32x5x20x100xi32, #tpu.memory_space<hbm>> -> memref<1x1x20x100xi32, #tpu.memory_space<hbm>>
        %dma_start3A_697 = tpu.memref_squeeze %dma_start3A_696 : memref<1x1x20x100xi32, #tpu.memory_space<hbm>> -> memref<20x100xi32, #tpu.memory_space<hbm>>
        tpu.enqueue_dma source(%dma_start3A_697 : memref<20x100xi32, #tpu.memory_space<hbm>>) target(%arg8 : memref<20x100xi32, #tpu.memory_space<vmem>>) target_semaphore(%run_scoped3A : memref<!tpu.dma_semaphore, #tpu.memory_space<semaphore_mem>>)
        %dma_wait3A_698 = arith.constant 0 : i32
        %dma_wait3A_699 = arith.constant 0 : i32
        %dma_wait3A_700 = tpu.memref_slice %arg3[%add3A, %scan3A_11, %dma_wait3A_698, %dma_wait3A_699] : memref<32x5x20x100xi32, #tpu.memory_space<hbm>> -> memref<1x1x20x100xi32, #tpu.memory_space<hbm>>
        %dma_wait3A_701 = tpu.memref_squeeze %dma_wait3A_700 : memref<1x1x20x100xi32, #tpu.memory_space<hbm>> -> memref<20x100xi32, #tpu.memory_space<hbm>>
        %dma_wait3A_702 = arith.constant 0 : i32
        %dma_wait3A_703 = arith.constant 0 : i32
        %dma_wait3A_704 = tpu.memref_slice %arg3[%add3A, %scan3A_11, %dma_wait3A_702, %dma_wait3A_703] : memref<32x5x20x100xi32, #tpu.memory_space<hbm>> -> memref<1x1x20x100xi32, #tpu.memory_space<hbm>>
        %dma_wait3A_705 = tpu.memref_squeeze %dma_wait3A_704 : memref<1x1x20x100xi32, #tpu.memory_space<hbm>> -> memref<20x100xi32, #tpu.memory_space<hbm>>
        tpu.wait_dma2 semaphore(%run_scoped3A : memref<!tpu.dma_semaphore, #tpu.memory_space<semaphore_mem>>) src(%dma_wait3A_705 : memref<20x100xi32, #tpu.memory_space<hbm>>) dst(%arg8 : memref<20x100xi32, #tpu.memory_space<vmem>>)
        tpu.yield
      }) : () -> ()
      "tpu.region"() ({
        %run_scoped3A = tpu.sem_alloc : memref<!tpu.dma_semaphore, #tpu.memory_space<semaphore_mem>>
        %dma_start3A_690 = arith.constant 0 : i32
        %dma_start3A_691 = arith.constant 0 : i32
        %dma_start3A_692 = tpu.memref_slice %arg4[%add3A, %scan3A_11, %dma_start3A_690, %dma_start3A_691] : memref<32x5x20x100xi32, #tpu.memory_space<hbm>> -> memref<1x1x20x100xi32, #tpu.memory_space<hbm>>
        %dma_start3A_693 = tpu.memref_squeeze %dma_start3A_692 : memref<1x1x20x100xi32, #tpu.memory_space<hbm>> -> memref<20x100xi32, #tpu.memory_space<hbm>>
        %dma_start3A_694 = arith.constant 0 : i32
        %dma_start3A_695 = arith.constant 0 : i32
        %dma_start3A_696 = tpu.memref_slice %arg4[%add3A, %scan3A_11, %dma_start3A_694, %dma_start3A_695] : memref<32x5x20x100xi32, #tpu.memory_space<hbm>> -> memref<1x1x20x100xi32, #tpu.memory_space<hbm>>
        %dma_start3A_697 = tpu.memref_squeeze %dma_start3A_696 : memref<1x1x20x100xi32, #tpu.memory_space<hbm>> -> memref<20x100xi32, #tpu.memory_space<hbm>>
        tpu.enqueue_dma source(%dma_start3A_697 : memref<20x100xi32, #tpu.memory_space<hbm>>) target(%arg9 : memref<20x100xi32, #tpu.memory_space<vmem>>) target_semaphore(%run_scoped3A : memref<!tpu.dma_semaphore, #tpu.memory_space<semaphore_mem>>)
        %dma_wait3A_698 = arith.constant 0 : i32
        %dma_wait3A_699 = arith.constant 0 : i32
        %dma_wait3A_700 = tpu.memref_slice %arg4[%add3A, %scan3A_11, %dma_wait3A_698, %dma_wait3A_699] : memref<32x5x20x100xi32, #tpu.memory_space<hbm>> -> memref<1x1x20x100xi32, #tpu.memory_space<hbm>>
        %dma_wait3A_701 = tpu.memref_squeeze %dma_wait3A_700 : memref<1x1x20x100xi32, #tpu.memory_space<hbm>> -> memref<20x100xi32, #tpu.memory_space<hbm>>
        %dma_wait3A_702 = arith.constant 0 : i32
        %dma_wait3A_703 = arith.constant 0 : i32
        %dma_wait3A_704 = tpu.memref_slice %arg4[%add3A, %scan3A_11, %dma_wait3A_702, %dma_wait3A_703] : memref<32x5x20x100xi32, #tpu.memory_space<hbm>> -> memref<1x1x20x100xi32, #tpu.memory_space<hbm>>
        %dma_wait3A_705 = tpu.memref_squeeze %dma_wait3A_704 : memref<1x1x20x100xi32, #tpu.memory_space<hbm>> -> memref<20x100xi32, #tpu.memory_space<hbm>>
        tpu.wait_dma2 semaphore(%run_scoped3A : memref<!tpu.dma_semaphore, #tpu.memory_space<semaphore_mem>>) src(%dma_wait3A_705 : memref<20x100xi32, #tpu.memory_space<hbm>>) dst(%arg9 : memref<20x100xi32, #tpu.memory_space<vmem>>)
        tpu.yield
      }) : () -> ()
      "tpu.region"() ({
        %run_scoped3A = tpu.sem_alloc : memref<!tpu.dma_semaphore, #tpu.memory_space<semaphore_mem>>
        %dma_start3A_690 = arith.constant 0 : i32
        %dma_start3A_691 = arith.constant 0 : i32
        %dma_start3A_692 = tpu.memref_slice %arg5[%add3A, %scan3A_11, %dma_start3A_690, %dma_start3A_691] : memref<32x5x20x100xf32, #tpu.memory_space<hbm>> -> memref<1x1x20x100xf32, #tpu.memory_space<hbm>>
        %dma_start3A_693 = tpu.memref_squeeze %dma_start3A_692 : memref<1x1x20x100xf32, #tpu.memory_space<hbm>> -> memref<20x100xf32, #tpu.memory_space<hbm>>
        %dma_start3A_694 = arith.constant 0 : i32
        %dma_start3A_695 = arith.constant 0 : i32
        %dma_start3A_696 = tpu.memref_slice %arg5[%add3A, %scan3A_11, %dma_start3A_694, %dma_start3A_695] : memref<32x5x20x100xf32, #tpu.memory_space<hbm>> -> memref<1x1x20x100xf32, #tpu.memory_space<hbm>>
        %dma_start3A_697 = tpu.memref_squeeze %dma_start3A_696 : memref<1x1x20x100xf32, #tpu.memory_space<hbm>> -> memref<20x100xf32, #tpu.memory_space<hbm>>
        tpu.enqueue_dma source(%dma_start3A_697 : memref<20x100xf32, #tpu.memory_space<hbm>>) target(%arg10 : memref<20x100xf32, #tpu.memory_space<vmem>>) target_semaphore(%run_scoped3A : memref<!tpu.dma_semaphore, #tpu.memory_space<semaphore_mem>>)
        %dma_wait3A_698 = arith.constant 0 : i32
        %dma_wait3A_699 = arith.constant 0 : i32
        %dma_wait3A_700 = tpu.memref_slice %arg5[%add3A, %scan3A_11, %dma_wait3A_698, %dma_wait3A_699] : memref<32x5x20x100xf32, #tpu.memory_space<hbm>> -> memref<1x1x20x100xf32, #tpu.memory_space<hbm>>
        %dma_wait3A_701 = tpu.memref_squeeze %dma_wait3A_700 : memref<1x1x20x100xf32, #tpu.memory_space<hbm>> -> memref<20x100xf32, #tpu.memory_space<hbm>>
        %dma_wait3A_702 = arith.constant 0 : i32
        %dma_wait3A_703 = arith.constant 0 : i32
        %dma_wait3A_704 = tpu.memref_slice %arg5[%add3A, %scan3A_11, %dma_wait3A_702, %dma_wait3A_703] : memref<32x5x20x100xf32, #tpu.memory_space<hbm>> -> memref<1x1x20x100xf32, #tpu.memory_space<hbm>>
        %dma_wait3A_705 = tpu.memref_squeeze %dma_wait3A_704 : memref<1x1x20x100xf32, #tpu.memory_space<hbm>> -> memref<20x100xf32, #tpu.memory_space<hbm>>
        tpu.wait_dma2 semaphore(%run_scoped3A : memref<!tpu.dma_semaphore, #tpu.memory_space<semaphore_mem>>) src(%dma_wait3A_705 : memref<20x100xf32, #tpu.memory_space<hbm>>) dst(%arg10 : memref<20x100xf32, #tpu.memory_space<vmem>>)
        tpu.yield
      }) : () -> ()
      %dma_start3A = arith.constant 0 : i32
      %dma_start3A_12 = arith.constant 0 : i32
      %dma_start3A_13 = tpu.memref_slice %arg8[%dma_start3A, %dma_start3A_12] : memref<20x100xi32, #tpu.memory_space<vmem>> -> memref<1x100xi32, #tpu.memory_space<vmem>>
      %dma_start3A_14 = tpu.memref_squeeze %dma_start3A_13 : memref<1x100xi32, #tpu.memory_space<vmem>> -> memref<100xi32, #tpu.memory_space<vmem>>
      %dma_start3A_15 = arith.constant 0 : i32
      %dma_start3A_16 = arith.constant 0 : i32
      %dma_start3A_17 = tpu.memref_slice %arg2[%dma_start3A_15, %dma_start3A_16] : memref<10000x128xf32, #tpu.memory_space<hbm>> -> memref<10000x128xf32, #tpu.memory_space<hbm>>
      tpu.enqueue_indirect_dma source(%dma_start3A_17 : memref<10000x128xf32, #tpu.memory_space<hbm>>) target(%arg11 : memref<100x128xf32, #tpu.memory_space<vmem>>) offsets(%dma_start3A_14 : memref<100xi32, #tpu.memory_space<vmem>>) semaphore(%arg15 : memref<!tpu.dma_semaphore, #tpu.memory_space<semaphore_mem>>)
      %dma_start3A_18 = arith.constant 1 : i32
      %dma_start3A_19 = arith.constant 0 : i32
      %dma_start3A_20 = tpu.memref_slice %arg8[%dma_start3A_18, %dma_start3A_19] : memref<20x100xi32, #tpu.memory_space<vmem>> -> memref<1x100xi32, #tpu.memory_space<vmem>>
      %dma_start3A_21 = tpu.memref_squeeze %dma_start3A_20 : memref<1x100xi32, #tpu.memory_space<vmem>> -> memref<100xi32, #tpu.memory_space<vmem>>
      %dma_start3A_22 = arith.constant 0 : i32
      %dma_start3A_23 = arith.constant 0 : i32
      %dma_start3A_24 = tpu.memref_slice %arg2[%dma_start3A_22, %dma_start3A_23] : memref<10000x128xf32, #tpu.memory_space<hbm>> -> memref<10000x128xf32, #tpu.memory_space<hbm>>
      tpu.enqueue_indirect_dma source(%dma_start3A_24 : memref<10000x128xf32, #tpu.memory_space<hbm>>) target(%arg12 : memref<100x128xf32, #tpu.memory_space<vmem>>) offsets(%dma_start3A_21 : memref<100xi32, #tpu.memory_space<vmem>>) semaphore(%arg16 : memref<!tpu.dma_semaphore, #tpu.memory_space<semaphore_mem>>)
      %dma_wait3A = arith.constant 0 : i32
      %dma_wait3A_25 = arith.constant 0 : i32
      %dma_wait3A_26 = tpu.memref_slice %arg8[%dma_wait3A, %dma_wait3A_25] : memref<20x100xi32, #tpu.memory_space<vmem>> -> memref<1x100xi32, #tpu.memory_space<vmem>>
      %dma_wait3A_27 = tpu.memref_squeeze %dma_wait3A_26 : memref<1x100xi32, #tpu.memory_space<vmem>> -> memref<100xi32, #tpu.memory_space<vmem>>
      %dma_wait3A_28 = arith.constant 0 : i32
      %dma_wait3A_29 = arith.constant 0 : i32
      %dma_wait3A_30 = tpu.memref_slice %arg2[%dma_wait3A_28, %dma_wait3A_29] : memref<10000x128xf32, #tpu.memory_space<hbm>> -> memref<10000x128xf32, #tpu.memory_space<hbm>>
      tpu.wait_indirect_dma semaphore(%arg15 : memref<!tpu.dma_semaphore, #tpu.memory_space<semaphore_mem>>) src(%dma_wait3A_30 : memref<10000x128xf32, #tpu.memory_space<hbm>>) dst(%arg11 : memref<100x128xf32, #tpu.memory_space<vmem>>)
      %scan3A_31 = arith.constant 0 : i32
      %scan3A_32 = arith.constant 0 : i32
      %scan3A_33 = arith.constant 100 : i32
      %scan3A_34 = arith.addi %scan3A_32, %scan3A_33 : i32
      %scan3A_35 = arith.constant 1 : i32
      scf.for %scan3A_690 = %scan3A_32 to %scan3A_34 step %scan3A_35  : i32 {
        %jit3A = arith.constant 16 : i32
        %div3A = arith.divsi %scan3A_690, %jit3A : i32
        %sign3A = arith.constant 0 : i32
        %sign3A_691 = arith.cmpi sgt, %scan3A_690, %sign3A : i32
        %sign3A_692 = arith.extui %sign3A_691 : i1 to i32
        %sign3A_693 = arith.constant 0 : i32
        %sign3A_694 = arith.cmpi slt, %scan3A_690, %sign3A_693 : i32
        %sign3A_695 = arith.extui %sign3A_694 : i1 to i32
        %sign3A_696 = arith.subi %sign3A_692, %sign3A_695 : i32
        %sign3A_697 = arith.constant 0 : i32
        %sign3A_698 = arith.cmpi sgt, %jit3A, %sign3A_697 : i32
        %sign3A_699 = arith.extui %sign3A_698 : i1 to i32
        %sign3A_700 = arith.constant 0 : i32
        %sign3A_701 = arith.cmpi slt, %jit3A, %sign3A_700 : i32
        %sign3A_702 = arith.extui %sign3A_701 : i1 to i32
        %sign3A_703 = arith.subi %sign3A_699, %sign3A_702 : i32
        %ne3A = arith.cmpi ne, %sign3A_696, %sign3A_703 : i32
        %rem3A = arith.remsi %scan3A_690, %jit3A : i32
        %ne3A_704 = arith.constant 0 : i32
        %ne3A_705 = arith.cmpi ne, %rem3A, %ne3A_704 : i32
        %and3A = arith.andi %ne3A, %ne3A_705 : i1
        %sub3A = arith.constant 1 : i32
        %sub3A_706 = arith.subi %div3A, %sub3A : i32
        %select_n3A = arith.select %and3A, %sub3A_706, %div3A : i32
        %mul3A_707 = arith.constant 16 : i32
        %mul3A_708 = arith.muli %select_n3A, %mul3A_707 : i32
        %min3A = arith.constant 84 : i32
        %min3A_709 = arith.minsi %mul3A_708, %min3A : i32
        %get3A = arith.constant 0 : i32
        %get3A_710 = arith.index_cast %get3A : i32 to index
        %get3A_711 = arith.index_cast %min3A_709 : i32 to index
        %get3A_712 = tpu.vector_load %arg10[%get3A_710, %get3A_711] {strides = array<i32>} : memref<20x100xf32, #tpu.memory_space<vmem>>, vector<1x16xf32>,
        %get3A_713 = vector.shape_cast %get3A_712 : vector<1x16xf32> to vector<16xf32>
        %broadcast_in_dim3A = arith.constant 0 : i32
        %broadcast_in_dim3A_714 = vector.broadcast %broadcast_in_dim3A : i32 to vector<16xi32>
        %sub3A_715 = arith.subi %scan3A_690, %min3A_709 : i32
        %add3A_716 = vector.broadcast %sub3A_715 : i32 to vector<16xi32>
        %add3A_717 = arith.addi %broadcast_in_dim3A_714, %add3A_716 : vector<16xi32>
        %broadcast_in_dim3A_718 = vector.shape_cast %add3A_717 : vector<16xi32> to vector<16x1xi32>
        %gather3A = vector.shape_cast %broadcast_in_dim3A_718 : vector<16x1xi32> to vector<16xi32>
        %gather3A_719 = tpu.dynamic_gather %get3A_713[%gather3A] in [0] : vector<16xf32>, vector<16xi32> -> vector<16xf32>
        %get3A_720 = arith.index_cast %scan3A_690 : i32 to index
        %get3A_721 = arith.constant 0 : index
        %get3A_722 = tpu.vector_load %arg11[%get3A_720, %get3A_721] {strides = array<i32>} : memref<100x128xf32, #tpu.memory_space<vmem>>, vector<1x16xf32>,
        %get3A_723 = vector.shape_cast %get3A_722 : vector<1x16xf32> to vector<16xf32>
        %mul3A_724 = arith.mulf %get3A_723, %gather3A_719 : vector<16xf32>
        %swap3A = arith.index_cast %scan3A_690 : i32 to index
        %swap3A_725 = arith.constant 0 : index
        %swap3A_726 = tpu.vector_load %arg11[%swap3A, %swap3A_725] {strides = array<i32>} : memref<100x128xf32, #tpu.memory_space<vmem>>, vector<1x16xf32>,
        %swap3A_727 = vector.shape_cast %swap3A_726 : vector<1x16xf32> to vector<16xf32>
        %swap3A_728 = vector.shape_cast %mul3A_724 : vector<16xf32> to vector<1x16xf32>
        tpu.vector_store %arg11[%swap3A, %swap3A_725], %swap3A_728 {strides = array<i32>} : memref<100x128xf32, #tpu.memory_space<vmem>>, vector<1x16xf32>,
        %get3A_729 = arith.index_cast %scan3A_690 : i32 to index
        %get3A_730 = arith.constant 16 : index
        %get3A_731 = tpu.vector_load %arg11[%get3A_729, %get3A_730] {strides = array<i32>} : memref<100x128xf32, #tpu.memory_space<vmem>>, vector<1x16xf32>,
        %get3A_732 = vector.shape_cast %get3A_731 : vector<1x16xf32> to vector<16xf32>
        %mul3A_733 = arith.mulf %get3A_732, %gather3A_719 : vector<16xf32>
        %swap3A_734 = arith.index_cast %scan3A_690 : i32 to index
        %swap3A_735 = arith.constant 16 : index
        %swap3A_736 = tpu.vector_load %arg11[%swap3A_734, %swap3A_735] {strides = array<i32>} : memref<100x128xf32, #tpu.memory_space<vmem>>, vector<1x16xf32>,
        %swap3A_737 = vector.shape_cast %swap3A_736 : vector<1x16xf32> to vector<16xf32>
        %swap3A_738 = vector.shape_cast %mul3A_733 : vector<16xf32> to vector<1x16xf32>
        tpu.vector_store %arg11[%swap3A_734, %swap3A_735], %swap3A_738 {strides = array<i32>} : memref<100x128xf32, #tpu.memory_space<vmem>>, vector<1x16xf32>,
        %get3A_739 = arith.index_cast %scan3A_690 : i32 to index
        %get3A_740 = arith.constant 32 : index
        %get3A_741 = tpu.vector_load %arg11[%get3A_739, %get3A_740] {strides = array<i32>} : memref<100x128xf32, #tpu.memory_space<vmem>>, vector<1x16xf32>,
        %get3A_742 = vector.shape_cast %get3A_741 : vector<1x16xf32> to vector<16xf32>
        %mul3A_743 = arith.mulf %get3A_742, %gather3A_719 : vector<16xf32>
        %swap3A_744 = arith.index_cast %scan3A_690 : i32 to index
        %swap3A_745 = arith.constant 32 : index
        %swap3A_746 = tpu.vector_load %arg11[%swap3A_744, %swap3A_745] {strides = array<i32>} : memref<100x128xf32, #tpu.memory_space<vmem>>, vector<1x16xf32>,
        %swap3A_747 = vector.shape_cast %swap3A_746 : vector<1x16xf32> to vector<16xf32>
        %swap3A_748 = vector.shape_cast %mul3A_743 : vector<16xf32> to vector<1x16xf32>
        tpu.vector_store %arg11[%swap3A_744, %swap3A_745], %swap3A_748 {strides = array<i32>} : memref<100x128xf32, #tpu.memory_space<vmem>>, vector<1x16xf32>,
        %get3A_749 = arith.index_cast %scan3A_690 : i32 to index
        %get3A_750 = arith.constant 48 : index
        %get3A_751 = tpu.vector_load %arg11[%get3A_749, %get3A_750] {strides = array<i32>} : memref<100x128xf32, #tpu.memory_space<vmem>>, vector<1x16xf32>,
        %get3A_752 = vector.shape_cast %get3A_751 : vector<1x16xf32> to vector<16xf32>
        %mul3A_753 = arith.mulf %get3A_752, %gather3A_719 : vector<16xf32>
        %swap3A_754 = arith.index_cast %scan3A_690 : i32 to index
        %swap3A_755 = arith.constant 48 : index
        %swap3A_756 = tpu.vector_load %arg11[%swap3A_754, %swap3A_755] {strides = array<i32>} : memref<100x128xf32, #tpu.memory_space<vmem>>, vector<1x16xf32>,
        %swap3A_757 = vector.shape_cast %swap3A_756 : vector<1x16xf32> to vector<16xf32>
        %swap3A_758 = vector.shape_cast %mul3A_753 : vector<16xf32> to vector<1x16xf32>
        tpu.vector_store %arg11[%swap3A_754, %swap3A_755], %swap3A_758 {strides = array<i32>} : memref<100x128xf32, #tpu.memory_space<vmem>>, vector<1x16xf32>,
        %get3A_759 = arith.index_cast %scan3A_690 : i32 to index
        %get3A_760 = arith.constant 64 : index
        %get3A_761 = tpu.vector_load %arg11[%get3A_759, %get3A_760] {strides = array<i32>} : memref<100x128xf32, #tpu.memory_space<vmem>>, vector<1x16xf32>,
        %get3A_762 = vector.shape_cast %get3A_761 : vector<1x16xf32> to vector<16xf32>
        %mul3A_763 = arith.mulf %get3A_762, %gather3A_719 : vector<16xf32>
        %swap3A_764 = arith.index_cast %scan3A_690 : i32 to index
        %swap3A_765 = arith.constant 64 : index
        %swap3A_766 = tpu.vector_load %arg11[%swap3A_764, %swap3A_765] {strides = array<i32>} : memref<100x128xf32, #tpu.memory_space<vmem>>, vector<1x16xf32>,
        %swap3A_767 = vector.shape_cast %swap3A_766 : vector<1x16xf32> to vector<16xf32>
        %swap3A_768 = vector.shape_cast %mul3A_763 : vector<16xf32> to vector<1x16xf32>
        tpu.vector_store %arg11[%swap3A_764, %swap3A_765], %swap3A_768 {strides = array<i32>} : memref<100x128xf32, #tpu.memory_space<vmem>>, vector<1x16xf32>,
        %get3A_769 = arith.index_cast %scan3A_690 : i32 to index
        %get3A_770 = arith.constant 80 : index
        %get3A_771 = tpu.vector_load %arg11[%get3A_769, %get3A_770] {strides = array<i32>} : memref<100x128xf32, #tpu.memory_space<vmem>>, vector<1x16xf32>,
        %get3A_772 = vector.shape_cast %get3A_771 : vector<1x16xf32> to vector<16xf32>
        %mul3A_773 = arith.mulf %get3A_772, %gather3A_719 : vector<16xf32>
        %swap3A_774 = arith.index_cast %scan3A_690 : i32 to index
        %swap3A_775 = arith.constant 80 : index
        %swap3A_776 = tpu.vector_load %arg11[%swap3A_774, %swap3A_775] {strides = array<i32>} : memref<100x128xf32, #tpu.memory_space<vmem>>, vector<1x16xf32>,
        %swap3A_777 = vector.shape_cast %swap3A_776 : vector<1x16xf32> to vector<16xf32>
        %swap3A_778 = vector.shape_cast %mul3A_773 : vector<16xf32> to vector<1x16xf32>
        tpu.vector_store %arg11[%swap3A_774, %swap3A_775], %swap3A_778 {strides = array<i32>} : memref<100x128xf32, #tpu.memory_space<vmem>>, vector<1x16xf32>,
        %get3A_779 = arith.index_cast %scan3A_690 : i32 to index
        %get3A_780 = arith.constant 96 : index
        %get3A_781 = tpu.vector_load %arg11[%get3A_779, %get3A_780] {strides = array<i32>} : memref<100x128xf32, #tpu.memory_space<vmem>>, vector<1x16xf32>,
        %get3A_782 = vector.shape_cast %get3A_781 : vector<1x16xf32> to vector<16xf32>
        %mul3A_783 = arith.mulf %get3A_782, %gather3A_719 : vector<16xf32>
        %swap3A_784 = arith.index_cast %scan3A_690 : i32 to index
        %swap3A_785 = arith.constant 96 : index
        %swap3A_786 = tpu.vector_load %arg11[%swap3A_784, %swap3A_785] {strides = array<i32>} : memref<100x128xf32, #tpu.memory_space<vmem>>, vector<1x16xf32>,
        %swap3A_787 = vector.shape_cast %swap3A_786 : vector<1x16xf32> to vector<16xf32>
        %swap3A_788 = vector.shape_cast %mul3A_783 : vector<16xf32> to vector<1x16xf32>
        tpu.vector_store %arg11[%swap3A_784, %swap3A_785], %swap3A_788 {strides = array<i32>} : memref<100x128xf32, #tpu.memory_space<vmem>>, vector<1x16xf32>,
        %get3A_789 = arith.index_cast %scan3A_690 : i32 to index
        %get3A_790 = arith.constant 112 : index
        %get3A_791 = tpu.vector_load %arg11[%get3A_789, %get3A_790] {strides = array<i32>} : memref<100x128xf32, #tpu.memory_space<vmem>>, vector<1x16xf32>,
        %get3A_792 = vector.shape_cast %get3A_791 : vector<1x16xf32> to vector<16xf32>
        %mul3A_793 = arith.mulf %get3A_792, %gather3A_719 : vector<16xf32>
        %swap3A_794 = arith.index_cast %scan3A_690 : i32 to index
        %swap3A_795 = arith.constant 112 : index
        %swap3A_796 = tpu.vector_load %arg11[%swap3A_794, %swap3A_795] {strides = array<i32>} : memref<100x128xf32, #tpu.memory_space<vmem>>, vector<1x16xf32>,
        %swap3A_797 = vector.shape_cast %swap3A_796 : vector<1x16xf32> to vector<16xf32>
        %swap3A_798 = vector.shape_cast %mul3A_793 : vector<16xf32> to vector<1x16xf32>
        tpu.vector_store %arg11[%swap3A_794, %swap3A_795], %swap3A_798 {strides = array<i32>} : memref<100x128xf32, #tpu.memory_space<vmem>>, vector<1x16xf32>,
      }
      %scan3A_36 = arith.constant 100 : i32
      %dma_start3A_37 = arith.constant 2 : i32
      %dma_start3A_38 = arith.constant 0 : i32
      %dma_start3A_39 = tpu.memref_slice %arg8[%dma_start3A_37, %dma_start3A_38] : memref<20x100xi32, #tpu.memory_space<vmem>> -> memref<1x100xi32, #tpu.memory_space<vmem>>
      %dma_start3A_40 = tpu.memref_squeeze %dma_start3A_39 : memref<1x100xi32, #tpu.memory_space<vmem>> -> memref<100xi32, #tpu.memory_space<vmem>>
      %dma_start3A_41 = arith.constant 0 : i32
      %dma_start3A_42 = arith.constant 0 : i32
      %dma_start3A_43 = tpu.memref_slice %arg2[%dma_start3A_41, %dma_start3A_42] : memref<10000x128xf32, #tpu.memory_space<hbm>> -> memref<10000x128xf32, #tpu.memory_space<hbm>>
      tpu.enqueue_indirect_dma source(%dma_start3A_43 : memref<10000x128xf32, #tpu.memory_space<hbm>>) target(%arg13 : memref<100x128xf32, #tpu.memory_space<vmem>>) offsets(%dma_start3A_40 : memref<100xi32, #tpu.memory_space<vmem>>) semaphore(%arg17 : memref<!tpu.dma_semaphore, #tpu.memory_space<semaphore_mem>>)
      %dma_start3A_44 = arith.constant 0 : i32
      %dma_start3A_45 = arith.constant 0 : i32
      %dma_start3A_46 = tpu.memref_slice %arg9[%dma_start3A_44, %dma_start3A_45] : memref<20x100xi32, #tpu.memory_space<vmem>> -> memref<1x100xi32, #tpu.memory_space<vmem>>
      %dma_start3A_47 = tpu.memref_squeeze %dma_start3A_46 : memref<1x100xi32, #tpu.memory_space<vmem>> -> memref<100xi32, #tpu.memory_space<vmem>>
      %dma_start3A_48 = arith.constant 0 : i32
      %dma_start3A_49 = arith.constant 0 : i32
      %dma_start3A_50 = tpu.memref_slice %arg14[%dma_start3A_48, %dma_start3A_49] : memref<10000x128xf32, #tpu.memory_space<vmem_shared>> -> memref<10000x128xf32, #tpu.memory_space<vmem_shared>>
      tpu.enqueue_indirect_dma source(%arg11 : memref<100x128xf32, #tpu.memory_space<vmem>>) target(%dma_start3A_50 : memref<10000x128xf32, #tpu.memory_space<vmem_shared>>) offsets(%dma_start3A_47 : memref<100xi32, #tpu.memory_space<vmem>>) semaphore(%arg18 : memref<!tpu.dma_semaphore, #tpu.memory_space<semaphore_mem>>) {add = true}
      %dma_wait3A_51 = arith.constant 1 : i32
      %dma_wait3A_52 = arith.constant 0 : i32
      %dma_wait3A_53 = tpu.memref_slice %arg8[%dma_wait3A_51, %dma_wait3A_52] : memref<20x100xi32, #tpu.memory_space<vmem>> -> memref<1x100xi32, #tpu.memory_space<vmem>>
      %dma_wait3A_54 = tpu.memref_squeeze %dma_wait3A_53 : memref<1x100xi32, #tpu.memory_space<vmem>> -> memref<100xi32, #tpu.memory_space<vmem>>
      %dma_wait3A_55 = arith.constant 0 : i32
      %dma_wait3A_56 = arith.constant 0 : i32
      %dma_wait3A_57 = tpu.memref_slice %arg2[%dma_wait3A_55, %dma_wait3A_56] : memref<10000x128xf32, #tpu.memory_space<hbm>> -> memref<10000x128xf32, #tpu.memory_space<hbm>>
      tpu.wait_indirect_dma semaphore(%arg16 : memref<!tpu.dma_semaphore, #tpu.memory_space<semaphore_mem>>) src(%dma_wait3A_57 : memref<10000x128xf32, #tpu.memory_space<hbm>>) dst(%arg12 : memref<100x128xf32, #tpu.memory_space<vmem>>)
      %scan3A_58 = arith.constant 0 : i32
      %scan3A_59 = arith.constant 0 : i32
      %scan3A_60 = arith.constant 100 : i32
      %scan3A_61 = arith.addi %scan3A_59, %scan3A_60 : i32
      %scan3A_62 = arith.constant 1 : i32
      scf.for %scan3A_690 = %scan3A_59 to %scan3A_61 step %scan3A_62  : i32 {
        %jit3A = arith.constant 16 : i32
        %div3A = arith.divsi %scan3A_690, %jit3A : i32
        %sign3A = arith.constant 0 : i32
        %sign3A_691 = arith.cmpi sgt, %scan3A_690, %sign3A : i32
        %sign3A_692 = arith.extui %sign3A_691 : i1 to i32
        %sign3A_693 = arith.constant 0 : i32
        %sign3A_694 = arith.cmpi slt, %scan3A_690, %sign3A_693 : i32
        %sign3A_695 = arith.extui %sign3A_694 : i1 to i32
        %sign3A_696 = arith.subi %sign3A_692, %sign3A_695 : i32
        %sign3A_697 = arith.constant 0 : i32
        %sign3A_698 = arith.cmpi sgt, %jit3A, %sign3A_697 : i32
        %sign3A_699 = arith.extui %sign3A_698 : i1 to i32
        %sign3A_700 = arith.constant 0 : i32
        %sign3A_701 = arith.cmpi slt, %jit3A, %sign3A_700 : i32
        %sign3A_702 = arith.extui %sign3A_701 : i1 to i32
        %sign3A_703 = arith.subi %sign3A_699, %sign3A_702 : i32
        %ne3A = arith.cmpi ne, %sign3A_696, %sign3A_703 : i32
        %rem3A = arith.remsi %scan3A_690, %jit3A : i32
        %ne3A_704 = arith.constant 0 : i32
        %ne3A_705 = arith.cmpi ne, %rem3A, %ne3A_704 : i32
        %and3A = arith.andi %ne3A, %ne3A_705 : i1
        %sub3A = arith.constant 1 : i32
        %sub3A_706 = arith.subi %div3A, %sub3A : i32
        %select_n3A = arith.select %and3A, %sub3A_706, %div3A : i32
        %mul3A_707 = arith.constant 16 : i32
        %mul3A_708 = arith.muli %select_n3A, %mul3A_707 : i32
        %min3A = arith.constant 84 : i32
        %min3A_709 = arith.minsi %mul3A_708, %min3A : i32
        %get3A = arith.constant 1 : i32
        %get3A_710 = arith.index_cast %get3A : i32 to index
        %get3A_711 = arith.index_cast %min3A_709 : i32 to index
        %get3A_712 = tpu.vector_load %arg10[%get3A_710, %get3A_711] {strides = array<i32>} : memref<20x100xf32, #tpu.memory_space<vmem>>, vector<1x16xf32>,
        %get3A_713 = vector.shape_cast %get3A_712 : vector<1x16xf32> to vector<16xf32>
        %broadcast_in_dim3A = arith.constant 0 : i32
        %broadcast_in_dim3A_714 = vector.broadcast %broadcast_in_dim3A : i32 to vector<16xi32>
        %sub3A_715 = arith.subi %scan3A_690, %min3A_709 : i32
        %add3A_716 = vector.broadcast %sub3A_715 : i32 to vector<16xi32>
        %add3A_717 = arith.addi %broadcast_in_dim3A_714, %add3A_716 : vector<16xi32>
        %broadcast_in_dim3A_718 = vector.shape_cast %add3A_717 : vector<16xi32> to vector<16x1xi32>
        %gather3A = vector.shape_cast %broadcast_in_dim3A_718 : vector<16x1xi32> to vector<16xi32>
        %gather3A_719 = tpu.dynamic_gather %get3A_713[%gather3A] in [0] : vector<16xf32>, vector<16xi32> -> vector<16xf32>
        %get3A_720 = arith.index_cast %scan3A_690 : i32 to index
        %get3A_721 = arith.constant 0 : index
        %get3A_722 = tpu.vector_load %arg12[%get3A_720, %get3A_721] {strides = array<i32>} : memref<100x128xf32, #tpu.memory_space<vmem>>, vector<1x16xf32>,
        %get3A_723 = vector.shape_cast %get3A_722 : vector<1x16xf32> to vector<16xf32>
        %mul3A_724 = arith.mulf %get3A_723, %gather3A_719 : vector<16xf32>
        %swap3A = arith.index_cast %scan3A_690 : i32 to index
        %swap3A_725 = arith.constant 0 : index
        %swap3A_726 = tpu.vector_load %arg12[%swap3A, %swap3A_725] {strides = array<i32>} : memref<100x128xf32, #tpu.memory_space<vmem>>, vector<1x16xf32>,
        %swap3A_727 = vector.shape_cast %swap3A_726 : vector<1x16xf32> to vector<16xf32>
        %swap3A_728 = vector.shape_cast %mul3A_724 : vector<16xf32> to vector<1x16xf32>
        tpu.vector_store %arg12[%swap3A, %swap3A_725], %swap3A_728 {strides = array<i32>} : memref<100x128xf32, #tpu.memory_space<vmem>>, vector<1x16xf32>,
        %get3A_729 = arith.index_cast %scan3A_690 : i32 to index
        %get3A_730 = arith.constant 16 : index
        %get3A_731 = tpu.vector_load %arg12[%get3A_729, %get3A_730] {strides = array<i32>} : memref<100x128xf32, #tpu.memory_space<vmem>>, vector<1x16xf32>,
        %get3A_732 = vector.shape_cast %get3A_731 : vector<1x16xf32> to vector<16xf32>
        %mul3A_733 = arith.mulf %get3A_732, %gather3A_719 : vector<16xf32>
        %swap3A_734 = arith.index_cast %scan3A_690 : i32 to index
        %swap3A_735 = arith.constant 16 : index
        %swap3A_736 = tpu.vector_load %arg12[%swap3A_734, %swap3A_735] {strides = array<i32>} : memref<100x128xf32, #tpu.memory_space<vmem>>, vector<1x16xf32>,
        %swap3A_737 = vector.shape_cast %swap3A_736 : vector<1x16xf32> to vector<16xf32>
        %swap3A_738 = vector.shape_cast %mul3A_733 : vector<16xf32> to vector<1x16xf32>
        tpu.vector_store %arg12[%swap3A_734, %swap3A_735], %swap3A_738 {strides = array<i32>} : memref<100x128xf32, #tpu.memory_space<vmem>>, vector<1x16xf32>,
        %get3A_739 = arith.index_cast %scan3A_690 : i32 to index
        %get3A_740 = arith.constant 32 : index
        %get3A_741 = tpu.vector_load %arg12[%get3A_739, %get3A_740] {strides = array<i32>} : memref<100x128xf32, #tpu.memory_space<vmem>>, vector<1x16xf32>,
        %get3A_742 = vector.shape_cast %get3A_741 : vector<1x16xf32> to vector<16xf32>
        %mul3A_743 = arith.mulf %get3A_742, %gather3A_719 : vector<16xf32>
        %swap3A_744 = arith.index_cast %scan3A_690 : i32 to index
        %swap3A_745 = arith.constant 32 : index
        %swap3A_746 = tpu.vector_load %arg12[%swap3A_744, %swap3A_745] {strides = array<i32>} : memref<100x128xf32, #tpu.memory_space<vmem>>, vector<1x16xf32>,
        %swap3A_747 = vector.shape_cast %swap3A_746 : vector<1x16xf32> to vector<16xf32>
        %swap3A_748 = vector.shape_cast %mul3A_743 : vector<16xf32> to vector<1x16xf32>
        tpu.vector_store %arg12[%swap3A_744, %swap3A_745], %swap3A_748 {strides = array<i32>} : memref<100x128xf32, #tpu.memory_space<vmem>>, vector<1x16xf32>,
        %get3A_749 = arith.index_cast %scan3A_690 : i32 to index
        %get3A_750 = arith.constant 48 : index
        %get3A_751 = tpu.vector_load %arg12[%get3A_749, %get3A_750] {strides = array<i32>} : memref<100x128xf32, #tpu.memory_space<vmem>>, vector<1x16xf32>,
        %get3A_752 = vector.shape_cast %get3A_751 : vector<1x16xf32> to vector<16xf32>
        %mul3A_753 = arith.mulf %get3A_752, %gather3A_719 : vector<16xf32>
        %swap3A_754 = arith.index_cast %scan3A_690 : i32 to index
        %swap3A_755 = arith.constant 48 : index
        %swap3A_756 = tpu.vector_load %arg12[%swap3A_754, %swap3A_755] {strides = array<i32>} : memref<100x128xf32, #tpu.memory_space<vmem>>, vector<1x16xf32>,
        %swap3A_757 = vector.shape_cast %swap3A_756 : vector<1x16xf32> to vector<16xf32>
        %swap3A_758 = vector.shape_cast %mul3A_753 : vector<16xf32> to vector<1x16xf32>
        tpu.vector_store %arg12[%swap3A_754, %swap3A_755], %swap3A_758 {strides = array<i32>} : memref<100x128xf32, #tpu.memory_space<vmem>>, vector<1x16xf32>,
        %get3A_759 = arith.index_cast %scan3A_690 : i32 to index
        %get3A_760 = arith.constant 64 : index
        %get3A_761 = tpu.vector_load %arg12[%get3A_759, %get3A_760] {strides = array<i32>} : memref<100x128xf32, #tpu.memory_space<vmem>>, vector<1x16xf32>,
        %get3A_762 = vector.shape_cast %get3A_761 : vector<1x16xf32> to vector<16xf32>
        %mul3A_763 = arith.mulf %get3A_762, %gather3A_719 : vector<16xf32>
        %swap3A_764 = arith.index_cast %scan3A_690 : i32 to index
        %swap3A_765 = arith.constant 64 : index
        %swap3A_766 = tpu.vector_load %arg12[%swap3A_764, %swap3A_765] {strides = array<i32>} : memref<100x128xf32, #tpu.memory_space<vmem>>, vector<1x16xf32>,
        %swap3A_767 = vector.shape_cast %swap3A_766 : vector<1x16xf32> to vector<16xf32>
        %swap3A_768 = vector.shape_cast %mul3A_763 : vector<16xf32> to vector<1x16xf32>
        tpu.vector_store %arg12[%swap3A_764, %swap3A_765], %swap3A_768 {strides = array<i32>} : memref<100x128xf32, #tpu.memory_space<vmem>>, vector<1x16xf32>,
        %get3A_769 = arith.index_cast %scan3A_690 : i32 to index
        %get3A_770 = arith.constant 80 : index
        %get3A_771 = tpu.vector_load %arg12[%get3A_769, %get3A_770] {strides = array<i32>} : memref<100x128xf32, #tpu.memory_space<vmem>>, vector<1x16xf32>,
        %get3A_772 = vector.shape_cast %get3A_771 : vector<1x16xf32> to vector<16xf32>
        %mul3A_773 = arith.mulf %get3A_772, %gather3A_719 : vector<16xf32>
        %swap3A_774 = arith.index_cast %scan3A_690 : i32 to index
        %swap3A_775 = arith.constant 80 : index
        %swap3A_776 = tpu.vector_load %arg12[%swap3A_774, %swap3A_775] {strides = array<i32>} : memref<100x128xf32, #tpu.memory_space<vmem>>, vector<1x16xf32>,
        %swap3A_777 = vector.shape_cast %swap3A_776 : vector<1x16xf32> to vector<16xf32>
        %swap3A_778 = vector.shape_cast %mul3A_773 : vector<16xf32> to vector<1x16xf32>
        tpu.vector_store %arg12[%swap3A_774, %swap3A_775], %swap3A_778 {strides = array<i32>} : memref<100x128xf32, #tpu.memory_space<vmem>>, vector<1x16xf32>,
        %get3A_779 = arith.index_cast %scan3A_690 : i32 to index
        %get3A_780 = arith.constant 96 : index
        %get3A_781 = tpu.vector_load %arg12[%get3A_779, %get3A_780] {strides = array<i32>} : memref<100x128xf32, #tpu.memory_space<vmem>>, vector<1x16xf32>,
        %get3A_782 = vector.shape_cast %get3A_781 : vector<1x16xf32> to vector<16xf32>
        %mul3A_783 = arith.mulf %get3A_782, %gather3A_719 : vector<16xf32>
        %swap3A_784 = arith.index_cast %scan3A_690 : i32 to index
        %swap3A_785 = arith.constant 96 : index
        %swap3A_786 = tpu.vector_load %arg12[%swap3A_784, %swap3A_785] {strides = array<i32>} : memref<100x128xf32, #tpu.memory_space<vmem>>, vector<1x16xf32>,
        %swap3A_787 = vector.shape_cast %swap3A_786 : vector<1x16xf32> to vector<16xf32>
        %swap3A_788 = vector.shape_cast %mul3A_783 : vector<16xf32> to vector<1x16xf32>
        tpu.vector_store %arg12[%swap3A_784, %swap3A_785], %swap3A_788 {strides = array<i32>} : memref<100x128xf32, #tpu.memory_space<vmem>>, vector<1x16xf32>,
        %get3A_789 = arith.index_cast %scan3A_690 : i32 to index
        %get3A_790 = arith.constant 112 : index
        %get3A_791 = tpu.vector_load %arg12[%get3A_789, %get3A_790] {strides = array<i32>} : memref<100x128xf32, #tpu.memory_space<vmem>>, vector<1x16xf32>,
        %get3A_792 = vector.shape_cast %get3A_791 : vector<1x16xf32> to vector<16xf32>
        %mul3A_793 = arith.mulf %get3A_792, %gather3A_719 : vector<16xf32>
        %swap3A_794 = arith.index_cast %scan3A_690 : i32 to index
        %swap3A_795 = arith.constant 112 : index
        %swap3A_796 = tpu.vector_load %arg12[%swap3A_794, %swap3A_795] {strides = array<i32>} : memref<100x128xf32, #tpu.memory_space<vmem>>, vector<1x16xf32>,
        %swap3A_797 = vector.shape_cast %swap3A_796 : vector<1x16xf32> to vector<16xf32>
        %swap3A_798 = vector.shape_cast %mul3A_793 : vector<16xf32> to vector<1x16xf32>
        tpu.vector_store %arg12[%swap3A_794, %swap3A_795], %swap3A_798 {strides = array<i32>} : memref<100x128xf32, #tpu.memory_space<vmem>>, vector<1x16xf32>,
      }
      %scan3A_63 = arith.constant 100 : i32
      %dma_wait3A_64 = arith.constant 0 : i32
      %dma_wait3A_65 = arith.constant 0 : i32
      %dma_wait3A_66 = tpu.memref_slice %arg9[%dma_wait3A_64, %dma_wait3A_65] : memref<20x100xi32, #tpu.memory_space<vmem>> -> memref<1x100xi32, #tpu.memory_space<vmem>>
      %dma_wait3A_67 = tpu.memref_squeeze %dma_wait3A_66 : memref<1x100xi32, #tpu.memory_space<vmem>> -> memref<100xi32, #tpu.memory_space<vmem>>
      %dma_wait3A_68 = arith.constant 0 : i32
      %dma_wait3A_69 = arith.constant 0 : i32
      %dma_wait3A_70 = tpu.memref_slice %arg14[%dma_wait3A_68, %dma_wait3A_69] : memref<10000x128xf32, #tpu.memory_space<vmem_shared>> -> memref<10000x128xf32, #tpu.memory_space<vmem_shared>>
      tpu.wait_indirect_dma semaphore(%arg18 : memref<!tpu.dma_semaphore, #tpu.memory_space<semaphore_mem>>) src(%arg11 : memref<100x128xf32, #tpu.memory_space<vmem>>) dst(%dma_wait3A_70 : memref<10000x128xf32, #tpu.memory_space<vmem_shared>>)
      %dma_start3A_71 = arith.constant 3 : i32
      %dma_start3A_72 = arith.constant 0 : i32
      %dma_start3A_73 = tpu.memref_slice %arg8[%dma_start3A_71, %dma_start3A_72] : memref<20x100xi32, #tpu.memory_space<vmem>> -> memref<1x100xi32, #tpu.memory_space<vmem>>
      %dma_start3A_74 = tpu.memref_squeeze %dma_start3A_73 : memref<1x100xi32, #tpu.memory_space<vmem>> -> memref<100xi32, #tpu.memory_space<vmem>>
      %dma_start3A_75 = arith.constant 0 : i32
      %dma_start3A_76 = arith.constant 0 : i32
      %dma_start3A_77 = tpu.memref_slice %arg2[%dma_start3A_75, %dma_start3A_76] : memref<10000x128xf32, #tpu.memory_space<hbm>> -> memref<10000x128xf32, #tpu.memory_space<hbm>>
      tpu.enqueue_indirect_dma source(%dma_start3A_77 : memref<10000x128xf32, #tpu.memory_space<hbm>>) target(%arg11 : memref<100x128xf32, #tpu.memory_space<vmem>>) offsets(%dma_start3A_74 : memref<100xi32, #tpu.memory_space<vmem>>) semaphore(%arg15 : memref<!tpu.dma_semaphore, #tpu.memory_space<semaphore_mem>>)
      %dma_start3A_78 = arith.constant 1 : i32
      %dma_start3A_79 = arith.constant 0 : i32
      %dma_start3A_80 = tpu.memref_slice %arg9[%dma_start3A_78, %dma_start3A_79] : memref<20x100xi32, #tpu.memory_space<vmem>> -> memref<1x100xi32, #tpu.memory_space<vmem>>
      %dma_start3A_81 = tpu.memref_squeeze %dma_start3A_80 : memref<1x100xi32, #tpu.memory_space<vmem>> -> memref<100xi32, #tpu.memory_space<vmem>>
      %dma_start3A_82 = arith.constant 0 : i32
      %dma_start3A_83 = arith.constant 0 : i32
      %dma_start3A_84 = tpu.memref_slice %arg14[%dma_start3A_82, %dma_start3A_83] : memref<10000x128xf32, #tpu.memory_space<vmem_shared>> -> memref<10000x128xf32, #tpu.memory_space<vmem_shared>>
      tpu.enqueue_indirect_dma source(%arg12 : memref<100x128xf32, #tpu.memory_space<vmem>>) target(%dma_start3A_84 : memref<10000x128xf32, #tpu.memory_space<vmem_shared>>) offsets(%dma_start3A_81 : memref<100xi32, #tpu.memory_space<vmem>>) semaphore(%arg19 : memref<!tpu.dma_semaphore, #tpu.memory_space<semaphore_mem>>) {add = true}
      %dma_wait3A_85 = arith.constant 2 : i32
      %dma_wait3A_86 = arith.constant 0 : i32
      %dma_wait3A_87 = tpu.memref_slice %arg8[%dma_wait3A_85, %dma_wait3A_86] : memref<20x100xi32, #tpu.memory_space<vmem>> -> memref<1x100xi32, #tpu.memory_space<vmem>>
      %dma_wait3A_88 = tpu.memref_squeeze %dma_wait3A_87 : memref<1x100xi32, #tpu.memory_space<vmem>> -> memref<100xi32, #tpu.memory_space<vmem>>
      %dma_wait3A_89 = arith.constant 0 : i32
      %dma_wait3A_90 = arith.constant 0 : i32
      %dma_wait3A_91 = tpu.memref_slice %arg2[%dma_wait3A_89, %dma_wait3A_90] : memref<10000x128xf32, #tpu.memory_space<hbm>> -> memref<10000x128xf32, #tpu.memory_space<hbm>>
      tpu.wait_indirect_dma semaphore(%arg17 : memref<!tpu.dma_semaphore, #tpu.memory_space<semaphore_mem>>) src(%dma_wait3A_91 : memref<10000x128xf32, #tpu.memory_space<hbm>>) dst(%arg13 : memref<100x128xf32, #tpu.memory_space<vmem>>)
      %scan3A_92 = arith.constant 0 : i32
      %scan3A_93 = arith.constant 0 : i32
      %scan3A_94 = arith.constant 100 : i32
      %scan3A_95 = arith.addi %scan3A_93, %scan3A_94 : i32
      %scan3A_96 = arith.constant 1 : i32
      scf.for %scan3A_690 = %scan3A_93 to %scan3A_95 step %scan3A_96  : i32 {
        %jit3A = arith.constant 16 : i32
        %div3A = arith.divsi %scan3A_690, %jit3A : i32
        %sign3A = arith.constant 0 : i32
        %sign3A_691 = arith.cmpi sgt, %scan3A_690, %sign3A : i32
        %sign3A_692 = arith.extui %sign3A_691 : i1 to i32
        %sign3A_693 = arith.constant 0 : i32
        %sign3A_694 = arith.cmpi slt, %scan3A_690, %sign3A_693 : i32
        %sign3A_695 = arith.extui %sign3A_694 : i1 to i32
        %sign3A_696 = arith.subi %sign3A_692, %sign3A_695 : i32
        %sign3A_697 = arith.constant 0 : i32
        %sign3A_698 = arith.cmpi sgt, %jit3A, %sign3A_697 : i32
        %sign3A_699 = arith.extui %sign3A_698 : i1 to i32
        %sign3A_700 = arith.constant 0 : i32
        %sign3A_701 = arith.cmpi slt, %jit3A, %sign3A_700 : i32
        %sign3A_702 = arith.extui %sign3A_701 : i1 to i32
        %sign3A_703 = arith.subi %sign3A_699, %sign3A_702 : i32
        %ne3A = arith.cmpi ne, %sign3A_696, %sign3A_703 : i32
        %rem3A = arith.remsi %scan3A_690, %jit3A : i32
        %ne3A_704 = arith.constant 0 : i32
        %ne3A_705 = arith.cmpi ne, %rem3A, %ne3A_704 : i32
        %and3A = arith.andi %ne3A, %ne3A_705 : i1
        %sub3A = arith.constant 1 : i32
        %sub3A_706 = arith.subi %div3A, %sub3A : i32
        %select_n3A = arith.select %and3A, %sub3A_706, %div3A : i32
        %mul3A_707 = arith.constant 16 : i32
        %mul3A_708 = arith.muli %select_n3A, %mul3A_707 : i32
        %min3A = arith.constant 84 : i32
        %min3A_709 = arith.minsi %mul3A_708, %min3A : i32
        %get3A = arith.constant 2 : i32
        %get3A_710 = arith.index_cast %get3A : i32 to index
        %get3A_711 = arith.index_cast %min3A_709 : i32 to index
        %get3A_712 = tpu.vector_load %arg10[%get3A_710, %get3A_711] {strides = array<i32>} : memref<20x100xf32, #tpu.memory_space<vmem>>, vector<1x16xf32>,
        %get3A_713 = vector.shape_cast %get3A_712 : vector<1x16xf32> to vector<16xf32>
        %broadcast_in_dim3A = arith.constant 0 : i32
        %broadcast_in_dim3A_714 = vector.broadcast %broadcast_in_dim3A : i32 to vector<16xi32>
        %sub3A_715 = arith.subi %scan3A_690, %min3A_709 : i32
        %add3A_716 = vector.broadcast %sub3A_715 : i32 to vector<16xi32>
        %add3A_717 = arith.addi %broadcast_in_dim3A_714, %add3A_716 : vector<16xi32>
        %broadcast_in_dim3A_718 = vector.shape_cast %add3A_717 : vector<16xi32> to vector<16x1xi32>
        %gather3A = vector.shape_cast %broadcast_in_dim3A_718 : vector<16x1xi32> to vector<16xi32>
        %gather3A_719 = tpu.dynamic_gather %get3A_713[%gather3A] in [0] : vector<16xf32>, vector<16xi32> -> vector<16xf32>
        %get3A_720 = arith.index_cast %scan3A_690 : i32 to index
        %get3A_721 = arith.constant 0 : index
        %get3A_722 = tpu.vector_load %arg13[%get3A_720, %get3A_721] {strides = array<i32>} : memref<100x128xf32, #tpu.memory_space<vmem>>, vector<1x16xf32>,
        %get3A_723 = vector.shape_cast %get3A_722 : vector<1x16xf32> to vector<16xf32>
        %mul3A_724 = arith.mulf %get3A_723, %gather3A_719 : vector<16xf32>
        %swap3A = arith.index_cast %scan3A_690 : i32 to index
        %swap3A_725 = arith.constant 0 : index
        %swap3A_726 = tpu.vector_load %arg13[%swap3A, %swap3A_725] {strides = array<i32>} : memref<100x128xf32, #tpu.memory_space<vmem>>, vector<1x16xf32>,
        %swap3A_727 = vector.shape_cast %swap3A_726 : vector<1x16xf32> to vector<16xf32>
        %swap3A_728 = vector.shape_cast %mul3A_724 : vector<16xf32> to vector<1x16xf32>
        tpu.vector_store %arg13[%swap3A, %swap3A_725], %swap3A_728 {strides = array<i32>} : memref<100x128xf32, #tpu.memory_space<vmem>>, vector<1x16xf32>,
        %get3A_729 = arith.index_cast %scan3A_690 : i32 to index
        %get3A_730 = arith.constant 16 : index
        %get3A_731 = tpu.vector_load %arg13[%get3A_729, %get3A_730] {strides = array<i32>} : memref<100x128xf32, #tpu.memory_space<vmem>>, vector<1x16xf32>,
        %get3A_732 = vector.shape_cast %get3A_731 : vector<1x16xf32> to vector<16xf32>
        %mul3A_733 = arith.mulf %get3A_732, %gather3A_719 : vector<16xf32>
        %swap3A_734 = arith.index_cast %scan3A_690 : i32 to index
        %swap3A_735 = arith.constant 16 : index
        %swap3A_736 = tpu.vector_load %arg13[%swap3A_734, %swap3A_735] {strides = array<i32>} : memref<100x128xf32, #tpu.memory_space<vmem>>, vector<1x16xf32>,
        %swap3A_737 = vector.shape_cast %swap3A_736 : vector<1x16xf32> to vector<16xf32>
        %swap3A_738 = vector.shape_cast %mul3A_733 : vector<16xf32> to vector<1x16xf32>
        tpu.vector_store %arg13[%swap3A_734, %swap3A_735], %swap3A_738 {strides = array<i32>} : memref<100x128xf32, #tpu.memory_space<vmem>>, vector<1x16xf32>,
        %get3A_739 = arith.index_cast %scan3A_690 : i32 to index
        %get3A_740 = arith.constant 32 : index
        %get3A_741 = tpu.vector_load %arg13[%get3A_739, %get3A_740] {strides = array<i32>} : memref<100x128xf32, #tpu.memory_space<vmem>>, vector<1x16xf32>,
        %get3A_742 = vector.shape_cast %get3A_741 : vector<1x16xf32> to vector<16xf32>
        %mul3A_743 = arith.mulf %get3A_742, %gather3A_719 : vector<16xf32>
        %swap3A_744 = arith.index_cast %scan3A_690 : i32 to index
        %swap3A_745 = arith.constant 32 : index
        %swap3A_746 = tpu.vector_load %arg13[%swap3A_744, %swap3A_745] {strides = array<i32>} : memref<100x128xf32, #tpu.memory_space<vmem>>, vector<1x16xf32>,
        %swap3A_747 = vector.shape_cast %swap3A_746 : vector<1x16xf32> to vector<16xf32>
        %swap3A_748 = vector.shape_cast %mul3A_743 : vector<16xf32> to vector<1x16xf32>
        tpu.vector_store %arg13[%swap3A_744, %swap3A_745], %swap3A_748 {strides = array<i32>} : memref<100x128xf32, #tpu.memory_space<vmem>>, vector<1x16xf32>,
        %get3A_749 = arith.index_cast %scan3A_690 : i32 to index
        %get3A_750 = arith.constant 48 : index
        %get3A_751 = tpu.vector_load %arg13[%get3A_749, %get3A_750] {strides = array<i32>} : memref<100x128xf32, #tpu.memory_space<vmem>>, vector<1x16xf32>,
        %get3A_752 = vector.shape_cast %get3A_751 : vector<1x16xf32> to vector<16xf32>
        %mul3A_753 = arith.mulf %get3A_752, %gather3A_719 : vector<16xf32>
        %swap3A_754 = arith.index_cast %scan3A_690 : i32 to index
        %swap3A_755 = arith.constant 48 : index
        %swap3A_756 = tpu.vector_load %arg13[%swap3A_754, %swap3A_755] {strides = array<i32>} : memref<100x128xf32, #tpu.memory_space<vmem>>, vector<1x16xf32>,
        %swap3A_757 = vector.shape_cast %swap3A_756 : vector<1x16xf32> to vector<16xf32>
        %swap3A_758 = vector.shape_cast %mul3A_753 : vector<16xf32> to vector<1x16xf32>
        tpu.vector_store %arg13[%swap3A_754, %swap3A_755], %swap3A_758 {strides = array<i32>} : memref<100x128xf32, #tpu.memory_space<vmem>>, vector<1x16xf32>,
        %get3A_759 = arith.index_cast %scan3A_690 : i32 to index
        %get3A_760 = arith.constant 64 : index
        %get3A_761 = tpu.vector_load %arg13[%get3A_759, %get3A_760] {strides = array<i32>} : memref<100x128xf32, #tpu.memory_space<vmem>>, vector<1x16xf32>,
        %get3A_762 = vector.shape_cast %get3A_761 : vector<1x16xf32> to vector<16xf32>
        %mul3A_763 = arith.mulf %get3A_762, %gather3A_719 : vector<16xf32>
        %swap3A_764 = arith.index_cast %scan3A_690 : i32 to index
        %swap3A_765 = arith.constant 64 : index
        %swap3A_766 = tpu.vector_load %arg13[%swap3A_764, %swap3A_765] {strides = array<i32>} : memref<100x128xf32, #tpu.memory_space<vmem>>, vector<1x16xf32>,
        %swap3A_767 = vector.shape_cast %swap3A_766 : vector<1x16xf32> to vector<16xf32>
        %swap3A_768 = vector.shape_cast %mul3A_763 : vector<16xf32> to vector<1x16xf32>
        tpu.vector_store %arg13[%swap3A_764, %swap3A_765], %swap3A_768 {strides = array<i32>} : memref<100x128xf32, #tpu.memory_space<vmem>>, vector<1x16xf32>,
        %get3A_769 = arith.index_cast %scan3A_690 : i32 to index
        %get3A_770 = arith.constant 80 : index
        %get3A_771 = tpu.vector_load %arg13[%get3A_769, %get3A_770] {strides = array<i32>} : memref<100x128xf32, #tpu.memory_space<vmem>>, vector<1x16xf32>,
        %get3A_772 = vector.shape_cast %get3A_771 : vector<1x16xf32> to vector<16xf32>
        %mul3A_773 = arith.mulf %get3A_772, %gather3A_719 : vector<16xf32>
        %swap3A_774 = arith.index_cast %scan3A_690 : i32 to index
        %swap3A_775 = arith.constant 80 : index
        %swap3A_776 = tpu.vector_load %arg13[%swap3A_774, %swap3A_775] {strides = array<i32>} : memref<100x128xf32, #tpu.memory_space<vmem>>, vector<1x16xf32>,
        %swap3A_777 = vector.shape_cast %swap3A_776 : vector<1x16xf32> to vector<16xf32>
        %swap3A_778 = vector.shape_cast %mul3A_773 : vector<16xf32> to vector<1x16xf32>
        tpu.vector_store %arg13[%swap3A_774, %swap3A_775], %swap3A_778 {strides = array<i32>} : memref<100x128xf32, #tpu.memory_space<vmem>>, vector<1x16xf32>,
        %get3A_779 = arith.index_cast %scan3A_690 : i32 to index
        %get3A_780 = arith.constant 96 : index
        %get3A_781 = tpu.vector_load %arg13[%get3A_779, %get3A_780] {strides = array<i32>} : memref<100x128xf32, #tpu.memory_space<vmem>>, vector<1x16xf32>,
        %get3A_782 = vector.shape_cast %get3A_781 : vector<1x16xf32> to vector<16xf32>
        %mul3A_783 = arith.mulf %get3A_782, %gather3A_719 : vector<16xf32>
        %swap3A_784 = arith.index_cast %scan3A_690 : i32 to index
        %swap3A_785 = arith.constant 96 : index
        %swap3A_786 = tpu.vector_load %arg13[%swap3A_784, %swap3A_785] {strides = array<i32>} : memref<100x128xf32, #tpu.memory_space<vmem>>, vector<1x16xf32>,
        %swap3A_787 = vector.shape_cast %swap3A_786 : vector<1x16xf32> to vector<16xf32>
        %swap3A_788 = vector.shape_cast %mul3A_783 : vector<16xf32> to vector<1x16xf32>
        tpu.vector_store %arg13[%swap3A_784, %swap3A_785], %swap3A_788 {strides = array<i32>} : memref<100x128xf32, #tpu.memory_space<vmem>>, vector<1x16xf32>,
        %get3A_789 = arith.index_cast %scan3A_690 : i32 to index
        %get3A_790 = arith.constant 112 : index
        %get3A_791 = tpu.vector_load %arg13[%get3A_789, %get3A_790] {strides = array<i32>} : memref<100x128xf32, #tpu.memory_space<vmem>>, vector<1x16xf32>,
        %get3A_792 = vector.shape_cast %get3A_791 : vector<1x16xf32> to vector<16xf32>
        %mul3A_793 = arith.mulf %get3A_792, %gather3A_719 : vector<16xf32>
        %swap3A_794 = arith.index_cast %scan3A_690 : i32 to index
        %swap3A_795 = arith.constant 112 : index
        %swap3A_796 = tpu.vector_load %arg13[%swap3A_794, %swap3A_795] {strides = array<i32>} : memref<100x128xf32, #tpu.memory_space<vmem>>, vector<1x16xf32>,
        %swap3A_797 = vector.shape_cast %swap3A_796 : vector<1x16xf32> to vector<16xf32>
        %swap3A_798 = vector.shape_cast %mul3A_793 : vector<16xf32> to vector<1x16xf32>
        tpu.vector_store %arg13[%swap3A_794, %swap3A_795], %swap3A_798 {strides = array<i32>} : memref<100x128xf32, #tpu.memory_space<vmem>>, vector<1x16xf32>,
      }
      %scan3A_97 = arith.constant 100 : i32
      %dma_wait3A_98 = arith.constant 1 : i32
      %dma_wait3A_99 = arith.constant 0 : i32
      %dma_wait3A_100 = tpu.memref_slice %arg9[%dma_wait3A_98, %dma_wait3A_99] : memref<20x100xi32, #tpu.memory_space<vmem>> -> memref<1x100xi32, #tpu.memory_space<vmem>>
      %dma_wait3A_101 = tpu.memref_squeeze %dma_wait3A_100 : memref<1x100xi32, #tpu.memory_space<vmem>> -> memref<100xi32, #tpu.memory_space<vmem>>
      %dma_wait3A_102 = arith.constant 0 : i32
      %dma_wait3A_103 = arith.constant 0 : i32
      %dma_wait3A_104 = tpu.memref_slice %arg14[%dma_wait3A_102, %dma_wait3A_103] : memref<10000x128xf32, #tpu.memory_space<vmem_shared>> -> memref<10000x128xf32, #tpu.memory_space<vmem_shared>>
      tpu.wait_indirect_dma semaphore(%arg19 : memref<!tpu.dma_semaphore, #tpu.memory_space<semaphore_mem>>) src(%arg12 : memref<100x128xf32, #tpu.memory_space<vmem>>) dst(%dma_wait3A_104 : memref<10000x128xf32, #tpu.memory_space<vmem_shared>>)
      %dma_start3A_105 = arith.constant 4 : i32
      %dma_start3A_106 = arith.constant 0 : i32
      %dma_start3A_107 = tpu.memref_slice %arg8[%dma_start3A_105, %dma_start3A_106] : memref<20x100xi32, #tpu.memory_space<vmem>> -> memref<1x100xi32, #tpu.memory_space<vmem>>
      %dma_start3A_108 = tpu.memref_squeeze %dma_start3A_107 : memref<1x100xi32, #tpu.memory_space<vmem>> -> memref<100xi32, #tpu.memory_space<vmem>>
      %dma_start3A_109 = arith.constant 0 : i32
      %dma_start3A_110 = arith.constant 0 : i32
      %dma_start3A_111 = tpu.memref_slice %arg2[%dma_start3A_109, %dma_start3A_110] : memref<10000x128xf32, #tpu.memory_space<hbm>> -> memref<10000x128xf32, #tpu.memory_space<hbm>>
      tpu.enqueue_indirect_dma source(%dma_start3A_111 : memref<10000x128xf32, #tpu.memory_space<hbm>>) target(%arg12 : memref<100x128xf32, #tpu.memory_space<vmem>>) offsets(%dma_start3A_108 : memref<100xi32, #tpu.memory_space<vmem>>) semaphore(%arg16 : memref<!tpu.dma_semaphore, #tpu.memory_space<semaphore_mem>>)
      %dma_start3A_112 = arith.constant 2 : i32
      %dma_start3A_113 = arith.constant 0 : i32
      %dma_start3A_114 = tpu.memref_slice %arg9[%dma_start3A_112, %dma_start3A_113] : memref<20x100xi32, #tpu.memory_space<vmem>> -> memref<1x100xi32, #tpu.memory_space<vmem>>
      %dma_start3A_115 = tpu.memref_squeeze %dma_start3A_114 : memref<1x100xi32, #tpu.memory_space<vmem>> -> memref<100xi32, #tpu.memory_space<vmem>>
      %dma_start3A_116 = arith.constant 0 : i32
      %dma_start3A_117 = arith.constant 0 : i32
      %dma_start3A_118 = tpu.memref_slice %arg14[%dma_start3A_116, %dma_start3A_117] : memref<10000x128xf32, #tpu.memory_space<vmem_shared>> -> memref<10000x128xf32, #tpu.memory_space<vmem_shared>>
      tpu.enqueue_indirect_dma source(%arg13 : memref<100x128xf32, #tpu.memory_space<vmem>>) target(%dma_start3A_118 : memref<10000x128xf32, #tpu.memory_space<vmem_shared>>) offsets(%dma_start3A_115 : memref<100xi32, #tpu.memory_space<vmem>>) semaphore(%arg20 : memref<!tpu.dma_semaphore, #tpu.memory_space<semaphore_mem>>) {add = true}
      %dma_wait3A_119 = arith.constant 3 : i32
      %dma_wait3A_120 = arith.constant 0 : i32
      %dma_wait3A_121 = tpu.memref_slice %arg8[%dma_wait3A_119, %dma_wait3A_120] : memref<20x100xi32, #tpu.memory_space<vmem>> -> memref<1x100xi32, #tpu.memory_space<vmem>>
      %dma_wait3A_122 = tpu.memref_squeeze %dma_wait3A_121 : memref<1x100xi32, #tpu.memory_space<vmem>> -> memref<100xi32, #tpu.memory_space<vmem>>
      %dma_wait3A_123 = arith.constant 0 : i32
      %dma_wait3A_124 = arith.constant 0 : i32
      %dma_wait3A_125 = tpu.memref_slice %arg2[%dma_wait3A_123, %dma_wait3A_124] : memref<10000x128xf32, #tpu.memory_space<hbm>> -> memref<10000x128xf32, #tpu.memory_space<hbm>>
      tpu.wait_indirect_dma semaphore(%arg15 : memref<!tpu.dma_semaphore, #tpu.memory_space<semaphore_mem>>) src(%dma_wait3A_125 : memref<10000x128xf32, #tpu.memory_space<hbm>>) dst(%arg11 : memref<100x128xf32, #tpu.memory_space<vmem>>)
      %scan3A_126 = arith.constant 0 : i32
      %scan3A_127 = arith.constant 0 : i32
      %scan3A_128 = arith.constant 100 : i32
      %scan3A_129 = arith.addi %scan3A_127, %scan3A_128 : i32
      %scan3A_130 = arith.constant 1 : i32
      scf.for %scan3A_690 = %scan3A_127 to %scan3A_129 step %scan3A_130  : i32 {
        %jit3A = arith.constant 16 : i32
        %div3A = arith.divsi %scan3A_690, %jit3A : i32
        %sign3A = arith.constant 0 : i32
        %sign3A_691 = arith.cmpi sgt, %scan3A_690, %sign3A : i32
        %sign3A_692 = arith.extui %sign3A_691 : i1 to i32
        %sign3A_693 = arith.constant 0 : i32
        %sign3A_694 = arith.cmpi slt, %scan3A_690, %sign3A_693 : i32
        %sign3A_695 = arith.extui %sign3A_694 : i1 to i32
        %sign3A_696 = arith.subi %sign3A_692, %sign3A_695 : i32
        %sign3A_697 = arith.constant 0 : i32
        %sign3A_698 = arith.cmpi sgt, %jit3A, %sign3A_697 : i32
        %sign3A_699 = arith.extui %sign3A_698 : i1 to i32
        %sign3A_700 = arith.constant 0 : i32
        %sign3A_701 = arith.cmpi slt, %jit3A, %sign3A_700 : i32
        %sign3A_702 = arith.extui %sign3A_701 : i1 to i32
        %sign3A_703 = arith.subi %sign3A_699, %sign3A_702 : i32
        %ne3A = arith.cmpi ne, %sign3A_696, %sign3A_703 : i32
        %rem3A = arith.remsi %scan3A_690, %jit3A : i32
        %ne3A_704 = arith.constant 0 : i32
        %ne3A_705 = arith.cmpi ne, %rem3A, %ne3A_704 : i32
        %and3A = arith.andi %ne3A, %ne3A_705 : i1
        %sub3A = arith.constant 1 : i32
        %sub3A_706 = arith.subi %div3A, %sub3A : i32
        %select_n3A = arith.select %and3A, %sub3A_706, %div3A : i32
        %mul3A_707 = arith.constant 16 : i32
        %mul3A_708 = arith.muli %select_n3A, %mul3A_707 : i32
        %min3A = arith.constant 84 : i32
        %min3A_709 = arith.minsi %mul3A_708, %min3A : i32
        %get3A = arith.constant 3 : i32
        %get3A_710 = arith.index_cast %get3A : i32 to index
        %get3A_711 = arith.index_cast %min3A_709 : i32 to index
        %get3A_712 = tpu.vector_load %arg10[%get3A_710, %get3A_711] {strides = array<i32>} : memref<20x100xf32, #tpu.memory_space<vmem>>, vector<1x16xf32>,
        %get3A_713 = vector.shape_cast %get3A_712 : vector<1x16xf32> to vector<16xf32>
        %broadcast_in_dim3A = arith.constant 0 : i32
        %broadcast_in_dim3A_714 = vector.broadcast %broadcast_in_dim3A : i32 to vector<16xi32>
        %sub3A_715 = arith.subi %scan3A_690, %min3A_709 : i32
        %add3A_716 = vector.broadcast %sub3A_715 : i32 to vector<16xi32>
        %add3A_717 = arith.addi %broadcast_in_dim3A_714, %add3A_716 : vector<16xi32>
        %broadcast_in_dim3A_718 = vector.shape_cast %add3A_717 : vector<16xi32> to vector<16x1xi32>
        %gather3A = vector.shape_cast %broadcast_in_dim3A_718 : vector<16x1xi32> to vector<16xi32>
        %gather3A_719 = tpu.dynamic_gather %get3A_713[%gather3A] in [0] : vector<16xf32>, vector<16xi32> -> vector<16xf32>
        %get3A_720 = arith.index_cast %scan3A_690 : i32 to index
        %get3A_721 = arith.constant 0 : index
        %get3A_722 = tpu.vector_load %arg11[%get3A_720, %get3A_721] {strides = array<i32>} : memref<100x128xf32, #tpu.memory_space<vmem>>, vector<1x16xf32>,
        %get3A_723 = vector.shape_cast %get3A_722 : vector<1x16xf32> to vector<16xf32>
        %mul3A_724 = arith.mulf %get3A_723, %gather3A_719 : vector<16xf32>
        %swap3A = arith.index_cast %scan3A_690 : i32 to index
        %swap3A_725 = arith.constant 0 : index
        %swap3A_726 = tpu.vector_load %arg11[%swap3A, %swap3A_725] {strides = array<i32>} : memref<100x128xf32, #tpu.memory_space<vmem>>, vector<1x16xf32>,
        %swap3A_727 = vector.shape_cast %swap3A_726 : vector<1x16xf32> to vector<16xf32>
        %swap3A_728 = vector.shape_cast %mul3A_724 : vector<16xf32> to vector<1x16xf32>
        tpu.vector_store %arg11[%swap3A, %swap3A_725], %swap3A_728 {strides = array<i32>} : memref<100x128xf32, #tpu.memory_space<vmem>>, vector<1x16xf32>,
        %get3A_729 = arith.index_cast %scan3A_690 : i32 to index
        %get3A_730 = arith.constant 16 : index
        %get3A_731 = tpu.vector_load %arg11[%get3A_729, %get3A_730] {strides = array<i32>} : memref<100x128xf32, #tpu.memory_space<vmem>>, vector<1x16xf32>,
        %get3A_732 = vector.shape_cast %get3A_731 : vector<1x16xf32> to vector<16xf32>
        %mul3A_733 = arith.mulf %get3A_732, %gather3A_719 : vector<16xf32>
        %swap3A_734 = arith.index_cast %scan3A_690 : i32 to index
        %swap3A_735 = arith.constant 16 : index
        %swap3A_736 = tpu.vector_load %arg11[%swap3A_734, %swap3A_735] {strides = array<i32>} : memref<100x128xf32, #tpu.memory_space<vmem>>, vector<1x16xf32>,
        %swap3A_737 = vector.shape_cast %swap3A_736 : vector<1x16xf32> to vector<16xf32>
        %swap3A_738 = vector.shape_cast %mul3A_733 : vector<16xf32> to vector<1x16xf32>
        tpu.vector_store %arg11[%swap3A_734, %swap3A_735], %swap3A_738 {strides = array<i32>} : memref<100x128xf32, #tpu.memory_space<vmem>>, vector<1x16xf32>,
        %get3A_739 = arith.index_cast %scan3A_690 : i32 to index
        %get3A_740 = arith.constant 32 : index
        %get3A_741 = tpu.vector_load %arg11[%get3A_739, %get3A_740] {strides = array<i32>} : memref<100x128xf32, #tpu.memory_space<vmem>>, vector<1x16xf32>,
        %get3A_742 = vector.shape_cast %get3A_741 : vector<1x16xf32> to vector<16xf32>
        %mul3A_743 = arith.mulf %get3A_742, %gather3A_719 : vector<16xf32>
        %swap3A_744 = arith.index_cast %scan3A_690 : i32 to index
        %swap3A_745 = arith.constant 32 : index
        %swap3A_746 = tpu.vector_load %arg11[%swap3A_744, %swap3A_745] {strides = array<i32>} : memref<100x128xf32, #tpu.memory_space<vmem>>, vector<1x16xf32>,
        %swap3A_747 = vector.shape_cast %swap3A_746 : vector<1x16xf32> to vector<16xf32>
        %swap3A_748 = vector.shape_cast %mul3A_743 : vector<16xf32> to vector<1x16xf32>
        tpu.vector_store %arg11[%swap3A_744, %swap3A_745], %swap3A_748 {strides = array<i32>} : memref<100x128xf32, #tpu.memory_space<vmem>>, vector<1x16xf32>,
        %get3A_749 = arith.index_cast %scan3A_690 : i32 to index
        %get3A_750 = arith.constant 48 : index
        %get3A_751 = tpu.vector_load %arg11[%get3A_749, %get3A_750] {strides = array<i32>} : memref<100x128xf32, #tpu.memory_space<vmem>>, vector<1x16xf32>,
        %get3A_752 = vector.shape_cast %get3A_751 : vector<1x16xf32> to vector<16xf32>
        %mul3A_753 = arith.mulf %get3A_752, %gather3A_719 : vector<16xf32>
        %swap3A_754 = arith.index_cast %scan3A_690 : i32 to index
        %swap3A_755 = arith.constant 48 : index
        %swap3A_756 = tpu.vector_load %arg11[%swap3A_754, %swap3A_755] {strides = array<i32>} : memref<100x128xf32, #tpu.memory_space<vmem>>, vector<1x16xf32>,
        %swap3A_757 = vector.shape_cast %swap3A_756 : vector<1x16xf32> to vector<16xf32>
        %swap3A_758 = vector.shape_cast %mul3A_753 : vector<16xf32> to vector<1x16xf32>
        tpu.vector_store %arg11[%swap3A_754, %swap3A_755], %swap3A_758 {strides = array<i32>} : memref<100x128xf32, #tpu.memory_space<vmem>>, vector<1x16xf32>,
        %get3A_759 = arith.index_cast %scan3A_690 : i32 to index
        %get3A_760 = arith.constant 64 : index
        %get3A_761 = tpu.vector_load %arg11[%get3A_759, %get3A_760] {strides = array<i32>} : memref<100x128xf32, #tpu.memory_space<vmem>>, vector<1x16xf32>,
        %get3A_762 = vector.shape_cast %get3A_761 : vector<1x16xf32> to vector<16xf32>
        %mul3A_763 = arith.mulf %get3A_762, %gather3A_719 : vector<16xf32>
        %swap3A_764 = arith.index_cast %scan3A_690 : i32 to index
        %swap3A_765 = arith.constant 64 : index
        %swap3A_766 = tpu.vector_load %arg11[%swap3A_764, %swap3A_765] {strides = array<i32>} : memref<100x128xf32, #tpu.memory_space<vmem>>, vector<1x16xf32>,
        %swap3A_767 = vector.shape_cast %swap3A_766 : vector<1x16xf32> to vector<16xf32>
        %swap3A_768 = vector.shape_cast %mul3A_763 : vector<16xf32> to vector<1x16xf32>
        tpu.vector_store %arg11[%swap3A_764, %swap3A_765], %swap3A_768 {strides = array<i32>} : memref<100x128xf32, #tpu.memory_space<vmem>>, vector<1x16xf32>,
        %get3A_769 = arith.index_cast %scan3A_690 : i32 to index
        %get3A_770 = arith.constant 80 : index
        %get3A_771 = tpu.vector_load %arg11[%get3A_769, %get3A_770] {strides = array<i32>} : memref<100x128xf32, #tpu.memory_space<vmem>>, vector<1x16xf32>,
        %get3A_772 = vector.shape_cast %get3A_771 : vector<1x16xf32> to vector<16xf32>
        %mul3A_773 = arith.mulf %get3A_772, %gather3A_719 : vector<16xf32>
        %swap3A_774 = arith.index_cast %scan3A_690 : i32 to index
        %swap3A_775 = arith.constant 80 : index
        %swap3A_776 = tpu.vector_load %arg11[%swap3A_774, %swap3A_775] {strides = array<i32>} : memref<100x128xf32, #tpu.memory_space<vmem>>, vector<1x16xf32>,
        %swap3A_777 = vector.shape_cast %swap3A_776 : vector<1x16xf32> to vector<16xf32>
        %swap3A_778 = vector.shape_cast %mul3A_773 : vector<16xf32> to vector<1x16xf32>
        tpu.vector_store %arg11[%swap3A_774, %swap3A_775], %swap3A_778 {strides = array<i32>} : memref<100x128xf32, #tpu.memory_space<vmem>>, vector<1x16xf32>,
        %get3A_779 = arith.index_cast %scan3A_690 : i32 to index
        %get3A_780 = arith.constant 96 : index
        %get3A_781 = tpu.vector_load %arg11[%get3A_779, %get3A_780] {strides = array<i32>} : memref<100x128xf32, #tpu.memory_space<vmem>>, vector<1x16xf32>,
        %get3A_782 = vector.shape_cast %get3A_781 : vector<1x16xf32> to vector<16xf32>
        %mul3A_783 = arith.mulf %get3A_782, %gather3A_719 : vector<16xf32>
        %swap3A_784 = arith.index_cast %scan3A_690 : i32 to index
        %swap3A_785 = arith.constant 96 : index
        %swap3A_786 = tpu.vector_load %arg11[%swap3A_784, %swap3A_785] {strides = array<i32>} : memref<100x128xf32, #tpu.memory_space<vmem>>, vector<1x16xf32>,
        %swap3A_787 = vector.shape_cast %swap3A_786 : vector<1x16xf32> to vector<16xf32>
        %swap3A_788 = vector.shape_cast %mul3A_783 : vector<16xf32> to vector<1x16xf32>
        tpu.vector_store %arg11[%swap3A_784, %swap3A_785], %swap3A_788 {strides = array<i32>} : memref<100x128xf32, #tpu.memory_space<vmem>>, vector<1x16xf32>,
        %get3A_789 = arith.index_cast %scan3A_690 : i32 to index
        %get3A_790 = arith.constant 112 : index
        %get3A_791 = tpu.vector_load %arg11[%get3A_789, %get3A_790] {strides = array<i32>} : memref<100x128xf32, #tpu.memory_space<vmem>>, vector<1x16xf32>,
        %get3A_792 = vector.shape_cast %get3A_791 : vector<1x16xf32> to vector<16xf32>
        %mul3A_793 = arith.mulf %get3A_792, %gather3A_719 : vector<16xf32>
        %swap3A_794 = arith.index_cast %scan3A_690 : i32 to index
        %swap3A_795 = arith.constant 112 : index
        %swap3A_796 = tpu.vector_load %arg11[%swap3A_794, %swap3A_795] {strides = array<i32>} : memref<100x128xf32, #tpu.memory_space<vmem>>, vector<1x16xf32>,
        %swap3A_797 = vector.shape_cast %swap3A_796 : vector<1x16xf32> to vector<16xf32>
        %swap3A_798 = vector.shape_cast %mul3A_793 : vector<16xf32> to vector<1x16xf32>
        tpu.vector_store %arg11[%swap3A_794, %swap3A_795], %swap3A_798 {strides = array<i32>} : memref<100x128xf32, #tpu.memory_space<vmem>>, vector<1x16xf32>,
      }
      %scan3A_131 = arith.constant 100 : i32
      %dma_wait3A_132 = arith.constant 2 : i32
      %dma_wait3A_133 = arith.constant 0 : i32
      %dma_wait3A_134 = tpu.memref_slice %arg9[%dma_wait3A_132, %dma_wait3A_133] : memref<20x100xi32, #tpu.memory_space<vmem>> -> memref<1x100xi32, #tpu.memory_space<vmem>>
      %dma_wait3A_135 = tpu.memref_squeeze %dma_wait3A_134 : memref<1x100xi32, #tpu.memory_space<vmem>> -> memref<100xi32, #tpu.memory_space<vmem>>
      %dma_wait3A_136 = arith.constant 0 : i32
      %dma_wait3A_137 = arith.constant 0 : i32
      %dma_wait3A_138 = tpu.memref_slice %arg14[%dma_wait3A_136, %dma_wait3A_137] : memref<10000x128xf32, #tpu.memory_space<vmem_shared>> -> memref<10000x128xf32, #tpu.memory_space<vmem_shared>>
      tpu.wait_indirect_dma semaphore(%arg20 : memref<!tpu.dma_semaphore, #tpu.memory_space<semaphore_mem>>) src(%arg13 : memref<100x128xf32, #tpu.memory_space<vmem>>) dst(%dma_wait3A_138 : memref<10000x128xf32, #tpu.memory_space<vmem_shared>>)
      %dma_start3A_139 = arith.constant 5 : i32
      %dma_start3A_140 = arith.constant 0 : i32
      %dma_start3A_141 = tpu.memref_slice %arg8[%dma_start3A_139, %dma_start3A_140] : memref<20x100xi32, #tpu.memory_space<vmem>> -> memref<1x100xi32, #tpu.memory_space<vmem>>
      %dma_start3A_142 = tpu.memref_squeeze %dma_start3A_141 : memref<1x100xi32, #tpu.memory_space<vmem>> -> memref<100xi32, #tpu.memory_space<vmem>>
      %dma_start3A_143 = arith.constant 0 : i32
      %dma_start3A_144 = arith.constant 0 : i32
      %dma_start3A_145 = tpu.memref_slice %arg2[%dma_start3A_143, %dma_start3A_144] : memref<10000x128xf32, #tpu.memory_space<hbm>> -> memref<10000x128xf32, #tpu.memory_space<hbm>>
      tpu.enqueue_indirect_dma source(%dma_start3A_145 : memref<10000x128xf32, #tpu.memory_space<hbm>>) target(%arg13 : memref<100x128xf32, #tpu.memory_space<vmem>>) offsets(%dma_start3A_142 : memref<100xi32, #tpu.memory_space<vmem>>) semaphore(%arg17 : memref<!tpu.dma_semaphore, #tpu.memory_space<semaphore_mem>>)
      %dma_start3A_146 = arith.constant 3 : i32
      %dma_start3A_147 = arith.constant 0 : i32
      %dma_start3A_148 = tpu.memref_slice %arg9[%dma_start3A_146, %dma_start3A_147] : memref<20x100xi32, #tpu.memory_space<vmem>> -> memref<1x100xi32, #tpu.memory_space<vmem>>
      %dma_start3A_149 = tpu.memref_squeeze %dma_start3A_148 : memref<1x100xi32, #tpu.memory_space<vmem>> -> memref<100xi32, #tpu.memory_space<vmem>>
      %dma_start3A_150 = arith.constant 0 : i32
      %dma_start3A_151 = arith.constant 0 : i32
      %dma_start3A_152 = tpu.memref_slice %arg14[%dma_start3A_150, %dma_start3A_151] : memref<10000x128xf32, #tpu.memory_space<vmem_shared>> -> memref<10000x128xf32, #tpu.memory_space<vmem_shared>>
      tpu.enqueue_indirect_dma source(%arg11 : memref<100x128xf32, #tpu.memory_space<vmem>>) target(%dma_start3A_152 : memref<10000x128xf32, #tpu.memory_space<vmem_shared>>) offsets(%dma_start3A_149 : memref<100xi32, #tpu.memory_space<vmem>>) semaphore(%arg18 : memref<!tpu.dma_semaphore, #tpu.memory_space<semaphore_mem>>) {add = true}
      %dma_wait3A_153 = arith.constant 4 : i32
      %dma_wait3A_154 = arith.constant 0 : i32
      %dma_wait3A_155 = tpu.memref_slice %arg8[%dma_wait3A_153, %dma_wait3A_154] : memref<20x100xi32, #tpu.memory_space<vmem>> -> memref<1x100xi32, #tpu.memory_space<vmem>>
      %dma_wait3A_156 = tpu.memref_squeeze %dma_wait3A_155 : memref<1x100xi32, #tpu.memory_space<vmem>> -> memref<100xi32, #tpu.memory_space<vmem>>
      %dma_wait3A_157 = arith.constant 0 : i32
      %dma_wait3A_158 = arith.constant 0 : i32
      %dma_wait3A_159 = tpu.memref_slice %arg2[%dma_wait3A_157, %dma_wait3A_158] : memref<10000x128xf32, #tpu.memory_space<hbm>> -> memref<10000x128xf32, #tpu.memory_space<hbm>>
      tpu.wait_indirect_dma semaphore(%arg16 : memref<!tpu.dma_semaphore, #tpu.memory_space<semaphore_mem>>) src(%dma_wait3A_159 : memref<10000x128xf32, #tpu.memory_space<hbm>>) dst(%arg12 : memref<100x128xf32, #tpu.memory_space<vmem>>)
      %scan3A_160 = arith.constant 0 : i32
      %scan3A_161 = arith.constant 0 : i32
      %scan3A_162 = arith.constant 100 : i32
      %scan3A_163 = arith.addi %scan3A_161, %scan3A_162 : i32
      %scan3A_164 = arith.constant 1 : i32
      scf.for %scan3A_690 = %scan3A_161 to %scan3A_163 step %scan3A_164  : i32 {
        %jit3A = arith.constant 16 : i32
        %div3A = arith.divsi %scan3A_690, %jit3A : i32
        %sign3A = arith.constant 0 : i32
        %sign3A_691 = arith.cmpi sgt, %scan3A_690, %sign3A : i32
        %sign3A_692 = arith.extui %sign3A_691 : i1 to i32
        %sign3A_693 = arith.constant 0 : i32
        %sign3A_694 = arith.cmpi slt, %scan3A_690, %sign3A_693 : i32
        %sign3A_695 = arith.extui %sign3A_694 : i1 to i32
        %sign3A_696 = arith.subi %sign3A_692, %sign3A_695 : i32
        %sign3A_697 = arith.constant 0 : i32
        %sign3A_698 = arith.cmpi sgt, %jit3A, %sign3A_697 : i32
        %sign3A_699 = arith.extui %sign3A_698 : i1 to i32
        %sign3A_700 = arith.constant 0 : i32
        %sign3A_701 = arith.cmpi slt, %jit3A, %sign3A_700 : i32
        %sign3A_702 = arith.extui %sign3A_701 : i1 to i32
        %sign3A_703 = arith.subi %sign3A_699, %sign3A_702 : i32
        %ne3A = arith.cmpi ne, %sign3A_696, %sign3A_703 : i32
        %rem3A = arith.remsi %scan3A_690, %jit3A : i32
        %ne3A_704 = arith.constant 0 : i32
        %ne3A_705 = arith.cmpi ne, %rem3A, %ne3A_704 : i32
        %and3A = arith.andi %ne3A, %ne3A_705 : i1
        %sub3A = arith.constant 1 : i32
        %sub3A_706 = arith.subi %div3A, %sub3A : i32
        %select_n3A = arith.select %and3A, %sub3A_706, %div3A : i32
        %mul3A_707 = arith.constant 16 : i32
        %mul3A_708 = arith.muli %select_n3A, %mul3A_707 : i32
        %min3A = arith.constant 84 : i32
        %min3A_709 = arith.minsi %mul3A_708, %min3A : i32
        %get3A = arith.constant 4 : i32
        %get3A_710 = arith.index_cast %get3A : i32 to index
        %get3A_711 = arith.index_cast %min3A_709 : i32 to index
        %get3A_712 = tpu.vector_load %arg10[%get3A_710, %get3A_711] {strides = array<i32>} : memref<20x100xf32, #tpu.memory_space<vmem>>, vector<1x16xf32>,
        %get3A_713 = vector.shape_cast %get3A_712 : vector<1x16xf32> to vector<16xf32>
        %broadcast_in_dim3A = arith.constant 0 : i32
        %broadcast_in_dim3A_714 = vector.broadcast %broadcast_in_dim3A : i32 to vector<16xi32>
        %sub3A_715 = arith.subi %scan3A_690, %min3A_709 : i32
        %add3A_716 = vector.broadcast %sub3A_715 : i32 to vector<16xi32>
        %add3A_717 = arith.addi %broadcast_in_dim3A_714, %add3A_716 : vector<16xi32>
        %broadcast_in_dim3A_718 = vector.shape_cast %add3A_717 : vector<16xi32> to vector<16x1xi32>
        %gather3A = vector.shape_cast %broadcast_in_dim3A_718 : vector<16x1xi32> to vector<16xi32>
        %gather3A_719 = tpu.dynamic_gather %get3A_713[%gather3A] in [0] : vector<16xf32>, vector<16xi32> -> vector<16xf32>
        %get3A_720 = arith.index_cast %scan3A_690 : i32 to index
        %get3A_721 = arith.constant 0 : index
        %get3A_722 = tpu.vector_load %arg12[%get3A_720, %get3A_721] {strides = array<i32>} : memref<100x128xf32, #tpu.memory_space<vmem>>, vector<1x16xf32>,
        %get3A_723 = vector.shape_cast %get3A_722 : vector<1x16xf32> to vector<16xf32>
        %mul3A_724 = arith.mulf %get3A_723, %gather3A_719 : vector<16xf32>
        %swap3A = arith.index_cast %scan3A_690 : i32 to index
        %swap3A_725 = arith.constant 0 : index
        %swap3A_726 = tpu.vector_load %arg12[%swap3A, %swap3A_725] {strides = array<i32>} : memref<100x128xf32, #tpu.memory_space<vmem>>, vector<1x16xf32>,
        %swap3A_727 = vector.shape_cast %swap3A_726 : vector<1x16xf32> to vector<16xf32>
        %swap3A_728 = vector.shape_cast %mul3A_724 : vector<16xf32> to vector<1x16xf32>
        tpu.vector_store %arg12[%swap3A, %swap3A_725], %swap3A_728 {strides = array<i32>} : memref<100x128xf32, #tpu.memory_space<vmem>>, vector<1x16xf32>,
        %get3A_729 = arith.index_cast %scan3A_690 : i32 to index
        %get3A_730 = arith.constant 16 : index
        %get3A_731 = tpu.vector_load %arg12[%get3A_729, %get3A_730] {strides = array<i32>} : memref<100x128xf32, #tpu.memory_space<vmem>>, vector<1x16xf32>,
        %get3A_732 = vector.shape_cast %get3A_731 : vector<1x16xf32> to vector<16xf32>
        %mul3A_733 = arith.mulf %get3A_732, %gather3A_719 : vector<16xf32>
        %swap3A_734 = arith.index_cast %scan3A_690 : i32 to index
        %swap3A_735 = arith.constant 16 : index
        %swap3A_736 = tpu.vector_load %arg12[%swap3A_734, %swap3A_735] {strides = array<i32>} : memref<100x128xf32, #tpu.memory_space<vmem>>, vector<1x16xf32>,
        %swap3A_737 = vector.shape_cast %swap3A_736 : vector<1x16xf32> to vector<16xf32>
        %swap3A_738 = vector.shape_cast %mul3A_733 : vector<16xf32> to vector<1x16xf32>
        tpu.vector_store %arg12[%swap3A_734, %swap3A_735], %swap3A_738 {strides = array<i32>} : memref<100x128xf32, #tpu.memory_space<vmem>>, vector<1x16xf32>,
        %get3A_739 = arith.index_cast %scan3A_690 : i32 to index
        %get3A_740 = arith.constant 32 : index
        %get3A_741 = tpu.vector_load %arg12[%get3A_739, %get3A_740] {strides = array<i32>} : memref<100x128xf32, #tpu.memory_space<vmem>>, vector<1x16xf32>,
        %get3A_742 = vector.shape_cast %get3A_741 : vector<1x16xf32> to vector<16xf32>
        %mul3A_743 = arith.mulf %get3A_742, %gather3A_719 : vector<16xf32>
        %swap3A_744 = arith.index_cast %scan3A_690 : i32 to index
        %swap3A_745 = arith.constant 32 : index
        %swap3A_746 = tpu.vector_load %arg12[%swap3A_744, %swap3A_745] {strides = array<i32>} : memref<100x128xf32, #tpu.memory_space<vmem>>, vector<1x16xf32>,
        %swap3A_747 = vector.shape_cast %swap3A_746 : vector<1x16xf32> to vector<16xf32>
        %swap3A_748 = vector.shape_cast %mul3A_743 : vector<16xf32> to vector<1x16xf32>
        tpu.vector_store %arg12[%swap3A_744, %swap3A_745], %swap3A_748 {strides = array<i32>} : memref<100x128xf32, #tpu.memory_space<vmem>>, vector<1x16xf32>,
        %get3A_749 = arith.index_cast %scan3A_690 : i32 to index
        %get3A_750 = arith.constant 48 : index
        %get3A_751 = tpu.vector_load %arg12[%get3A_749, %get3A_750] {strides = array<i32>} : memref<100x128xf32, #tpu.memory_space<vmem>>, vector<1x16xf32>,
        %get3A_752 = vector.shape_cast %get3A_751 : vector<1x16xf32> to vector<16xf32>
        %mul3A_753 = arith.mulf %get3A_752, %gather3A_719 : vector<16xf32>
        %swap3A_754 = arith.index_cast %scan3A_690 : i32 to index
        %swap3A_755 = arith.constant 48 : index
        %swap3A_756 = tpu.vector_load %arg12[%swap3A_754, %swap3A_755] {strides = array<i32>} : memref<100x128xf32, #tpu.memory_space<vmem>>, vector<1x16xf32>,
        %swap3A_757 = vector.shape_cast %swap3A_756 : vector<1x16xf32> to vector<16xf32>
        %swap3A_758 = vector.shape_cast %mul3A_753 : vector<16xf32> to vector<1x16xf32>
        tpu.vector_store %arg12[%swap3A_754, %swap3A_755], %swap3A_758 {strides = array<i32>} : memref<100x128xf32, #tpu.memory_space<vmem>>, vector<1x16xf32>,
        %get3A_759 = arith.index_cast %scan3A_690 : i32 to index
        %get3A_760 = arith.constant 64 : index
        %get3A_761 = tpu.vector_load %arg12[%get3A_759, %get3A_760] {strides = array<i32>} : memref<100x128xf32, #tpu.memory_space<vmem>>, vector<1x16xf32>,
        %get3A_762 = vector.shape_cast %get3A_761 : vector<1x16xf32> to vector<16xf32>
        %mul3A_763 = arith.mulf %get3A_762, %gather3A_719 : vector<16xf32>
        %swap3A_764 = arith.index_cast %scan3A_690 : i32 to index
        %swap3A_765 = arith.constant 64 : index
        %swap3A_766 = tpu.vector_load %arg12[%swap3A_764, %swap3A_765] {strides = array<i32>} : memref<100x128xf32, #tpu.memory_space<vmem>>, vector<1x16xf32>,
        %swap3A_767 = vector.shape_cast %swap3A_766 : vector<1x16xf32> to vector<16xf32>
        %swap3A_768 = vector.shape_cast %mul3A_763 : vector<16xf32> to vector<1x16xf32>
        tpu.vector_store %arg12[%swap3A_764, %swap3A_765], %swap3A_768 {strides = array<i32>} : memref<100x128xf32, #tpu.memory_space<vmem>>, vector<1x16xf32>,
        %get3A_769 = arith.index_cast %scan3A_690 : i32 to index
        %get3A_770 = arith.constant 80 : index
        %get3A_771 = tpu.vector_load %arg12[%get3A_769, %get3A_770] {strides = array<i32>} : memref<100x128xf32, #tpu.memory_space<vmem>>, vector<1x16xf32>,
        %get3A_772 = vector.shape_cast %get3A_771 : vector<1x16xf32> to vector<16xf32>
        %mul3A_773 = arith.mulf %get3A_772, %gather3A_719 : vector<16xf32>
        %swap3A_774 = arith.index_cast %scan3A_690 : i32 to index
        %swap3A_775 = arith.constant 80 : index
        %swap3A_776 = tpu.vector_load %arg12[%swap3A_774, %swap3A_775] {strides = array<i32>} : memref<100x128xf32, #tpu.memory_space<vmem>>, vector<1x16xf32>,
        %swap3A_777 = vector.shape_cast %swap3A_776 : vector<1x16xf32> to vector<16xf32>
        %swap3A_778 = vector.shape_cast %mul3A_773 : vector<16xf32> to vector<1x16xf32>
        tpu.vector_store %arg12[%swap3A_774, %swap3A_775], %swap3A_778 {strides = array<i32>} : memref<100x128xf32, #tpu.memory_space<vmem>>, vector<1x16xf32>,
        %get3A_779 = arith.index_cast %scan3A_690 : i32 to index
        %get3A_780 = arith.constant 96 : index
        %get3A_781 = tpu.vector_load %arg12[%get3A_779, %get3A_780] {strides = array<i32>} : memref<100x128xf32, #tpu.memory_space<vmem>>, vector<1x16xf32>,
        %get3A_782 = vector.shape_cast %get3A_781 : vector<1x16xf32> to vector<16xf32>
        %mul3A_783 = arith.mulf %get3A_782, %gather3A_719 : vector<16xf32>
        %swap3A_784 = arith.index_cast %scan3A_690 : i32 to index
        %swap3A_785 = arith.constant 96 : index
        %swap3A_786 = tpu.vector_load %arg12[%swap3A_784, %swap3A_785] {strides = array<i32>} : memref<100x128xf32, #tpu.memory_space<vmem>>, vector<1x16xf32>,
        %swap3A_787 = vector.shape_cast %swap3A_786 : vector<1x16xf32> to vector<16xf32>
        %swap3A_788 = vector.shape_cast %mul3A_783 : vector<16xf32> to vector<1x16xf32>
        tpu.vector_store %arg12[%swap3A_784, %swap3A_785], %swap3A_788 {strides = array<i32>} : memref<100x128xf32, #tpu.memory_space<vmem>>, vector<1x16xf32>,
        %get3A_789 = arith.index_cast %scan3A_690 : i32 to index
        %get3A_790 = arith.constant 112 : index
        %get3A_791 = tpu.vector_load %arg12[%get3A_789, %get3A_790] {strides = array<i32>} : memref<100x128xf32, #tpu.memory_space<vmem>>, vector<1x16xf32>,
        %get3A_792 = vector.shape_cast %get3A_791 : vector<1x16xf32> to vector<16xf32>
        %mul3A_793 = arith.mulf %get3A_792, %gather3A_719 : vector<16xf32>
        %swap3A_794 = arith.index_cast %scan3A_690 : i32 to index
        %swap3A_795 = arith.constant 112 : index
        %swap3A_796 = tpu.vector_load %arg12[%swap3A_794, %swap3A_795] {strides = array<i32>} : memref<100x128xf32, #tpu.memory_space<vmem>>, vector<1x16xf32>,
        %swap3A_797 = vector.shape_cast %swap3A_796 : vector<1x16xf32> to vector<16xf32>
        %swap3A_798 = vector.shape_cast %mul3A_793 : vector<16xf32> to vector<1x16xf32>
        tpu.vector_store %arg12[%swap3A_794, %swap3A_795], %swap3A_798 {strides = array<i32>} : memref<100x128xf32, #tpu.memory_space<vmem>>, vector<1x16xf32>,
      }
      %scan3A_165 = arith.constant 100 : i32
      %dma_wait3A_166 = arith.constant 3 : i32
      %dma_wait3A_167 = arith.constant 0 : i32
      %dma_wait3A_168 = tpu.memref_slice %arg9[%dma_wait3A_166, %dma_wait3A_167] : memref<20x100xi32, #tpu.memory_space<vmem>> -> memref<1x100xi32, #tpu.memory_space<vmem>>
      %dma_wait3A_169 = tpu.memref_squeeze %dma_wait3A_168 : memref<1x100xi32, #tpu.memory_space<vmem>> -> memref<100xi32, #tpu.memory_space<vmem>>
      %dma_wait3A_170 = arith.constant 0 : i32
      %dma_wait3A_171 = arith.constant 0 : i32
      %dma_wait3A_172 = tpu.memref_slice %arg14[%dma_wait3A_170, %dma_wait3A_171] : memref<10000x128xf32, #tpu.memory_space<vmem_shared>> -> memref<10000x128xf32, #tpu.memory_space<vmem_shared>>
      tpu.wait_indirect_dma semaphore(%arg18 : memref<!tpu.dma_semaphore, #tpu.memory_space<semaphore_mem>>) src(%arg11 : memref<100x128xf32, #tpu.memory_space<vmem>>) dst(%dma_wait3A_172 : memref<10000x128xf32, #tpu.memory_space<vmem_shared>>)
      %dma_start3A_173 = arith.constant 6 : i32
      %dma_start3A_174 = arith.constant 0 : i32
      %dma_start3A_175 = tpu.memref_slice %arg8[%dma_start3A_173, %dma_start3A_174] : memref<20x100xi32, #tpu.memory_space<vmem>> -> memref<1x100xi32, #tpu.memory_space<vmem>>
      %dma_start3A_176 = tpu.memref_squeeze %dma_start3A_175 : memref<1x100xi32, #tpu.memory_space<vmem>> -> memref<100xi32, #tpu.memory_space<vmem>>
      %dma_start3A_177 = arith.constant 0 : i32
      %dma_start3A_178 = arith.constant 0 : i32
      %dma_start3A_179 = tpu.memref_slice %arg2[%dma_start3A_177, %dma_start3A_178] : memref<10000x128xf32, #tpu.memory_space<hbm>> -> memref<10000x128xf32, #tpu.memory_space<hbm>>
      tpu.enqueue_indirect_dma source(%dma_start3A_179 : memref<10000x128xf32, #tpu.memory_space<hbm>>) target(%arg11 : memref<100x128xf32, #tpu.memory_space<vmem>>) offsets(%dma_start3A_176 : memref<100xi32, #tpu.memory_space<vmem>>) semaphore(%arg15 : memref<!tpu.dma_semaphore, #tpu.memory_space<semaphore_mem>>)
      %dma_start3A_180 = arith.constant 4 : i32
      %dma_start3A_181 = arith.constant 0 : i32
      %dma_start3A_182 = tpu.memref_slice %arg9[%dma_start3A_180, %dma_start3A_181] : memref<20x100xi32, #tpu.memory_space<vmem>> -> memref<1x100xi32, #tpu.memory_space<vmem>>
      %dma_start3A_183 = tpu.memref_squeeze %dma_start3A_182 : memref<1x100xi32, #tpu.memory_space<vmem>> -> memref<100xi32, #tpu.memory_space<vmem>>
      %dma_start3A_184 = arith.constant 0 : i32
      %dma_start3A_185 = arith.constant 0 : i32
      %dma_start3A_186 = tpu.memref_slice %arg14[%dma_start3A_184, %dma_start3A_185] : memref<10000x128xf32, #tpu.memory_space<vmem_shared>> -> memref<10000x128xf32, #tpu.memory_space<vmem_shared>>
      tpu.enqueue_indirect_dma source(%arg12 : memref<100x128xf32, #tpu.memory_space<vmem>>) target(%dma_start3A_186 : memref<10000x128xf32, #tpu.memory_space<vmem_shared>>) offsets(%dma_start3A_183 : memref<100xi32, #tpu.memory_space<vmem>>) semaphore(%arg19 : memref<!tpu.dma_semaphore, #tpu.memory_space<semaphore_mem>>) {add = true}
      %dma_wait3A_187 = arith.constant 5 : i32
      %dma_wait3A_188 = arith.constant 0 : i32
      %dma_wait3A_189 = tpu.memref_slice %arg8[%dma_wait3A_187, %dma_wait3A_188] : memref<20x100xi32, #tpu.memory_space<vmem>> -> memref<1x100xi32, #tpu.memory_space<vmem>>
      %dma_wait3A_190 = tpu.memref_squeeze %dma_wait3A_189 : memref<1x100xi32, #tpu.memory_space<vmem>> -> memref<100xi32, #tpu.memory_space<vmem>>
      %dma_wait3A_191 = arith.constant 0 : i32
      %dma_wait3A_192 = arith.constant 0 : i32
      %dma_wait3A_193 = tpu.memref_slice %arg2[%dma_wait3A_191, %dma_wait3A_192] : memref<10000x128xf32, #tpu.memory_space<hbm>> -> memref<10000x128xf32, #tpu.memory_space<hbm>>
      tpu.wait_indirect_dma semaphore(%arg17 : memref<!tpu.dma_semaphore, #tpu.memory_space<semaphore_mem>>) src(%dma_wait3A_193 : memref<10000x128xf32, #tpu.memory_space<hbm>>) dst(%arg13 : memref<100x128xf32, #tpu.memory_space<vmem>>)
      %scan3A_194 = arith.constant 0 : i32
      %scan3A_195 = arith.constant 0 : i32
      %scan3A_196 = arith.constant 100 : i32
      %scan3A_197 = arith.addi %scan3A_195, %scan3A_196 : i32
      %scan3A_198 = arith.constant 1 : i32
      scf.for %scan3A_690 = %scan3A_195 to %scan3A_197 step %scan3A_198  : i32 {
        %jit3A = arith.constant 16 : i32
        %div3A = arith.divsi %scan3A_690, %jit3A : i32
        %sign3A = arith.constant 0 : i32
        %sign3A_691 = arith.cmpi sgt, %scan3A_690, %sign3A : i32
        %sign3A_692 = arith.extui %sign3A_691 : i1 to i32
        %sign3A_693 = arith.constant 0 : i32
        %sign3A_694 = arith.cmpi slt, %scan3A_690, %sign3A_693 : i32
        %sign3A_695 = arith.extui %sign3A_694 : i1 to i32
        %sign3A_696 = arith.subi %sign3A_692, %sign3A_695 : i32
        %sign3A_697 = arith.constant 0 : i32
        %sign3A_698 = arith.cmpi sgt, %jit3A, %sign3A_697 : i32
        %sign3A_699 = arith.extui %sign3A_698 : i1 to i32
        %sign3A_700 = arith.constant 0 : i32
        %sign3A_701 = arith.cmpi slt, %jit3A, %sign3A_700 : i32
        %sign3A_702 = arith.extui %sign3A_701 : i1 to i32
        %sign3A_703 = arith.subi %sign3A_699, %sign3A_702 : i32
        %ne3A = arith.cmpi ne, %sign3A_696, %sign3A_703 : i32
        %rem3A = arith.remsi %scan3A_690, %jit3A : i32
        %ne3A_704 = arith.constant 0 : i32
        %ne3A_705 = arith.cmpi ne, %rem3A, %ne3A_704 : i32
        %and3A = arith.andi %ne3A, %ne3A_705 : i1
        %sub3A = arith.constant 1 : i32
        %sub3A_706 = arith.subi %div3A, %sub3A : i32
        %select_n3A = arith.select %and3A, %sub3A_706, %div3A : i32
        %mul3A_707 = arith.constant 16 : i32
        %mul3A_708 = arith.muli %select_n3A, %mul3A_707 : i32
        %min3A = arith.constant 84 : i32
        %min3A_709 = arith.minsi %mul3A_708, %min3A : i32
        %get3A = arith.constant 5 : i32
        %get3A_710 = arith.index_cast %get3A : i32 to index
        %get3A_711 = arith.index_cast %min3A_709 : i32 to index
        %get3A_712 = tpu.vector_load %arg10[%get3A_710, %get3A_711] {strides = array<i32>} : memref<20x100xf32, #tpu.memory_space<vmem>>, vector<1x16xf32>,
        %get3A_713 = vector.shape_cast %get3A_712 : vector<1x16xf32> to vector<16xf32>
        %broadcast_in_dim3A = arith.constant 0 : i32
        %broadcast_in_dim3A_714 = vector.broadcast %broadcast_in_dim3A : i32 to vector<16xi32>
        %sub3A_715 = arith.subi %scan3A_690, %min3A_709 : i32
        %add3A_716 = vector.broadcast %sub3A_715 : i32 to vector<16xi32>
        %add3A_717 = arith.addi %broadcast_in_dim3A_714, %add3A_716 : vector<16xi32>
        %broadcast_in_dim3A_718 = vector.shape_cast %add3A_717 : vector<16xi32> to vector<16x1xi32>
        %gather3A = vector.shape_cast %broadcast_in_dim3A_718 : vector<16x1xi32> to vector<16xi32>
        %gather3A_719 = tpu.dynamic_gather %get3A_713[%gather3A] in [0] : vector<16xf32>, vector<16xi32> -> vector<16xf32>
        %get3A_720 = arith.index_cast %scan3A_690 : i32 to index
        %get3A_721 = arith.constant 0 : index
        %get3A_722 = tpu.vector_load %arg13[%get3A_720, %get3A_721] {strides = array<i32>} : memref<100x128xf32, #tpu.memory_space<vmem>>, vector<1x16xf32>,
        %get3A_723 = vector.shape_cast %get3A_722 : vector<1x16xf32> to vector<16xf32>
        %mul3A_724 = arith.mulf %get3A_723, %gather3A_719 : vector<16xf32>
        %swap3A = arith.index_cast %scan3A_690 : i32 to index
        %swap3A_725 = arith.constant 0 : index
        %swap3A_726 = tpu.vector_load %arg13[%swap3A, %swap3A_725] {strides = array<i32>} : memref<100x128xf32, #tpu.memory_space<vmem>>, vector<1x16xf32>,
        %swap3A_727 = vector.shape_cast %swap3A_726 : vector<1x16xf32> to vector<16xf32>
        %swap3A_728 = vector.shape_cast %mul3A_724 : vector<16xf32> to vector<1x16xf32>
        tpu.vector_store %arg13[%swap3A, %swap3A_725], %swap3A_728 {strides = array<i32>} : memref<100x128xf32, #tpu.memory_space<vmem>>, vector<1x16xf32>,
        %get3A_729 = arith.index_cast %scan3A_690 : i32 to index
        %get3A_730 = arith.constant 16 : index
        %get3A_731 = tpu.vector_load %arg13[%get3A_729, %get3A_730] {strides = array<i32>} : memref<100x128xf32, #tpu.memory_space<vmem>>, vector<1x16xf32>,
        %get3A_732 = vector.shape_cast %get3A_731 : vector<1x16xf32> to vector<16xf32>
        %mul3A_733 = arith.mulf %get3A_732, %gather3A_719 : vector<16xf32>
        %swap3A_734 = arith.index_cast %scan3A_690 : i32 to index
        %swap3A_735 = arith.constant 16 : index
        %swap3A_736 = tpu.vector_load %arg13[%swap3A_734, %swap3A_735] {strides = array<i32>} : memref<100x128xf32, #tpu.memory_space<vmem>>, vector<1x16xf32>,
        %swap3A_737 = vector.shape_cast %swap3A_736 : vector<1x16xf32> to vector<16xf32>
        %swap3A_738 = vector.shape_cast %mul3A_733 : vector<16xf32> to vector<1x16xf32>
        tpu.vector_store %arg13[%swap3A_734, %swap3A_735], %swap3A_738 {strides = array<i32>} : memref<100x128xf32, #tpu.memory_space<vmem>>, vector<1x16xf32>,
        %get3A_739 = arith.index_cast %scan3A_690 : i32 to index
        %get3A_740 = arith.constant 32 : index
        %get3A_741 = tpu.vector_load %arg13[%get3A_739, %get3A_740] {strides = array<i32>} : memref<100x128xf32, #tpu.memory_space<vmem>>, vector<1x16xf32>,
        %get3A_742 = vector.shape_cast %get3A_741 : vector<1x16xf32> to vector<16xf32>
        %mul3A_743 = arith.mulf %get3A_742, %gather3A_719 : vector<16xf32>
        %swap3A_744 = arith.index_cast %scan3A_690 : i32 to index
        %swap3A_745 = arith.constant 32 : index
        %swap3A_746 = tpu.vector_load %arg13[%swap3A_744, %swap3A_745] {strides = array<i32>} : memref<100x128xf32, #tpu.memory_space<vmem>>, vector<1x16xf32>,
        %swap3A_747 = vector.shape_cast %swap3A_746 : vector<1x16xf32> to vector<16xf32>
        %swap3A_748 = vector.shape_cast %mul3A_743 : vector<16xf32> to vector<1x16xf32>
        tpu.vector_store %arg13[%swap3A_744, %swap3A_745], %swap3A_748 {strides = array<i32>} : memref<100x128xf32, #tpu.memory_space<vmem>>, vector<1x16xf32>,
        %get3A_749 = arith.index_cast %scan3A_690 : i32 to index
        %get3A_750 = arith.constant 48 : index
        %get3A_751 = tpu.vector_load %arg13[%get3A_749, %get3A_750] {strides = array<i32>} : memref<100x128xf32, #tpu.memory_space<vmem>>, vector<1x16xf32>,
        %get3A_752 = vector.shape_cast %get3A_751 : vector<1x16xf32> to vector<16xf32>
        %mul3A_753 = arith.mulf %get3A_752, %gather3A_719 : vector<16xf32>
        %swap3A_754 = arith.index_cast %scan3A_690 : i32 to index
        %swap3A_755 = arith.constant 48 : index
        %swap3A_756 = tpu.vector_load %arg13[%swap3A_754, %swap3A_755] {strides = array<i32>} : memref<100x128xf32, #tpu.memory_space<vmem>>, vector<1x16xf32>,
        %swap3A_757 = vector.shape_cast %swap3A_756 : vector<1x16xf32> to vector<16xf32>
        %swap3A_758 = vector.shape_cast %mul3A_753 : vector<16xf32> to vector<1x16xf32>
        tpu.vector_store %arg13[%swap3A_754, %swap3A_755], %swap3A_758 {strides = array<i32>} : memref<100x128xf32, #tpu.memory_space<vmem>>, vector<1x16xf32>,
        %get3A_759 = arith.index_cast %scan3A_690 : i32 to index
        %get3A_760 = arith.constant 64 : index
        %get3A_761 = tpu.vector_load %arg13[%get3A_759, %get3A_760] {strides = array<i32>} : memref<100x128xf32, #tpu.memory_space<vmem>>, vector<1x16xf32>,
        %get3A_762 = vector.shape_cast %get3A_761 : vector<1x16xf32> to vector<16xf32>
        %mul3A_763 = arith.mulf %get3A_762, %gather3A_719 : vector<16xf32>
        %swap3A_764 = arith.index_cast %scan3A_690 : i32 to index
        %swap3A_765 = arith.constant 64 : index
        %swap3A_766 = tpu.vector_load %arg13[%swap3A_764, %swap3A_765] {strides = array<i32>} : memref<100x128xf32, #tpu.memory_space<vmem>>, vector<1x16xf32>,
        %swap3A_767 = vector.shape_cast %swap3A_766 : vector<1x16xf32> to vector<16xf32>
        %swap3A_768 = vector.shape_cast %mul3A_763 : vector<16xf32> to vector<1x16xf32>
        tpu.vector_store %arg13[%swap3A_764, %swap3A_765], %swap3A_768 {strides = array<i32>} : memref<100x128xf32, #tpu.memory_space<vmem>>, vector<1x16xf32>,
        %get3A_769 = arith.index_cast %scan3A_690 : i32 to index
        %get3A_770 = arith.constant 80 : index
        %get3A_771 = tpu.vector_load %arg13[%get3A_769, %get3A_770] {strides = array<i32>} : memref<100x128xf32, #tpu.memory_space<vmem>>, vector<1x16xf32>,
        %get3A_772 = vector.shape_cast %get3A_771 : vector<1x16xf32> to vector<16xf32>
        %mul3A_773 = arith.mulf %get3A_772, %gather3A_719 : vector<16xf32>
        %swap3A_774 = arith.index_cast %scan3A_690 : i32 to index
        %swap3A_775 = arith.constant 80 : index
        %swap3A_776 = tpu.vector_load %arg13[%swap3A_774, %swap3A_775] {strides = array<i32>} : memref<100x128xf32, #tpu.memory_space<vmem>>, vector<1x16xf32>,
        %swap3A_777 = vector.shape_cast %swap3A_776 : vector<1x16xf32> to vector<16xf32>
        %swap3A_778 = vector.shape_cast %mul3A_773 : vector<16xf32> to vector<1x16xf32>
        tpu.vector_store %arg13[%swap3A_774, %swap3A_775], %swap3A_778 {strides = array<i32>} : memref<100x128xf32, #tpu.memory_space<vmem>>, vector<1x16xf32>,
        %get3A_779 = arith.index_cast %scan3A_690 : i32 to index
        %get3A_780 = arith.constant 96 : index
        %get3A_781 = tpu.vector_load %arg13[%get3A_779, %get3A_780] {strides = array<i32>} : memref<100x128xf32, #tpu.memory_space<vmem>>, vector<1x16xf32>,
        %get3A_782 = vector.shape_cast %get3A_781 : vector<1x16xf32> to vector<16xf32>
        %mul3A_783 = arith.mulf %get3A_782, %gather3A_719 : vector<16xf32>
        %swap3A_784 = arith.index_cast %scan3A_690 : i32 to index
        %swap3A_785 = arith.constant 96 : index
        %swap3A_786 = tpu.vector_load %arg13[%swap3A_784, %swap3A_785] {strides = array<i32>} : memref<100x128xf32, #tpu.memory_space<vmem>>, vector<1x16xf32>,
        %swap3A_787 = vector.shape_cast %swap3A_786 : vector<1x16xf32> to vector<16xf32>
        %swap3A_788 = vector.shape_cast %mul3A_783 : vector<16xf32> to vector<1x16xf32>
        tpu.vector_store %arg13[%swap3A_784, %swap3A_785], %swap3A_788 {strides = array<i32>} : memref<100x128xf32, #tpu.memory_space<vmem>>, vector<1x16xf32>,
        %get3A_789 = arith.index_cast %scan3A_690 : i32 to index
        %get3A_790 = arith.constant 112 : index
        %get3A_791 = tpu.vector_load %arg13[%get3A_789, %get3A_790] {strides = array<i32>} : memref<100x128xf32, #tpu.memory_space<vmem>>, vector<1x16xf32>,
        %get3A_792 = vector.shape_cast %get3A_791 : vector<1x16xf32> to vector<16xf32>
        %mul3A_793 = arith.mulf %get3A_792, %gather3A_719 : vector<16xf32>
        %swap3A_794 = arith.index_cast %scan3A_690 : i32 to index
        %swap3A_795 = arith.constant 112 : index
        %swap3A_796 = tpu.vector_load %arg13[%swap3A_794, %swap3A_795] {strides = array<i32>} : memref<100x128xf32, #tpu.memory_space<vmem>>, vector<1x16xf32>,
        %swap3A_797 = vector.shape_cast %swap3A_796 : vector<1x16xf32> to vector<16xf32>
        %swap3A_798 = vector.shape_cast %mul3A_793 : vector<16xf32> to vector<1x16xf32>
        tpu.vector_store %arg13[%swap3A_794, %swap3A_795], %swap3A_798 {strides = array<i32>} : memref<100x128xf32, #tpu.memory_space<vmem>>, vector<1x16xf32>,
      }
      %scan3A_199 = arith.constant 100 : i32
      %dma_wait3A_200 = arith.constant 4 : i32
      %dma_wait3A_201 = arith.constant 0 : i32
      %dma_wait3A_202 = tpu.memref_slice %arg9[%dma_wait3A_200, %dma_wait3A_201] : memref<20x100xi32, #tpu.memory_space<vmem>> -> memref<1x100xi32, #tpu.memory_space<vmem>>
      %dma_wait3A_203 = tpu.memref_squeeze %dma_wait3A_202 : memref<1x100xi32, #tpu.memory_space<vmem>> -> memref<100xi32, #tpu.memory_space<vmem>>
      %dma_wait3A_204 = arith.constant 0 : i32
      %dma_wait3A_205 = arith.constant 0 : i32
      %dma_wait3A_206 = tpu.memref_slice %arg14[%dma_wait3A_204, %dma_wait3A_205] : memref<10000x128xf32, #tpu.memory_space<vmem_shared>> -> memref<10000x128xf32, #tpu.memory_space<vmem_shared>>
      tpu.wait_indirect_dma semaphore(%arg19 : memref<!tpu.dma_semaphore, #tpu.memory_space<semaphore_mem>>) src(%arg12 : memref<100x128xf32, #tpu.memory_space<vmem>>) dst(%dma_wait3A_206 : memref<10000x128xf32, #tpu.memory_space<vmem_shared>>)
      %dma_start3A_207 = arith.constant 7 : i32
      %dma_start3A_208 = arith.constant 0 : i32
      %dma_start3A_209 = tpu.memref_slice %arg8[%dma_start3A_207, %dma_start3A_208] : memref<20x100xi32, #tpu.memory_space<vmem>> -> memref<1x100xi32, #tpu.memory_space<vmem>>
      %dma_start3A_210 = tpu.memref_squeeze %dma_start3A_209 : memref<1x100xi32, #tpu.memory_space<vmem>> -> memref<100xi32, #tpu.memory_space<vmem>>
      %dma_start3A_211 = arith.constant 0 : i32
      %dma_start3A_212 = arith.constant 0 : i32
      %dma_start3A_213 = tpu.memref_slice %arg2[%dma_start3A_211, %dma_start3A_212] : memref<10000x128xf32, #tpu.memory_space<hbm>> -> memref<10000x128xf32, #tpu.memory_space<hbm>>
      tpu.enqueue_indirect_dma source(%dma_start3A_213 : memref<10000x128xf32, #tpu.memory_space<hbm>>) target(%arg12 : memref<100x128xf32, #tpu.memory_space<vmem>>) offsets(%dma_start3A_210 : memref<100xi32, #tpu.memory_space<vmem>>) semaphore(%arg16 : memref<!tpu.dma_semaphore, #tpu.memory_space<semaphore_mem>>)
      %dma_start3A_214 = arith.constant 5 : i32
      %dma_start3A_215 = arith.constant 0 : i32
      %dma_start3A_216 = tpu.memref_slice %arg9[%dma_start3A_214, %dma_start3A_215] : memref<20x100xi32, #tpu.memory_space<vmem>> -> memref<1x100xi32, #tpu.memory_space<vmem>>
      %dma_start3A_217 = tpu.memref_squeeze %dma_start3A_216 : memref<1x100xi32, #tpu.memory_space<vmem>> -> memref<100xi32, #tpu.memory_space<vmem>>
      %dma_start3A_218 = arith.constant 0 : i32
      %dma_start3A_219 = arith.constant 0 : i32
      %dma_start3A_220 = tpu.memref_slice %arg14[%dma_start3A_218, %dma_start3A_219] : memref<10000x128xf32, #tpu.memory_space<vmem_shared>> -> memref<10000x128xf32, #tpu.memory_space<vmem_shared>>
      tpu.enqueue_indirect_dma source(%arg13 : memref<100x128xf32, #tpu.memory_space<vmem>>) target(%dma_start3A_220 : memref<10000x128xf32, #tpu.memory_space<vmem_shared>>) offsets(%dma_start3A_217 : memref<100xi32, #tpu.memory_space<vmem>>) semaphore(%arg20 : memref<!tpu.dma_semaphore, #tpu.memory_space<semaphore_mem>>) {add = true}
      %dma_wait3A_221 = arith.constant 6 : i32
      %dma_wait3A_222 = arith.constant 0 : i32
      %dma_wait3A_223 = tpu.memref_slice %arg8[%dma_wait3A_221, %dma_wait3A_222] : memref<20x100xi32, #tpu.memory_space<vmem>> -> memref<1x100xi32, #tpu.memory_space<vmem>>
      %dma_wait3A_224 = tpu.memref_squeeze %dma_wait3A_223 : memref<1x100xi32, #tpu.memory_space<vmem>> -> memref<100xi32, #tpu.memory_space<vmem>>
      %dma_wait3A_225 = arith.constant 0 : i32
      %dma_wait3A_226 = arith.constant 0 : i32
      %dma_wait3A_227 = tpu.memref_slice %arg2[%dma_wait3A_225, %dma_wait3A_226] : memref<10000x128xf32, #tpu.memory_space<hbm>> -> memref<10000x128xf32, #tpu.memory_space<hbm>>
      tpu.wait_indirect_dma semaphore(%arg15 : memref<!tpu.dma_semaphore, #tpu.memory_space<semaphore_mem>>) src(%dma_wait3A_227 : memref<10000x128xf32, #tpu.memory_space<hbm>>) dst(%arg11 : memref<100x128xf32, #tpu.memory_space<vmem>>)
      %scan3A_228 = arith.constant 0 : i32
      %scan3A_229 = arith.constant 0 : i32
      %scan3A_230 = arith.constant 100 : i32
      %scan3A_231 = arith.addi %scan3A_229, %scan3A_230 : i32
      %scan3A_232 = arith.constant 1 : i32
      scf.for %scan3A_690 = %scan3A_229 to %scan3A_231 step %scan3A_232  : i32 {
        %jit3A = arith.constant 16 : i32
        %div3A = arith.divsi %scan3A_690, %jit3A : i32
        %sign3A = arith.constant 0 : i32
        %sign3A_691 = arith.cmpi sgt, %scan3A_690, %sign3A : i32
        %sign3A_692 = arith.extui %sign3A_691 : i1 to i32
        %sign3A_693 = arith.constant 0 : i32
        %sign3A_694 = arith.cmpi slt, %scan3A_690, %sign3A_693 : i32
        %sign3A_695 = arith.extui %sign3A_694 : i1 to i32
        %sign3A_696 = arith.subi %sign3A_692, %sign3A_695 : i32
        %sign3A_697 = arith.constant 0 : i32
        %sign3A_698 = arith.cmpi sgt, %jit3A, %sign3A_697 : i32
        %sign3A_699 = arith.extui %sign3A_698 : i1 to i32
        %sign3A_700 = arith.constant 0 : i32
        %sign3A_701 = arith.cmpi slt, %jit3A, %sign3A_700 : i32
        %sign3A_702 = arith.extui %sign3A_701 : i1 to i32
        %sign3A_703 = arith.subi %sign3A_699, %sign3A_702 : i32
        %ne3A = arith.cmpi ne, %sign3A_696, %sign3A_703 : i32
        %rem3A = arith.remsi %scan3A_690, %jit3A : i32
        %ne3A_704 = arith.constant 0 : i32
        %ne3A_705 = arith.cmpi ne, %rem3A, %ne3A_704 : i32
        %and3A = arith.andi %ne3A, %ne3A_705 : i1
        %sub3A = arith.constant 1 : i32
        %sub3A_706 = arith.subi %div3A, %sub3A : i32
        %select_n3A = arith.select %and3A, %sub3A_706, %div3A : i32
        %mul3A_707 = arith.constant 16 : i32
        %mul3A_708 = arith.muli %select_n3A, %mul3A_707 : i32
        %min3A = arith.constant 84 : i32
        %min3A_709 = arith.minsi %mul3A_708, %min3A : i32
        %get3A = arith.constant 6 : i32
        %get3A_710 = arith.index_cast %get3A : i32 to index
        %get3A_711 = arith.index_cast %min3A_709 : i32 to index
        %get3A_712 = tpu.vector_load %arg10[%get3A_710, %get3A_711] {strides = array<i32>} : memref<20x100xf32, #tpu.memory_space<vmem>>, vector<1x16xf32>,
        %get3A_713 = vector.shape_cast %get3A_712 : vector<1x16xf32> to vector<16xf32>
        %broadcast_in_dim3A = arith.constant 0 : i32
        %broadcast_in_dim3A_714 = vector.broadcast %broadcast_in_dim3A : i32 to vector<16xi32>
        %sub3A_715 = arith.subi %scan3A_690, %min3A_709 : i32
        %add3A_716 = vector.broadcast %sub3A_715 : i32 to vector<16xi32>
        %add3A_717 = arith.addi %broadcast_in_dim3A_714, %add3A_716 : vector<16xi32>
        %broadcast_in_dim3A_718 = vector.shape_cast %add3A_717 : vector<16xi32> to vector<16x1xi32>
        %gather3A = vector.shape_cast %broadcast_in_dim3A_718 : vector<16x1xi32> to vector<16xi32>
        %gather3A_719 = tpu.dynamic_gather %get3A_713[%gather3A] in [0] : vector<16xf32>, vector<16xi32> -> vector<16xf32>
        %get3A_720 = arith.index_cast %scan3A_690 : i32 to index
        %get3A_721 = arith.constant 0 : index
        %get3A_722 = tpu.vector_load %arg11[%get3A_720, %get3A_721] {strides = array<i32>} : memref<100x128xf32, #tpu.memory_space<vmem>>, vector<1x16xf32>,
        %get3A_723 = vector.shape_cast %get3A_722 : vector<1x16xf32> to vector<16xf32>
        %mul3A_724 = arith.mulf %get3A_723, %gather3A_719 : vector<16xf32>
        %swap3A = arith.index_cast %scan3A_690 : i32 to index
        %swap3A_725 = arith.constant 0 : index
        %swap3A_726 = tpu.vector_load %arg11[%swap3A, %swap3A_725] {strides = array<i32>} : memref<100x128xf32, #tpu.memory_space<vmem>>, vector<1x16xf32>,
        %swap3A_727 = vector.shape_cast %swap3A_726 : vector<1x16xf32> to vector<16xf32>
        %swap3A_728 = vector.shape_cast %mul3A_724 : vector<16xf32> to vector<1x16xf32>
        tpu.vector_store %arg11[%swap3A, %swap3A_725], %swap3A_728 {strides = array<i32>} : memref<100x128xf32, #tpu.memory_space<vmem>>, vector<1x16xf32>,
        %get3A_729 = arith.index_cast %scan3A_690 : i32 to index
        %get3A_730 = arith.constant 16 : index
        %get3A_731 = tpu.vector_load %arg11[%get3A_729, %get3A_730] {strides = array<i32>} : memref<100x128xf32, #tpu.memory_space<vmem>>, vector<1x16xf32>,
        %get3A_732 = vector.shape_cast %get3A_731 : vector<1x16xf32> to vector<16xf32>
        %mul3A_733 = arith.mulf %get3A_732, %gather3A_719 : vector<16xf32>
        %swap3A_734 = arith.index_cast %scan3A_690 : i32 to index
        %swap3A_735 = arith.constant 16 : index
        %swap3A_736 = tpu.vector_load %arg11[%swap3A_734, %swap3A_735] {strides = array<i32>} : memref<100x128xf32, #tpu.memory_space<vmem>>, vector<1x16xf32>,
        %swap3A_737 = vector.shape_cast %swap3A_736 : vector<1x16xf32> to vector<16xf32>
        %swap3A_738 = vector.shape_cast %mul3A_733 : vector<16xf32> to vector<1x16xf32>
        tpu.vector_store %arg11[%swap3A_734, %swap3A_735], %swap3A_738 {strides = array<i32>} : memref<100x128xf32, #tpu.memory_space<vmem>>, vector<1x16xf32>,
        %get3A_739 = arith.index_cast %scan3A_690 : i32 to index
        %get3A_740 = arith.constant 32 : index
        %get3A_741 = tpu.vector_load %arg11[%get3A_739, %get3A_740] {strides = array<i32>} : memref<100x128xf32, #tpu.memory_space<vmem>>, vector<1x16xf32>,
        %get3A_742 = vector.shape_cast %get3A_741 : vector<1x16xf32> to vector<16xf32>
        %mul3A_743 = arith.mulf %get3A_742, %gather3A_719 : vector<16xf32>
        %swap3A_744 = arith.index_cast %scan3A_690 : i32 to index
        %swap3A_745 = arith.constant 32 : index
        %swap3A_746 = tpu.vector_load %arg11[%swap3A_744, %swap3A_745] {strides = array<i32>} : memref<100x128xf32, #tpu.memory_space<vmem>>, vector<1x16xf32>,
        %swap3A_747 = vector.shape_cast %swap3A_746 : vector<1x16xf32> to vector<16xf32>
        %swap3A_748 = vector.shape_cast %mul3A_743 : vector<16xf32> to vector<1x16xf32>
        tpu.vector_store %arg11[%swap3A_744, %swap3A_745], %swap3A_748 {strides = array<i32>} : memref<100x128xf32, #tpu.memory_space<vmem>>, vector<1x16xf32>,
        %get3A_749 = arith.index_cast %scan3A_690 : i32 to index
        %get3A_750 = arith.constant 48 : index
        %get3A_751 = tpu.vector_load %arg11[%get3A_749, %get3A_750] {strides = array<i32>} : memref<100x128xf32, #tpu.memory_space<vmem>>, vector<1x16xf32>,
        %get3A_752 = vector.shape_cast %get3A_751 : vector<1x16xf32> to vector<16xf32>
        %mul3A_753 = arith.mulf %get3A_752, %gather3A_719 : vector<16xf32>
        %swap3A_754 = arith.index_cast %scan3A_690 : i32 to index
        %swap3A_755 = arith.constant 48 : index
        %swap3A_756 = tpu.vector_load %arg11[%swap3A_754, %swap3A_755] {strides = array<i32>} : memref<100x128xf32, #tpu.memory_space<vmem>>, vector<1x16xf32>,
        %swap3A_757 = vector.shape_cast %swap3A_756 : vector<1x16xf32> to vector<16xf32>
        %swap3A_758 = vector.shape_cast %mul3A_753 : vector<16xf32> to vector<1x16xf32>
        tpu.vector_store %arg11[%swap3A_754, %swap3A_755], %swap3A_758 {strides = array<i32>} : memref<100x128xf32, #tpu.memory_space<vmem>>, vector<1x16xf32>,
        %get3A_759 = arith.index_cast %scan3A_690 : i32 to index
        %get3A_760 = arith.constant 64 : index
        %get3A_761 = tpu.vector_load %arg11[%get3A_759, %get3A_760] {strides = array<i32>} : memref<100x128xf32, #tpu.memory_space<vmem>>, vector<1x16xf32>,
        %get3A_762 = vector.shape_cast %get3A_761 : vector<1x16xf32> to vector<16xf32>
        %mul3A_763 = arith.mulf %get3A_762, %gather3A_719 : vector<16xf32>
        %swap3A_764 = arith.index_cast %scan3A_690 : i32 to index
        %swap3A_765 = arith.constant 64 : index
        %swap3A_766 = tpu.vector_load %arg11[%swap3A_764, %swap3A_765] {strides = array<i32>} : memref<100x128xf32, #tpu.memory_space<vmem>>, vector<1x16xf32>,
        %swap3A_767 = vector.shape_cast %swap3A_766 : vector<1x16xf32> to vector<16xf32>
        %swap3A_768 = vector.shape_cast %mul3A_763 : vector<16xf32> to vector<1x16xf32>
        tpu.vector_store %arg11[%swap3A_764, %swap3A_765], %swap3A_768 {strides = array<i32>} : memref<100x128xf32, #tpu.memory_space<vmem>>, vector<1x16xf32>,
        %get3A_769 = arith.index_cast %scan3A_690 : i32 to index
        %get3A_770 = arith.constant 80 : index
        %get3A_771 = tpu.vector_load %arg11[%get3A_769, %get3A_770] {strides = array<i32>} : memref<100x128xf32, #tpu.memory_space<vmem>>, vector<1x16xf32>,
        %get3A_772 = vector.shape_cast %get3A_771 : vector<1x16xf32> to vector<16xf32>
        %mul3A_773 = arith.mulf %get3A_772, %gather3A_719 : vector<16xf32>
        %swap3A_774 = arith.index_cast %scan3A_690 : i32 to index
        %swap3A_775 = arith.constant 80 : index
        %swap3A_776 = tpu.vector_load %arg11[%swap3A_774, %swap3A_775] {strides = array<i32>} : memref<100x128xf32, #tpu.memory_space<vmem>>, vector<1x16xf32>,
        %swap3A_777 = vector.shape_cast %swap3A_776 : vector<1x16xf32> to vector<16xf32>
        %swap3A_778 = vector.shape_cast %mul3A_773 : vector<16xf32> to vector<1x16xf32>
        tpu.vector_store %arg11[%swap3A_774, %swap3A_775], %swap3A_778 {strides = array<i32>} : memref<100x128xf32, #tpu.memory_space<vmem>>, vector<1x16xf32>,
        %get3A_779 = arith.index_cast %scan3A_690 : i32 to index
        %get3A_780 = arith.constant 96 : index
        %get3A_781 = tpu.vector_load %arg11[%get3A_779, %get3A_780] {strides = array<i32>} : memref<100x128xf32, #tpu.memory_space<vmem>>, vector<1x16xf32>,
        %get3A_782 = vector.shape_cast %get3A_781 : vector<1x16xf32> to vector<16xf32>
        %mul3A_783 = arith.mulf %get3A_782, %gather3A_719 : vector<16xf32>
        %swap3A_784 = arith.index_cast %scan3A_690 : i32 to index
        %swap3A_785 = arith.constant 96 : index
        %swap3A_786 = tpu.vector_load %arg11[%swap3A_784, %swap3A_785] {strides = array<i32>} : memref<100x128xf32, #tpu.memory_space<vmem>>, vector<1x16xf32>,
        %swap3A_787 = vector.shape_cast %swap3A_786 : vector<1x16xf32> to vector<16xf32>
        %swap3A_788 = vector.shape_cast %mul3A_783 : vector<16xf32> to vector<1x16xf32>
        tpu.vector_store %arg11[%swap3A_784, %swap3A_785], %swap3A_788 {strides = array<i32>} : memref<100x128xf32, #tpu.memory_space<vmem>>, vector<1x16xf32>,
        %get3A_789 = arith.index_cast %scan3A_690 : i32 to index
        %get3A_790 = arith.constant 112 : index
        %get3A_791 = tpu.vector_load %arg11[%get3A_789, %get3A_790] {strides = array<i32>} : memref<100x128xf32, #tpu.memory_space<vmem>>, vector<1x16xf32>,
        %get3A_792 = vector.shape_cast %get3A_791 : vector<1x16xf32> to vector<16xf32>
        %mul3A_793 = arith.mulf %get3A_792, %gather3A_719 : vector<16xf32>
        %swap3A_794 = arith.index_cast %scan3A_690 : i32 to index
        %swap3A_795 = arith.constant 112 : index
        %swap3A_796 = tpu.vector_load %arg11[%swap3A_794, %swap3A_795] {strides = array<i32>} : memref<100x128xf32, #tpu.memory_space<vmem>>, vector<1x16xf32>,
        %swap3A_797 = vector.shape_cast %swap3A_796 : vector<1x16xf32> to vector<16xf32>
        %swap3A_798 = vector.shape_cast %mul3A_793 : vector<16xf32> to vector<1x16xf32>
        tpu.vector_store %arg11[%swap3A_794, %swap3A_795], %swap3A_798 {strides = array<i32>} : memref<100x128xf32, #tpu.memory_space<vmem>>, vector<1x16xf32>,
      }
      %scan3A_233 = arith.constant 100 : i32
      %dma_wait3A_234 = arith.constant 5 : i32
      %dma_wait3A_235 = arith.constant 0 : i32
      %dma_wait3A_236 = tpu.memref_slice %arg9[%dma_wait3A_234, %dma_wait3A_235] : memref<20x100xi32, #tpu.memory_space<vmem>> -> memref<1x100xi32, #tpu.memory_space<vmem>>
      %dma_wait3A_237 = tpu.memref_squeeze %dma_wait3A_236 : memref<1x100xi32, #tpu.memory_space<vmem>> -> memref<100xi32, #tpu.memory_space<vmem>>
      %dma_wait3A_238 = arith.constant 0 : i32
      %dma_wait3A_239 = arith.constant 0 : i32
      %dma_wait3A_240 = tpu.memref_slice %arg14[%dma_wait3A_238, %dma_wait3A_239] : memref<10000x128xf32, #tpu.memory_space<vmem_shared>> -> memref<10000x128xf32, #tpu.memory_space<vmem_shared>>
      tpu.wait_indirect_dma semaphore(%arg20 : memref<!tpu.dma_semaphore, #tpu.memory_space<semaphore_mem>>) src(%arg13 : memref<100x128xf32, #tpu.memory_space<vmem>>) dst(%dma_wait3A_240 : memref<10000x128xf32, #tpu.memory_space<vmem_shared>>)
      %dma_start3A_241 = arith.constant 8 : i32
      %dma_start3A_242 = arith.constant 0 : i32
      %dma_start3A_243 = tpu.memref_slice %arg8[%dma_start3A_241, %dma_start3A_242] : memref<20x100xi32, #tpu.memory_space<vmem>> -> memref<1x100xi32, #tpu.memory_space<vmem>>
      %dma_start3A_244 = tpu.memref_squeeze %dma_start3A_243 : memref<1x100xi32, #tpu.memory_space<vmem>> -> memref<100xi32, #tpu.memory_space<vmem>>
      %dma_start3A_245 = arith.constant 0 : i32
      %dma_start3A_246 = arith.constant 0 : i32
      %dma_start3A_247 = tpu.memref_slice %arg2[%dma_start3A_245, %dma_start3A_246] : memref<10000x128xf32, #tpu.memory_space<hbm>> -> memref<10000x128xf32, #tpu.memory_space<hbm>>
      tpu.enqueue_indirect_dma source(%dma_start3A_247 : memref<10000x128xf32, #tpu.memory_space<hbm>>) target(%arg13 : memref<100x128xf32, #tpu.memory_space<vmem>>) offsets(%dma_start3A_244 : memref<100xi32, #tpu.memory_space<vmem>>) semaphore(%arg17 : memref<!tpu.dma_semaphore, #tpu.memory_space<semaphore_mem>>)
      %dma_start3A_248 = arith.constant 6 : i32
      %dma_start3A_249 = arith.constant 0 : i32
      %dma_start3A_250 = tpu.memref_slice %arg9[%dma_start3A_248, %dma_start3A_249] : memref<20x100xi32, #tpu.memory_space<vmem>> -> memref<1x100xi32, #tpu.memory_space<vmem>>
      %dma_start3A_251 = tpu.memref_squeeze %dma_start3A_250 : memref<1x100xi32, #tpu.memory_space<vmem>> -> memref<100xi32, #tpu.memory_space<vmem>>
      %dma_start3A_252 = arith.constant 0 : i32
      %dma_start3A_253 = arith.constant 0 : i32
      %dma_start3A_254 = tpu.memref_slice %arg14[%dma_start3A_252, %dma_start3A_253] : memref<10000x128xf32, #tpu.memory_space<vmem_shared>> -> memref<10000x128xf32, #tpu.memory_space<vmem_shared>>
      tpu.enqueue_indirect_dma source(%arg11 : memref<100x128xf32, #tpu.memory_space<vmem>>) target(%dma_start3A_254 : memref<10000x128xf32, #tpu.memory_space<vmem_shared>>) offsets(%dma_start3A_251 : memref<100xi32, #tpu.memory_space<vmem>>) semaphore(%arg18 : memref<!tpu.dma_semaphore, #tpu.memory_space<semaphore_mem>>) {add = true}
      %dma_wait3A_255 = arith.constant 7 : i32
      %dma_wait3A_256 = arith.constant 0 : i32
      %dma_wait3A_257 = tpu.memref_slice %arg8[%dma_wait3A_255, %dma_wait3A_256] : memref<20x100xi32, #tpu.memory_space<vmem>> -> memref<1x100xi32, #tpu.memory_space<vmem>>
      %dma_wait3A_258 = tpu.memref_squeeze %dma_wait3A_257 : memref<1x100xi32, #tpu.memory_space<vmem>> -> memref<100xi32, #tpu.memory_space<vmem>>
      %dma_wait3A_259 = arith.constant 0 : i32
      %dma_wait3A_260 = arith.constant 0 : i32
      %dma_wait3A_261 = tpu.memref_slice %arg2[%dma_wait3A_259, %dma_wait3A_260] : memref<10000x128xf32, #tpu.memory_space<hbm>> -> memref<10000x128xf32, #tpu.memory_space<hbm>>
      tpu.wait_indirect_dma semaphore(%arg16 : memref<!tpu.dma_semaphore, #tpu.memory_space<semaphore_mem>>) src(%dma_wait3A_261 : memref<10000x128xf32, #tpu.memory_space<hbm>>) dst(%arg12 : memref<100x128xf32, #tpu.memory_space<vmem>>)
      %scan3A_262 = arith.constant 0 : i32
      %scan3A_263 = arith.constant 0 : i32
      %scan3A_264 = arith.constant 100 : i32
      %scan3A_265 = arith.addi %scan3A_263, %scan3A_264 : i32
      %scan3A_266 = arith.constant 1 : i32
      scf.for %scan3A_690 = %scan3A_263 to %scan3A_265 step %scan3A_266  : i32 {
        %jit3A = arith.constant 16 : i32
        %div3A = arith.divsi %scan3A_690, %jit3A : i32
        %sign3A = arith.constant 0 : i32
        %sign3A_691 = arith.cmpi sgt, %scan3A_690, %sign3A : i32
        %sign3A_692 = arith.extui %sign3A_691 : i1 to i32
        %sign3A_693 = arith.constant 0 : i32
        %sign3A_694 = arith.cmpi slt, %scan3A_690, %sign3A_693 : i32
        %sign3A_695 = arith.extui %sign3A_694 : i1 to i32
        %sign3A_696 = arith.subi %sign3A_692, %sign3A_695 : i32
        %sign3A_697 = arith.constant 0 : i32
        %sign3A_698 = arith.cmpi sgt, %jit3A, %sign3A_697 : i32
        %sign3A_699 = arith.extui %sign3A_698 : i1 to i32
        %sign3A_700 = arith.constant 0 : i32
        %sign3A_701 = arith.cmpi slt, %jit3A, %sign3A_700 : i32
        %sign3A_702 = arith.extui %sign3A_701 : i1 to i32
        %sign3A_703 = arith.subi %sign3A_699, %sign3A_702 : i32
        %ne3A = arith.cmpi ne, %sign3A_696, %sign3A_703 : i32
        %rem3A = arith.remsi %scan3A_690, %jit3A : i32
        %ne3A_704 = arith.constant 0 : i32
        %ne3A_705 = arith.cmpi ne, %rem3A, %ne3A_704 : i32
        %and3A = arith.andi %ne3A, %ne3A_705 : i1
        %sub3A = arith.constant 1 : i32
        %sub3A_706 = arith.subi %div3A, %sub3A : i32
        %select_n3A = arith.select %and3A, %sub3A_706, %div3A : i32
        %mul3A_707 = arith.constant 16 : i32
        %mul3A_708 = arith.muli %select_n3A, %mul3A_707 : i32
        %min3A = arith.constant 84 : i32
        %min3A_709 = arith.minsi %mul3A_708, %min3A : i32
        %get3A = arith.constant 7 : i32
        %get3A_710 = arith.index_cast %get3A : i32 to index
        %get3A_711 = arith.index_cast %min3A_709 : i32 to index
        %get3A_712 = tpu.vector_load %arg10[%get3A_710, %get3A_711] {strides = array<i32>} : memref<20x100xf32, #tpu.memory_space<vmem>>, vector<1x16xf32>,
        %get3A_713 = vector.shape_cast %get3A_712 : vector<1x16xf32> to vector<16xf32>
        %broadcast_in_dim3A = arith.constant 0 : i32
        %broadcast_in_dim3A_714 = vector.broadcast %broadcast_in_dim3A : i32 to vector<16xi32>
        %sub3A_715 = arith.subi %scan3A_690, %min3A_709 : i32
        %add3A_716 = vector.broadcast %sub3A_715 : i32 to vector<16xi32>
        %add3A_717 = arith.addi %broadcast_in_dim3A_714, %add3A_716 : vector<16xi32>
        %broadcast_in_dim3A_718 = vector.shape_cast %add3A_717 : vector<16xi32> to vector<16x1xi32>
        %gather3A = vector.shape_cast %broadcast_in_dim3A_718 : vector<16x1xi32> to vector<16xi32>
        %gather3A_719 = tpu.dynamic_gather %get3A_713[%gather3A] in [0] : vector<16xf32>, vector<16xi32> -> vector<16xf32>
        %get3A_720 = arith.index_cast %scan3A_690 : i32 to index
        %get3A_721 = arith.constant 0 : index
        %get3A_722 = tpu.vector_load %arg12[%get3A_720, %get3A_721] {strides = array<i32>} : memref<100x128xf32, #tpu.memory_space<vmem>>, vector<1x16xf32>,
        %get3A_723 = vector.shape_cast %get3A_722 : vector<1x16xf32> to vector<16xf32>
        %mul3A_724 = arith.mulf %get3A_723, %gather3A_719 : vector<16xf32>
        %swap3A = arith.index_cast %scan3A_690 : i32 to index
        %swap3A_725 = arith.constant 0 : index
        %swap3A_726 = tpu.vector_load %arg12[%swap3A, %swap3A_725] {strides = array<i32>} : memref<100x128xf32, #tpu.memory_space<vmem>>, vector<1x16xf32>,
        %swap3A_727 = vector.shape_cast %swap3A_726 : vector<1x16xf32> to vector<16xf32>
        %swap3A_728 = vector.shape_cast %mul3A_724 : vector<16xf32> to vector<1x16xf32>
        tpu.vector_store %arg12[%swap3A, %swap3A_725], %swap3A_728 {strides = array<i32>} : memref<100x128xf32, #tpu.memory_space<vmem>>, vector<1x16xf32>,
        %get3A_729 = arith.index_cast %scan3A_690 : i32 to index
        %get3A_730 = arith.constant 16 : index
        %get3A_731 = tpu.vector_load %arg12[%get3A_729, %get3A_730] {strides = array<i32>} : memref<100x128xf32, #tpu.memory_space<vmem>>, vector<1x16xf32>,
        %get3A_732 = vector.shape_cast %get3A_731 : vector<1x16xf32> to vector<16xf32>
        %mul3A_733 = arith.mulf %get3A_732, %gather3A_719 : vector<16xf32>
        %swap3A_734 = arith.index_cast %scan3A_690 : i32 to index
        %swap3A_735 = arith.constant 16 : index
        %swap3A_736 = tpu.vector_load %arg12[%swap3A_734, %swap3A_735] {strides = array<i32>} : memref<100x128xf32, #tpu.memory_space<vmem>>, vector<1x16xf32>,
        %swap3A_737 = vector.shape_cast %swap3A_736 : vector<1x16xf32> to vector<16xf32>
        %swap3A_738 = vector.shape_cast %mul3A_733 : vector<16xf32> to vector<1x16xf32>
        tpu.vector_store %arg12[%swap3A_734, %swap3A_735], %swap3A_738 {strides = array<i32>} : memref<100x128xf32, #tpu.memory_space<vmem>>, vector<1x16xf32>,
        %get3A_739 = arith.index_cast %scan3A_690 : i32 to index
        %get3A_740 = arith.constant 32 : index
        %get3A_741 = tpu.vector_load %arg12[%get3A_739, %get3A_740] {strides = array<i32>} : memref<100x128xf32, #tpu.memory_space<vmem>>, vector<1x16xf32>,
        %get3A_742 = vector.shape_cast %get3A_741 : vector<1x16xf32> to vector<16xf32>
        %mul3A_743 = arith.mulf %get3A_742, %gather3A_719 : vector<16xf32>
        %swap3A_744 = arith.index_cast %scan3A_690 : i32 to index
        %swap3A_745 = arith.constant 32 : index
        %swap3A_746 = tpu.vector_load %arg12[%swap3A_744, %swap3A_745] {strides = array<i32>} : memref<100x128xf32, #tpu.memory_space<vmem>>, vector<1x16xf32>,
        %swap3A_747 = vector.shape_cast %swap3A_746 : vector<1x16xf32> to vector<16xf32>
        %swap3A_748 = vector.shape_cast %mul3A_743 : vector<16xf32> to vector<1x16xf32>
        tpu.vector_store %arg12[%swap3A_744, %swap3A_745], %swap3A_748 {strides = array<i32>} : memref<100x128xf32, #tpu.memory_space<vmem>>, vector<1x16xf32>,
        %get3A_749 = arith.index_cast %scan3A_690 : i32 to index
        %get3A_750 = arith.constant 48 : index
        %get3A_751 = tpu.vector_load %arg12[%get3A_749, %get3A_750] {strides = array<i32>} : memref<100x128xf32, #tpu.memory_space<vmem>>, vector<1x16xf32>,
        %get3A_752 = vector.shape_cast %get3A_751 : vector<1x16xf32> to vector<16xf32>
        %mul3A_753 = arith.mulf %get3A_752, %gather3A_719 : vector<16xf32>
        %swap3A_754 = arith.index_cast %scan3A_690 : i32 to index
        %swap3A_755 = arith.constant 48 : index
        %swap3A_756 = tpu.vector_load %arg12[%swap3A_754, %swap3A_755] {strides = array<i32>} : memref<100x128xf32, #tpu.memory_space<vmem>>, vector<1x16xf32>,
        %swap3A_757 = vector.shape_cast %swap3A_756 : vector<1x16xf32> to vector<16xf32>
        %swap3A_758 = vector.shape_cast %mul3A_753 : vector<16xf32> to vector<1x16xf32>
        tpu.vector_store %arg12[%swap3A_754, %swap3A_755], %swap3A_758 {strides = array<i32>} : memref<100x128xf32, #tpu.memory_space<vmem>>, vector<1x16xf32>,
        %get3A_759 = arith.index_cast %scan3A_690 : i32 to index
        %get3A_760 = arith.constant 64 : index
        %get3A_761 = tpu.vector_load %arg12[%get3A_759, %get3A_760] {strides = array<i32>} : memref<100x128xf32, #tpu.memory_space<vmem>>, vector<1x16xf32>,
        %get3A_762 = vector.shape_cast %get3A_761 : vector<1x16xf32> to vector<16xf32>
        %mul3A_763 = arith.mulf %get3A_762, %gather3A_719 : vector<16xf32>
        %swap3A_764 = arith.index_cast %scan3A_690 : i32 to index
        %swap3A_765 = arith.constant 64 : index
        %swap3A_766 = tpu.vector_load %arg12[%swap3A_764, %swap3A_765] {strides = array<i32>} : memref<100x128xf32, #tpu.memory_space<vmem>>, vector<1x16xf32>,
        %swap3A_767 = vector.shape_cast %swap3A_766 : vector<1x16xf32> to vector<16xf32>
        %swap3A_768 = vector.shape_cast %mul3A_763 : vector<16xf32> to vector<1x16xf32>
        tpu.vector_store %arg12[%swap3A_764, %swap3A_765], %swap3A_768 {strides = array<i32>} : memref<100x128xf32, #tpu.memory_space<vmem>>, vector<1x16xf32>,
        %get3A_769 = arith.index_cast %scan3A_690 : i32 to index
        %get3A_770 = arith.constant 80 : index
        %get3A_771 = tpu.vector_load %arg12[%get3A_769, %get3A_770] {strides = array<i32>} : memref<100x128xf32, #tpu.memory_space<vmem>>, vector<1x16xf32>,
        %get3A_772 = vector.shape_cast %get3A_771 : vector<1x16xf32> to vector<16xf32>
        %mul3A_773 = arith.mulf %get3A_772, %gather3A_719 : vector<16xf32>
        %swap3A_774 = arith.index_cast %scan3A_690 : i32 to index
        %swap3A_775 = arith.constant 80 : index
        %swap3A_776 = tpu.vector_load %arg12[%swap3A_774, %swap3A_775] {strides = array<i32>} : memref<100x128xf32, #tpu.memory_space<vmem>>, vector<1x16xf32>,
        %swap3A_777 = vector.shape_cast %swap3A_776 : vector<1x16xf32> to vector<16xf32>
        %swap3A_778 = vector.shape_cast %mul3A_773 : vector<16xf32> to vector<1x16xf32>
        tpu.vector_store %arg12[%swap3A_774, %swap3A_775], %swap3A_778 {strides = array<i32>} : memref<100x128xf32, #tpu.memory_space<vmem>>, vector<1x16xf32>,
        %get3A_779 = arith.index_cast %scan3A_690 : i32 to index
        %get3A_780 = arith.constant 96 : index
        %get3A_781 = tpu.vector_load %arg12[%get3A_779, %get3A_780] {strides = array<i32>} : memref<100x128xf32, #tpu.memory_space<vmem>>, vector<1x16xf32>,
        %get3A_782 = vector.shape_cast %get3A_781 : vector<1x16xf32> to vector<16xf32>
        %mul3A_783 = arith.mulf %get3A_782, %gather3A_719 : vector<16xf32>
        %swap3A_784 = arith.index_cast %scan3A_690 : i32 to index
        %swap3A_785 = arith.constant 96 : index
        %swap3A_786 = tpu.vector_load %arg12[%swap3A_784, %swap3A_785] {strides = array<i32>} : memref<100x128xf32, #tpu.memory_space<vmem>>, vector<1x16xf32>,
        %swap3A_787 = vector.shape_cast %swap3A_786 : vector<1x16xf32> to vector<16xf32>
        %swap3A_788 = vector.shape_cast %mul3A_783 : vector<16xf32> to vector<1x16xf32>
        tpu.vector_store %arg12[%swap3A_784, %swap3A_785], %swap3A_788 {strides = array<i32>} : memref<100x128xf32, #tpu.memory_space<vmem>>, vector<1x16xf32>,
        %get3A_789 = arith.index_cast %scan3A_690 : i32 to index
        %get3A_790 = arith.constant 112 : index
        %get3A_791 = tpu.vector_load %arg12[%get3A_789, %get3A_790] {strides = array<i32>} : memref<100x128xf32, #tpu.memory_space<vmem>>, vector<1x16xf32>,
        %get3A_792 = vector.shape_cast %get3A_791 : vector<1x16xf32> to vector<16xf32>
        %mul3A_793 = arith.mulf %get3A_792, %gather3A_719 : vector<16xf32>
        %swap3A_794 = arith.index_cast %scan3A_690 : i32 to index
        %swap3A_795 = arith.constant 112 : index
        %swap3A_796 = tpu.vector_load %arg12[%swap3A_794, %swap3A_795] {strides = array<i32>} : memref<100x128xf32, #tpu.memory_space<vmem>>, vector<1x16xf32>,
        %swap3A_797 = vector.shape_cast %swap3A_796 : vector<1x16xf32> to vector<16xf32>
        %swap3A_798 = vector.shape_cast %mul3A_793 : vector<16xf32> to vector<1x16xf32>
        tpu.vector_store %arg12[%swap3A_794, %swap3A_795], %swap3A_798 {strides = array<i32>} : memref<100x128xf32, #tpu.memory_space<vmem>>, vector<1x16xf32>,
      }
      %scan3A_267 = arith.constant 100 : i32
      %dma_wait3A_268 = arith.constant 6 : i32
      %dma_wait3A_269 = arith.constant 0 : i32
      %dma_wait3A_270 = tpu.memref_slice %arg9[%dma_wait3A_268, %dma_wait3A_269] : memref<20x100xi32, #tpu.memory_space<vmem>> -> memref<1x100xi32, #tpu.memory_space<vmem>>
      %dma_wait3A_271 = tpu.memref_squeeze %dma_wait3A_270 : memref<1x100xi32, #tpu.memory_space<vmem>> -> memref<100xi32, #tpu.memory_space<vmem>>
      %dma_wait3A_272 = arith.constant 0 : i32
      %dma_wait3A_273 = arith.constant 0 : i32
      %dma_wait3A_274 = tpu.memref_slice %arg14[%dma_wait3A_272, %dma_wait3A_273] : memref<10000x128xf32, #tpu.memory_space<vmem_shared>> -> memref<10000x128xf32, #tpu.memory_space<vmem_shared>>
      tpu.wait_indirect_dma semaphore(%arg18 : memref<!tpu.dma_semaphore, #tpu.memory_space<semaphore_mem>>) src(%arg11 : memref<100x128xf32, #tpu.memory_space<vmem>>) dst(%dma_wait3A_274 : memref<10000x128xf32, #tpu.memory_space<vmem_shared>>)
      %dma_start3A_275 = arith.constant 9 : i32
      %dma_start3A_276 = arith.constant 0 : i32
      %dma_start3A_277 = tpu.memref_slice %arg8[%dma_start3A_275, %dma_start3A_276] : memref<20x100xi32, #tpu.memory_space<vmem>> -> memref<1x100xi32, #tpu.memory_space<vmem>>
      %dma_start3A_278 = tpu.memref_squeeze %dma_start3A_277 : memref<1x100xi32, #tpu.memory_space<vmem>> -> memref<100xi32, #tpu.memory_space<vmem>>
      %dma_start3A_279 = arith.constant 0 : i32
      %dma_start3A_280 = arith.constant 0 : i32
      %dma_start3A_281 = tpu.memref_slice %arg2[%dma_start3A_279, %dma_start3A_280] : memref<10000x128xf32, #tpu.memory_space<hbm>> -> memref<10000x128xf32, #tpu.memory_space<hbm>>
      tpu.enqueue_indirect_dma source(%dma_start3A_281 : memref<10000x128xf32, #tpu.memory_space<hbm>>) target(%arg11 : memref<100x128xf32, #tpu.memory_space<vmem>>) offsets(%dma_start3A_278 : memref<100xi32, #tpu.memory_space<vmem>>) semaphore(%arg15 : memref<!tpu.dma_semaphore, #tpu.memory_space<semaphore_mem>>)
      %dma_start3A_282 = arith.constant 7 : i32
      %dma_start3A_283 = arith.constant 0 : i32
      %dma_start3A_284 = tpu.memref_slice %arg9[%dma_start3A_282, %dma_start3A_283] : memref<20x100xi32, #tpu.memory_space<vmem>> -> memref<1x100xi32, #tpu.memory_space<vmem>>
      %dma_start3A_285 = tpu.memref_squeeze %dma_start3A_284 : memref<1x100xi32, #tpu.memory_space<vmem>> -> memref<100xi32, #tpu.memory_space<vmem>>
      %dma_start3A_286 = arith.constant 0 : i32
      %dma_start3A_287 = arith.constant 0 : i32
      %dma_start3A_288 = tpu.memref_slice %arg14[%dma_start3A_286, %dma_start3A_287] : memref<10000x128xf32, #tpu.memory_space<vmem_shared>> -> memref<10000x128xf32, #tpu.memory_space<vmem_shared>>
      tpu.enqueue_indirect_dma source(%arg12 : memref<100x128xf32, #tpu.memory_space<vmem>>) target(%dma_start3A_288 : memref<10000x128xf32, #tpu.memory_space<vmem_shared>>) offsets(%dma_start3A_285 : memref<100xi32, #tpu.memory_space<vmem>>) semaphore(%arg19 : memref<!tpu.dma_semaphore, #tpu.memory_space<semaphore_mem>>) {add = true}
      %dma_wait3A_289 = arith.constant 8 : i32
      %dma_wait3A_290 = arith.constant 0 : i32
      %dma_wait3A_291 = tpu.memref_slice %arg8[%dma_wait3A_289, %dma_wait3A_290] : memref<20x100xi32, #tpu.memory_space<vmem>> -> memref<1x100xi32, #tpu.memory_space<vmem>>
      %dma_wait3A_292 = tpu.memref_squeeze %dma_wait3A_291 : memref<1x100xi32, #tpu.memory_space<vmem>> -> memref<100xi32, #tpu.memory_space<vmem>>
      %dma_wait3A_293 = arith.constant 0 : i32
      %dma_wait3A_294 = arith.constant 0 : i32
      %dma_wait3A_295 = tpu.memref_slice %arg2[%dma_wait3A_293, %dma_wait3A_294] : memref<10000x128xf32, #tpu.memory_space<hbm>> -> memref<10000x128xf32, #tpu.memory_space<hbm>>
      tpu.wait_indirect_dma semaphore(%arg17 : memref<!tpu.dma_semaphore, #tpu.memory_space<semaphore_mem>>) src(%dma_wait3A_295 : memref<10000x128xf32, #tpu.memory_space<hbm>>) dst(%arg13 : memref<100x128xf32, #tpu.memory_space<vmem>>)
      %scan3A_296 = arith.constant 0 : i32
      %scan3A_297 = arith.constant 0 : i32
      %scan3A_298 = arith.constant 100 : i32
      %scan3A_299 = arith.addi %scan3A_297, %scan3A_298 : i32
      %scan3A_300 = arith.constant 1 : i32
      scf.for %scan3A_690 = %scan3A_297 to %scan3A_299 step %scan3A_300  : i32 {
        %jit3A = arith.constant 16 : i32
        %div3A = arith.divsi %scan3A_690, %jit3A : i32
        %sign3A = arith.constant 0 : i32
        %sign3A_691 = arith.cmpi sgt, %scan3A_690, %sign3A : i32
        %sign3A_692 = arith.extui %sign3A_691 : i1 to i32
        %sign3A_693 = arith.constant 0 : i32
        %sign3A_694 = arith.cmpi slt, %scan3A_690, %sign3A_693 : i32
        %sign3A_695 = arith.extui %sign3A_694 : i1 to i32
        %sign3A_696 = arith.subi %sign3A_692, %sign3A_695 : i32
        %sign3A_697 = arith.constant 0 : i32
        %sign3A_698 = arith.cmpi sgt, %jit3A, %sign3A_697 : i32
        %sign3A_699 = arith.extui %sign3A_698 : i1 to i32
        %sign3A_700 = arith.constant 0 : i32
        %sign3A_701 = arith.cmpi slt, %jit3A, %sign3A_700 : i32
        %sign3A_702 = arith.extui %sign3A_701 : i1 to i32
        %sign3A_703 = arith.subi %sign3A_699, %sign3A_702 : i32
        %ne3A = arith.cmpi ne, %sign3A_696, %sign3A_703 : i32
        %rem3A = arith.remsi %scan3A_690, %jit3A : i32
        %ne3A_704 = arith.constant 0 : i32
        %ne3A_705 = arith.cmpi ne, %rem3A, %ne3A_704 : i32
        %and3A = arith.andi %ne3A, %ne3A_705 : i1
        %sub3A = arith.constant 1 : i32
        %sub3A_706 = arith.subi %div3A, %sub3A : i32
        %select_n3A = arith.select %and3A, %sub3A_706, %div3A : i32
        %mul3A_707 = arith.constant 16 : i32
        %mul3A_708 = arith.muli %select_n3A, %mul3A_707 : i32
        %min3A = arith.constant 84 : i32
        %min3A_709 = arith.minsi %mul3A_708, %min3A : i32
        %get3A = arith.constant 8 : i32
        %get3A_710 = arith.index_cast %get3A : i32 to index
        %get3A_711 = arith.index_cast %min3A_709 : i32 to index
        %get3A_712 = tpu.vector_load %arg10[%get3A_710, %get3A_711] {strides = array<i32>} : memref<20x100xf32, #tpu.memory_space<vmem>>, vector<1x16xf32>,
        %get3A_713 = vector.shape_cast %get3A_712 : vector<1x16xf32> to vector<16xf32>
        %broadcast_in_dim3A = arith.constant 0 : i32
        %broadcast_in_dim3A_714 = vector.broadcast %broadcast_in_dim3A : i32 to vector<16xi32>
        %sub3A_715 = arith.subi %scan3A_690, %min3A_709 : i32
        %add3A_716 = vector.broadcast %sub3A_715 : i32 to vector<16xi32>
        %add3A_717 = arith.addi %broadcast_in_dim3A_714, %add3A_716 : vector<16xi32>
        %broadcast_in_dim3A_718 = vector.shape_cast %add3A_717 : vector<16xi32> to vector<16x1xi32>
        %gather3A = vector.shape_cast %broadcast_in_dim3A_718 : vector<16x1xi32> to vector<16xi32>
        %gather3A_719 = tpu.dynamic_gather %get3A_713[%gather3A] in [0] : vector<16xf32>, vector<16xi32> -> vector<16xf32>
        %get3A_720 = arith.index_cast %scan3A_690 : i32 to index
        %get3A_721 = arith.constant 0 : index
        %get3A_722 = tpu.vector_load %arg13[%get3A_720, %get3A_721] {strides = array<i32>} : memref<100x128xf32, #tpu.memory_space<vmem>>, vector<1x16xf32>,
        %get3A_723 = vector.shape_cast %get3A_722 : vector<1x16xf32> to vector<16xf32>
        %mul3A_724 = arith.mulf %get3A_723, %gather3A_719 : vector<16xf32>
        %swap3A = arith.index_cast %scan3A_690 : i32 to index
        %swap3A_725 = arith.constant 0 : index
        %swap3A_726 = tpu.vector_load %arg13[%swap3A, %swap3A_725] {strides = array<i32>} : memref<100x128xf32, #tpu.memory_space<vmem>>, vector<1x16xf32>,
        %swap3A_727 = vector.shape_cast %swap3A_726 : vector<1x16xf32> to vector<16xf32>
        %swap3A_728 = vector.shape_cast %mul3A_724 : vector<16xf32> to vector<1x16xf32>
        tpu.vector_store %arg13[%swap3A, %swap3A_725], %swap3A_728 {strides = array<i32>} : memref<100x128xf32, #tpu.memory_space<vmem>>, vector<1x16xf32>,
        %get3A_729 = arith.index_cast %scan3A_690 : i32 to index
        %get3A_730 = arith.constant 16 : index
        %get3A_731 = tpu.vector_load %arg13[%get3A_729, %get3A_730] {strides = array<i32>} : memref<100x128xf32, #tpu.memory_space<vmem>>, vector<1x16xf32>,
        %get3A_732 = vector.shape_cast %get3A_731 : vector<1x16xf32> to vector<16xf32>
        %mul3A_733 = arith.mulf %get3A_732, %gather3A_719 : vector<16xf32>
        %swap3A_734 = arith.index_cast %scan3A_690 : i32 to index
        %swap3A_735 = arith.constant 16 : index
        %swap3A_736 = tpu.vector_load %arg13[%swap3A_734, %swap3A_735] {strides = array<i32>} : memref<100x128xf32, #tpu.memory_space<vmem>>, vector<1x16xf32>,
        %swap3A_737 = vector.shape_cast %swap3A_736 : vector<1x16xf32> to vector<16xf32>
        %swap3A_738 = vector.shape_cast %mul3A_733 : vector<16xf32> to vector<1x16xf32>
        tpu.vector_store %arg13[%swap3A_734, %swap3A_735], %swap3A_738 {strides = array<i32>} : memref<100x128xf32, #tpu.memory_space<vmem>>, vector<1x16xf32>,
        %get3A_739 = arith.index_cast %scan3A_690 : i32 to index
        %get3A_740 = arith.constant 32 : index
        %get3A_741 = tpu.vector_load %arg13[%get3A_739, %get3A_740] {strides = array<i32>} : memref<100x128xf32, #tpu.memory_space<vmem>>, vector<1x16xf32>,
        %get3A_742 = vector.shape_cast %get3A_741 : vector<1x16xf32> to vector<16xf32>
        %mul3A_743 = arith.mulf %get3A_742, %gather3A_719 : vector<16xf32>
        %swap3A_744 = arith.index_cast %scan3A_690 : i32 to index
        %swap3A_745 = arith.constant 32 : index
        %swap3A_746 = tpu.vector_load %arg13[%swap3A_744, %swap3A_745] {strides = array<i32>} : memref<100x128xf32, #tpu.memory_space<vmem>>, vector<1x16xf32>,
        %swap3A_747 = vector.shape_cast %swap3A_746 : vector<1x16xf32> to vector<16xf32>
        %swap3A_748 = vector.shape_cast %mul3A_743 : vector<16xf32> to vector<1x16xf32>
        tpu.vector_store %arg13[%swap3A_744, %swap3A_745], %swap3A_748 {strides = array<i32>} : memref<100x128xf32, #tpu.memory_space<vmem>>, vector<1x16xf32>,
        %get3A_749 = arith.index_cast %scan3A_690 : i32 to index
        %get3A_750 = arith.constant 48 : index
        %get3A_751 = tpu.vector_load %arg13[%get3A_749, %get3A_750] {strides = array<i32>} : memref<100x128xf32, #tpu.memory_space<vmem>>, vector<1x16xf32>,
        %get3A_752 = vector.shape_cast %get3A_751 : vector<1x16xf32> to vector<16xf32>
        %mul3A_753 = arith.mulf %get3A_752, %gather3A_719 : vector<16xf32>
        %swap3A_754 = arith.index_cast %scan3A_690 : i32 to index
        %swap3A_755 = arith.constant 48 : index
        %swap3A_756 = tpu.vector_load %arg13[%swap3A_754, %swap3A_755] {strides = array<i32>} : memref<100x128xf32, #tpu.memory_space<vmem>>, vector<1x16xf32>,
        %swap3A_757 = vector.shape_cast %swap3A_756 : vector<1x16xf32> to vector<16xf32>
        %swap3A_758 = vector.shape_cast %mul3A_753 : vector<16xf32> to vector<1x16xf32>
        tpu.vector_store %arg13[%swap3A_754, %swap3A_755], %swap3A_758 {strides = array<i32>} : memref<100x128xf32, #tpu.memory_space<vmem>>, vector<1x16xf32>,
        %get3A_759 = arith.index_cast %scan3A_690 : i32 to index
        %get3A_760 = arith.constant 64 : index
        %get3A_761 = tpu.vector_load %arg13[%get3A_759, %get3A_760] {strides = array<i32>} : memref<100x128xf32, #tpu.memory_space<vmem>>, vector<1x16xf32>,
        %get3A_762 = vector.shape_cast %get3A_761 : vector<1x16xf32> to vector<16xf32>
        %mul3A_763 = arith.mulf %get3A_762, %gather3A_719 : vector<16xf32>
        %swap3A_764 = arith.index_cast %scan3A_690 : i32 to index
        %swap3A_765 = arith.constant 64 : index
        %swap3A_766 = tpu.vector_load %arg13[%swap3A_764, %swap3A_765] {strides = array<i32>} : memref<100x128xf32, #tpu.memory_space<vmem>>, vector<1x16xf32>,
        %swap3A_767 = vector.shape_cast %swap3A_766 : vector<1x16xf32> to vector<16xf32>
        %swap3A_768 = vector.shape_cast %mul3A_763 : vector<16xf32> to vector<1x16xf32>
        tpu.vector_store %arg13[%swap3A_764, %swap3A_765], %swap3A_768 {strides = array<i32>} : memref<100x128xf32, #tpu.memory_space<vmem>>, vector<1x16xf32>,
        %get3A_769 = arith.index_cast %scan3A_690 : i32 to index
        %get3A_770 = arith.constant 80 : index
        %get3A_771 = tpu.vector_load %arg13[%get3A_769, %get3A_770] {strides = array<i32>} : memref<100x128xf32, #tpu.memory_space<vmem>>, vector<1x16xf32>,
        %get3A_772 = vector.shape_cast %get3A_771 : vector<1x16xf32> to vector<16xf32>
        %mul3A_773 = arith.mulf %get3A_772, %gather3A_719 : vector<16xf32>
        %swap3A_774 = arith.index_cast %scan3A_690 : i32 to index
        %swap3A_775 = arith.constant 80 : index
        %swap3A_776 = tpu.vector_load %arg13[%swap3A_774, %swap3A_775] {strides = array<i32>} : memref<100x128xf32, #tpu.memory_space<vmem>>, vector<1x16xf32>,
        %swap3A_777 = vector.shape_cast %swap3A_776 : vector<1x16xf32> to vector<16xf32>
        %swap3A_778 = vector.shape_cast %mul3A_773 : vector<16xf32> to vector<1x16xf32>
        tpu.vector_store %arg13[%swap3A_774, %swap3A_775], %swap3A_778 {strides = array<i32>} : memref<100x128xf32, #tpu.memory_space<vmem>>, vector<1x16xf32>,
        %get3A_779 = arith.index_cast %scan3A_690 : i32 to index
        %get3A_780 = arith.constant 96 : index
        %get3A_781 = tpu.vector_load %arg13[%get3A_779, %get3A_780] {strides = array<i32>} : memref<100x128xf32, #tpu.memory_space<vmem>>, vector<1x16xf32>,
        %get3A_782 = vector.shape_cast %get3A_781 : vector<1x16xf32> to vector<16xf32>
        %mul3A_783 = arith.mulf %get3A_782, %gather3A_719 : vector<16xf32>
        %swap3A_784 = arith.index_cast %scan3A_690 : i32 to index
        %swap3A_785 = arith.constant 96 : index
        %swap3A_786 = tpu.vector_load %arg13[%swap3A_784, %swap3A_785] {strides = array<i32>} : memref<100x128xf32, #tpu.memory_space<vmem>>, vector<1x16xf32>,
        %swap3A_787 = vector.shape_cast %swap3A_786 : vector<1x16xf32> to vector<16xf32>
        %swap3A_788 = vector.shape_cast %mul3A_783 : vector<16xf32> to vector<1x16xf32>
        tpu.vector_store %arg13[%swap3A_784, %swap3A_785], %swap3A_788 {strides = array<i32>} : memref<100x128xf32, #tpu.memory_space<vmem>>, vector<1x16xf32>,
        %get3A_789 = arith.index_cast %scan3A_690 : i32 to index
        %get3A_790 = arith.constant 112 : index
        %get3A_791 = tpu.vector_load %arg13[%get3A_789, %get3A_790] {strides = array<i32>} : memref<100x128xf32, #tpu.memory_space<vmem>>, vector<1x16xf32>,
        %get3A_792 = vector.shape_cast %get3A_791 : vector<1x16xf32> to vector<16xf32>
        %mul3A_793 = arith.mulf %get3A_792, %gather3A_719 : vector<16xf32>
        %swap3A_794 = arith.index_cast %scan3A_690 : i32 to index
        %swap3A_795 = arith.constant 112 : index
        %swap3A_796 = tpu.vector_load %arg13[%swap3A_794, %swap3A_795] {strides = array<i32>} : memref<100x128xf32, #tpu.memory_space<vmem>>, vector<1x16xf32>,
        %swap3A_797 = vector.shape_cast %swap3A_796 : vector<1x16xf32> to vector<16xf32>
        %swap3A_798 = vector.shape_cast %mul3A_793 : vector<16xf32> to vector<1x16xf32>
        tpu.vector_store %arg13[%swap3A_794, %swap3A_795], %swap3A_798 {strides = array<i32>} : memref<100x128xf32, #tpu.memory_space<vmem>>, vector<1x16xf32>,
      }
      %scan3A_301 = arith.constant 100 : i32
      %dma_wait3A_302 = arith.constant 7 : i32
      %dma_wait3A_303 = arith.constant 0 : i32
      %dma_wait3A_304 = tpu.memref_slice %arg9[%dma_wait3A_302, %dma_wait3A_303] : memref<20x100xi32, #tpu.memory_space<vmem>> -> memref<1x100xi32, #tpu.memory_space<vmem>>
      %dma_wait3A_305 = tpu.memref_squeeze %dma_wait3A_304 : memref<1x100xi32, #tpu.memory_space<vmem>> -> memref<100xi32, #tpu.memory_space<vmem>>
      %dma_wait3A_306 = arith.constant 0 : i32
      %dma_wait3A_307 = arith.constant 0 : i32
      %dma_wait3A_308 = tpu.memref_slice %arg14[%dma_wait3A_306, %dma_wait3A_307] : memref<10000x128xf32, #tpu.memory_space<vmem_shared>> -> memref<10000x128xf32, #tpu.memory_space<vmem_shared>>
      tpu.wait_indirect_dma semaphore(%arg19 : memref<!tpu.dma_semaphore, #tpu.memory_space<semaphore_mem>>) src(%arg12 : memref<100x128xf32, #tpu.memory_space<vmem>>) dst(%dma_wait3A_308 : memref<10000x128xf32, #tpu.memory_space<vmem_shared>>)
      %dma_start3A_309 = arith.constant 10 : i32
      %dma_start3A_310 = arith.constant 0 : i32
      %dma_start3A_311 = tpu.memref_slice %arg8[%dma_start3A_309, %dma_start3A_310] : memref<20x100xi32, #tpu.memory_space<vmem>> -> memref<1x100xi32, #tpu.memory_space<vmem>>
      %dma_start3A_312 = tpu.memref_squeeze %dma_start3A_311 : memref<1x100xi32, #tpu.memory_space<vmem>> -> memref<100xi32, #tpu.memory_space<vmem>>
      %dma_start3A_313 = arith.constant 0 : i32
      %dma_start3A_314 = arith.constant 0 : i32
      %dma_start3A_315 = tpu.memref_slice %arg2[%dma_start3A_313, %dma_start3A_314] : memref<10000x128xf32, #tpu.memory_space<hbm>> -> memref<10000x128xf32, #tpu.memory_space<hbm>>
      tpu.enqueue_indirect_dma source(%dma_start3A_315 : memref<10000x128xf32, #tpu.memory_space<hbm>>) target(%arg12 : memref<100x128xf32, #tpu.memory_space<vmem>>) offsets(%dma_start3A_312 : memref<100xi32, #tpu.memory_space<vmem>>) semaphore(%arg16 : memref<!tpu.dma_semaphore, #tpu.memory_space<semaphore_mem>>)
      %dma_start3A_316 = arith.constant 8 : i32
      %dma_start3A_317 = arith.constant 0 : i32
      %dma_start3A_318 = tpu.memref_slice %arg9[%dma_start3A_316, %dma_start3A_317] : memref<20x100xi32, #tpu.memory_space<vmem>> -> memref<1x100xi32, #tpu.memory_space<vmem>>
      %dma_start3A_319 = tpu.memref_squeeze %dma_start3A_318 : memref<1x100xi32, #tpu.memory_space<vmem>> -> memref<100xi32, #tpu.memory_space<vmem>>
      %dma_start3A_320 = arith.constant 0 : i32
      %dma_start3A_321 = arith.constant 0 : i32
      %dma_start3A_322 = tpu.memref_slice %arg14[%dma_start3A_320, %dma_start3A_321] : memref<10000x128xf32, #tpu.memory_space<vmem_shared>> -> memref<10000x128xf32, #tpu.memory_space<vmem_shared>>
      tpu.enqueue_indirect_dma source(%arg13 : memref<100x128xf32, #tpu.memory_space<vmem>>) target(%dma_start3A_322 : memref<10000x128xf32, #tpu.memory_space<vmem_shared>>) offsets(%dma_start3A_319 : memref<100xi32, #tpu.memory_space<vmem>>) semaphore(%arg20 : memref<!tpu.dma_semaphore, #tpu.memory_space<semaphore_mem>>) {add = true}
      %dma_wait3A_323 = arith.constant 9 : i32
      %dma_wait3A_324 = arith.constant 0 : i32
      %dma_wait3A_325 = tpu.memref_slice %arg8[%dma_wait3A_323, %dma_wait3A_324] : memref<20x100xi32, #tpu.memory_space<vmem>> -> memref<1x100xi32, #tpu.memory_space<vmem>>
      %dma_wait3A_326 = tpu.memref_squeeze %dma_wait3A_325 : memref<1x100xi32, #tpu.memory_space<vmem>> -> memref<100xi32, #tpu.memory_space<vmem>>
      %dma_wait3A_327 = arith.constant 0 : i32
      %dma_wait3A_328 = arith.constant 0 : i32
      %dma_wait3A_329 = tpu.memref_slice %arg2[%dma_wait3A_327, %dma_wait3A_328] : memref<10000x128xf32, #tpu.memory_space<hbm>> -> memref<10000x128xf32, #tpu.memory_space<hbm>>
      tpu.wait_indirect_dma semaphore(%arg15 : memref<!tpu.dma_semaphore, #tpu.memory_space<semaphore_mem>>) src(%dma_wait3A_329 : memref<10000x128xf32, #tpu.memory_space<hbm>>) dst(%arg11 : memref<100x128xf32, #tpu.memory_space<vmem>>)
      %scan3A_330 = arith.constant 0 : i32
      %scan3A_331 = arith.constant 0 : i32
      %scan3A_332 = arith.constant 100 : i32
      %scan3A_333 = arith.addi %scan3A_331, %scan3A_332 : i32
      %scan3A_334 = arith.constant 1 : i32
      scf.for %scan3A_690 = %scan3A_331 to %scan3A_333 step %scan3A_334  : i32 {
        %jit3A = arith.constant 16 : i32
        %div3A = arith.divsi %scan3A_690, %jit3A : i32
        %sign3A = arith.constant 0 : i32
        %sign3A_691 = arith.cmpi sgt, %scan3A_690, %sign3A : i32
        %sign3A_692 = arith.extui %sign3A_691 : i1 to i32
        %sign3A_693 = arith.constant 0 : i32
        %sign3A_694 = arith.cmpi slt, %scan3A_690, %sign3A_693 : i32
        %sign3A_695 = arith.extui %sign3A_694 : i1 to i32
        %sign3A_696 = arith.subi %sign3A_692, %sign3A_695 : i32
        %sign3A_697 = arith.constant 0 : i32
        %sign3A_698 = arith.cmpi sgt, %jit3A, %sign3A_697 : i32
        %sign3A_699 = arith.extui %sign3A_698 : i1 to i32
        %sign3A_700 = arith.constant 0 : i32
        %sign3A_701 = arith.cmpi slt, %jit3A, %sign3A_700 : i32
        %sign3A_702 = arith.extui %sign3A_701 : i1 to i32
        %sign3A_703 = arith.subi %sign3A_699, %sign3A_702 : i32
        %ne3A = arith.cmpi ne, %sign3A_696, %sign3A_703 : i32
        %rem3A = arith.remsi %scan3A_690, %jit3A : i32
        %ne3A_704 = arith.constant 0 : i32
        %ne3A_705 = arith.cmpi ne, %rem3A, %ne3A_704 : i32
        %and3A = arith.andi %ne3A, %ne3A_705 : i1
        %sub3A = arith.constant 1 : i32
        %sub3A_706 = arith.subi %div3A, %sub3A : i32
        %select_n3A = arith.select %and3A, %sub3A_706, %div3A : i32
        %mul3A_707 = arith.constant 16 : i32
        %mul3A_708 = arith.muli %select_n3A, %mul3A_707 : i32
        %min3A = arith.constant 84 : i32
        %min3A_709 = arith.minsi %mul3A_708, %min3A : i32
        %get3A = arith.constant 9 : i32
        %get3A_710 = arith.index_cast %get3A : i32 to index
        %get3A_711 = arith.index_cast %min3A_709 : i32 to index
        %get3A_712 = tpu.vector_load %arg10[%get3A_710, %get3A_711] {strides = array<i32>} : memref<20x100xf32, #tpu.memory_space<vmem>>, vector<1x16xf32>,
        %get3A_713 = vector.shape_cast %get3A_712 : vector<1x16xf32> to vector<16xf32>
        %broadcast_in_dim3A = arith.constant 0 : i32
        %broadcast_in_dim3A_714 = vector.broadcast %broadcast_in_dim3A : i32 to vector<16xi32>
        %sub3A_715 = arith.subi %scan3A_690, %min3A_709 : i32
        %add3A_716 = vector.broadcast %sub3A_715 : i32 to vector<16xi32>
        %add3A_717 = arith.addi %broadcast_in_dim3A_714, %add3A_716 : vector<16xi32>
        %broadcast_in_dim3A_718 = vector.shape_cast %add3A_717 : vector<16xi32> to vector<16x1xi32>
        %gather3A = vector.shape_cast %broadcast_in_dim3A_718 : vector<16x1xi32> to vector<16xi32>
        %gather3A_719 = tpu.dynamic_gather %get3A_713[%gather3A] in [0] : vector<16xf32>, vector<16xi32> -> vector<16xf32>
        %get3A_720 = arith.index_cast %scan3A_690 : i32 to index
        %get3A_721 = arith.constant 0 : index
        %get3A_722 = tpu.vector_load %arg11[%get3A_720, %get3A_721] {strides = array<i32>} : memref<100x128xf32, #tpu.memory_space<vmem>>, vector<1x16xf32>,
        %get3A_723 = vector.shape_cast %get3A_722 : vector<1x16xf32> to vector<16xf32>
        %mul3A_724 = arith.mulf %get3A_723, %gather3A_719 : vector<16xf32>
        %swap3A = arith.index_cast %scan3A_690 : i32 to index
        %swap3A_725 = arith.constant 0 : index
        %swap3A_726 = tpu.vector_load %arg11[%swap3A, %swap3A_725] {strides = array<i32>} : memref<100x128xf32, #tpu.memory_space<vmem>>, vector<1x16xf32>,
        %swap3A_727 = vector.shape_cast %swap3A_726 : vector<1x16xf32> to vector<16xf32>
        %swap3A_728 = vector.shape_cast %mul3A_724 : vector<16xf32> to vector<1x16xf32>
        tpu.vector_store %arg11[%swap3A, %swap3A_725], %swap3A_728 {strides = array<i32>} : memref<100x128xf32, #tpu.memory_space<vmem>>, vector<1x16xf32>,
        %get3A_729 = arith.index_cast %scan3A_690 : i32 to index
        %get3A_730 = arith.constant 16 : index
        %get3A_731 = tpu.vector_load %arg11[%get3A_729, %get3A_730] {strides = array<i32>} : memref<100x128xf32, #tpu.memory_space<vmem>>, vector<1x16xf32>,
        %get3A_732 = vector.shape_cast %get3A_731 : vector<1x16xf32> to vector<16xf32>
        %mul3A_733 = arith.mulf %get3A_732, %gather3A_719 : vector<16xf32>
        %swap3A_734 = arith.index_cast %scan3A_690 : i32 to index
        %swap3A_735 = arith.constant 16 : index
        %swap3A_736 = tpu.vector_load %arg11[%swap3A_734, %swap3A_735] {strides = array<i32>} : memref<100x128xf32, #tpu.memory_space<vmem>>, vector<1x16xf32>,
        %swap3A_737 = vector.shape_cast %swap3A_736 : vector<1x16xf32> to vector<16xf32>
        %swap3A_738 = vector.shape_cast %mul3A_733 : vector<16xf32> to vector<1x16xf32>
        tpu.vector_store %arg11[%swap3A_734, %swap3A_735], %swap3A_738 {strides = array<i32>} : memref<100x128xf32, #tpu.memory_space<vmem>>, vector<1x16xf32>,
        %get3A_739 = arith.index_cast %scan3A_690 : i32 to index
        %get3A_740 = arith.constant 32 : index
        %get3A_741 = tpu.vector_load %arg11[%get3A_739, %get3A_740] {strides = array<i32>} : memref<100x128xf32, #tpu.memory_space<vmem>>, vector<1x16xf32>,
        %get3A_742 = vector.shape_cast %get3A_741 : vector<1x16xf32> to vector<16xf32>
        %mul3A_743 = arith.mulf %get3A_742, %gather3A_719 : vector<16xf32>
        %swap3A_744 = arith.index_cast %scan3A_690 : i32 to index
        %swap3A_745 = arith.constant 32 : index
        %swap3A_746 = tpu.vector_load %arg11[%swap3A_744, %swap3A_745] {strides = array<i32>} : memref<100x128xf32, #tpu.memory_space<vmem>>, vector<1x16xf32>,
        %swap3A_747 = vector.shape_cast %swap3A_746 : vector<1x16xf32> to vector<16xf32>
        %swap3A_748 = vector.shape_cast %mul3A_743 : vector<16xf32> to vector<1x16xf32>
        tpu.vector_store %arg11[%swap3A_744, %swap3A_745], %swap3A_748 {strides = array<i32>} : memref<100x128xf32, #tpu.memory_space<vmem>>, vector<1x16xf32>,
        %get3A_749 = arith.index_cast %scan3A_690 : i32 to index
        %get3A_750 = arith.constant 48 : index
        %get3A_751 = tpu.vector_load %arg11[%get3A_749, %get3A_750] {strides = array<i32>} : memref<100x128xf32, #tpu.memory_space<vmem>>, vector<1x16xf32>,
        %get3A_752 = vector.shape_cast %get3A_751 : vector<1x16xf32> to vector<16xf32>
        %mul3A_753 = arith.mulf %get3A_752, %gather3A_719 : vector<16xf32>
        %swap3A_754 = arith.index_cast %scan3A_690 : i32 to index
        %swap3A_755 = arith.constant 48 : index
        %swap3A_756 = tpu.vector_load %arg11[%swap3A_754, %swap3A_755] {strides = array<i32>} : memref<100x128xf32, #tpu.memory_space<vmem>>, vector<1x16xf32>,
        %swap3A_757 = vector.shape_cast %swap3A_756 : vector<1x16xf32> to vector<16xf32>
        %swap3A_758 = vector.shape_cast %mul3A_753 : vector<16xf32> to vector<1x16xf32>
        tpu.vector_store %arg11[%swap3A_754, %swap3A_755], %swap3A_758 {strides = array<i32>} : memref<100x128xf32, #tpu.memory_space<vmem>>, vector<1x16xf32>,
        %get3A_759 = arith.index_cast %scan3A_690 : i32 to index
        %get3A_760 = arith.constant 64 : index
        %get3A_761 = tpu.vector_load %arg11[%get3A_759, %get3A_760] {strides = array<i32>} : memref<100x128xf32, #tpu.memory_space<vmem>>, vector<1x16xf32>,
        %get3A_762 = vector.shape_cast %get3A_761 : vector<1x16xf32> to vector<16xf32>
        %mul3A_763 = arith.mulf %get3A_762, %gather3A_719 : vector<16xf32>
        %swap3A_764 = arith.index_cast %scan3A_690 : i32 to index
        %swap3A_765 = arith.constant 64 : index
        %swap3A_766 = tpu.vector_load %arg11[%swap3A_764, %swap3A_765] {strides = array<i32>} : memref<100x128xf32, #tpu.memory_space<vmem>>, vector<1x16xf32>,
        %swap3A_767 = vector.shape_cast %swap3A_766 : vector<1x16xf32> to vector<16xf32>
        %swap3A_768 = vector.shape_cast %mul3A_763 : vector<16xf32> to vector<1x16xf32>
        tpu.vector_store %arg11[%swap3A_764, %swap3A_765], %swap3A_768 {strides = array<i32>} : memref<100x128xf32, #tpu.memory_space<vmem>>, vector<1x16xf32>,
        %get3A_769 = arith.index_cast %scan3A_690 : i32 to index
        %get3A_770 = arith.constant 80 : index
        %get3A_771 = tpu.vector_load %arg11[%get3A_769, %get3A_770] {strides = array<i32>} : memref<100x128xf32, #tpu.memory_space<vmem>>, vector<1x16xf32>,
        %get3A_772 = vector.shape_cast %get3A_771 : vector<1x16xf32> to vector<16xf32>
        %mul3A_773 = arith.mulf %get3A_772, %gather3A_719 : vector<16xf32>
        %swap3A_774 = arith.index_cast %scan3A_690 : i32 to index
        %swap3A_775 = arith.constant 80 : index
        %swap3A_776 = tpu.vector_load %arg11[%swap3A_774, %swap3A_775] {strides = array<i32>} : memref<100x128xf32, #tpu.memory_space<vmem>>, vector<1x16xf32>,
        %swap3A_777 = vector.shape_cast %swap3A_776 : vector<1x16xf32> to vector<16xf32>
        %swap3A_778 = vector.shape_cast %mul3A_773 : vector<16xf32> to vector<1x16xf32>
        tpu.vector_store %arg11[%swap3A_774, %swap3A_775], %swap3A_778 {strides = array<i32>} : memref<100x128xf32, #tpu.memory_space<vmem>>, vector<1x16xf32>,
        %get3A_779 = arith.index_cast %scan3A_690 : i32 to index
        %get3A_780 = arith.constant 96 : index
        %get3A_781 = tpu.vector_load %arg11[%get3A_779, %get3A_780] {strides = array<i32>} : memref<100x128xf32, #tpu.memory_space<vmem>>, vector<1x16xf32>,
        %get3A_782 = vector.shape_cast %get3A_781 : vector<1x16xf32> to vector<16xf32>
        %mul3A_783 = arith.mulf %get3A_782, %gather3A_719 : vector<16xf32>
        %swap3A_784 = arith.index_cast %scan3A_690 : i32 to index
        %swap3A_785 = arith.constant 96 : index
        %swap3A_786 = tpu.vector_load %arg11[%swap3A_784, %swap3A_785] {strides = array<i32>} : memref<100x128xf32, #tpu.memory_space<vmem>>, vector<1x16xf32>,
        %swap3A_787 = vector.shape_cast %swap3A_786 : vector<1x16xf32> to vector<16xf32>
        %swap3A_788 = vector.shape_cast %mul3A_783 : vector<16xf32> to vector<1x16xf32>
        tpu.vector_store %arg11[%swap3A_784, %swap3A_785], %swap3A_788 {strides = array<i32>} : memref<100x128xf32, #tpu.memory_space<vmem>>, vector<1x16xf32>,
        %get3A_789 = arith.index_cast %scan3A_690 : i32 to index
        %get3A_790 = arith.constant 112 : index
        %get3A_791 = tpu.vector_load %arg11[%get3A_789, %get3A_790] {strides = array<i32>} : memref<100x128xf32, #tpu.memory_space<vmem>>, vector<1x16xf32>,
        %get3A_792 = vector.shape_cast %get3A_791 : vector<1x16xf32> to vector<16xf32>
        %mul3A_793 = arith.mulf %get3A_792, %gather3A_719 : vector<16xf32>
        %swap3A_794 = arith.index_cast %scan3A_690 : i32 to index
        %swap3A_795 = arith.constant 112 : index
        %swap3A_796 = tpu.vector_load %arg11[%swap3A_794, %swap3A_795] {strides = array<i32>} : memref<100x128xf32, #tpu.memory_space<vmem>>, vector<1x16xf32>,
        %swap3A_797 = vector.shape_cast %swap3A_796 : vector<1x16xf32> to vector<16xf32>
        %swap3A_798 = vector.shape_cast %mul3A_793 : vector<16xf32> to vector<1x16xf32>
        tpu.vector_store %arg11[%swap3A_794, %swap3A_795], %swap3A_798 {strides = array<i32>} : memref<100x128xf32, #tpu.memory_space<vmem>>, vector<1x16xf32>,
      }
      %scan3A_335 = arith.constant 100 : i32
      %dma_wait3A_336 = arith.constant 8 : i32
      %dma_wait3A_337 = arith.constant 0 : i32
      %dma_wait3A_338 = tpu.memref_slice %arg9[%dma_wait3A_336, %dma_wait3A_337] : memref<20x100xi32, #tpu.memory_space<vmem>> -> memref<1x100xi32, #tpu.memory_space<vmem>>
      %dma_wait3A_339 = tpu.memref_squeeze %dma_wait3A_338 : memref<1x100xi32, #tpu.memory_space<vmem>> -> memref<100xi32, #tpu.memory_space<vmem>>
      %dma_wait3A_340 = arith.constant 0 : i32
      %dma_wait3A_341 = arith.constant 0 : i32
      %dma_wait3A_342 = tpu.memref_slice %arg14[%dma_wait3A_340, %dma_wait3A_341] : memref<10000x128xf32, #tpu.memory_space<vmem_shared>> -> memref<10000x128xf32, #tpu.memory_space<vmem_shared>>
      tpu.wait_indirect_dma semaphore(%arg20 : memref<!tpu.dma_semaphore, #tpu.memory_space<semaphore_mem>>) src(%arg13 : memref<100x128xf32, #tpu.memory_space<vmem>>) dst(%dma_wait3A_342 : memref<10000x128xf32, #tpu.memory_space<vmem_shared>>)
      %dma_start3A_343 = arith.constant 11 : i32
      %dma_start3A_344 = arith.constant 0 : i32
      %dma_start3A_345 = tpu.memref_slice %arg8[%dma_start3A_343, %dma_start3A_344] : memref<20x100xi32, #tpu.memory_space<vmem>> -> memref<1x100xi32, #tpu.memory_space<vmem>>
      %dma_start3A_346 = tpu.memref_squeeze %dma_start3A_345 : memref<1x100xi32, #tpu.memory_space<vmem>> -> memref<100xi32, #tpu.memory_space<vmem>>
      %dma_start3A_347 = arith.constant 0 : i32
      %dma_start3A_348 = arith.constant 0 : i32
      %dma_start3A_349 = tpu.memref_slice %arg2[%dma_start3A_347, %dma_start3A_348] : memref<10000x128xf32, #tpu.memory_space<hbm>> -> memref<10000x128xf32, #tpu.memory_space<hbm>>
      tpu.enqueue_indirect_dma source(%dma_start3A_349 : memref<10000x128xf32, #tpu.memory_space<hbm>>) target(%arg13 : memref<100x128xf32, #tpu.memory_space<vmem>>) offsets(%dma_start3A_346 : memref<100xi32, #tpu.memory_space<vmem>>) semaphore(%arg17 : memref<!tpu.dma_semaphore, #tpu.memory_space<semaphore_mem>>)
      %dma_start3A_350 = arith.constant 9 : i32
      %dma_start3A_351 = arith.constant 0 : i32
      %dma_start3A_352 = tpu.memref_slice %arg9[%dma_start3A_350, %dma_start3A_351] : memref<20x100xi32, #tpu.memory_space<vmem>> -> memref<1x100xi32, #tpu.memory_space<vmem>>
      %dma_start3A_353 = tpu.memref_squeeze %dma_start3A_352 : memref<1x100xi32, #tpu.memory_space<vmem>> -> memref<100xi32, #tpu.memory_space<vmem>>
      %dma_start3A_354 = arith.constant 0 : i32
      %dma_start3A_355 = arith.constant 0 : i32
      %dma_start3A_356 = tpu.memref_slice %arg14[%dma_start3A_354, %dma_start3A_355] : memref<10000x128xf32, #tpu.memory_space<vmem_shared>> -> memref<10000x128xf32, #tpu.memory_space<vmem_shared>>
      tpu.enqueue_indirect_dma source(%arg11 : memref<100x128xf32, #tpu.memory_space<vmem>>) target(%dma_start3A_356 : memref<10000x128xf32, #tpu.memory_space<vmem_shared>>) offsets(%dma_start3A_353 : memref<100xi32, #tpu.memory_space<vmem>>) semaphore(%arg18 : memref<!tpu.dma_semaphore, #tpu.memory_space<semaphore_mem>>) {add = true}
      %dma_wait3A_357 = arith.constant 10 : i32
      %dma_wait3A_358 = arith.constant 0 : i32
      %dma_wait3A_359 = tpu.memref_slice %arg8[%dma_wait3A_357, %dma_wait3A_358] : memref<20x100xi32, #tpu.memory_space<vmem>> -> memref<1x100xi32, #tpu.memory_space<vmem>>
      %dma_wait3A_360 = tpu.memref_squeeze %dma_wait3A_359 : memref<1x100xi32, #tpu.memory_space<vmem>> -> memref<100xi32, #tpu.memory_space<vmem>>
      %dma_wait3A_361 = arith.constant 0 : i32
      %dma_wait3A_362 = arith.constant 0 : i32
      %dma_wait3A_363 = tpu.memref_slice %arg2[%dma_wait3A_361, %dma_wait3A_362] : memref<10000x128xf32, #tpu.memory_space<hbm>> -> memref<10000x128xf32, #tpu.memory_space<hbm>>
      tpu.wait_indirect_dma semaphore(%arg16 : memref<!tpu.dma_semaphore, #tpu.memory_space<semaphore_mem>>) src(%dma_wait3A_363 : memref<10000x128xf32, #tpu.memory_space<hbm>>) dst(%arg12 : memref<100x128xf32, #tpu.memory_space<vmem>>)
      %scan3A_364 = arith.constant 0 : i32
      %scan3A_365 = arith.constant 0 : i32
      %scan3A_366 = arith.constant 100 : i32
      %scan3A_367 = arith.addi %scan3A_365, %scan3A_366 : i32
      %scan3A_368 = arith.constant 1 : i32
      scf.for %scan3A_690 = %scan3A_365 to %scan3A_367 step %scan3A_368  : i32 {
        %jit3A = arith.constant 16 : i32
        %div3A = arith.divsi %scan3A_690, %jit3A : i32
        %sign3A = arith.constant 0 : i32
        %sign3A_691 = arith.cmpi sgt, %scan3A_690, %sign3A : i32
        %sign3A_692 = arith.extui %sign3A_691 : i1 to i32
        %sign3A_693 = arith.constant 0 : i32
        %sign3A_694 = arith.cmpi slt, %scan3A_690, %sign3A_693 : i32
        %sign3A_695 = arith.extui %sign3A_694 : i1 to i32
        %sign3A_696 = arith.subi %sign3A_692, %sign3A_695 : i32
        %sign3A_697 = arith.constant 0 : i32
        %sign3A_698 = arith.cmpi sgt, %jit3A, %sign3A_697 : i32
        %sign3A_699 = arith.extui %sign3A_698 : i1 to i32
        %sign3A_700 = arith.constant 0 : i32
        %sign3A_701 = arith.cmpi slt, %jit3A, %sign3A_700 : i32
        %sign3A_702 = arith.extui %sign3A_701 : i1 to i32
        %sign3A_703 = arith.subi %sign3A_699, %sign3A_702 : i32
        %ne3A = arith.cmpi ne, %sign3A_696, %sign3A_703 : i32
        %rem3A = arith.remsi %scan3A_690, %jit3A : i32
        %ne3A_704 = arith.constant 0 : i32
        %ne3A_705 = arith.cmpi ne, %rem3A, %ne3A_704 : i32
        %and3A = arith.andi %ne3A, %ne3A_705 : i1
        %sub3A = arith.constant 1 : i32
        %sub3A_706 = arith.subi %div3A, %sub3A : i32
        %select_n3A = arith.select %and3A, %sub3A_706, %div3A : i32
        %mul3A_707 = arith.constant 16 : i32
        %mul3A_708 = arith.muli %select_n3A, %mul3A_707 : i32
        %min3A = arith.constant 84 : i32
        %min3A_709 = arith.minsi %mul3A_708, %min3A : i32
        %get3A = arith.constant 10 : i32
        %get3A_710 = arith.index_cast %get3A : i32 to index
        %get3A_711 = arith.index_cast %min3A_709 : i32 to index
        %get3A_712 = tpu.vector_load %arg10[%get3A_710, %get3A_711] {strides = array<i32>} : memref<20x100xf32, #tpu.memory_space<vmem>>, vector<1x16xf32>,
        %get3A_713 = vector.shape_cast %get3A_712 : vector<1x16xf32> to vector<16xf32>
        %broadcast_in_dim3A = arith.constant 0 : i32
        %broadcast_in_dim3A_714 = vector.broadcast %broadcast_in_dim3A : i32 to vector<16xi32>
        %sub3A_715 = arith.subi %scan3A_690, %min3A_709 : i32
        %add3A_716 = vector.broadcast %sub3A_715 : i32 to vector<16xi32>
        %add3A_717 = arith.addi %broadcast_in_dim3A_714, %add3A_716 : vector<16xi32>
        %broadcast_in_dim3A_718 = vector.shape_cast %add3A_717 : vector<16xi32> to vector<16x1xi32>
        %gather3A = vector.shape_cast %broadcast_in_dim3A_718 : vector<16x1xi32> to vector<16xi32>
        %gather3A_719 = tpu.dynamic_gather %get3A_713[%gather3A] in [0] : vector<16xf32>, vector<16xi32> -> vector<16xf32>
        %get3A_720 = arith.index_cast %scan3A_690 : i32 to index
        %get3A_721 = arith.constant 0 : index
        %get3A_722 = tpu.vector_load %arg12[%get3A_720, %get3A_721] {strides = array<i32>} : memref<100x128xf32, #tpu.memory_space<vmem>>, vector<1x16xf32>,
        %get3A_723 = vector.shape_cast %get3A_722 : vector<1x16xf32> to vector<16xf32>
        %mul3A_724 = arith.mulf %get3A_723, %gather3A_719 : vector<16xf32>
        %swap3A = arith.index_cast %scan3A_690 : i32 to index
        %swap3A_725 = arith.constant 0 : index
        %swap3A_726 = tpu.vector_load %arg12[%swap3A, %swap3A_725] {strides = array<i32>} : memref<100x128xf32, #tpu.memory_space<vmem>>, vector<1x16xf32>,
        %swap3A_727 = vector.shape_cast %swap3A_726 : vector<1x16xf32> to vector<16xf32>
        %swap3A_728 = vector.shape_cast %mul3A_724 : vector<16xf32> to vector<1x16xf32>
        tpu.vector_store %arg12[%swap3A, %swap3A_725], %swap3A_728 {strides = array<i32>} : memref<100x128xf32, #tpu.memory_space<vmem>>, vector<1x16xf32>,
        %get3A_729 = arith.index_cast %scan3A_690 : i32 to index
        %get3A_730 = arith.constant 16 : index
        %get3A_731 = tpu.vector_load %arg12[%get3A_729, %get3A_730] {strides = array<i32>} : memref<100x128xf32, #tpu.memory_space<vmem>>, vector<1x16xf32>,
        %get3A_732 = vector.shape_cast %get3A_731 : vector<1x16xf32> to vector<16xf32>
        %mul3A_733 = arith.mulf %get3A_732, %gather3A_719 : vector<16xf32>
        %swap3A_734 = arith.index_cast %scan3A_690 : i32 to index
        %swap3A_735 = arith.constant 16 : index
        %swap3A_736 = tpu.vector_load %arg12[%swap3A_734, %swap3A_735] {strides = array<i32>} : memref<100x128xf32, #tpu.memory_space<vmem>>, vector<1x16xf32>,
        %swap3A_737 = vector.shape_cast %swap3A_736 : vector<1x16xf32> to vector<16xf32>
        %swap3A_738 = vector.shape_cast %mul3A_733 : vector<16xf32> to vector<1x16xf32>
        tpu.vector_store %arg12[%swap3A_734, %swap3A_735], %swap3A_738 {strides = array<i32>} : memref<100x128xf32, #tpu.memory_space<vmem>>, vector<1x16xf32>,
        %get3A_739 = arith.index_cast %scan3A_690 : i32 to index
        %get3A_740 = arith.constant 32 : index
        %get3A_741 = tpu.vector_load %arg12[%get3A_739, %get3A_740] {strides = array<i32>} : memref<100x128xf32, #tpu.memory_space<vmem>>, vector<1x16xf32>,
        %get3A_742 = vector.shape_cast %get3A_741 : vector<1x16xf32> to vector<16xf32>
        %mul3A_743 = arith.mulf %get3A_742, %gather3A_719 : vector<16xf32>
        %swap3A_744 = arith.index_cast %scan3A_690 : i32 to index
        %swap3A_745 = arith.constant 32 : index
        %swap3A_746 = tpu.vector_load %arg12[%swap3A_744, %swap3A_745] {strides = array<i32>} : memref<100x128xf32, #tpu.memory_space<vmem>>, vector<1x16xf32>,
        %swap3A_747 = vector.shape_cast %swap3A_746 : vector<1x16xf32> to vector<16xf32>
        %swap3A_748 = vector.shape_cast %mul3A_743 : vector<16xf32> to vector<1x16xf32>
        tpu.vector_store %arg12[%swap3A_744, %swap3A_745], %swap3A_748 {strides = array<i32>} : memref<100x128xf32, #tpu.memory_space<vmem>>, vector<1x16xf32>,
        %get3A_749 = arith.index_cast %scan3A_690 : i32 to index
        %get3A_750 = arith.constant 48 : index
        %get3A_751 = tpu.vector_load %arg12[%get3A_749, %get3A_750] {strides = array<i32>} : memref<100x128xf32, #tpu.memory_space<vmem>>, vector<1x16xf32>,
        %get3A_752 = vector.shape_cast %get3A_751 : vector<1x16xf32> to vector<16xf32>
        %mul3A_753 = arith.mulf %get3A_752, %gather3A_719 : vector<16xf32>
        %swap3A_754 = arith.index_cast %scan3A_690 : i32 to index
        %swap3A_755 = arith.constant 48 : index
        %swap3A_756 = tpu.vector_load %arg12[%swap3A_754, %swap3A_755] {strides = array<i32>} : memref<100x128xf32, #tpu.memory_space<vmem>>, vector<1x16xf32>,
        %swap3A_757 = vector.shape_cast %swap3A_756 : vector<1x16xf32> to vector<16xf32>
        %swap3A_758 = vector.shape_cast %mul3A_753 : vector<16xf32> to vector<1x16xf32>
        tpu.vector_store %arg12[%swap3A_754, %swap3A_755], %swap3A_758 {strides = array<i32>} : memref<100x128xf32, #tpu.memory_space<vmem>>, vector<1x16xf32>,
        %get3A_759 = arith.index_cast %scan3A_690 : i32 to index
        %get3A_760 = arith.constant 64 : index
        %get3A_761 = tpu.vector_load %arg12[%get3A_759, %get3A_760] {strides = array<i32>} : memref<100x128xf32, #tpu.memory_space<vmem>>, vector<1x16xf32>,
        %get3A_762 = vector.shape_cast %get3A_761 : vector<1x16xf32> to vector<16xf32>
        %mul3A_763 = arith.mulf %get3A_762, %gather3A_719 : vector<16xf32>
        %swap3A_764 = arith.index_cast %scan3A_690 : i32 to index
        %swap3A_765 = arith.constant 64 : index
        %swap3A_766 = tpu.vector_load %arg12[%swap3A_764, %swap3A_765] {strides = array<i32>} : memref<100x128xf32, #tpu.memory_space<vmem>>, vector<1x16xf32>,
        %swap3A_767 = vector.shape_cast %swap3A_766 : vector<1x16xf32> to vector<16xf32>
        %swap3A_768 = vector.shape_cast %mul3A_763 : vector<16xf32> to vector<1x16xf32>
        tpu.vector_store %arg12[%swap3A_764, %swap3A_765], %swap3A_768 {strides = array<i32>} : memref<100x128xf32, #tpu.memory_space<vmem>>, vector<1x16xf32>,
        %get3A_769 = arith.index_cast %scan3A_690 : i32 to index
        %get3A_770 = arith.constant 80 : index
        %get3A_771 = tpu.vector_load %arg12[%get3A_769, %get3A_770] {strides = array<i32>} : memref<100x128xf32, #tpu.memory_space<vmem>>, vector<1x16xf32>,
        %get3A_772 = vector.shape_cast %get3A_771 : vector<1x16xf32> to vector<16xf32>
        %mul3A_773 = arith.mulf %get3A_772, %gather3A_719 : vector<16xf32>
        %swap3A_774 = arith.index_cast %scan3A_690 : i32 to index
        %swap3A_775 = arith.constant 80 : index
        %swap3A_776 = tpu.vector_load %arg12[%swap3A_774, %swap3A_775] {strides = array<i32>} : memref<100x128xf32, #tpu.memory_space<vmem>>, vector<1x16xf32>,
        %swap3A_777 = vector.shape_cast %swap3A_776 : vector<1x16xf32> to vector<16xf32>
        %swap3A_778 = vector.shape_cast %mul3A_773 : vector<16xf32> to vector<1x16xf32>
        tpu.vector_store %arg12[%swap3A_774, %swap3A_775], %swap3A_778 {strides = array<i32>} : memref<100x128xf32, #tpu.memory_space<vmem>>, vector<1x16xf32>,
        %get3A_779 = arith.index_cast %scan3A_690 : i32 to index
        %get3A_780 = arith.constant 96 : index
        %get3A_781 = tpu.vector_load %arg12[%get3A_779, %get3A_780] {strides = array<i32>} : memref<100x128xf32, #tpu.memory_space<vmem>>, vector<1x16xf32>,
        %get3A_782 = vector.shape_cast %get3A_781 : vector<1x16xf32> to vector<16xf32>
        %mul3A_783 = arith.mulf %get3A_782, %gather3A_719 : vector<16xf32>
        %swap3A_784 = arith.index_cast %scan3A_690 : i32 to index
        %swap3A_785 = arith.constant 96 : index
        %swap3A_786 = tpu.vector_load %arg12[%swap3A_784, %swap3A_785] {strides = array<i32>} : memref<100x128xf32, #tpu.memory_space<vmem>>, vector<1x16xf32>,
        %swap3A_787 = vector.shape_cast %swap3A_786 : vector<1x16xf32> to vector<16xf32>
        %swap3A_788 = vector.shape_cast %mul3A_783 : vector<16xf32> to vector<1x16xf32>
        tpu.vector_store %arg12[%swap3A_784, %swap3A_785], %swap3A_788 {strides = array<i32>} : memref<100x128xf32, #tpu.memory_space<vmem>>, vector<1x16xf32>,
        %get3A_789 = arith.index_cast %scan3A_690 : i32 to index
        %get3A_790 = arith.constant 112 : index
        %get3A_791 = tpu.vector_load %arg12[%get3A_789, %get3A_790] {strides = array<i32>} : memref<100x128xf32, #tpu.memory_space<vmem>>, vector<1x16xf32>,
        %get3A_792 = vector.shape_cast %get3A_791 : vector<1x16xf32> to vector<16xf32>
        %mul3A_793 = arith.mulf %get3A_792, %gather3A_719 : vector<16xf32>
        %swap3A_794 = arith.index_cast %scan3A_690 : i32 to index
        %swap3A_795 = arith.constant 112 : index
        %swap3A_796 = tpu.vector_load %arg12[%swap3A_794, %swap3A_795] {strides = array<i32>} : memref<100x128xf32, #tpu.memory_space<vmem>>, vector<1x16xf32>,
        %swap3A_797 = vector.shape_cast %swap3A_796 : vector<1x16xf32> to vector<16xf32>
        %swap3A_798 = vector.shape_cast %mul3A_793 : vector<16xf32> to vector<1x16xf32>
        tpu.vector_store %arg12[%swap3A_794, %swap3A_795], %swap3A_798 {strides = array<i32>} : memref<100x128xf32, #tpu.memory_space<vmem>>, vector<1x16xf32>,
      }
      %scan3A_369 = arith.constant 100 : i32
      %dma_wait3A_370 = arith.constant 9 : i32
      %dma_wait3A_371 = arith.constant 0 : i32
      %dma_wait3A_372 = tpu.memref_slice %arg9[%dma_wait3A_370, %dma_wait3A_371] : memref<20x100xi32, #tpu.memory_space<vmem>> -> memref<1x100xi32, #tpu.memory_space<vmem>>
      %dma_wait3A_373 = tpu.memref_squeeze %dma_wait3A_372 : memref<1x100xi32, #tpu.memory_space<vmem>> -> memref<100xi32, #tpu.memory_space<vmem>>
      %dma_wait3A_374 = arith.constant 0 : i32
      %dma_wait3A_375 = arith.constant 0 : i32
      %dma_wait3A_376 = tpu.memref_slice %arg14[%dma_wait3A_374, %dma_wait3A_375] : memref<10000x128xf32, #tpu.memory_space<vmem_shared>> -> memref<10000x128xf32, #tpu.memory_space<vmem_shared>>
      tpu.wait_indirect_dma semaphore(%arg18 : memref<!tpu.dma_semaphore, #tpu.memory_space<semaphore_mem>>) src(%arg11 : memref<100x128xf32, #tpu.memory_space<vmem>>) dst(%dma_wait3A_376 : memref<10000x128xf32, #tpu.memory_space<vmem_shared>>)
      %dma_start3A_377 = arith.constant 12 : i32
      %dma_start3A_378 = arith.constant 0 : i32
      %dma_start3A_379 = tpu.memref_slice %arg8[%dma_start3A_377, %dma_start3A_378] : memref<20x100xi32, #tpu.memory_space<vmem>> -> memref<1x100xi32, #tpu.memory_space<vmem>>
      %dma_start3A_380 = tpu.memref_squeeze %dma_start3A_379 : memref<1x100xi32, #tpu.memory_space<vmem>> -> memref<100xi32, #tpu.memory_space<vmem>>
      %dma_start3A_381 = arith.constant 0 : i32
      %dma_start3A_382 = arith.constant 0 : i32
      %dma_start3A_383 = tpu.memref_slice %arg2[%dma_start3A_381, %dma_start3A_382] : memref<10000x128xf32, #tpu.memory_space<hbm>> -> memref<10000x128xf32, #tpu.memory_space<hbm>>
      tpu.enqueue_indirect_dma source(%dma_start3A_383 : memref<10000x128xf32, #tpu.memory_space<hbm>>) target(%arg11 : memref<100x128xf32, #tpu.memory_space<vmem>>) offsets(%dma_start3A_380 : memref<100xi32, #tpu.memory_space<vmem>>) semaphore(%arg15 : memref<!tpu.dma_semaphore, #tpu.memory_space<semaphore_mem>>)
      %dma_start3A_384 = arith.constant 10 : i32
      %dma_start3A_385 = arith.constant 0 : i32
      %dma_start3A_386 = tpu.memref_slice %arg9[%dma_start3A_384, %dma_start3A_385] : memref<20x100xi32, #tpu.memory_space<vmem>> -> memref<1x100xi32, #tpu.memory_space<vmem>>
      %dma_start3A_387 = tpu.memref_squeeze %dma_start3A_386 : memref<1x100xi32, #tpu.memory_space<vmem>> -> memref<100xi32, #tpu.memory_space<vmem>>
      %dma_start3A_388 = arith.constant 0 : i32
      %dma_start3A_389 = arith.constant 0 : i32
      %dma_start3A_390 = tpu.memref_slice %arg14[%dma_start3A_388, %dma_start3A_389] : memref<10000x128xf32, #tpu.memory_space<vmem_shared>> -> memref<10000x128xf32, #tpu.memory_space<vmem_shared>>
      tpu.enqueue_indirect_dma source(%arg12 : memref<100x128xf32, #tpu.memory_space<vmem>>) target(%dma_start3A_390 : memref<10000x128xf32, #tpu.memory_space<vmem_shared>>) offsets(%dma_start3A_387 : memref<100xi32, #tpu.memory_space<vmem>>) semaphore(%arg19 : memref<!tpu.dma_semaphore, #tpu.memory_space<semaphore_mem>>) {add = true}
      %dma_wait3A_391 = arith.constant 11 : i32
      %dma_wait3A_392 = arith.constant 0 : i32
      %dma_wait3A_393 = tpu.memref_slice %arg8[%dma_wait3A_391, %dma_wait3A_392] : memref<20x100xi32, #tpu.memory_space<vmem>> -> memref<1x100xi32, #tpu.memory_space<vmem>>
      %dma_wait3A_394 = tpu.memref_squeeze %dma_wait3A_393 : memref<1x100xi32, #tpu.memory_space<vmem>> -> memref<100xi32, #tpu.memory_space<vmem>>
      %dma_wait3A_395 = arith.constant 0 : i32
      %dma_wait3A_396 = arith.constant 0 : i32
      %dma_wait3A_397 = tpu.memref_slice %arg2[%dma_wait3A_395, %dma_wait3A_396] : memref<10000x128xf32, #tpu.memory_space<hbm>> -> memref<10000x128xf32, #tpu.memory_space<hbm>>
      tpu.wait_indirect_dma semaphore(%arg17 : memref<!tpu.dma_semaphore, #tpu.memory_space<semaphore_mem>>) src(%dma_wait3A_397 : memref<10000x128xf32, #tpu.memory_space<hbm>>) dst(%arg13 : memref<100x128xf32, #tpu.memory_space<vmem>>)
      %scan3A_398 = arith.constant 0 : i32
      %scan3A_399 = arith.constant 0 : i32
      %scan3A_400 = arith.constant 100 : i32
      %scan3A_401 = arith.addi %scan3A_399, %scan3A_400 : i32
      %scan3A_402 = arith.constant 1 : i32
      scf.for %scan3A_690 = %scan3A_399 to %scan3A_401 step %scan3A_402  : i32 {
        %jit3A = arith.constant 16 : i32
        %div3A = arith.divsi %scan3A_690, %jit3A : i32
        %sign3A = arith.constant 0 : i32
        %sign3A_691 = arith.cmpi sgt, %scan3A_690, %sign3A : i32
        %sign3A_692 = arith.extui %sign3A_691 : i1 to i32
        %sign3A_693 = arith.constant 0 : i32
        %sign3A_694 = arith.cmpi slt, %scan3A_690, %sign3A_693 : i32
        %sign3A_695 = arith.extui %sign3A_694 : i1 to i32
        %sign3A_696 = arith.subi %sign3A_692, %sign3A_695 : i32
        %sign3A_697 = arith.constant 0 : i32
        %sign3A_698 = arith.cmpi sgt, %jit3A, %sign3A_697 : i32
        %sign3A_699 = arith.extui %sign3A_698 : i1 to i32
        %sign3A_700 = arith.constant 0 : i32
        %sign3A_701 = arith.cmpi slt, %jit3A, %sign3A_700 : i32
        %sign3A_702 = arith.extui %sign3A_701 : i1 to i32
        %sign3A_703 = arith.subi %sign3A_699, %sign3A_702 : i32
        %ne3A = arith.cmpi ne, %sign3A_696, %sign3A_703 : i32
        %rem3A = arith.remsi %scan3A_690, %jit3A : i32
        %ne3A_704 = arith.constant 0 : i32
        %ne3A_705 = arith.cmpi ne, %rem3A, %ne3A_704 : i32
        %and3A = arith.andi %ne3A, %ne3A_705 : i1
        %sub3A = arith.constant 1 : i32
        %sub3A_706 = arith.subi %div3A, %sub3A : i32
        %select_n3A = arith.select %and3A, %sub3A_706, %div3A : i32
        %mul3A_707 = arith.constant 16 : i32
        %mul3A_708 = arith.muli %select_n3A, %mul3A_707 : i32
        %min3A = arith.constant 84 : i32
        %min3A_709 = arith.minsi %mul3A_708, %min3A : i32
        %get3A = arith.constant 11 : i32
        %get3A_710 = arith.index_cast %get3A : i32 to index
        %get3A_711 = arith.index_cast %min3A_709 : i32 to index
        %get3A_712 = tpu.vector_load %arg10[%get3A_710, %get3A_711] {strides = array<i32>} : memref<20x100xf32, #tpu.memory_space<vmem>>, vector<1x16xf32>,
        %get3A_713 = vector.shape_cast %get3A_712 : vector<1x16xf32> to vector<16xf32>
        %broadcast_in_dim3A = arith.constant 0 : i32
        %broadcast_in_dim3A_714 = vector.broadcast %broadcast_in_dim3A : i32 to vector<16xi32>
        %sub3A_715 = arith.subi %scan3A_690, %min3A_709 : i32
        %add3A_716 = vector.broadcast %sub3A_715 : i32 to vector<16xi32>
        %add3A_717 = arith.addi %broadcast_in_dim3A_714, %add3A_716 : vector<16xi32>
        %broadcast_in_dim3A_718 = vector.shape_cast %add3A_717 : vector<16xi32> to vector<16x1xi32>
        %gather3A = vector.shape_cast %broadcast_in_dim3A_718 : vector<16x1xi32> to vector<16xi32>
        %gather3A_719 = tpu.dynamic_gather %get3A_713[%gather3A] in [0] : vector<16xf32>, vector<16xi32> -> vector<16xf32>
        %get3A_720 = arith.index_cast %scan3A_690 : i32 to index
        %get3A_721 = arith.constant 0 : index
        %get3A_722 = tpu.vector_load %arg13[%get3A_720, %get3A_721] {strides = array<i32>} : memref<100x128xf32, #tpu.memory_space<vmem>>, vector<1x16xf32>,
        %get3A_723 = vector.shape_cast %get3A_722 : vector<1x16xf32> to vector<16xf32>
        %mul3A_724 = arith.mulf %get3A_723, %gather3A_719 : vector<16xf32>
        %swap3A = arith.index_cast %scan3A_690 : i32 to index
        %swap3A_725 = arith.constant 0 : index
        %swap3A_726 = tpu.vector_load %arg13[%swap3A, %swap3A_725] {strides = array<i32>} : memref<100x128xf32, #tpu.memory_space<vmem>>, vector<1x16xf32>,
        %swap3A_727 = vector.shape_cast %swap3A_726 : vector<1x16xf32> to vector<16xf32>
        %swap3A_728 = vector.shape_cast %mul3A_724 : vector<16xf32> to vector<1x16xf32>
        tpu.vector_store %arg13[%swap3A, %swap3A_725], %swap3A_728 {strides = array<i32>} : memref<100x128xf32, #tpu.memory_space<vmem>>, vector<1x16xf32>,
        %get3A_729 = arith.index_cast %scan3A_690 : i32 to index
        %get3A_730 = arith.constant 16 : index
        %get3A_731 = tpu.vector_load %arg13[%get3A_729, %get3A_730] {strides = array<i32>} : memref<100x128xf32, #tpu.memory_space<vmem>>, vector<1x16xf32>,
        %get3A_732 = vector.shape_cast %get3A_731 : vector<1x16xf32> to vector<16xf32>
        %mul3A_733 = arith.mulf %get3A_732, %gather3A_719 : vector<16xf32>
        %swap3A_734 = arith.index_cast %scan3A_690 : i32 to index
        %swap3A_735 = arith.constant 16 : index
        %swap3A_736 = tpu.vector_load %arg13[%swap3A_734, %swap3A_735] {strides = array<i32>} : memref<100x128xf32, #tpu.memory_space<vmem>>, vector<1x16xf32>,
        %swap3A_737 = vector.shape_cast %swap3A_736 : vector<1x16xf32> to vector<16xf32>
        %swap3A_738 = vector.shape_cast %mul3A_733 : vector<16xf32> to vector<1x16xf32>
        tpu.vector_store %arg13[%swap3A_734, %swap3A_735], %swap3A_738 {strides = array<i32>} : memref<100x128xf32, #tpu.memory_space<vmem>>, vector<1x16xf32>,
        %get3A_739 = arith.index_cast %scan3A_690 : i32 to index
        %get3A_740 = arith.constant 32 : index
        %get3A_741 = tpu.vector_load %arg13[%get3A_739, %get3A_740] {strides = array<i32>} : memref<100x128xf32, #tpu.memory_space<vmem>>, vector<1x16xf32>,
        %get3A_742 = vector.shape_cast %get3A_741 : vector<1x16xf32> to vector<16xf32>
        %mul3A_743 = arith.mulf %get3A_742, %gather3A_719 : vector<16xf32>
        %swap3A_744 = arith.index_cast %scan3A_690 : i32 to index
        %swap3A_745 = arith.constant 32 : index
        %swap3A_746 = tpu.vector_load %arg13[%swap3A_744, %swap3A_745] {strides = array<i32>} : memref<100x128xf32, #tpu.memory_space<vmem>>, vector<1x16xf32>,
        %swap3A_747 = vector.shape_cast %swap3A_746 : vector<1x16xf32> to vector<16xf32>
        %swap3A_748 = vector.shape_cast %mul3A_743 : vector<16xf32> to vector<1x16xf32>
        tpu.vector_store %arg13[%swap3A_744, %swap3A_745], %swap3A_748 {strides = array<i32>} : memref<100x128xf32, #tpu.memory_space<vmem>>, vector<1x16xf32>,
        %get3A_749 = arith.index_cast %scan3A_690 : i32 to index
        %get3A_750 = arith.constant 48 : index
        %get3A_751 = tpu.vector_load %arg13[%get3A_749, %get3A_750] {strides = array<i32>} : memref<100x128xf32, #tpu.memory_space<vmem>>, vector<1x16xf32>,
        %get3A_752 = vector.shape_cast %get3A_751 : vector<1x16xf32> to vector<16xf32>
        %mul3A_753 = arith.mulf %get3A_752, %gather3A_719 : vector<16xf32>
        %swap3A_754 = arith.index_cast %scan3A_690 : i32 to index
        %swap3A_755 = arith.constant 48 : index
        %swap3A_756 = tpu.vector_load %arg13[%swap3A_754, %swap3A_755] {strides = array<i32>} : memref<100x128xf32, #tpu.memory_space<vmem>>, vector<1x16xf32>,
        %swap3A_757 = vector.shape_cast %swap3A_756 : vector<1x16xf32> to vector<16xf32>
        %swap3A_758 = vector.shape_cast %mul3A_753 : vector<16xf32> to vector<1x16xf32>
        tpu.vector_store %arg13[%swap3A_754, %swap3A_755], %swap3A_758 {strides = array<i32>} : memref<100x128xf32, #tpu.memory_space<vmem>>, vector<1x16xf32>,
        %get3A_759 = arith.index_cast %scan3A_690 : i32 to index
        %get3A_760 = arith.constant 64 : index
        %get3A_761 = tpu.vector_load %arg13[%get3A_759, %get3A_760] {strides = array<i32>} : memref<100x128xf32, #tpu.memory_space<vmem>>, vector<1x16xf32>,
        %get3A_762 = vector.shape_cast %get3A_761 : vector<1x16xf32> to vector<16xf32>
        %mul3A_763 = arith.mulf %get3A_762, %gather3A_719 : vector<16xf32>
        %swap3A_764 = arith.index_cast %scan3A_690 : i32 to index
        %swap3A_765 = arith.constant 64 : index
        %swap3A_766 = tpu.vector_load %arg13[%swap3A_764, %swap3A_765] {strides = array<i32>} : memref<100x128xf32, #tpu.memory_space<vmem>>, vector<1x16xf32>,
        %swap3A_767 = vector.shape_cast %swap3A_766 : vector<1x16xf32> to vector<16xf32>
        %swap3A_768 = vector.shape_cast %mul3A_763 : vector<16xf32> to vector<1x16xf32>
        tpu.vector_store %arg13[%swap3A_764, %swap3A_765], %swap3A_768 {strides = array<i32>} : memref<100x128xf32, #tpu.memory_space<vmem>>, vector<1x16xf32>,
        %get3A_769 = arith.index_cast %scan3A_690 : i32 to index
        %get3A_770 = arith.constant 80 : index
        %get3A_771 = tpu.vector_load %arg13[%get3A_769, %get3A_770] {strides = array<i32>} : memref<100x128xf32, #tpu.memory_space<vmem>>, vector<1x16xf32>,
        %get3A_772 = vector.shape_cast %get3A_771 : vector<1x16xf32> to vector<16xf32>
        %mul3A_773 = arith.mulf %get3A_772, %gather3A_719 : vector<16xf32>
        %swap3A_774 = arith.index_cast %scan3A_690 : i32 to index
        %swap3A_775 = arith.constant 80 : index
        %swap3A_776 = tpu.vector_load %arg13[%swap3A_774, %swap3A_775] {strides = array<i32>} : memref<100x128xf32, #tpu.memory_space<vmem>>, vector<1x16xf32>,
        %swap3A_777 = vector.shape_cast %swap3A_776 : vector<1x16xf32> to vector<16xf32>
        %swap3A_778 = vector.shape_cast %mul3A_773 : vector<16xf32> to vector<1x16xf32>
        tpu.vector_store %arg13[%swap3A_774, %swap3A_775], %swap3A_778 {strides = array<i32>} : memref<100x128xf32, #tpu.memory_space<vmem>>, vector<1x16xf32>,
        %get3A_779 = arith.index_cast %scan3A_690 : i32 to index
        %get3A_780 = arith.constant 96 : index
        %get3A_781 = tpu.vector_load %arg13[%get3A_779, %get3A_780] {strides = array<i32>} : memref<100x128xf32, #tpu.memory_space<vmem>>, vector<1x16xf32>,
        %get3A_782 = vector.shape_cast %get3A_781 : vector<1x16xf32> to vector<16xf32>
        %mul3A_783 = arith.mulf %get3A_782, %gather3A_719 : vector<16xf32>
        %swap3A_784 = arith.index_cast %scan3A_690 : i32 to index
        %swap3A_785 = arith.constant 96 : index
        %swap3A_786 = tpu.vector_load %arg13[%swap3A_784, %swap3A_785] {strides = array<i32>} : memref<100x128xf32, #tpu.memory_space<vmem>>, vector<1x16xf32>,
        %swap3A_787 = vector.shape_cast %swap3A_786 : vector<1x16xf32> to vector<16xf32>
        %swap3A_788 = vector.shape_cast %mul3A_783 : vector<16xf32> to vector<1x16xf32>
        tpu.vector_store %arg13[%swap3A_784, %swap3A_785], %swap3A_788 {strides = array<i32>} : memref<100x128xf32, #tpu.memory_space<vmem>>, vector<1x16xf32>,
        %get3A_789 = arith.index_cast %scan3A_690 : i32 to index
        %get3A_790 = arith.constant 112 : index
        %get3A_791 = tpu.vector_load %arg13[%get3A_789, %get3A_790] {strides = array<i32>} : memref<100x128xf32, #tpu.memory_space<vmem>>, vector<1x16xf32>,
        %get3A_792 = vector.shape_cast %get3A_791 : vector<1x16xf32> to vector<16xf32>
        %mul3A_793 = arith.mulf %get3A_792, %gather3A_719 : vector<16xf32>
        %swap3A_794 = arith.index_cast %scan3A_690 : i32 to index
        %swap3A_795 = arith.constant 112 : index
        %swap3A_796 = tpu.vector_load %arg13[%swap3A_794, %swap3A_795] {strides = array<i32>} : memref<100x128xf32, #tpu.memory_space<vmem>>, vector<1x16xf32>,
        %swap3A_797 = vector.shape_cast %swap3A_796 : vector<1x16xf32> to vector<16xf32>
        %swap3A_798 = vector.shape_cast %mul3A_793 : vector<16xf32> to vector<1x16xf32>
        tpu.vector_store %arg13[%swap3A_794, %swap3A_795], %swap3A_798 {strides = array<i32>} : memref<100x128xf32, #tpu.memory_space<vmem>>, vector<1x16xf32>,
      }
      %scan3A_403 = arith.constant 100 : i32
      %dma_wait3A_404 = arith.constant 10 : i32
      %dma_wait3A_405 = arith.constant 0 : i32
      %dma_wait3A_406 = tpu.memref_slice %arg9[%dma_wait3A_404, %dma_wait3A_405] : memref<20x100xi32, #tpu.memory_space<vmem>> -> memref<1x100xi32, #tpu.memory_space<vmem>>
      %dma_wait3A_407 = tpu.memref_squeeze %dma_wait3A_406 : memref<1x100xi32, #tpu.memory_space<vmem>> -> memref<100xi32, #tpu.memory_space<vmem>>
      %dma_wait3A_408 = arith.constant 0 : i32
      %dma_wait3A_409 = arith.constant 0 : i32
      %dma_wait3A_410 = tpu.memref_slice %arg14[%dma_wait3A_408, %dma_wait3A_409] : memref<10000x128xf32, #tpu.memory_space<vmem_shared>> -> memref<10000x128xf32, #tpu.memory_space<vmem_shared>>
      tpu.wait_indirect_dma semaphore(%arg19 : memref<!tpu.dma_semaphore, #tpu.memory_space<semaphore_mem>>) src(%arg12 : memref<100x128xf32, #tpu.memory_space<vmem>>) dst(%dma_wait3A_410 : memref<10000x128xf32, #tpu.memory_space<vmem_shared>>)
      %dma_start3A_411 = arith.constant 13 : i32
      %dma_start3A_412 = arith.constant 0 : i32
      %dma_start3A_413 = tpu.memref_slice %arg8[%dma_start3A_411, %dma_start3A_412] : memref<20x100xi32, #tpu.memory_space<vmem>> -> memref<1x100xi32, #tpu.memory_space<vmem>>
      %dma_start3A_414 = tpu.memref_squeeze %dma_start3A_413 : memref<1x100xi32, #tpu.memory_space<vmem>> -> memref<100xi32, #tpu.memory_space<vmem>>
      %dma_start3A_415 = arith.constant 0 : i32
      %dma_start3A_416 = arith.constant 0 : i32
      %dma_start3A_417 = tpu.memref_slice %arg2[%dma_start3A_415, %dma_start3A_416] : memref<10000x128xf32, #tpu.memory_space<hbm>> -> memref<10000x128xf32, #tpu.memory_space<hbm>>
      tpu.enqueue_indirect_dma source(%dma_start3A_417 : memref<10000x128xf32, #tpu.memory_space<hbm>>) target(%arg12 : memref<100x128xf32, #tpu.memory_space<vmem>>) offsets(%dma_start3A_414 : memref<100xi32, #tpu.memory_space<vmem>>) semaphore(%arg16 : memref<!tpu.dma_semaphore, #tpu.memory_space<semaphore_mem>>)
      %dma_start3A_418 = arith.constant 11 : i32
      %dma_start3A_419 = arith.constant 0 : i32
      %dma_start3A_420 = tpu.memref_slice %arg9[%dma_start3A_418, %dma_start3A_419] : memref<20x100xi32, #tpu.memory_space<vmem>> -> memref<1x100xi32, #tpu.memory_space<vmem>>
      %dma_start3A_421 = tpu.memref_squeeze %dma_start3A_420 : memref<1x100xi32, #tpu.memory_space<vmem>> -> memref<100xi32, #tpu.memory_space<vmem>>
      %dma_start3A_422 = arith.constant 0 : i32
      %dma_start3A_423 = arith.constant 0 : i32
      %dma_start3A_424 = tpu.memref_slice %arg14[%dma_start3A_422, %dma_start3A_423] : memref<10000x128xf32, #tpu.memory_space<vmem_shared>> -> memref<10000x128xf32, #tpu.memory_space<vmem_shared>>
      tpu.enqueue_indirect_dma source(%arg13 : memref<100x128xf32, #tpu.memory_space<vmem>>) target(%dma_start3A_424 : memref<10000x128xf32, #tpu.memory_space<vmem_shared>>) offsets(%dma_start3A_421 : memref<100xi32, #tpu.memory_space<vmem>>) semaphore(%arg20 : memref<!tpu.dma_semaphore, #tpu.memory_space<semaphore_mem>>) {add = true}
      %dma_wait3A_425 = arith.constant 12 : i32
      %dma_wait3A_426 = arith.constant 0 : i32
      %dma_wait3A_427 = tpu.memref_slice %arg8[%dma_wait3A_425, %dma_wait3A_426] : memref<20x100xi32, #tpu.memory_space<vmem>> -> memref<1x100xi32, #tpu.memory_space<vmem>>
      %dma_wait3A_428 = tpu.memref_squeeze %dma_wait3A_427 : memref<1x100xi32, #tpu.memory_space<vmem>> -> memref<100xi32, #tpu.memory_space<vmem>>
      %dma_wait3A_429 = arith.constant 0 : i32
      %dma_wait3A_430 = arith.constant 0 : i32
      %dma_wait3A_431 = tpu.memref_slice %arg2[%dma_wait3A_429, %dma_wait3A_430] : memref<10000x128xf32, #tpu.memory_space<hbm>> -> memref<10000x128xf32, #tpu.memory_space<hbm>>
      tpu.wait_indirect_dma semaphore(%arg15 : memref<!tpu.dma_semaphore, #tpu.memory_space<semaphore_mem>>) src(%dma_wait3A_431 : memref<10000x128xf32, #tpu.memory_space<hbm>>) dst(%arg11 : memref<100x128xf32, #tpu.memory_space<vmem>>)
      %scan3A_432 = arith.constant 0 : i32
      %scan3A_433 = arith.constant 0 : i32
      %scan3A_434 = arith.constant 100 : i32
      %scan3A_435 = arith.addi %scan3A_433, %scan3A_434 : i32
      %scan3A_436 = arith.constant 1 : i32
      scf.for %scan3A_690 = %scan3A_433 to %scan3A_435 step %scan3A_436  : i32 {
        %jit3A = arith.constant 16 : i32
        %div3A = arith.divsi %scan3A_690, %jit3A : i32
        %sign3A = arith.constant 0 : i32
        %sign3A_691 = arith.cmpi sgt, %scan3A_690, %sign3A : i32
        %sign3A_692 = arith.extui %sign3A_691 : i1 to i32
        %sign3A_693 = arith.constant 0 : i32
        %sign3A_694 = arith.cmpi slt, %scan3A_690, %sign3A_693 : i32
        %sign3A_695 = arith.extui %sign3A_694 : i1 to i32
        %sign3A_696 = arith.subi %sign3A_692, %sign3A_695 : i32
        %sign3A_697 = arith.constant 0 : i32
        %sign3A_698 = arith.cmpi sgt, %jit3A, %sign3A_697 : i32
        %sign3A_699 = arith.extui %sign3A_698 : i1 to i32
        %sign3A_700 = arith.constant 0 : i32
        %sign3A_701 = arith.cmpi slt, %jit3A, %sign3A_700 : i32
        %sign3A_702 = arith.extui %sign3A_701 : i1 to i32
        %sign3A_703 = arith.subi %sign3A_699, %sign3A_702 : i32
        %ne3A = arith.cmpi ne, %sign3A_696, %sign3A_703 : i32
        %rem3A = arith.remsi %scan3A_690, %jit3A : i32
        %ne3A_704 = arith.constant 0 : i32
        %ne3A_705 = arith.cmpi ne, %rem3A, %ne3A_704 : i32
        %and3A = arith.andi %ne3A, %ne3A_705 : i1
        %sub3A = arith.constant 1 : i32
        %sub3A_706 = arith.subi %div3A, %sub3A : i32
        %select_n3A = arith.select %and3A, %sub3A_706, %div3A : i32
        %mul3A_707 = arith.constant 16 : i32
        %mul3A_708 = arith.muli %select_n3A, %mul3A_707 : i32
        %min3A = arith.constant 84 : i32
        %min3A_709 = arith.minsi %mul3A_708, %min3A : i32
        %get3A = arith.constant 12 : i32
        %get3A_710 = arith.index_cast %get3A : i32 to index
        %get3A_711 = arith.index_cast %min3A_709 : i32 to index
        %get3A_712 = tpu.vector_load %arg10[%get3A_710, %get3A_711] {strides = array<i32>} : memref<20x100xf32, #tpu.memory_space<vmem>>, vector<1x16xf32>,
        %get3A_713 = vector.shape_cast %get3A_712 : vector<1x16xf32> to vector<16xf32>
        %broadcast_in_dim3A = arith.constant 0 : i32
        %broadcast_in_dim3A_714 = vector.broadcast %broadcast_in_dim3A : i32 to vector<16xi32>
        %sub3A_715 = arith.subi %scan3A_690, %min3A_709 : i32
        %add3A_716 = vector.broadcast %sub3A_715 : i32 to vector<16xi32>
        %add3A_717 = arith.addi %broadcast_in_dim3A_714, %add3A_716 : vector<16xi32>
        %broadcast_in_dim3A_718 = vector.shape_cast %add3A_717 : vector<16xi32> to vector<16x1xi32>
        %gather3A = vector.shape_cast %broadcast_in_dim3A_718 : vector<16x1xi32> to vector<16xi32>
        %gather3A_719 = tpu.dynamic_gather %get3A_713[%gather3A] in [0] : vector<16xf32>, vector<16xi32> -> vector<16xf32>
        %get3A_720 = arith.index_cast %scan3A_690 : i32 to index
        %get3A_721 = arith.constant 0 : index
        %get3A_722 = tpu.vector_load %arg11[%get3A_720, %get3A_721] {strides = array<i32>} : memref<100x128xf32, #tpu.memory_space<vmem>>, vector<1x16xf32>,
        %get3A_723 = vector.shape_cast %get3A_722 : vector<1x16xf32> to vector<16xf32>
        %mul3A_724 = arith.mulf %get3A_723, %gather3A_719 : vector<16xf32>
        %swap3A = arith.index_cast %scan3A_690 : i32 to index
        %swap3A_725 = arith.constant 0 : index
        %swap3A_726 = tpu.vector_load %arg11[%swap3A, %swap3A_725] {strides = array<i32>} : memref<100x128xf32, #tpu.memory_space<vmem>>, vector<1x16xf32>,
        %swap3A_727 = vector.shape_cast %swap3A_726 : vector<1x16xf32> to vector<16xf32>
        %swap3A_728 = vector.shape_cast %mul3A_724 : vector<16xf32> to vector<1x16xf32>
        tpu.vector_store %arg11[%swap3A, %swap3A_725], %swap3A_728 {strides = array<i32>} : memref<100x128xf32, #tpu.memory_space<vmem>>, vector<1x16xf32>,
        %get3A_729 = arith.index_cast %scan3A_690 : i32 to index
        %get3A_730 = arith.constant 16 : index
        %get3A_731 = tpu.vector_load %arg11[%get3A_729, %get3A_730] {strides = array<i32>} : memref<100x128xf32, #tpu.memory_space<vmem>>, vector<1x16xf32>,
        %get3A_732 = vector.shape_cast %get3A_731 : vector<1x16xf32> to vector<16xf32>
        %mul3A_733 = arith.mulf %get3A_732, %gather3A_719 : vector<16xf32>
        %swap3A_734 = arith.index_cast %scan3A_690 : i32 to index
        %swap3A_735 = arith.constant 16 : index
        %swap3A_736 = tpu.vector_load %arg11[%swap3A_734, %swap3A_735] {strides = array<i32>} : memref<100x128xf32, #tpu.memory_space<vmem>>, vector<1x16xf32>,
        %swap3A_737 = vector.shape_cast %swap3A_736 : vector<1x16xf32> to vector<16xf32>
        %swap3A_738 = vector.shape_cast %mul3A_733 : vector<16xf32> to vector<1x16xf32>
        tpu.vector_store %arg11[%swap3A_734, %swap3A_735], %swap3A_738 {strides = array<i32>} : memref<100x128xf32, #tpu.memory_space<vmem>>, vector<1x16xf32>,
        %get3A_739 = arith.index_cast %scan3A_690 : i32 to index
        %get3A_740 = arith.constant 32 : index
        %get3A_741 = tpu.vector_load %arg11[%get3A_739, %get3A_740] {strides = array<i32>} : memref<100x128xf32, #tpu.memory_space<vmem>>, vector<1x16xf32>,
        %get3A_742 = vector.shape_cast %get3A_741 : vector<1x16xf32> to vector<16xf32>
        %mul3A_743 = arith.mulf %get3A_742, %gather3A_719 : vector<16xf32>
        %swap3A_744 = arith.index_cast %scan3A_690 : i32 to index
        %swap3A_745 = arith.constant 32 : index
        %swap3A_746 = tpu.vector_load %arg11[%swap3A_744, %swap3A_745] {strides = array<i32>} : memref<100x128xf32, #tpu.memory_space<vmem>>, vector<1x16xf32>,
        %swap3A_747 = vector.shape_cast %swap3A_746 : vector<1x16xf32> to vector<16xf32>
        %swap3A_748 = vector.shape_cast %mul3A_743 : vector<16xf32> to vector<1x16xf32>
        tpu.vector_store %arg11[%swap3A_744, %swap3A_745], %swap3A_748 {strides = array<i32>} : memref<100x128xf32, #tpu.memory_space<vmem>>, vector<1x16xf32>,
        %get3A_749 = arith.index_cast %scan3A_690 : i32 to index
        %get3A_750 = arith.constant 48 : index
        %get3A_751 = tpu.vector_load %arg11[%get3A_749, %get3A_750] {strides = array<i32>} : memref<100x128xf32, #tpu.memory_space<vmem>>, vector<1x16xf32>,
        %get3A_752 = vector.shape_cast %get3A_751 : vector<1x16xf32> to vector<16xf32>
        %mul3A_753 = arith.mulf %get3A_752, %gather3A_719 : vector<16xf32>
        %swap3A_754 = arith.index_cast %scan3A_690 : i32 to index
        %swap3A_755 = arith.constant 48 : index
        %swap3A_756 = tpu.vector_load %arg11[%swap3A_754, %swap3A_755] {strides = array<i32>} : memref<100x128xf32, #tpu.memory_space<vmem>>, vector<1x16xf32>,
        %swap3A_757 = vector.shape_cast %swap3A_756 : vector<1x16xf32> to vector<16xf32>
        %swap3A_758 = vector.shape_cast %mul3A_753 : vector<16xf32> to vector<1x16xf32>
        tpu.vector_store %arg11[%swap3A_754, %swap3A_755], %swap3A_758 {strides = array<i32>} : memref<100x128xf32, #tpu.memory_space<vmem>>, vector<1x16xf32>,
        %get3A_759 = arith.index_cast %scan3A_690 : i32 to index
        %get3A_760 = arith.constant 64 : index
        %get3A_761 = tpu.vector_load %arg11[%get3A_759, %get3A_760] {strides = array<i32>} : memref<100x128xf32, #tpu.memory_space<vmem>>, vector<1x16xf32>,
        %get3A_762 = vector.shape_cast %get3A_761 : vector<1x16xf32> to vector<16xf32>
        %mul3A_763 = arith.mulf %get3A_762, %gather3A_719 : vector<16xf32>
        %swap3A_764 = arith.index_cast %scan3A_690 : i32 to index
        %swap3A_765 = arith.constant 64 : index
        %swap3A_766 = tpu.vector_load %arg11[%swap3A_764, %swap3A_765] {strides = array<i32>} : memref<100x128xf32, #tpu.memory_space<vmem>>, vector<1x16xf32>,
        %swap3A_767 = vector.shape_cast %swap3A_766 : vector<1x16xf32> to vector<16xf32>
        %swap3A_768 = vector.shape_cast %mul3A_763 : vector<16xf32> to vector<1x16xf32>
        tpu.vector_store %arg11[%swap3A_764, %swap3A_765], %swap3A_768 {strides = array<i32>} : memref<100x128xf32, #tpu.memory_space<vmem>>, vector<1x16xf32>,
        %get3A_769 = arith.index_cast %scan3A_690 : i32 to index
        %get3A_770 = arith.constant 80 : index
        %get3A_771 = tpu.vector_load %arg11[%get3A_769, %get3A_770] {strides = array<i32>} : memref<100x128xf32, #tpu.memory_space<vmem>>, vector<1x16xf32>,
        %get3A_772 = vector.shape_cast %get3A_771 : vector<1x16xf32> to vector<16xf32>
        %mul3A_773 = arith.mulf %get3A_772, %gather3A_719 : vector<16xf32>
        %swap3A_774 = arith.index_cast %scan3A_690 : i32 to index
        %swap3A_775 = arith.constant 80 : index
        %swap3A_776 = tpu.vector_load %arg11[%swap3A_774, %swap3A_775] {strides = array<i32>} : memref<100x128xf32, #tpu.memory_space<vmem>>, vector<1x16xf32>,
        %swap3A_777 = vector.shape_cast %swap3A_776 : vector<1x16xf32> to vector<16xf32>
        %swap3A_778 = vector.shape_cast %mul3A_773 : vector<16xf32> to vector<1x16xf32>
        tpu.vector_store %arg11[%swap3A_774, %swap3A_775], %swap3A_778 {strides = array<i32>} : memref<100x128xf32, #tpu.memory_space<vmem>>, vector<1x16xf32>,
        %get3A_779 = arith.index_cast %scan3A_690 : i32 to index
        %get3A_780 = arith.constant 96 : index
        %get3A_781 = tpu.vector_load %arg11[%get3A_779, %get3A_780] {strides = array<i32>} : memref<100x128xf32, #tpu.memory_space<vmem>>, vector<1x16xf32>,
        %get3A_782 = vector.shape_cast %get3A_781 : vector<1x16xf32> to vector<16xf32>
        %mul3A_783 = arith.mulf %get3A_782, %gather3A_719 : vector<16xf32>
        %swap3A_784 = arith.index_cast %scan3A_690 : i32 to index
        %swap3A_785 = arith.constant 96 : index
        %swap3A_786 = tpu.vector_load %arg11[%swap3A_784, %swap3A_785] {strides = array<i32>} : memref<100x128xf32, #tpu.memory_space<vmem>>, vector<1x16xf32>,
        %swap3A_787 = vector.shape_cast %swap3A_786 : vector<1x16xf32> to vector<16xf32>
        %swap3A_788 = vector.shape_cast %mul3A_783 : vector<16xf32> to vector<1x16xf32>
        tpu.vector_store %arg11[%swap3A_784, %swap3A_785], %swap3A_788 {strides = array<i32>} : memref<100x128xf32, #tpu.memory_space<vmem>>, vector<1x16xf32>,
        %get3A_789 = arith.index_cast %scan3A_690 : i32 to index
        %get3A_790 = arith.constant 112 : index
        %get3A_791 = tpu.vector_load %arg11[%get3A_789, %get3A_790] {strides = array<i32>} : memref<100x128xf32, #tpu.memory_space<vmem>>, vector<1x16xf32>,
        %get3A_792 = vector.shape_cast %get3A_791 : vector<1x16xf32> to vector<16xf32>
        %mul3A_793 = arith.mulf %get3A_792, %gather3A_719 : vector<16xf32>
        %swap3A_794 = arith.index_cast %scan3A_690 : i32 to index
        %swap3A_795 = arith.constant 112 : index
        %swap3A_796 = tpu.vector_load %arg11[%swap3A_794, %swap3A_795] {strides = array<i32>} : memref<100x128xf32, #tpu.memory_space<vmem>>, vector<1x16xf32>,
        %swap3A_797 = vector.shape_cast %swap3A_796 : vector<1x16xf32> to vector<16xf32>
        %swap3A_798 = vector.shape_cast %mul3A_793 : vector<16xf32> to vector<1x16xf32>
        tpu.vector_store %arg11[%swap3A_794, %swap3A_795], %swap3A_798 {strides = array<i32>} : memref<100x128xf32, #tpu.memory_space<vmem>>, vector<1x16xf32>,
      }
      %scan3A_437 = arith.constant 100 : i32
      %dma_wait3A_438 = arith.constant 11 : i32
      %dma_wait3A_439 = arith.constant 0 : i32
      %dma_wait3A_440 = tpu.memref_slice %arg9[%dma_wait3A_438, %dma_wait3A_439] : memref<20x100xi32, #tpu.memory_space<vmem>> -> memref<1x100xi32, #tpu.memory_space<vmem>>
      %dma_wait3A_441 = tpu.memref_squeeze %dma_wait3A_440 : memref<1x100xi32, #tpu.memory_space<vmem>> -> memref<100xi32, #tpu.memory_space<vmem>>
      %dma_wait3A_442 = arith.constant 0 : i32
      %dma_wait3A_443 = arith.constant 0 : i32
      %dma_wait3A_444 = tpu.memref_slice %arg14[%dma_wait3A_442, %dma_wait3A_443] : memref<10000x128xf32, #tpu.memory_space<vmem_shared>> -> memref<10000x128xf32, #tpu.memory_space<vmem_shared>>
      tpu.wait_indirect_dma semaphore(%arg20 : memref<!tpu.dma_semaphore, #tpu.memory_space<semaphore_mem>>) src(%arg13 : memref<100x128xf32, #tpu.memory_space<vmem>>) dst(%dma_wait3A_444 : memref<10000x128xf32, #tpu.memory_space<vmem_shared>>)
      %dma_start3A_445 = arith.constant 14 : i32
      %dma_start3A_446 = arith.constant 0 : i32
      %dma_start3A_447 = tpu.memref_slice %arg8[%dma_start3A_445, %dma_start3A_446] : memref<20x100xi32, #tpu.memory_space<vmem>> -> memref<1x100xi32, #tpu.memory_space<vmem>>
      %dma_start3A_448 = tpu.memref_squeeze %dma_start3A_447 : memref<1x100xi32, #tpu.memory_space<vmem>> -> memref<100xi32, #tpu.memory_space<vmem>>
      %dma_start3A_449 = arith.constant 0 : i32
      %dma_start3A_450 = arith.constant 0 : i32
      %dma_start3A_451 = tpu.memref_slice %arg2[%dma_start3A_449, %dma_start3A_450] : memref<10000x128xf32, #tpu.memory_space<hbm>> -> memref<10000x128xf32, #tpu.memory_space<hbm>>
      tpu.enqueue_indirect_dma source(%dma_start3A_451 : memref<10000x128xf32, #tpu.memory_space<hbm>>) target(%arg13 : memref<100x128xf32, #tpu.memory_space<vmem>>) offsets(%dma_start3A_448 : memref<100xi32, #tpu.memory_space<vmem>>) semaphore(%arg17 : memref<!tpu.dma_semaphore, #tpu.memory_space<semaphore_mem>>)
      %dma_start3A_452 = arith.constant 12 : i32
      %dma_start3A_453 = arith.constant 0 : i32
      %dma_start3A_454 = tpu.memref_slice %arg9[%dma_start3A_452, %dma_start3A_453] : memref<20x100xi32, #tpu.memory_space<vmem>> -> memref<1x100xi32, #tpu.memory_space<vmem>>
      %dma_start3A_455 = tpu.memref_squeeze %dma_start3A_454 : memref<1x100xi32, #tpu.memory_space<vmem>> -> memref<100xi32, #tpu.memory_space<vmem>>
      %dma_start3A_456 = arith.constant 0 : i32
      %dma_start3A_457 = arith.constant 0 : i32
      %dma_start3A_458 = tpu.memref_slice %arg14[%dma_start3A_456, %dma_start3A_457] : memref<10000x128xf32, #tpu.memory_space<vmem_shared>> -> memref<10000x128xf32, #tpu.memory_space<vmem_shared>>
      tpu.enqueue_indirect_dma source(%arg11 : memref<100x128xf32, #tpu.memory_space<vmem>>) target(%dma_start3A_458 : memref<10000x128xf32, #tpu.memory_space<vmem_shared>>) offsets(%dma_start3A_455 : memref<100xi32, #tpu.memory_space<vmem>>) semaphore(%arg18 : memref<!tpu.dma_semaphore, #tpu.memory_space<semaphore_mem>>) {add = true}
      %dma_wait3A_459 = arith.constant 13 : i32
      %dma_wait3A_460 = arith.constant 0 : i32
      %dma_wait3A_461 = tpu.memref_slice %arg8[%dma_wait3A_459, %dma_wait3A_460] : memref<20x100xi32, #tpu.memory_space<vmem>> -> memref<1x100xi32, #tpu.memory_space<vmem>>
      %dma_wait3A_462 = tpu.memref_squeeze %dma_wait3A_461 : memref<1x100xi32, #tpu.memory_space<vmem>> -> memref<100xi32, #tpu.memory_space<vmem>>
      %dma_wait3A_463 = arith.constant 0 : i32
      %dma_wait3A_464 = arith.constant 0 : i32
      %dma_wait3A_465 = tpu.memref_slice %arg2[%dma_wait3A_463, %dma_wait3A_464] : memref<10000x128xf32, #tpu.memory_space<hbm>> -> memref<10000x128xf32, #tpu.memory_space<hbm>>
      tpu.wait_indirect_dma semaphore(%arg16 : memref<!tpu.dma_semaphore, #tpu.memory_space<semaphore_mem>>) src(%dma_wait3A_465 : memref<10000x128xf32, #tpu.memory_space<hbm>>) dst(%arg12 : memref<100x128xf32, #tpu.memory_space<vmem>>)
      %scan3A_466 = arith.constant 0 : i32
      %scan3A_467 = arith.constant 0 : i32
      %scan3A_468 = arith.constant 100 : i32
      %scan3A_469 = arith.addi %scan3A_467, %scan3A_468 : i32
      %scan3A_470 = arith.constant 1 : i32
      scf.for %scan3A_690 = %scan3A_467 to %scan3A_469 step %scan3A_470  : i32 {
        %jit3A = arith.constant 16 : i32
        %div3A = arith.divsi %scan3A_690, %jit3A : i32
        %sign3A = arith.constant 0 : i32
        %sign3A_691 = arith.cmpi sgt, %scan3A_690, %sign3A : i32
        %sign3A_692 = arith.extui %sign3A_691 : i1 to i32
        %sign3A_693 = arith.constant 0 : i32
        %sign3A_694 = arith.cmpi slt, %scan3A_690, %sign3A_693 : i32
        %sign3A_695 = arith.extui %sign3A_694 : i1 to i32
        %sign3A_696 = arith.subi %sign3A_692, %sign3A_695 : i32
        %sign3A_697 = arith.constant 0 : i32
        %sign3A_698 = arith.cmpi sgt, %jit3A, %sign3A_697 : i32
        %sign3A_699 = arith.extui %sign3A_698 : i1 to i32
        %sign3A_700 = arith.constant 0 : i32
        %sign3A_701 = arith.cmpi slt, %jit3A, %sign3A_700 : i32
        %sign3A_702 = arith.extui %sign3A_701 : i1 to i32
        %sign3A_703 = arith.subi %sign3A_699, %sign3A_702 : i32
        %ne3A = arith.cmpi ne, %sign3A_696, %sign3A_703 : i32
        %rem3A = arith.remsi %scan3A_690, %jit3A : i32
        %ne3A_704 = arith.constant 0 : i32
        %ne3A_705 = arith.cmpi ne, %rem3A, %ne3A_704 : i32
        %and3A = arith.andi %ne3A, %ne3A_705 : i1
        %sub3A = arith.constant 1 : i32
        %sub3A_706 = arith.subi %div3A, %sub3A : i32
        %select_n3A = arith.select %and3A, %sub3A_706, %div3A : i32
        %mul3A_707 = arith.constant 16 : i32
        %mul3A_708 = arith.muli %select_n3A, %mul3A_707 : i32
        %min3A = arith.constant 84 : i32
        %min3A_709 = arith.minsi %mul3A_708, %min3A : i32
        %get3A = arith.constant 13 : i32
        %get3A_710 = arith.index_cast %get3A : i32 to index
        %get3A_711 = arith.index_cast %min3A_709 : i32 to index
        %get3A_712 = tpu.vector_load %arg10[%get3A_710, %get3A_711] {strides = array<i32>} : memref<20x100xf32, #tpu.memory_space<vmem>>, vector<1x16xf32>,
        %get3A_713 = vector.shape_cast %get3A_712 : vector<1x16xf32> to vector<16xf32>
        %broadcast_in_dim3A = arith.constant 0 : i32
        %broadcast_in_dim3A_714 = vector.broadcast %broadcast_in_dim3A : i32 to vector<16xi32>
        %sub3A_715 = arith.subi %scan3A_690, %min3A_709 : i32
        %add3A_716 = vector.broadcast %sub3A_715 : i32 to vector<16xi32>
        %add3A_717 = arith.addi %broadcast_in_dim3A_714, %add3A_716 : vector<16xi32>
        %broadcast_in_dim3A_718 = vector.shape_cast %add3A_717 : vector<16xi32> to vector<16x1xi32>
        %gather3A = vector.shape_cast %broadcast_in_dim3A_718 : vector<16x1xi32> to vector<16xi32>
        %gather3A_719 = tpu.dynamic_gather %get3A_713[%gather3A] in [0] : vector<16xf32>, vector<16xi32> -> vector<16xf32>
        %get3A_720 = arith.index_cast %scan3A_690 : i32 to index
        %get3A_721 = arith.constant 0 : index
        %get3A_722 = tpu.vector_load %arg12[%get3A_720, %get3A_721] {strides = array<i32>} : memref<100x128xf32, #tpu.memory_space<vmem>>, vector<1x16xf32>,
        %get3A_723 = vector.shape_cast %get3A_722 : vector<1x16xf32> to vector<16xf32>
        %mul3A_724 = arith.mulf %get3A_723, %gather3A_719 : vector<16xf32>
        %swap3A = arith.index_cast %scan3A_690 : i32 to index
        %swap3A_725 = arith.constant 0 : index
        %swap3A_726 = tpu.vector_load %arg12[%swap3A, %swap3A_725] {strides = array<i32>} : memref<100x128xf32, #tpu.memory_space<vmem>>, vector<1x16xf32>,
        %swap3A_727 = vector.shape_cast %swap3A_726 : vector<1x16xf32> to vector<16xf32>
        %swap3A_728 = vector.shape_cast %mul3A_724 : vector<16xf32> to vector<1x16xf32>
        tpu.vector_store %arg12[%swap3A, %swap3A_725], %swap3A_728 {strides = array<i32>} : memref<100x128xf32, #tpu.memory_space<vmem>>, vector<1x16xf32>,
        %get3A_729 = arith.index_cast %scan3A_690 : i32 to index
        %get3A_730 = arith.constant 16 : index
        %get3A_731 = tpu.vector_load %arg12[%get3A_729, %get3A_730] {strides = array<i32>} : memref<100x128xf32, #tpu.memory_space<vmem>>, vector<1x16xf32>,
        %get3A_732 = vector.shape_cast %get3A_731 : vector<1x16xf32> to vector<16xf32>
        %mul3A_733 = arith.mulf %get3A_732, %gather3A_719 : vector<16xf32>
        %swap3A_734 = arith.index_cast %scan3A_690 : i32 to index
        %swap3A_735 = arith.constant 16 : index
        %swap3A_736 = tpu.vector_load %arg12[%swap3A_734, %swap3A_735] {strides = array<i32>} : memref<100x128xf32, #tpu.memory_space<vmem>>, vector<1x16xf32>,
        %swap3A_737 = vector.shape_cast %swap3A_736 : vector<1x16xf32> to vector<16xf32>
        %swap3A_738 = vector.shape_cast %mul3A_733 : vector<16xf32> to vector<1x16xf32>
        tpu.vector_store %arg12[%swap3A_734, %swap3A_735], %swap3A_738 {strides = array<i32>} : memref<100x128xf32, #tpu.memory_space<vmem>>, vector<1x16xf32>,
        %get3A_739 = arith.index_cast %scan3A_690 : i32 to index
        %get3A_740 = arith.constant 32 : index
        %get3A_741 = tpu.vector_load %arg12[%get3A_739, %get3A_740] {strides = array<i32>} : memref<100x128xf32, #tpu.memory_space<vmem>>, vector<1x16xf32>,
        %get3A_742 = vector.shape_cast %get3A_741 : vector<1x16xf32> to vector<16xf32>
        %mul3A_743 = arith.mulf %get3A_742, %gather3A_719 : vector<16xf32>
        %swap3A_744 = arith.index_cast %scan3A_690 : i32 to index
        %swap3A_745 = arith.constant 32 : index
        %swap3A_746 = tpu.vector_load %arg12[%swap3A_744, %swap3A_745] {strides = array<i32>} : memref<100x128xf32, #tpu.memory_space<vmem>>, vector<1x16xf32>,
        %swap3A_747 = vector.shape_cast %swap3A_746 : vector<1x16xf32> to vector<16xf32>
        %swap3A_748 = vector.shape_cast %mul3A_743 : vector<16xf32> to vector<1x16xf32>
        tpu.vector_store %arg12[%swap3A_744, %swap3A_745], %swap3A_748 {strides = array<i32>} : memref<100x128xf32, #tpu.memory_space<vmem>>, vector<1x16xf32>,
        %get3A_749 = arith.index_cast %scan3A_690 : i32 to index
        %get3A_750 = arith.constant 48 : index
        %get3A_751 = tpu.vector_load %arg12[%get3A_749, %get3A_750] {strides = array<i32>} : memref<100x128xf32, #tpu.memory_space<vmem>>, vector<1x16xf32>,
        %get3A_752 = vector.shape_cast %get3A_751 : vector<1x16xf32> to vector<16xf32>
        %mul3A_753 = arith.mulf %get3A_752, %gather3A_719 : vector<16xf32>
        %swap3A_754 = arith.index_cast %scan3A_690 : i32 to index
        %swap3A_755 = arith.constant 48 : index
        %swap3A_756 = tpu.vector_load %arg12[%swap3A_754, %swap3A_755] {strides = array<i32>} : memref<100x128xf32, #tpu.memory_space<vmem>>, vector<1x16xf32>,
        %swap3A_757 = vector.shape_cast %swap3A_756 : vector<1x16xf32> to vector<16xf32>
        %swap3A_758 = vector.shape_cast %mul3A_753 : vector<16xf32> to vector<1x16xf32>
        tpu.vector_store %arg12[%swap3A_754, %swap3A_755], %swap3A_758 {strides = array<i32>} : memref<100x128xf32, #tpu.memory_space<vmem>>, vector<1x16xf32>,
        %get3A_759 = arith.index_cast %scan3A_690 : i32 to index
        %get3A_760 = arith.constant 64 : index
        %get3A_761 = tpu.vector_load %arg12[%get3A_759, %get3A_760] {strides = array<i32>} : memref<100x128xf32, #tpu.memory_space<vmem>>, vector<1x16xf32>,
        %get3A_762 = vector.shape_cast %get3A_761 : vector<1x16xf32> to vector<16xf32>
        %mul3A_763 = arith.mulf %get3A_762, %gather3A_719 : vector<16xf32>
        %swap3A_764 = arith.index_cast %scan3A_690 : i32 to index
        %swap3A_765 = arith.constant 64 : index
        %swap3A_766 = tpu.vector_load %arg12[%swap3A_764, %swap3A_765] {strides = array<i32>} : memref<100x128xf32, #tpu.memory_space<vmem>>, vector<1x16xf32>,
        %swap3A_767 = vector.shape_cast %swap3A_766 : vector<1x16xf32> to vector<16xf32>
        %swap3A_768 = vector.shape_cast %mul3A_763 : vector<16xf32> to vector<1x16xf32>
        tpu.vector_store %arg12[%swap3A_764, %swap3A_765], %swap3A_768 {strides = array<i32>} : memref<100x128xf32, #tpu.memory_space<vmem>>, vector<1x16xf32>,
        %get3A_769 = arith.index_cast %scan3A_690 : i32 to index
        %get3A_770 = arith.constant 80 : index
        %get3A_771 = tpu.vector_load %arg12[%get3A_769, %get3A_770] {strides = array<i32>} : memref<100x128xf32, #tpu.memory_space<vmem>>, vector<1x16xf32>,
        %get3A_772 = vector.shape_cast %get3A_771 : vector<1x16xf32> to vector<16xf32>
        %mul3A_773 = arith.mulf %get3A_772, %gather3A_719 : vector<16xf32>
        %swap3A_774 = arith.index_cast %scan3A_690 : i32 to index
        %swap3A_775 = arith.constant 80 : index
        %swap3A_776 = tpu.vector_load %arg12[%swap3A_774, %swap3A_775] {strides = array<i32>} : memref<100x128xf32, #tpu.memory_space<vmem>>, vector<1x16xf32>,
        %swap3A_777 = vector.shape_cast %swap3A_776 : vector<1x16xf32> to vector<16xf32>
        %swap3A_778 = vector.shape_cast %mul3A_773 : vector<16xf32> to vector<1x16xf32>
        tpu.vector_store %arg12[%swap3A_774, %swap3A_775], %swap3A_778 {strides = array<i32>} : memref<100x128xf32, #tpu.memory_space<vmem>>, vector<1x16xf32>,
        %get3A_779 = arith.index_cast %scan3A_690 : i32 to index
        %get3A_780 = arith.constant 96 : index
        %get3A_781 = tpu.vector_load %arg12[%get3A_779, %get3A_780] {strides = array<i32>} : memref<100x128xf32, #tpu.memory_space<vmem>>, vector<1x16xf32>,
        %get3A_782 = vector.shape_cast %get3A_781 : vector<1x16xf32> to vector<16xf32>
        %mul3A_783 = arith.mulf %get3A_782, %gather3A_719 : vector<16xf32>
        %swap3A_784 = arith.index_cast %scan3A_690 : i32 to index
        %swap3A_785 = arith.constant 96 : index
        %swap3A_786 = tpu.vector_load %arg12[%swap3A_784, %swap3A_785] {strides = array<i32>} : memref<100x128xf32, #tpu.memory_space<vmem>>, vector<1x16xf32>,
        %swap3A_787 = vector.shape_cast %swap3A_786 : vector<1x16xf32> to vector<16xf32>
        %swap3A_788 = vector.shape_cast %mul3A_783 : vector<16xf32> to vector<1x16xf32>
        tpu.vector_store %arg12[%swap3A_784, %swap3A_785], %swap3A_788 {strides = array<i32>} : memref<100x128xf32, #tpu.memory_space<vmem>>, vector<1x16xf32>,
        %get3A_789 = arith.index_cast %scan3A_690 : i32 to index
        %get3A_790 = arith.constant 112 : index
        %get3A_791 = tpu.vector_load %arg12[%get3A_789, %get3A_790] {strides = array<i32>} : memref<100x128xf32, #tpu.memory_space<vmem>>, vector<1x16xf32>,
        %get3A_792 = vector.shape_cast %get3A_791 : vector<1x16xf32> to vector<16xf32>
        %mul3A_793 = arith.mulf %get3A_792, %gather3A_719 : vector<16xf32>
        %swap3A_794 = arith.index_cast %scan3A_690 : i32 to index
        %swap3A_795 = arith.constant 112 : index
        %swap3A_796 = tpu.vector_load %arg12[%swap3A_794, %swap3A_795] {strides = array<i32>} : memref<100x128xf32, #tpu.memory_space<vmem>>, vector<1x16xf32>,
        %swap3A_797 = vector.shape_cast %swap3A_796 : vector<1x16xf32> to vector<16xf32>
        %swap3A_798 = vector.shape_cast %mul3A_793 : vector<16xf32> to vector<1x16xf32>
        tpu.vector_store %arg12[%swap3A_794, %swap3A_795], %swap3A_798 {strides = array<i32>} : memref<100x128xf32, #tpu.memory_space<vmem>>, vector<1x16xf32>,
      }
      %scan3A_471 = arith.constant 100 : i32
      %dma_wait3A_472 = arith.constant 12 : i32
      %dma_wait3A_473 = arith.constant 0 : i32
      %dma_wait3A_474 = tpu.memref_slice %arg9[%dma_wait3A_472, %dma_wait3A_473] : memref<20x100xi32, #tpu.memory_space<vmem>> -> memref<1x100xi32, #tpu.memory_space<vmem>>
      %dma_wait3A_475 = tpu.memref_squeeze %dma_wait3A_474 : memref<1x100xi32, #tpu.memory_space<vmem>> -> memref<100xi32, #tpu.memory_space<vmem>>
      %dma_wait3A_476 = arith.constant 0 : i32
      %dma_wait3A_477 = arith.constant 0 : i32
      %dma_wait3A_478 = tpu.memref_slice %arg14[%dma_wait3A_476, %dma_wait3A_477] : memref<10000x128xf32, #tpu.memory_space<vmem_shared>> -> memref<10000x128xf32, #tpu.memory_space<vmem_shared>>
      tpu.wait_indirect_dma semaphore(%arg18 : memref<!tpu.dma_semaphore, #tpu.memory_space<semaphore_mem>>) src(%arg11 : memref<100x128xf32, #tpu.memory_space<vmem>>) dst(%dma_wait3A_478 : memref<10000x128xf32, #tpu.memory_space<vmem_shared>>)
      %dma_start3A_479 = arith.constant 15 : i32
      %dma_start3A_480 = arith.constant 0 : i32
      %dma_start3A_481 = tpu.memref_slice %arg8[%dma_start3A_479, %dma_start3A_480] : memref<20x100xi32, #tpu.memory_space<vmem>> -> memref<1x100xi32, #tpu.memory_space<vmem>>
      %dma_start3A_482 = tpu.memref_squeeze %dma_start3A_481 : memref<1x100xi32, #tpu.memory_space<vmem>> -> memref<100xi32, #tpu.memory_space<vmem>>
      %dma_start3A_483 = arith.constant 0 : i32
      %dma_start3A_484 = arith.constant 0 : i32
      %dma_start3A_485 = tpu.memref_slice %arg2[%dma_start3A_483, %dma_start3A_484] : memref<10000x128xf32, #tpu.memory_space<hbm>> -> memref<10000x128xf32, #tpu.memory_space<hbm>>
      tpu.enqueue_indirect_dma source(%dma_start3A_485 : memref<10000x128xf32, #tpu.memory_space<hbm>>) target(%arg11 : memref<100x128xf32, #tpu.memory_space<vmem>>) offsets(%dma_start3A_482 : memref<100xi32, #tpu.memory_space<vmem>>) semaphore(%arg15 : memref<!tpu.dma_semaphore, #tpu.memory_space<semaphore_mem>>)
      %dma_start3A_486 = arith.constant 13 : i32
      %dma_start3A_487 = arith.constant 0 : i32
      %dma_start3A_488 = tpu.memref_slice %arg9[%dma_start3A_486, %dma_start3A_487] : memref<20x100xi32, #tpu.memory_space<vmem>> -> memref<1x100xi32, #tpu.memory_space<vmem>>
      %dma_start3A_489 = tpu.memref_squeeze %dma_start3A_488 : memref<1x100xi32, #tpu.memory_space<vmem>> -> memref<100xi32, #tpu.memory_space<vmem>>
      %dma_start3A_490 = arith.constant 0 : i32
      %dma_start3A_491 = arith.constant 0 : i32
      %dma_start3A_492 = tpu.memref_slice %arg14[%dma_start3A_490, %dma_start3A_491] : memref<10000x128xf32, #tpu.memory_space<vmem_shared>> -> memref<10000x128xf32, #tpu.memory_space<vmem_shared>>
      tpu.enqueue_indirect_dma source(%arg12 : memref<100x128xf32, #tpu.memory_space<vmem>>) target(%dma_start3A_492 : memref<10000x128xf32, #tpu.memory_space<vmem_shared>>) offsets(%dma_start3A_489 : memref<100xi32, #tpu.memory_space<vmem>>) semaphore(%arg19 : memref<!tpu.dma_semaphore, #tpu.memory_space<semaphore_mem>>) {add = true}
      %dma_wait3A_493 = arith.constant 14 : i32
      %dma_wait3A_494 = arith.constant 0 : i32
      %dma_wait3A_495 = tpu.memref_slice %arg8[%dma_wait3A_493, %dma_wait3A_494] : memref<20x100xi32, #tpu.memory_space<vmem>> -> memref<1x100xi32, #tpu.memory_space<vmem>>
      %dma_wait3A_496 = tpu.memref_squeeze %dma_wait3A_495 : memref<1x100xi32, #tpu.memory_space<vmem>> -> memref<100xi32, #tpu.memory_space<vmem>>
      %dma_wait3A_497 = arith.constant 0 : i32
      %dma_wait3A_498 = arith.constant 0 : i32
      %dma_wait3A_499 = tpu.memref_slice %arg2[%dma_wait3A_497, %dma_wait3A_498] : memref<10000x128xf32, #tpu.memory_space<hbm>> -> memref<10000x128xf32, #tpu.memory_space<hbm>>
      tpu.wait_indirect_dma semaphore(%arg17 : memref<!tpu.dma_semaphore, #tpu.memory_space<semaphore_mem>>) src(%dma_wait3A_499 : memref<10000x128xf32, #tpu.memory_space<hbm>>) dst(%arg13 : memref<100x128xf32, #tpu.memory_space<vmem>>)
      %scan3A_500 = arith.constant 0 : i32
      %scan3A_501 = arith.constant 0 : i32
      %scan3A_502 = arith.constant 100 : i32
      %scan3A_503 = arith.addi %scan3A_501, %scan3A_502 : i32
      %scan3A_504 = arith.constant 1 : i32
      scf.for %scan3A_690 = %scan3A_501 to %scan3A_503 step %scan3A_504  : i32 {
        %jit3A = arith.constant 16 : i32
        %div3A = arith.divsi %scan3A_690, %jit3A : i32
        %sign3A = arith.constant 0 : i32
        %sign3A_691 = arith.cmpi sgt, %scan3A_690, %sign3A : i32
        %sign3A_692 = arith.extui %sign3A_691 : i1 to i32
        %sign3A_693 = arith.constant 0 : i32
        %sign3A_694 = arith.cmpi slt, %scan3A_690, %sign3A_693 : i32
        %sign3A_695 = arith.extui %sign3A_694 : i1 to i32
        %sign3A_696 = arith.subi %sign3A_692, %sign3A_695 : i32
        %sign3A_697 = arith.constant 0 : i32
        %sign3A_698 = arith.cmpi sgt, %jit3A, %sign3A_697 : i32
        %sign3A_699 = arith.extui %sign3A_698 : i1 to i32
        %sign3A_700 = arith.constant 0 : i32
        %sign3A_701 = arith.cmpi slt, %jit3A, %sign3A_700 : i32
        %sign3A_702 = arith.extui %sign3A_701 : i1 to i32
        %sign3A_703 = arith.subi %sign3A_699, %sign3A_702 : i32
        %ne3A = arith.cmpi ne, %sign3A_696, %sign3A_703 : i32
        %rem3A = arith.remsi %scan3A_690, %jit3A : i32
        %ne3A_704 = arith.constant 0 : i32
        %ne3A_705 = arith.cmpi ne, %rem3A, %ne3A_704 : i32
        %and3A = arith.andi %ne3A, %ne3A_705 : i1
        %sub3A = arith.constant 1 : i32
        %sub3A_706 = arith.subi %div3A, %sub3A : i32
        %select_n3A = arith.select %and3A, %sub3A_706, %div3A : i32
        %mul3A_707 = arith.constant 16 : i32
        %mul3A_708 = arith.muli %select_n3A, %mul3A_707 : i32
        %min3A = arith.constant 84 : i32
        %min3A_709 = arith.minsi %mul3A_708, %min3A : i32
        %get3A = arith.constant 14 : i32
        %get3A_710 = arith.index_cast %get3A : i32 to index
        %get3A_711 = arith.index_cast %min3A_709 : i32 to index
        %get3A_712 = tpu.vector_load %arg10[%get3A_710, %get3A_711] {strides = array<i32>} : memref<20x100xf32, #tpu.memory_space<vmem>>, vector<1x16xf32>,
        %get3A_713 = vector.shape_cast %get3A_712 : vector<1x16xf32> to vector<16xf32>
        %broadcast_in_dim3A = arith.constant 0 : i32
        %broadcast_in_dim3A_714 = vector.broadcast %broadcast_in_dim3A : i32 to vector<16xi32>
        %sub3A_715 = arith.subi %scan3A_690, %min3A_709 : i32
        %add3A_716 = vector.broadcast %sub3A_715 : i32 to vector<16xi32>
        %add3A_717 = arith.addi %broadcast_in_dim3A_714, %add3A_716 : vector<16xi32>
        %broadcast_in_dim3A_718 = vector.shape_cast %add3A_717 : vector<16xi32> to vector<16x1xi32>
        %gather3A = vector.shape_cast %broadcast_in_dim3A_718 : vector<16x1xi32> to vector<16xi32>
        %gather3A_719 = tpu.dynamic_gather %get3A_713[%gather3A] in [0] : vector<16xf32>, vector<16xi32> -> vector<16xf32>
        %get3A_720 = arith.index_cast %scan3A_690 : i32 to index
        %get3A_721 = arith.constant 0 : index
        %get3A_722 = tpu.vector_load %arg13[%get3A_720, %get3A_721] {strides = array<i32>} : memref<100x128xf32, #tpu.memory_space<vmem>>, vector<1x16xf32>,
        %get3A_723 = vector.shape_cast %get3A_722 : vector<1x16xf32> to vector<16xf32>
        %mul3A_724 = arith.mulf %get3A_723, %gather3A_719 : vector<16xf32>
        %swap3A = arith.index_cast %scan3A_690 : i32 to index
        %swap3A_725 = arith.constant 0 : index
        %swap3A_726 = tpu.vector_load %arg13[%swap3A, %swap3A_725] {strides = array<i32>} : memref<100x128xf32, #tpu.memory_space<vmem>>, vector<1x16xf32>,
        %swap3A_727 = vector.shape_cast %swap3A_726 : vector<1x16xf32> to vector<16xf32>
        %swap3A_728 = vector.shape_cast %mul3A_724 : vector<16xf32> to vector<1x16xf32>
        tpu.vector_store %arg13[%swap3A, %swap3A_725], %swap3A_728 {strides = array<i32>} : memref<100x128xf32, #tpu.memory_space<vmem>>, vector<1x16xf32>,
        %get3A_729 = arith.index_cast %scan3A_690 : i32 to index
        %get3A_730 = arith.constant 16 : index
        %get3A_731 = tpu.vector_load %arg13[%get3A_729, %get3A_730] {strides = array<i32>} : memref<100x128xf32, #tpu.memory_space<vmem>>, vector<1x16xf32>,
        %get3A_732 = vector.shape_cast %get3A_731 : vector<1x16xf32> to vector<16xf32>
        %mul3A_733 = arith.mulf %get3A_732, %gather3A_719 : vector<16xf32>
        %swap3A_734 = arith.index_cast %scan3A_690 : i32 to index
        %swap3A_735 = arith.constant 16 : index
        %swap3A_736 = tpu.vector_load %arg13[%swap3A_734, %swap3A_735] {strides = array<i32>} : memref<100x128xf32, #tpu.memory_space<vmem>>, vector<1x16xf32>,
        %swap3A_737 = vector.shape_cast %swap3A_736 : vector<1x16xf32> to vector<16xf32>
        %swap3A_738 = vector.shape_cast %mul3A_733 : vector<16xf32> to vector<1x16xf32>
        tpu.vector_store %arg13[%swap3A_734, %swap3A_735], %swap3A_738 {strides = array<i32>} : memref<100x128xf32, #tpu.memory_space<vmem>>, vector<1x16xf32>,
        %get3A_739 = arith.index_cast %scan3A_690 : i32 to index
        %get3A_740 = arith.constant 32 : index
        %get3A_741 = tpu.vector_load %arg13[%get3A_739, %get3A_740] {strides = array<i32>} : memref<100x128xf32, #tpu.memory_space<vmem>>, vector<1x16xf32>,
        %get3A_742 = vector.shape_cast %get3A_741 : vector<1x16xf32> to vector<16xf32>
        %mul3A_743 = arith.mulf %get3A_742, %gather3A_719 : vector<16xf32>
        %swap3A_744 = arith.index_cast %scan3A_690 : i32 to index
        %swap3A_745 = arith.constant 32 : index
        %swap3A_746 = tpu.vector_load %arg13[%swap3A_744, %swap3A_745] {strides = array<i32>} : memref<100x128xf32, #tpu.memory_space<vmem>>, vector<1x16xf32>,
        %swap3A_747 = vector.shape_cast %swap3A_746 : vector<1x16xf32> to vector<16xf32>
        %swap3A_748 = vector.shape_cast %mul3A_743 : vector<16xf32> to vector<1x16xf32>
        tpu.vector_store %arg13[%swap3A_744, %swap3A_745], %swap3A_748 {strides = array<i32>} : memref<100x128xf32, #tpu.memory_space<vmem>>, vector<1x16xf32>,
        %get3A_749 = arith.index_cast %scan3A_690 : i32 to index
        %get3A_750 = arith.constant 48 : index
        %get3A_751 = tpu.vector_load %arg13[%get3A_749, %get3A_750] {strides = array<i32>} : memref<100x128xf32, #tpu.memory_space<vmem>>, vector<1x16xf32>,
        %get3A_752 = vector.shape_cast %get3A_751 : vector<1x16xf32> to vector<16xf32>
        %mul3A_753 = arith.mulf %get3A_752, %gather3A_719 : vector<16xf32>
        %swap3A_754 = arith.index_cast %scan3A_690 : i32 to index
        %swap3A_755 = arith.constant 48 : index
        %swap3A_756 = tpu.vector_load %arg13[%swap3A_754, %swap3A_755] {strides = array<i32>} : memref<100x128xf32, #tpu.memory_space<vmem>>, vector<1x16xf32>,
        %swap3A_757 = vector.shape_cast %swap3A_756 : vector<1x16xf32> to vector<16xf32>
        %swap3A_758 = vector.shape_cast %mul3A_753 : vector<16xf32> to vector<1x16xf32>
        tpu.vector_store %arg13[%swap3A_754, %swap3A_755], %swap3A_758 {strides = array<i32>} : memref<100x128xf32, #tpu.memory_space<vmem>>, vector<1x16xf32>,
        %get3A_759 = arith.index_cast %scan3A_690 : i32 to index
        %get3A_760 = arith.constant 64 : index
        %get3A_761 = tpu.vector_load %arg13[%get3A_759, %get3A_760] {strides = array<i32>} : memref<100x128xf32, #tpu.memory_space<vmem>>, vector<1x16xf32>,
        %get3A_762 = vector.shape_cast %get3A_761 : vector<1x16xf32> to vector<16xf32>
        %mul3A_763 = arith.mulf %get3A_762, %gather3A_719 : vector<16xf32>
        %swap3A_764 = arith.index_cast %scan3A_690 : i32 to index
        %swap3A_765 = arith.constant 64 : index
        %swap3A_766 = tpu.vector_load %arg13[%swap3A_764, %swap3A_765] {strides = array<i32>} : memref<100x128xf32, #tpu.memory_space<vmem>>, vector<1x16xf32>,
        %swap3A_767 = vector.shape_cast %swap3A_766 : vector<1x16xf32> to vector<16xf32>
        %swap3A_768 = vector.shape_cast %mul3A_763 : vector<16xf32> to vector<1x16xf32>
        tpu.vector_store %arg13[%swap3A_764, %swap3A_765], %swap3A_768 {strides = array<i32>} : memref<100x128xf32, #tpu.memory_space<vmem>>, vector<1x16xf32>,
        %get3A_769 = arith.index_cast %scan3A_690 : i32 to index
        %get3A_770 = arith.constant 80 : index
        %get3A_771 = tpu.vector_load %arg13[%get3A_769, %get3A_770] {strides = array<i32>} : memref<100x128xf32, #tpu.memory_space<vmem>>, vector<1x16xf32>,
        %get3A_772 = vector.shape_cast %get3A_771 : vector<1x16xf32> to vector<16xf32>
        %mul3A_773 = arith.mulf %get3A_772, %gather3A_719 : vector<16xf32>
        %swap3A_774 = arith.index_cast %scan3A_690 : i32 to index
        %swap3A_775 = arith.constant 80 : index
        %swap3A_776 = tpu.vector_load %arg13[%swap3A_774, %swap3A_775] {strides = array<i32>} : memref<100x128xf32, #tpu.memory_space<vmem>>, vector<1x16xf32>,
        %swap3A_777 = vector.shape_cast %swap3A_776 : vector<1x16xf32> to vector<16xf32>
        %swap3A_778 = vector.shape_cast %mul3A_773 : vector<16xf32> to vector<1x16xf32>
        tpu.vector_store %arg13[%swap3A_774, %swap3A_775], %swap3A_778 {strides = array<i32>} : memref<100x128xf32, #tpu.memory_space<vmem>>, vector<1x16xf32>,
        %get3A_779 = arith.index_cast %scan3A_690 : i32 to index
        %get3A_780 = arith.constant 96 : index
        %get3A_781 = tpu.vector_load %arg13[%get3A_779, %get3A_780] {strides = array<i32>} : memref<100x128xf32, #tpu.memory_space<vmem>>, vector<1x16xf32>,
        %get3A_782 = vector.shape_cast %get3A_781 : vector<1x16xf32> to vector<16xf32>
        %mul3A_783 = arith.mulf %get3A_782, %gather3A_719 : vector<16xf32>
        %swap3A_784 = arith.index_cast %scan3A_690 : i32 to index
        %swap3A_785 = arith.constant 96 : index
        %swap3A_786 = tpu.vector_load %arg13[%swap3A_784, %swap3A_785] {strides = array<i32>} : memref<100x128xf32, #tpu.memory_space<vmem>>, vector<1x16xf32>,
        %swap3A_787 = vector.shape_cast %swap3A_786 : vector<1x16xf32> to vector<16xf32>
        %swap3A_788 = vector.shape_cast %mul3A_783 : vector<16xf32> to vector<1x16xf32>
        tpu.vector_store %arg13[%swap3A_784, %swap3A_785], %swap3A_788 {strides = array<i32>} : memref<100x128xf32, #tpu.memory_space<vmem>>, vector<1x16xf32>,
        %get3A_789 = arith.index_cast %scan3A_690 : i32 to index
        %get3A_790 = arith.constant 112 : index
        %get3A_791 = tpu.vector_load %arg13[%get3A_789, %get3A_790] {strides = array<i32>} : memref<100x128xf32, #tpu.memory_space<vmem>>, vector<1x16xf32>,
        %get3A_792 = vector.shape_cast %get3A_791 : vector<1x16xf32> to vector<16xf32>
        %mul3A_793 = arith.mulf %get3A_792, %gather3A_719 : vector<16xf32>
        %swap3A_794 = arith.index_cast %scan3A_690 : i32 to index
        %swap3A_795 = arith.constant 112 : index
        %swap3A_796 = tpu.vector_load %arg13[%swap3A_794, %swap3A_795] {strides = array<i32>} : memref<100x128xf32, #tpu.memory_space<vmem>>, vector<1x16xf32>,
        %swap3A_797 = vector.shape_cast %swap3A_796 : vector<1x16xf32> to vector<16xf32>
        %swap3A_798 = vector.shape_cast %mul3A_793 : vector<16xf32> to vector<1x16xf32>
        tpu.vector_store %arg13[%swap3A_794, %swap3A_795], %swap3A_798 {strides = array<i32>} : memref<100x128xf32, #tpu.memory_space<vmem>>, vector<1x16xf32>,
      }
      %scan3A_505 = arith.constant 100 : i32
      %dma_wait3A_506 = arith.constant 13 : i32
      %dma_wait3A_507 = arith.constant 0 : i32
      %dma_wait3A_508 = tpu.memref_slice %arg9[%dma_wait3A_506, %dma_wait3A_507] : memref<20x100xi32, #tpu.memory_space<vmem>> -> memref<1x100xi32, #tpu.memory_space<vmem>>
      %dma_wait3A_509 = tpu.memref_squeeze %dma_wait3A_508 : memref<1x100xi32, #tpu.memory_space<vmem>> -> memref<100xi32, #tpu.memory_space<vmem>>
      %dma_wait3A_510 = arith.constant 0 : i32
      %dma_wait3A_511 = arith.constant 0 : i32
      %dma_wait3A_512 = tpu.memref_slice %arg14[%dma_wait3A_510, %dma_wait3A_511] : memref<10000x128xf32, #tpu.memory_space<vmem_shared>> -> memref<10000x128xf32, #tpu.memory_space<vmem_shared>>
      tpu.wait_indirect_dma semaphore(%arg19 : memref<!tpu.dma_semaphore, #tpu.memory_space<semaphore_mem>>) src(%arg12 : memref<100x128xf32, #tpu.memory_space<vmem>>) dst(%dma_wait3A_512 : memref<10000x128xf32, #tpu.memory_space<vmem_shared>>)
      %dma_start3A_513 = arith.constant 16 : i32
      %dma_start3A_514 = arith.constant 0 : i32
      %dma_start3A_515 = tpu.memref_slice %arg8[%dma_start3A_513, %dma_start3A_514] : memref<20x100xi32, #tpu.memory_space<vmem>> -> memref<1x100xi32, #tpu.memory_space<vmem>>
      %dma_start3A_516 = tpu.memref_squeeze %dma_start3A_515 : memref<1x100xi32, #tpu.memory_space<vmem>> -> memref<100xi32, #tpu.memory_space<vmem>>
      %dma_start3A_517 = arith.constant 0 : i32
      %dma_start3A_518 = arith.constant 0 : i32
      %dma_start3A_519 = tpu.memref_slice %arg2[%dma_start3A_517, %dma_start3A_518] : memref<10000x128xf32, #tpu.memory_space<hbm>> -> memref<10000x128xf32, #tpu.memory_space<hbm>>
      tpu.enqueue_indirect_dma source(%dma_start3A_519 : memref<10000x128xf32, #tpu.memory_space<hbm>>) target(%arg12 : memref<100x128xf32, #tpu.memory_space<vmem>>) offsets(%dma_start3A_516 : memref<100xi32, #tpu.memory_space<vmem>>) semaphore(%arg16 : memref<!tpu.dma_semaphore, #tpu.memory_space<semaphore_mem>>)
      %dma_start3A_520 = arith.constant 14 : i32
      %dma_start3A_521 = arith.constant 0 : i32
      %dma_start3A_522 = tpu.memref_slice %arg9[%dma_start3A_520, %dma_start3A_521] : memref<20x100xi32, #tpu.memory_space<vmem>> -> memref<1x100xi32, #tpu.memory_space<vmem>>
      %dma_start3A_523 = tpu.memref_squeeze %dma_start3A_522 : memref<1x100xi32, #tpu.memory_space<vmem>> -> memref<100xi32, #tpu.memory_space<vmem>>
      %dma_start3A_524 = arith.constant 0 : i32
      %dma_start3A_525 = arith.constant 0 : i32
      %dma_start3A_526 = tpu.memref_slice %arg14[%dma_start3A_524, %dma_start3A_525] : memref<10000x128xf32, #tpu.memory_space<vmem_shared>> -> memref<10000x128xf32, #tpu.memory_space<vmem_shared>>
      tpu.enqueue_indirect_dma source(%arg13 : memref<100x128xf32, #tpu.memory_space<vmem>>) target(%dma_start3A_526 : memref<10000x128xf32, #tpu.memory_space<vmem_shared>>) offsets(%dma_start3A_523 : memref<100xi32, #tpu.memory_space<vmem>>) semaphore(%arg20 : memref<!tpu.dma_semaphore, #tpu.memory_space<semaphore_mem>>) {add = true}
      %dma_wait3A_527 = arith.constant 15 : i32
      %dma_wait3A_528 = arith.constant 0 : i32
      %dma_wait3A_529 = tpu.memref_slice %arg8[%dma_wait3A_527, %dma_wait3A_528] : memref<20x100xi32, #tpu.memory_space<vmem>> -> memref<1x100xi32, #tpu.memory_space<vmem>>
      %dma_wait3A_530 = tpu.memref_squeeze %dma_wait3A_529 : memref<1x100xi32, #tpu.memory_space<vmem>> -> memref<100xi32, #tpu.memory_space<vmem>>
      %dma_wait3A_531 = arith.constant 0 : i32
      %dma_wait3A_532 = arith.constant 0 : i32
      %dma_wait3A_533 = tpu.memref_slice %arg2[%dma_wait3A_531, %dma_wait3A_532] : memref<10000x128xf32, #tpu.memory_space<hbm>> -> memref<10000x128xf32, #tpu.memory_space<hbm>>
      tpu.wait_indirect_dma semaphore(%arg15 : memref<!tpu.dma_semaphore, #tpu.memory_space<semaphore_mem>>) src(%dma_wait3A_533 : memref<10000x128xf32, #tpu.memory_space<hbm>>) dst(%arg11 : memref<100x128xf32, #tpu.memory_space<vmem>>)
      %scan3A_534 = arith.constant 0 : i32
      %scan3A_535 = arith.constant 0 : i32
      %scan3A_536 = arith.constant 100 : i32
      %scan3A_537 = arith.addi %scan3A_535, %scan3A_536 : i32
      %scan3A_538 = arith.constant 1 : i32
      scf.for %scan3A_690 = %scan3A_535 to %scan3A_537 step %scan3A_538  : i32 {
        %jit3A = arith.constant 16 : i32
        %div3A = arith.divsi %scan3A_690, %jit3A : i32
        %sign3A = arith.constant 0 : i32
        %sign3A_691 = arith.cmpi sgt, %scan3A_690, %sign3A : i32
        %sign3A_692 = arith.extui %sign3A_691 : i1 to i32
        %sign3A_693 = arith.constant 0 : i32
        %sign3A_694 = arith.cmpi slt, %scan3A_690, %sign3A_693 : i32
        %sign3A_695 = arith.extui %sign3A_694 : i1 to i32
        %sign3A_696 = arith.subi %sign3A_692, %sign3A_695 : i32
        %sign3A_697 = arith.constant 0 : i32
        %sign3A_698 = arith.cmpi sgt, %jit3A, %sign3A_697 : i32
        %sign3A_699 = arith.extui %sign3A_698 : i1 to i32
        %sign3A_700 = arith.constant 0 : i32
        %sign3A_701 = arith.cmpi slt, %jit3A, %sign3A_700 : i32
        %sign3A_702 = arith.extui %sign3A_701 : i1 to i32
        %sign3A_703 = arith.subi %sign3A_699, %sign3A_702 : i32
        %ne3A = arith.cmpi ne, %sign3A_696, %sign3A_703 : i32
        %rem3A = arith.remsi %scan3A_690, %jit3A : i32
        %ne3A_704 = arith.constant 0 : i32
        %ne3A_705 = arith.cmpi ne, %rem3A, %ne3A_704 : i32
        %and3A = arith.andi %ne3A, %ne3A_705 : i1
        %sub3A = arith.constant 1 : i32
        %sub3A_706 = arith.subi %div3A, %sub3A : i32
        %select_n3A = arith.select %and3A, %sub3A_706, %div3A : i32
        %mul3A_707 = arith.constant 16 : i32
        %mul3A_708 = arith.muli %select_n3A, %mul3A_707 : i32
        %min3A = arith.constant 84 : i32
        %min3A_709 = arith.minsi %mul3A_708, %min3A : i32
        %get3A = arith.constant 15 : i32
        %get3A_710 = arith.index_cast %get3A : i32 to index
        %get3A_711 = arith.index_cast %min3A_709 : i32 to index
        %get3A_712 = tpu.vector_load %arg10[%get3A_710, %get3A_711] {strides = array<i32>} : memref<20x100xf32, #tpu.memory_space<vmem>>, vector<1x16xf32>,
        %get3A_713 = vector.shape_cast %get3A_712 : vector<1x16xf32> to vector<16xf32>
        %broadcast_in_dim3A = arith.constant 0 : i32
        %broadcast_in_dim3A_714 = vector.broadcast %broadcast_in_dim3A : i32 to vector<16xi32>
        %sub3A_715 = arith.subi %scan3A_690, %min3A_709 : i32
        %add3A_716 = vector.broadcast %sub3A_715 : i32 to vector<16xi32>
        %add3A_717 = arith.addi %broadcast_in_dim3A_714, %add3A_716 : vector<16xi32>
        %broadcast_in_dim3A_718 = vector.shape_cast %add3A_717 : vector<16xi32> to vector<16x1xi32>
        %gather3A = vector.shape_cast %broadcast_in_dim3A_718 : vector<16x1xi32> to vector<16xi32>
        %gather3A_719 = tpu.dynamic_gather %get3A_713[%gather3A] in [0] : vector<16xf32>, vector<16xi32> -> vector<16xf32>
        %get3A_720 = arith.index_cast %scan3A_690 : i32 to index
        %get3A_721 = arith.constant 0 : index
        %get3A_722 = tpu.vector_load %arg11[%get3A_720, %get3A_721] {strides = array<i32>} : memref<100x128xf32, #tpu.memory_space<vmem>>, vector<1x16xf32>,
        %get3A_723 = vector.shape_cast %get3A_722 : vector<1x16xf32> to vector<16xf32>
        %mul3A_724 = arith.mulf %get3A_723, %gather3A_719 : vector<16xf32>
        %swap3A = arith.index_cast %scan3A_690 : i32 to index
        %swap3A_725 = arith.constant 0 : index
        %swap3A_726 = tpu.vector_load %arg11[%swap3A, %swap3A_725] {strides = array<i32>} : memref<100x128xf32, #tpu.memory_space<vmem>>, vector<1x16xf32>,
        %swap3A_727 = vector.shape_cast %swap3A_726 : vector<1x16xf32> to vector<16xf32>
        %swap3A_728 = vector.shape_cast %mul3A_724 : vector<16xf32> to vector<1x16xf32>
        tpu.vector_store %arg11[%swap3A, %swap3A_725], %swap3A_728 {strides = array<i32>} : memref<100x128xf32, #tpu.memory_space<vmem>>, vector<1x16xf32>,
        %get3A_729 = arith.index_cast %scan3A_690 : i32 to index
        %get3A_730 = arith.constant 16 : index
        %get3A_731 = tpu.vector_load %arg11[%get3A_729, %get3A_730] {strides = array<i32>} : memref<100x128xf32, #tpu.memory_space<vmem>>, vector<1x16xf32>,
        %get3A_732 = vector.shape_cast %get3A_731 : vector<1x16xf32> to vector<16xf32>
        %mul3A_733 = arith.mulf %get3A_732, %gather3A_719 : vector<16xf32>
        %swap3A_734 = arith.index_cast %scan3A_690 : i32 to index
        %swap3A_735 = arith.constant 16 : index
        %swap3A_736 = tpu.vector_load %arg11[%swap3A_734, %swap3A_735] {strides = array<i32>} : memref<100x128xf32, #tpu.memory_space<vmem>>, vector<1x16xf32>,
        %swap3A_737 = vector.shape_cast %swap3A_736 : vector<1x16xf32> to vector<16xf32>
        %swap3A_738 = vector.shape_cast %mul3A_733 : vector<16xf32> to vector<1x16xf32>
        tpu.vector_store %arg11[%swap3A_734, %swap3A_735], %swap3A_738 {strides = array<i32>} : memref<100x128xf32, #tpu.memory_space<vmem>>, vector<1x16xf32>,
        %get3A_739 = arith.index_cast %scan3A_690 : i32 to index
        %get3A_740 = arith.constant 32 : index
        %get3A_741 = tpu.vector_load %arg11[%get3A_739, %get3A_740] {strides = array<i32>} : memref<100x128xf32, #tpu.memory_space<vmem>>, vector<1x16xf32>,
        %get3A_742 = vector.shape_cast %get3A_741 : vector<1x16xf32> to vector<16xf32>
        %mul3A_743 = arith.mulf %get3A_742, %gather3A_719 : vector<16xf32>
        %swap3A_744 = arith.index_cast %scan3A_690 : i32 to index
        %swap3A_745 = arith.constant 32 : index
        %swap3A_746 = tpu.vector_load %arg11[%swap3A_744, %swap3A_745] {strides = array<i32>} : memref<100x128xf32, #tpu.memory_space<vmem>>, vector<1x16xf32>,
        %swap3A_747 = vector.shape_cast %swap3A_746 : vector<1x16xf32> to vector<16xf32>
        %swap3A_748 = vector.shape_cast %mul3A_743 : vector<16xf32> to vector<1x16xf32>
        tpu.vector_store %arg11[%swap3A_744, %swap3A_745], %swap3A_748 {strides = array<i32>} : memref<100x128xf32, #tpu.memory_space<vmem>>, vector<1x16xf32>,
        %get3A_749 = arith.index_cast %scan3A_690 : i32 to index
        %get3A_750 = arith.constant 48 : index
        %get3A_751 = tpu.vector_load %arg11[%get3A_749, %get3A_750] {strides = array<i32>} : memref<100x128xf32, #tpu.memory_space<vmem>>, vector<1x16xf32>,
        %get3A_752 = vector.shape_cast %get3A_751 : vector<1x16xf32> to vector<16xf32>
        %mul3A_753 = arith.mulf %get3A_752, %gather3A_719 : vector<16xf32>
        %swap3A_754 = arith.index_cast %scan3A_690 : i32 to index
        %swap3A_755 = arith.constant 48 : index
        %swap3A_756 = tpu.vector_load %arg11[%swap3A_754, %swap3A_755] {strides = array<i32>} : memref<100x128xf32, #tpu.memory_space<vmem>>, vector<1x16xf32>,
        %swap3A_757 = vector.shape_cast %swap3A_756 : vector<1x16xf32> to vector<16xf32>
        %swap3A_758 = vector.shape_cast %mul3A_753 : vector<16xf32> to vector<1x16xf32>
        tpu.vector_store %arg11[%swap3A_754, %swap3A_755], %swap3A_758 {strides = array<i32>} : memref<100x128xf32, #tpu.memory_space<vmem>>, vector<1x16xf32>,
        %get3A_759 = arith.index_cast %scan3A_690 : i32 to index
        %get3A_760 = arith.constant 64 : index
        %get3A_761 = tpu.vector_load %arg11[%get3A_759, %get3A_760] {strides = array<i32>} : memref<100x128xf32, #tpu.memory_space<vmem>>, vector<1x16xf32>,
        %get3A_762 = vector.shape_cast %get3A_761 : vector<1x16xf32> to vector<16xf32>
        %mul3A_763 = arith.mulf %get3A_762, %gather3A_719 : vector<16xf32>
        %swap3A_764 = arith.index_cast %scan3A_690 : i32 to index
        %swap3A_765 = arith.constant 64 : index
        %swap3A_766 = tpu.vector_load %arg11[%swap3A_764, %swap3A_765] {strides = array<i32>} : memref<100x128xf32, #tpu.memory_space<vmem>>, vector<1x16xf32>,
        %swap3A_767 = vector.shape_cast %swap3A_766 : vector<1x16xf32> to vector<16xf32>
        %swap3A_768 = vector.shape_cast %mul3A_763 : vector<16xf32> to vector<1x16xf32>
        tpu.vector_store %arg11[%swap3A_764, %swap3A_765], %swap3A_768 {strides = array<i32>} : memref<100x128xf32, #tpu.memory_space<vmem>>, vector<1x16xf32>,
        %get3A_769 = arith.index_cast %scan3A_690 : i32 to index
        %get3A_770 = arith.constant 80 : index
        %get3A_771 = tpu.vector_load %arg11[%get3A_769, %get3A_770] {strides = array<i32>} : memref<100x128xf32, #tpu.memory_space<vmem>>, vector<1x16xf32>,
        %get3A_772 = vector.shape_cast %get3A_771 : vector<1x16xf32> to vector<16xf32>
        %mul3A_773 = arith.mulf %get3A_772, %gather3A_719 : vector<16xf32>
        %swap3A_774 = arith.index_cast %scan3A_690 : i32 to index
        %swap3A_775 = arith.constant 80 : index
        %swap3A_776 = tpu.vector_load %arg11[%swap3A_774, %swap3A_775] {strides = array<i32>} : memref<100x128xf32, #tpu.memory_space<vmem>>, vector<1x16xf32>,
        %swap3A_777 = vector.shape_cast %swap3A_776 : vector<1x16xf32> to vector<16xf32>
        %swap3A_778 = vector.shape_cast %mul3A_773 : vector<16xf32> to vector<1x16xf32>
        tpu.vector_store %arg11[%swap3A_774, %swap3A_775], %swap3A_778 {strides = array<i32>} : memref<100x128xf32, #tpu.memory_space<vmem>>, vector<1x16xf32>,
        %get3A_779 = arith.index_cast %scan3A_690 : i32 to index
        %get3A_780 = arith.constant 96 : index
        %get3A_781 = tpu.vector_load %arg11[%get3A_779, %get3A_780] {strides = array<i32>} : memref<100x128xf32, #tpu.memory_space<vmem>>, vector<1x16xf32>,
        %get3A_782 = vector.shape_cast %get3A_781 : vector<1x16xf32> to vector<16xf32>
        %mul3A_783 = arith.mulf %get3A_782, %gather3A_719 : vector<16xf32>
        %swap3A_784 = arith.index_cast %scan3A_690 : i32 to index
        %swap3A_785 = arith.constant 96 : index
        %swap3A_786 = tpu.vector_load %arg11[%swap3A_784, %swap3A_785] {strides = array<i32>} : memref<100x128xf32, #tpu.memory_space<vmem>>, vector<1x16xf32>,
        %swap3A_787 = vector.shape_cast %swap3A_786 : vector<1x16xf32> to vector<16xf32>
        %swap3A_788 = vector.shape_cast %mul3A_783 : vector<16xf32> to vector<1x16xf32>
        tpu.vector_store %arg11[%swap3A_784, %swap3A_785], %swap3A_788 {strides = array<i32>} : memref<100x128xf32, #tpu.memory_space<vmem>>, vector<1x16xf32>,
        %get3A_789 = arith.index_cast %scan3A_690 : i32 to index
        %get3A_790 = arith.constant 112 : index
        %get3A_791 = tpu.vector_load %arg11[%get3A_789, %get3A_790] {strides = array<i32>} : memref<100x128xf32, #tpu.memory_space<vmem>>, vector<1x16xf32>,
        %get3A_792 = vector.shape_cast %get3A_791 : vector<1x16xf32> to vector<16xf32>
        %mul3A_793 = arith.mulf %get3A_792, %gather3A_719 : vector<16xf32>
        %swap3A_794 = arith.index_cast %scan3A_690 : i32 to index
        %swap3A_795 = arith.constant 112 : index
        %swap3A_796 = tpu.vector_load %arg11[%swap3A_794, %swap3A_795] {strides = array<i32>} : memref<100x128xf32, #tpu.memory_space<vmem>>, vector<1x16xf32>,
        %swap3A_797 = vector.shape_cast %swap3A_796 : vector<1x16xf32> to vector<16xf32>
        %swap3A_798 = vector.shape_cast %mul3A_793 : vector<16xf32> to vector<1x16xf32>
        tpu.vector_store %arg11[%swap3A_794, %swap3A_795], %swap3A_798 {strides = array<i32>} : memref<100x128xf32, #tpu.memory_space<vmem>>, vector<1x16xf32>,
      }
      %scan3A_539 = arith.constant 100 : i32
      %dma_wait3A_540 = arith.constant 14 : i32
      %dma_wait3A_541 = arith.constant 0 : i32
      %dma_wait3A_542 = tpu.memref_slice %arg9[%dma_wait3A_540, %dma_wait3A_541] : memref<20x100xi32, #tpu.memory_space<vmem>> -> memref<1x100xi32, #tpu.memory_space<vmem>>
      %dma_wait3A_543 = tpu.memref_squeeze %dma_wait3A_542 : memref<1x100xi32, #tpu.memory_space<vmem>> -> memref<100xi32, #tpu.memory_space<vmem>>
      %dma_wait3A_544 = arith.constant 0 : i32
      %dma_wait3A_545 = arith.constant 0 : i32
      %dma_wait3A_546 = tpu.memref_slice %arg14[%dma_wait3A_544, %dma_wait3A_545] : memref<10000x128xf32, #tpu.memory_space<vmem_shared>> -> memref<10000x128xf32, #tpu.memory_space<vmem_shared>>
      tpu.wait_indirect_dma semaphore(%arg20 : memref<!tpu.dma_semaphore, #tpu.memory_space<semaphore_mem>>) src(%arg13 : memref<100x128xf32, #tpu.memory_space<vmem>>) dst(%dma_wait3A_546 : memref<10000x128xf32, #tpu.memory_space<vmem_shared>>)
      %dma_start3A_547 = arith.constant 17 : i32
      %dma_start3A_548 = arith.constant 0 : i32
      %dma_start3A_549 = tpu.memref_slice %arg8[%dma_start3A_547, %dma_start3A_548] : memref<20x100xi32, #tpu.memory_space<vmem>> -> memref<1x100xi32, #tpu.memory_space<vmem>>
      %dma_start3A_550 = tpu.memref_squeeze %dma_start3A_549 : memref<1x100xi32, #tpu.memory_space<vmem>> -> memref<100xi32, #tpu.memory_space<vmem>>
      %dma_start3A_551 = arith.constant 0 : i32
      %dma_start3A_552 = arith.constant 0 : i32
      %dma_start3A_553 = tpu.memref_slice %arg2[%dma_start3A_551, %dma_start3A_552] : memref<10000x128xf32, #tpu.memory_space<hbm>> -> memref<10000x128xf32, #tpu.memory_space<hbm>>
      tpu.enqueue_indirect_dma source(%dma_start3A_553 : memref<10000x128xf32, #tpu.memory_space<hbm>>) target(%arg13 : memref<100x128xf32, #tpu.memory_space<vmem>>) offsets(%dma_start3A_550 : memref<100xi32, #tpu.memory_space<vmem>>) semaphore(%arg17 : memref<!tpu.dma_semaphore, #tpu.memory_space<semaphore_mem>>)
      %dma_start3A_554 = arith.constant 15 : i32
      %dma_start3A_555 = arith.constant 0 : i32
      %dma_start3A_556 = tpu.memref_slice %arg9[%dma_start3A_554, %dma_start3A_555] : memref<20x100xi32, #tpu.memory_space<vmem>> -> memref<1x100xi32, #tpu.memory_space<vmem>>
      %dma_start3A_557 = tpu.memref_squeeze %dma_start3A_556 : memref<1x100xi32, #tpu.memory_space<vmem>> -> memref<100xi32, #tpu.memory_space<vmem>>
      %dma_start3A_558 = arith.constant 0 : i32
      %dma_start3A_559 = arith.constant 0 : i32
      %dma_start3A_560 = tpu.memref_slice %arg14[%dma_start3A_558, %dma_start3A_559] : memref<10000x128xf32, #tpu.memory_space<vmem_shared>> -> memref<10000x128xf32, #tpu.memory_space<vmem_shared>>
      tpu.enqueue_indirect_dma source(%arg11 : memref<100x128xf32, #tpu.memory_space<vmem>>) target(%dma_start3A_560 : memref<10000x128xf32, #tpu.memory_space<vmem_shared>>) offsets(%dma_start3A_557 : memref<100xi32, #tpu.memory_space<vmem>>) semaphore(%arg18 : memref<!tpu.dma_semaphore, #tpu.memory_space<semaphore_mem>>) {add = true}
      %dma_wait3A_561 = arith.constant 16 : i32
      %dma_wait3A_562 = arith.constant 0 : i32
      %dma_wait3A_563 = tpu.memref_slice %arg8[%dma_wait3A_561, %dma_wait3A_562] : memref<20x100xi32, #tpu.memory_space<vmem>> -> memref<1x100xi32, #tpu.memory_space<vmem>>
      %dma_wait3A_564 = tpu.memref_squeeze %dma_wait3A_563 : memref<1x100xi32, #tpu.memory_space<vmem>> -> memref<100xi32, #tpu.memory_space<vmem>>
      %dma_wait3A_565 = arith.constant 0 : i32
      %dma_wait3A_566 = arith.constant 0 : i32
      %dma_wait3A_567 = tpu.memref_slice %arg2[%dma_wait3A_565, %dma_wait3A_566] : memref<10000x128xf32, #tpu.memory_space<hbm>> -> memref<10000x128xf32, #tpu.memory_space<hbm>>
      tpu.wait_indirect_dma semaphore(%arg16 : memref<!tpu.dma_semaphore, #tpu.memory_space<semaphore_mem>>) src(%dma_wait3A_567 : memref<10000x128xf32, #tpu.memory_space<hbm>>) dst(%arg12 : memref<100x128xf32, #tpu.memory_space<vmem>>)
      %scan3A_568 = arith.constant 0 : i32
      %scan3A_569 = arith.constant 0 : i32
      %scan3A_570 = arith.constant 100 : i32
      %scan3A_571 = arith.addi %scan3A_569, %scan3A_570 : i32
      %scan3A_572 = arith.constant 1 : i32
      scf.for %scan3A_690 = %scan3A_569 to %scan3A_571 step %scan3A_572  : i32 {
        %jit3A = arith.constant 16 : i32
        %div3A = arith.divsi %scan3A_690, %jit3A : i32
        %sign3A = arith.constant 0 : i32
        %sign3A_691 = arith.cmpi sgt, %scan3A_690, %sign3A : i32
        %sign3A_692 = arith.extui %sign3A_691 : i1 to i32
        %sign3A_693 = arith.constant 0 : i32
        %sign3A_694 = arith.cmpi slt, %scan3A_690, %sign3A_693 : i32
        %sign3A_695 = arith.extui %sign3A_694 : i1 to i32
        %sign3A_696 = arith.subi %sign3A_692, %sign3A_695 : i32
        %sign3A_697 = arith.constant 0 : i32
        %sign3A_698 = arith.cmpi sgt, %jit3A, %sign3A_697 : i32
        %sign3A_699 = arith.extui %sign3A_698 : i1 to i32
        %sign3A_700 = arith.constant 0 : i32
        %sign3A_701 = arith.cmpi slt, %jit3A, %sign3A_700 : i32
        %sign3A_702 = arith.extui %sign3A_701 : i1 to i32
        %sign3A_703 = arith.subi %sign3A_699, %sign3A_702 : i32
        %ne3A = arith.cmpi ne, %sign3A_696, %sign3A_703 : i32
        %rem3A = arith.remsi %scan3A_690, %jit3A : i32
        %ne3A_704 = arith.constant 0 : i32
        %ne3A_705 = arith.cmpi ne, %rem3A, %ne3A_704 : i32
        %and3A = arith.andi %ne3A, %ne3A_705 : i1
        %sub3A = arith.constant 1 : i32
        %sub3A_706 = arith.subi %div3A, %sub3A : i32
        %select_n3A = arith.select %and3A, %sub3A_706, %div3A : i32
        %mul3A_707 = arith.constant 16 : i32
        %mul3A_708 = arith.muli %select_n3A, %mul3A_707 : i32
        %min3A = arith.constant 84 : i32
        %min3A_709 = arith.minsi %mul3A_708, %min3A : i32
        %get3A = arith.constant 16 : i32
        %get3A_710 = arith.index_cast %get3A : i32 to index
        %get3A_711 = arith.index_cast %min3A_709 : i32 to index
        %get3A_712 = tpu.vector_load %arg10[%get3A_710, %get3A_711] {strides = array<i32>} : memref<20x100xf32, #tpu.memory_space<vmem>>, vector<1x16xf32>,
        %get3A_713 = vector.shape_cast %get3A_712 : vector<1x16xf32> to vector<16xf32>
        %broadcast_in_dim3A = arith.constant 0 : i32
        %broadcast_in_dim3A_714 = vector.broadcast %broadcast_in_dim3A : i32 to vector<16xi32>
        %sub3A_715 = arith.subi %scan3A_690, %min3A_709 : i32
        %add3A_716 = vector.broadcast %sub3A_715 : i32 to vector<16xi32>
        %add3A_717 = arith.addi %broadcast_in_dim3A_714, %add3A_716 : vector<16xi32>
        %broadcast_in_dim3A_718 = vector.shape_cast %add3A_717 : vector<16xi32> to vector<16x1xi32>
        %gather3A = vector.shape_cast %broadcast_in_dim3A_718 : vector<16x1xi32> to vector<16xi32>
        %gather3A_719 = tpu.dynamic_gather %get3A_713[%gather3A] in [0] : vector<16xf32>, vector<16xi32> -> vector<16xf32>
        %get3A_720 = arith.index_cast %scan3A_690 : i32 to index
        %get3A_721 = arith.constant 0 : index
        %get3A_722 = tpu.vector_load %arg12[%get3A_720, %get3A_721] {strides = array<i32>} : memref<100x128xf32, #tpu.memory_space<vmem>>, vector<1x16xf32>,
        %get3A_723 = vector.shape_cast %get3A_722 : vector<1x16xf32> to vector<16xf32>
        %mul3A_724 = arith.mulf %get3A_723, %gather3A_719 : vector<16xf32>
        %swap3A = arith.index_cast %scan3A_690 : i32 to index
        %swap3A_725 = arith.constant 0 : index
        %swap3A_726 = tpu.vector_load %arg12[%swap3A, %swap3A_725] {strides = array<i32>} : memref<100x128xf32, #tpu.memory_space<vmem>>, vector<1x16xf32>,
        %swap3A_727 = vector.shape_cast %swap3A_726 : vector<1x16xf32> to vector<16xf32>
        %swap3A_728 = vector.shape_cast %mul3A_724 : vector<16xf32> to vector<1x16xf32>
        tpu.vector_store %arg12[%swap3A, %swap3A_725], %swap3A_728 {strides = array<i32>} : memref<100x128xf32, #tpu.memory_space<vmem>>, vector<1x16xf32>,
        %get3A_729 = arith.index_cast %scan3A_690 : i32 to index
        %get3A_730 = arith.constant 16 : index
        %get3A_731 = tpu.vector_load %arg12[%get3A_729, %get3A_730] {strides = array<i32>} : memref<100x128xf32, #tpu.memory_space<vmem>>, vector<1x16xf32>,
        %get3A_732 = vector.shape_cast %get3A_731 : vector<1x16xf32> to vector<16xf32>
        %mul3A_733 = arith.mulf %get3A_732, %gather3A_719 : vector<16xf32>
        %swap3A_734 = arith.index_cast %scan3A_690 : i32 to index
        %swap3A_735 = arith.constant 16 : index
        %swap3A_736 = tpu.vector_load %arg12[%swap3A_734, %swap3A_735] {strides = array<i32>} : memref<100x128xf32, #tpu.memory_space<vmem>>, vector<1x16xf32>,
        %swap3A_737 = vector.shape_cast %swap3A_736 : vector<1x16xf32> to vector<16xf32>
        %swap3A_738 = vector.shape_cast %mul3A_733 : vector<16xf32> to vector<1x16xf32>
        tpu.vector_store %arg12[%swap3A_734, %swap3A_735], %swap3A_738 {strides = array<i32>} : memref<100x128xf32, #tpu.memory_space<vmem>>, vector<1x16xf32>,
        %get3A_739 = arith.index_cast %scan3A_690 : i32 to index
        %get3A_740 = arith.constant 32 : index
        %get3A_741 = tpu.vector_load %arg12[%get3A_739, %get3A_740] {strides = array<i32>} : memref<100x128xf32, #tpu.memory_space<vmem>>, vector<1x16xf32>,
        %get3A_742 = vector.shape_cast %get3A_741 : vector<1x16xf32> to vector<16xf32>
        %mul3A_743 = arith.mulf %get3A_742, %gather3A_719 : vector<16xf32>
        %swap3A_744 = arith.index_cast %scan3A_690 : i32 to index
        %swap3A_745 = arith.constant 32 : index
        %swap3A_746 = tpu.vector_load %arg12[%swap3A_744, %swap3A_745] {strides = array<i32>} : memref<100x128xf32, #tpu.memory_space<vmem>>, vector<1x16xf32>,
        %swap3A_747 = vector.shape_cast %swap3A_746 : vector<1x16xf32> to vector<16xf32>
        %swap3A_748 = vector.shape_cast %mul3A_743 : vector<16xf32> to vector<1x16xf32>
        tpu.vector_store %arg12[%swap3A_744, %swap3A_745], %swap3A_748 {strides = array<i32>} : memref<100x128xf32, #tpu.memory_space<vmem>>, vector<1x16xf32>,
        %get3A_749 = arith.index_cast %scan3A_690 : i32 to index
        %get3A_750 = arith.constant 48 : index
        %get3A_751 = tpu.vector_load %arg12[%get3A_749, %get3A_750] {strides = array<i32>} : memref<100x128xf32, #tpu.memory_space<vmem>>, vector<1x16xf32>,
        %get3A_752 = vector.shape_cast %get3A_751 : vector<1x16xf32> to vector<16xf32>
        %mul3A_753 = arith.mulf %get3A_752, %gather3A_719 : vector<16xf32>
        %swap3A_754 = arith.index_cast %scan3A_690 : i32 to index
        %swap3A_755 = arith.constant 48 : index
        %swap3A_756 = tpu.vector_load %arg12[%swap3A_754, %swap3A_755] {strides = array<i32>} : memref<100x128xf32, #tpu.memory_space<vmem>>, vector<1x16xf32>,
        %swap3A_757 = vector.shape_cast %swap3A_756 : vector<1x16xf32> to vector<16xf32>
        %swap3A_758 = vector.shape_cast %mul3A_753 : vector<16xf32> to vector<1x16xf32>
        tpu.vector_store %arg12[%swap3A_754, %swap3A_755], %swap3A_758 {strides = array<i32>} : memref<100x128xf32, #tpu.memory_space<vmem>>, vector<1x16xf32>,
        %get3A_759 = arith.index_cast %scan3A_690 : i32 to index
        %get3A_760 = arith.constant 64 : index
        %get3A_761 = tpu.vector_load %arg12[%get3A_759, %get3A_760] {strides = array<i32>} : memref<100x128xf32, #tpu.memory_space<vmem>>, vector<1x16xf32>,
        %get3A_762 = vector.shape_cast %get3A_761 : vector<1x16xf32> to vector<16xf32>
        %mul3A_763 = arith.mulf %get3A_762, %gather3A_719 : vector<16xf32>
        %swap3A_764 = arith.index_cast %scan3A_690 : i32 to index
        %swap3A_765 = arith.constant 64 : index
        %swap3A_766 = tpu.vector_load %arg12[%swap3A_764, %swap3A_765] {strides = array<i32>} : memref<100x128xf32, #tpu.memory_space<vmem>>, vector<1x16xf32>,
        %swap3A_767 = vector.shape_cast %swap3A_766 : vector<1x16xf32> to vector<16xf32>
        %swap3A_768 = vector.shape_cast %mul3A_763 : vector<16xf32> to vector<1x16xf32>
        tpu.vector_store %arg12[%swap3A_764, %swap3A_765], %swap3A_768 {strides = array<i32>} : memref<100x128xf32, #tpu.memory_space<vmem>>, vector<1x16xf32>,
        %get3A_769 = arith.index_cast %scan3A_690 : i32 to index
        %get3A_770 = arith.constant 80 : index
        %get3A_771 = tpu.vector_load %arg12[%get3A_769, %get3A_770] {strides = array<i32>} : memref<100x128xf32, #tpu.memory_space<vmem>>, vector<1x16xf32>,
        %get3A_772 = vector.shape_cast %get3A_771 : vector<1x16xf32> to vector<16xf32>
        %mul3A_773 = arith.mulf %get3A_772, %gather3A_719 : vector<16xf32>
        %swap3A_774 = arith.index_cast %scan3A_690 : i32 to index
        %swap3A_775 = arith.constant 80 : index
        %swap3A_776 = tpu.vector_load %arg12[%swap3A_774, %swap3A_775] {strides = array<i32>} : memref<100x128xf32, #tpu.memory_space<vmem>>, vector<1x16xf32>,
        %swap3A_777 = vector.shape_cast %swap3A_776 : vector<1x16xf32> to vector<16xf32>
        %swap3A_778 = vector.shape_cast %mul3A_773 : vector<16xf32> to vector<1x16xf32>
        tpu.vector_store %arg12[%swap3A_774, %swap3A_775], %swap3A_778 {strides = array<i32>} : memref<100x128xf32, #tpu.memory_space<vmem>>, vector<1x16xf32>,
        %get3A_779 = arith.index_cast %scan3A_690 : i32 to index
        %get3A_780 = arith.constant 96 : index
        %get3A_781 = tpu.vector_load %arg12[%get3A_779, %get3A_780] {strides = array<i32>} : memref<100x128xf32, #tpu.memory_space<vmem>>, vector<1x16xf32>,
        %get3A_782 = vector.shape_cast %get3A_781 : vector<1x16xf32> to vector<16xf32>
        %mul3A_783 = arith.mulf %get3A_782, %gather3A_719 : vector<16xf32>
        %swap3A_784 = arith.index_cast %scan3A_690 : i32 to index
        %swap3A_785 = arith.constant 96 : index
        %swap3A_786 = tpu.vector_load %arg12[%swap3A_784, %swap3A_785] {strides = array<i32>} : memref<100x128xf32, #tpu.memory_space<vmem>>, vector<1x16xf32>,
        %swap3A_787 = vector.shape_cast %swap3A_786 : vector<1x16xf32> to vector<16xf32>
        %swap3A_788 = vector.shape_cast %mul3A_783 : vector<16xf32> to vector<1x16xf32>
        tpu.vector_store %arg12[%swap3A_784, %swap3A_785], %swap3A_788 {strides = array<i32>} : memref<100x128xf32, #tpu.memory_space<vmem>>, vector<1x16xf32>,
        %get3A_789 = arith.index_cast %scan3A_690 : i32 to index
        %get3A_790 = arith.constant 112 : index
        %get3A_791 = tpu.vector_load %arg12[%get3A_789, %get3A_790] {strides = array<i32>} : memref<100x128xf32, #tpu.memory_space<vmem>>, vector<1x16xf32>,
        %get3A_792 = vector.shape_cast %get3A_791 : vector<1x16xf32> to vector<16xf32>
        %mul3A_793 = arith.mulf %get3A_792, %gather3A_719 : vector<16xf32>
        %swap3A_794 = arith.index_cast %scan3A_690 : i32 to index
        %swap3A_795 = arith.constant 112 : index
        %swap3A_796 = tpu.vector_load %arg12[%swap3A_794, %swap3A_795] {strides = array<i32>} : memref<100x128xf32, #tpu.memory_space<vmem>>, vector<1x16xf32>,
        %swap3A_797 = vector.shape_cast %swap3A_796 : vector<1x16xf32> to vector<16xf32>
        %swap3A_798 = vector.shape_cast %mul3A_793 : vector<16xf32> to vector<1x16xf32>
        tpu.vector_store %arg12[%swap3A_794, %swap3A_795], %swap3A_798 {strides = array<i32>} : memref<100x128xf32, #tpu.memory_space<vmem>>, vector<1x16xf32>,
      }
      %scan3A_573 = arith.constant 100 : i32
      %dma_wait3A_574 = arith.constant 15 : i32
      %dma_wait3A_575 = arith.constant 0 : i32
      %dma_wait3A_576 = tpu.memref_slice %arg9[%dma_wait3A_574, %dma_wait3A_575] : memref<20x100xi32, #tpu.memory_space<vmem>> -> memref<1x100xi32, #tpu.memory_space<vmem>>
      %dma_wait3A_577 = tpu.memref_squeeze %dma_wait3A_576 : memref<1x100xi32, #tpu.memory_space<vmem>> -> memref<100xi32, #tpu.memory_space<vmem>>
      %dma_wait3A_578 = arith.constant 0 : i32
      %dma_wait3A_579 = arith.constant 0 : i32
      %dma_wait3A_580 = tpu.memref_slice %arg14[%dma_wait3A_578, %dma_wait3A_579] : memref<10000x128xf32, #tpu.memory_space<vmem_shared>> -> memref<10000x128xf32, #tpu.memory_space<vmem_shared>>
      tpu.wait_indirect_dma semaphore(%arg18 : memref<!tpu.dma_semaphore, #tpu.memory_space<semaphore_mem>>) src(%arg11 : memref<100x128xf32, #tpu.memory_space<vmem>>) dst(%dma_wait3A_580 : memref<10000x128xf32, #tpu.memory_space<vmem_shared>>)
      %dma_start3A_581 = arith.constant 18 : i32
      %dma_start3A_582 = arith.constant 0 : i32
      %dma_start3A_583 = tpu.memref_slice %arg8[%dma_start3A_581, %dma_start3A_582] : memref<20x100xi32, #tpu.memory_space<vmem>> -> memref<1x100xi32, #tpu.memory_space<vmem>>
      %dma_start3A_584 = tpu.memref_squeeze %dma_start3A_583 : memref<1x100xi32, #tpu.memory_space<vmem>> -> memref<100xi32, #tpu.memory_space<vmem>>
      %dma_start3A_585 = arith.constant 0 : i32
      %dma_start3A_586 = arith.constant 0 : i32
      %dma_start3A_587 = tpu.memref_slice %arg2[%dma_start3A_585, %dma_start3A_586] : memref<10000x128xf32, #tpu.memory_space<hbm>> -> memref<10000x128xf32, #tpu.memory_space<hbm>>
      tpu.enqueue_indirect_dma source(%dma_start3A_587 : memref<10000x128xf32, #tpu.memory_space<hbm>>) target(%arg11 : memref<100x128xf32, #tpu.memory_space<vmem>>) offsets(%dma_start3A_584 : memref<100xi32, #tpu.memory_space<vmem>>) semaphore(%arg15 : memref<!tpu.dma_semaphore, #tpu.memory_space<semaphore_mem>>)
      %dma_start3A_588 = arith.constant 16 : i32
      %dma_start3A_589 = arith.constant 0 : i32
      %dma_start3A_590 = tpu.memref_slice %arg9[%dma_start3A_588, %dma_start3A_589] : memref<20x100xi32, #tpu.memory_space<vmem>> -> memref<1x100xi32, #tpu.memory_space<vmem>>
      %dma_start3A_591 = tpu.memref_squeeze %dma_start3A_590 : memref<1x100xi32, #tpu.memory_space<vmem>> -> memref<100xi32, #tpu.memory_space<vmem>>
      %dma_start3A_592 = arith.constant 0 : i32
      %dma_start3A_593 = arith.constant 0 : i32
      %dma_start3A_594 = tpu.memref_slice %arg14[%dma_start3A_592, %dma_start3A_593] : memref<10000x128xf32, #tpu.memory_space<vmem_shared>> -> memref<10000x128xf32, #tpu.memory_space<vmem_shared>>
      tpu.enqueue_indirect_dma source(%arg12 : memref<100x128xf32, #tpu.memory_space<vmem>>) target(%dma_start3A_594 : memref<10000x128xf32, #tpu.memory_space<vmem_shared>>) offsets(%dma_start3A_591 : memref<100xi32, #tpu.memory_space<vmem>>) semaphore(%arg19 : memref<!tpu.dma_semaphore, #tpu.memory_space<semaphore_mem>>) {add = true}
      %dma_wait3A_595 = arith.constant 17 : i32
      %dma_wait3A_596 = arith.constant 0 : i32
      %dma_wait3A_597 = tpu.memref_slice %arg8[%dma_wait3A_595, %dma_wait3A_596] : memref<20x100xi32, #tpu.memory_space<vmem>> -> memref<1x100xi32, #tpu.memory_space<vmem>>
      %dma_wait3A_598 = tpu.memref_squeeze %dma_wait3A_597 : memref<1x100xi32, #tpu.memory_space<vmem>> -> memref<100xi32, #tpu.memory_space<vmem>>
      %dma_wait3A_599 = arith.constant 0 : i32
      %dma_wait3A_600 = arith.constant 0 : i32
      %dma_wait3A_601 = tpu.memref_slice %arg2[%dma_wait3A_599, %dma_wait3A_600] : memref<10000x128xf32, #tpu.memory_space<hbm>> -> memref<10000x128xf32, #tpu.memory_space<hbm>>
      tpu.wait_indirect_dma semaphore(%arg17 : memref<!tpu.dma_semaphore, #tpu.memory_space<semaphore_mem>>) src(%dma_wait3A_601 : memref<10000x128xf32, #tpu.memory_space<hbm>>) dst(%arg13 : memref<100x128xf32, #tpu.memory_space<vmem>>)
      %scan3A_602 = arith.constant 0 : i32
      %scan3A_603 = arith.constant 0 : i32
      %scan3A_604 = arith.constant 100 : i32
      %scan3A_605 = arith.addi %scan3A_603, %scan3A_604 : i32
      %scan3A_606 = arith.constant 1 : i32
      scf.for %scan3A_690 = %scan3A_603 to %scan3A_605 step %scan3A_606  : i32 {
        %jit3A = arith.constant 16 : i32
        %div3A = arith.divsi %scan3A_690, %jit3A : i32
        %sign3A = arith.constant 0 : i32
        %sign3A_691 = arith.cmpi sgt, %scan3A_690, %sign3A : i32
        %sign3A_692 = arith.extui %sign3A_691 : i1 to i32
        %sign3A_693 = arith.constant 0 : i32
        %sign3A_694 = arith.cmpi slt, %scan3A_690, %sign3A_693 : i32
        %sign3A_695 = arith.extui %sign3A_694 : i1 to i32
        %sign3A_696 = arith.subi %sign3A_692, %sign3A_695 : i32
        %sign3A_697 = arith.constant 0 : i32
        %sign3A_698 = arith.cmpi sgt, %jit3A, %sign3A_697 : i32
        %sign3A_699 = arith.extui %sign3A_698 : i1 to i32
        %sign3A_700 = arith.constant 0 : i32
        %sign3A_701 = arith.cmpi slt, %jit3A, %sign3A_700 : i32
        %sign3A_702 = arith.extui %sign3A_701 : i1 to i32
        %sign3A_703 = arith.subi %sign3A_699, %sign3A_702 : i32
        %ne3A = arith.cmpi ne, %sign3A_696, %sign3A_703 : i32
        %rem3A = arith.remsi %scan3A_690, %jit3A : i32
        %ne3A_704 = arith.constant 0 : i32
        %ne3A_705 = arith.cmpi ne, %rem3A, %ne3A_704 : i32
        %and3A = arith.andi %ne3A, %ne3A_705 : i1
        %sub3A = arith.constant 1 : i32
        %sub3A_706 = arith.subi %div3A, %sub3A : i32
        %select_n3A = arith.select %and3A, %sub3A_706, %div3A : i32
        %mul3A_707 = arith.constant 16 : i32
        %mul3A_708 = arith.muli %select_n3A, %mul3A_707 : i32
        %min3A = arith.constant 84 : i32
        %min3A_709 = arith.minsi %mul3A_708, %min3A : i32
        %get3A = arith.constant 17 : i32
        %get3A_710 = arith.index_cast %get3A : i32 to index
        %get3A_711 = arith.index_cast %min3A_709 : i32 to index
        %get3A_712 = tpu.vector_load %arg10[%get3A_710, %get3A_711] {strides = array<i32>} : memref<20x100xf32, #tpu.memory_space<vmem>>, vector<1x16xf32>,
        %get3A_713 = vector.shape_cast %get3A_712 : vector<1x16xf32> to vector<16xf32>
        %broadcast_in_dim3A = arith.constant 0 : i32
        %broadcast_in_dim3A_714 = vector.broadcast %broadcast_in_dim3A : i32 to vector<16xi32>
        %sub3A_715 = arith.subi %scan3A_690, %min3A_709 : i32
        %add3A_716 = vector.broadcast %sub3A_715 : i32 to vector<16xi32>
        %add3A_717 = arith.addi %broadcast_in_dim3A_714, %add3A_716 : vector<16xi32>
        %broadcast_in_dim3A_718 = vector.shape_cast %add3A_717 : vector<16xi32> to vector<16x1xi32>
        %gather3A = vector.shape_cast %broadcast_in_dim3A_718 : vector<16x1xi32> to vector<16xi32>
        %gather3A_719 = tpu.dynamic_gather %get3A_713[%gather3A] in [0] : vector<16xf32>, vector<16xi32> -> vector<16xf32>
        %get3A_720 = arith.index_cast %scan3A_690 : i32 to index
        %get3A_721 = arith.constant 0 : index
        %get3A_722 = tpu.vector_load %arg13[%get3A_720, %get3A_721] {strides = array<i32>} : memref<100x128xf32, #tpu.memory_space<vmem>>, vector<1x16xf32>,
        %get3A_723 = vector.shape_cast %get3A_722 : vector<1x16xf32> to vector<16xf32>
        %mul3A_724 = arith.mulf %get3A_723, %gather3A_719 : vector<16xf32>
        %swap3A = arith.index_cast %scan3A_690 : i32 to index
        %swap3A_725 = arith.constant 0 : index
        %swap3A_726 = tpu.vector_load %arg13[%swap3A, %swap3A_725] {strides = array<i32>} : memref<100x128xf32, #tpu.memory_space<vmem>>, vector<1x16xf32>,
        %swap3A_727 = vector.shape_cast %swap3A_726 : vector<1x16xf32> to vector<16xf32>
        %swap3A_728 = vector.shape_cast %mul3A_724 : vector<16xf32> to vector<1x16xf32>
        tpu.vector_store %arg13[%swap3A, %swap3A_725], %swap3A_728 {strides = array<i32>} : memref<100x128xf32, #tpu.memory_space<vmem>>, vector<1x16xf32>,
        %get3A_729 = arith.index_cast %scan3A_690 : i32 to index
        %get3A_730 = arith.constant 16 : index
        %get3A_731 = tpu.vector_load %arg13[%get3A_729, %get3A_730] {strides = array<i32>} : memref<100x128xf32, #tpu.memory_space<vmem>>, vector<1x16xf32>,
        %get3A_732 = vector.shape_cast %get3A_731 : vector<1x16xf32> to vector<16xf32>
        %mul3A_733 = arith.mulf %get3A_732, %gather3A_719 : vector<16xf32>
        %swap3A_734 = arith.index_cast %scan3A_690 : i32 to index
        %swap3A_735 = arith.constant 16 : index
        %swap3A_736 = tpu.vector_load %arg13[%swap3A_734, %swap3A_735] {strides = array<i32>} : memref<100x128xf32, #tpu.memory_space<vmem>>, vector<1x16xf32>,
        %swap3A_737 = vector.shape_cast %swap3A_736 : vector<1x16xf32> to vector<16xf32>
        %swap3A_738 = vector.shape_cast %mul3A_733 : vector<16xf32> to vector<1x16xf32>
        tpu.vector_store %arg13[%swap3A_734, %swap3A_735], %swap3A_738 {strides = array<i32>} : memref<100x128xf32, #tpu.memory_space<vmem>>, vector<1x16xf32>,
        %get3A_739 = arith.index_cast %scan3A_690 : i32 to index
        %get3A_740 = arith.constant 32 : index
        %get3A_741 = tpu.vector_load %arg13[%get3A_739, %get3A_740] {strides = array<i32>} : memref<100x128xf32, #tpu.memory_space<vmem>>, vector<1x16xf32>,
        %get3A_742 = vector.shape_cast %get3A_741 : vector<1x16xf32> to vector<16xf32>
        %mul3A_743 = arith.mulf %get3A_742, %gather3A_719 : vector<16xf32>
        %swap3A_744 = arith.index_cast %scan3A_690 : i32 to index
        %swap3A_745 = arith.constant 32 : index
        %swap3A_746 = tpu.vector_load %arg13[%swap3A_744, %swap3A_745] {strides = array<i32>} : memref<100x128xf32, #tpu.memory_space<vmem>>, vector<1x16xf32>,
        %swap3A_747 = vector.shape_cast %swap3A_746 : vector<1x16xf32> to vector<16xf32>
        %swap3A_748 = vector.shape_cast %mul3A_743 : vector<16xf32> to vector<1x16xf32>
        tpu.vector_store %arg13[%swap3A_744, %swap3A_745], %swap3A_748 {strides = array<i32>} : memref<100x128xf32, #tpu.memory_space<vmem>>, vector<1x16xf32>,
        %get3A_749 = arith.index_cast %scan3A_690 : i32 to index
        %get3A_750 = arith.constant 48 : index
        %get3A_751 = tpu.vector_load %arg13[%get3A_749, %get3A_750] {strides = array<i32>} : memref<100x128xf32, #tpu.memory_space<vmem>>, vector<1x16xf32>,
        %get3A_752 = vector.shape_cast %get3A_751 : vector<1x16xf32> to vector<16xf32>
        %mul3A_753 = arith.mulf %get3A_752, %gather3A_719 : vector<16xf32>
        %swap3A_754 = arith.index_cast %scan3A_690 : i32 to index
        %swap3A_755 = arith.constant 48 : index
        %swap3A_756 = tpu.vector_load %arg13[%swap3A_754, %swap3A_755] {strides = array<i32>} : memref<100x128xf32, #tpu.memory_space<vmem>>, vector<1x16xf32>,
        %swap3A_757 = vector.shape_cast %swap3A_756 : vector<1x16xf32> to vector<16xf32>
        %swap3A_758 = vector.shape_cast %mul3A_753 : vector<16xf32> to vector<1x16xf32>
        tpu.vector_store %arg13[%swap3A_754, %swap3A_755], %swap3A_758 {strides = array<i32>} : memref<100x128xf32, #tpu.memory_space<vmem>>, vector<1x16xf32>,
        %get3A_759 = arith.index_cast %scan3A_690 : i32 to index
        %get3A_760 = arith.constant 64 : index
        %get3A_761 = tpu.vector_load %arg13[%get3A_759, %get3A_760] {strides = array<i32>} : memref<100x128xf32, #tpu.memory_space<vmem>>, vector<1x16xf32>,
        %get3A_762 = vector.shape_cast %get3A_761 : vector<1x16xf32> to vector<16xf32>
        %mul3A_763 = arith.mulf %get3A_762, %gather3A_719 : vector<16xf32>
        %swap3A_764 = arith.index_cast %scan3A_690 : i32 to index
        %swap3A_765 = arith.constant 64 : index
        %swap3A_766 = tpu.vector_load %arg13[%swap3A_764, %swap3A_765] {strides = array<i32>} : memref<100x128xf32, #tpu.memory_space<vmem>>, vector<1x16xf32>,
        %swap3A_767 = vector.shape_cast %swap3A_766 : vector<1x16xf32> to vector<16xf32>
        %swap3A_768 = vector.shape_cast %mul3A_763 : vector<16xf32> to vector<1x16xf32>
        tpu.vector_store %arg13[%swap3A_764, %swap3A_765], %swap3A_768 {strides = array<i32>} : memref<100x128xf32, #tpu.memory_space<vmem>>, vector<1x16xf32>,
        %get3A_769 = arith.index_cast %scan3A_690 : i32 to index
        %get3A_770 = arith.constant 80 : index
        %get3A_771 = tpu.vector_load %arg13[%get3A_769, %get3A_770] {strides = array<i32>} : memref<100x128xf32, #tpu.memory_space<vmem>>, vector<1x16xf32>,
        %get3A_772 = vector.shape_cast %get3A_771 : vector<1x16xf32> to vector<16xf32>
        %mul3A_773 = arith.mulf %get3A_772, %gather3A_719 : vector<16xf32>
        %swap3A_774 = arith.index_cast %scan3A_690 : i32 to index
        %swap3A_775 = arith.constant 80 : index
        %swap3A_776 = tpu.vector_load %arg13[%swap3A_774, %swap3A_775] {strides = array<i32>} : memref<100x128xf32, #tpu.memory_space<vmem>>, vector<1x16xf32>,
        %swap3A_777 = vector.shape_cast %swap3A_776 : vector<1x16xf32> to vector<16xf32>
        %swap3A_778 = vector.shape_cast %mul3A_773 : vector<16xf32> to vector<1x16xf32>
        tpu.vector_store %arg13[%swap3A_774, %swap3A_775], %swap3A_778 {strides = array<i32>} : memref<100x128xf32, #tpu.memory_space<vmem>>, vector<1x16xf32>,
        %get3A_779 = arith.index_cast %scan3A_690 : i32 to index
        %get3A_780 = arith.constant 96 : index
        %get3A_781 = tpu.vector_load %arg13[%get3A_779, %get3A_780] {strides = array<i32>} : memref<100x128xf32, #tpu.memory_space<vmem>>, vector<1x16xf32>,
        %get3A_782 = vector.shape_cast %get3A_781 : vector<1x16xf32> to vector<16xf32>
        %mul3A_783 = arith.mulf %get3A_782, %gather3A_719 : vector<16xf32>
        %swap3A_784 = arith.index_cast %scan3A_690 : i32 to index
        %swap3A_785 = arith.constant 96 : index
        %swap3A_786 = tpu.vector_load %arg13[%swap3A_784, %swap3A_785] {strides = array<i32>} : memref<100x128xf32, #tpu.memory_space<vmem>>, vector<1x16xf32>,
        %swap3A_787 = vector.shape_cast %swap3A_786 : vector<1x16xf32> to vector<16xf32>
        %swap3A_788 = vector.shape_cast %mul3A_783 : vector<16xf32> to vector<1x16xf32>
        tpu.vector_store %arg13[%swap3A_784, %swap3A_785], %swap3A_788 {strides = array<i32>} : memref<100x128xf32, #tpu.memory_space<vmem>>, vector<1x16xf32>,
        %get3A_789 = arith.index_cast %scan3A_690 : i32 to index
        %get3A_790 = arith.constant 112 : index
        %get3A_791 = tpu.vector_load %arg13[%get3A_789, %get3A_790] {strides = array<i32>} : memref<100x128xf32, #tpu.memory_space<vmem>>, vector<1x16xf32>,
        %get3A_792 = vector.shape_cast %get3A_791 : vector<1x16xf32> to vector<16xf32>
        %mul3A_793 = arith.mulf %get3A_792, %gather3A_719 : vector<16xf32>
        %swap3A_794 = arith.index_cast %scan3A_690 : i32 to index
        %swap3A_795 = arith.constant 112 : index
        %swap3A_796 = tpu.vector_load %arg13[%swap3A_794, %swap3A_795] {strides = array<i32>} : memref<100x128xf32, #tpu.memory_space<vmem>>, vector<1x16xf32>,
        %swap3A_797 = vector.shape_cast %swap3A_796 : vector<1x16xf32> to vector<16xf32>
        %swap3A_798 = vector.shape_cast %mul3A_793 : vector<16xf32> to vector<1x16xf32>
        tpu.vector_store %arg13[%swap3A_794, %swap3A_795], %swap3A_798 {strides = array<i32>} : memref<100x128xf32, #tpu.memory_space<vmem>>, vector<1x16xf32>,
      }
      %scan3A_607 = arith.constant 100 : i32
      %dma_wait3A_608 = arith.constant 16 : i32
      %dma_wait3A_609 = arith.constant 0 : i32
      %dma_wait3A_610 = tpu.memref_slice %arg9[%dma_wait3A_608, %dma_wait3A_609] : memref<20x100xi32, #tpu.memory_space<vmem>> -> memref<1x100xi32, #tpu.memory_space<vmem>>
      %dma_wait3A_611 = tpu.memref_squeeze %dma_wait3A_610 : memref<1x100xi32, #tpu.memory_space<vmem>> -> memref<100xi32, #tpu.memory_space<vmem>>
      %dma_wait3A_612 = arith.constant 0 : i32
      %dma_wait3A_613 = arith.constant 0 : i32
      %dma_wait3A_614 = tpu.memref_slice %arg14[%dma_wait3A_612, %dma_wait3A_613] : memref<10000x128xf32, #tpu.memory_space<vmem_shared>> -> memref<10000x128xf32, #tpu.memory_space<vmem_shared>>
      tpu.wait_indirect_dma semaphore(%arg19 : memref<!tpu.dma_semaphore, #tpu.memory_space<semaphore_mem>>) src(%arg12 : memref<100x128xf32, #tpu.memory_space<vmem>>) dst(%dma_wait3A_614 : memref<10000x128xf32, #tpu.memory_space<vmem_shared>>)
      %dma_start3A_615 = arith.constant 19 : i32
      %dma_start3A_616 = arith.constant 0 : i32
      %dma_start3A_617 = tpu.memref_slice %arg8[%dma_start3A_615, %dma_start3A_616] : memref<20x100xi32, #tpu.memory_space<vmem>> -> memref<1x100xi32, #tpu.memory_space<vmem>>
      %dma_start3A_618 = tpu.memref_squeeze %dma_start3A_617 : memref<1x100xi32, #tpu.memory_space<vmem>> -> memref<100xi32, #tpu.memory_space<vmem>>
      %dma_start3A_619 = arith.constant 0 : i32
      %dma_start3A_620 = arith.constant 0 : i32
      %dma_start3A_621 = tpu.memref_slice %arg2[%dma_start3A_619, %dma_start3A_620] : memref<10000x128xf32, #tpu.memory_space<hbm>> -> memref<10000x128xf32, #tpu.memory_space<hbm>>
      tpu.enqueue_indirect_dma source(%dma_start3A_621 : memref<10000x128xf32, #tpu.memory_space<hbm>>) target(%arg12 : memref<100x128xf32, #tpu.memory_space<vmem>>) offsets(%dma_start3A_618 : memref<100xi32, #tpu.memory_space<vmem>>) semaphore(%arg16 : memref<!tpu.dma_semaphore, #tpu.memory_space<semaphore_mem>>)
      %dma_start3A_622 = arith.constant 17 : i32
      %dma_start3A_623 = arith.constant 0 : i32
      %dma_start3A_624 = tpu.memref_slice %arg9[%dma_start3A_622, %dma_start3A_623] : memref<20x100xi32, #tpu.memory_space<vmem>> -> memref<1x100xi32, #tpu.memory_space<vmem>>
      %dma_start3A_625 = tpu.memref_squeeze %dma_start3A_624 : memref<1x100xi32, #tpu.memory_space<vmem>> -> memref<100xi32, #tpu.memory_space<vmem>>
      %dma_start3A_626 = arith.constant 0 : i32
      %dma_start3A_627 = arith.constant 0 : i32
      %dma_start3A_628 = tpu.memref_slice %arg14[%dma_start3A_626, %dma_start3A_627] : memref<10000x128xf32, #tpu.memory_space<vmem_shared>> -> memref<10000x128xf32, #tpu.memory_space<vmem_shared>>
      tpu.enqueue_indirect_dma source(%arg13 : memref<100x128xf32, #tpu.memory_space<vmem>>) target(%dma_start3A_628 : memref<10000x128xf32, #tpu.memory_space<vmem_shared>>) offsets(%dma_start3A_625 : memref<100xi32, #tpu.memory_space<vmem>>) semaphore(%arg20 : memref<!tpu.dma_semaphore, #tpu.memory_space<semaphore_mem>>) {add = true}
      %dma_wait3A_629 = arith.constant 18 : i32
      %dma_wait3A_630 = arith.constant 0 : i32
      %dma_wait3A_631 = tpu.memref_slice %arg8[%dma_wait3A_629, %dma_wait3A_630] : memref<20x100xi32, #tpu.memory_space<vmem>> -> memref<1x100xi32, #tpu.memory_space<vmem>>
      %dma_wait3A_632 = tpu.memref_squeeze %dma_wait3A_631 : memref<1x100xi32, #tpu.memory_space<vmem>> -> memref<100xi32, #tpu.memory_space<vmem>>
      %dma_wait3A_633 = arith.constant 0 : i32
      %dma_wait3A_634 = arith.constant 0 : i32
      %dma_wait3A_635 = tpu.memref_slice %arg2[%dma_wait3A_633, %dma_wait3A_634] : memref<10000x128xf32, #tpu.memory_space<hbm>> -> memref<10000x128xf32, #tpu.memory_space<hbm>>
      tpu.wait_indirect_dma semaphore(%arg15 : memref<!tpu.dma_semaphore, #tpu.memory_space<semaphore_mem>>) src(%dma_wait3A_635 : memref<10000x128xf32, #tpu.memory_space<hbm>>) dst(%arg11 : memref<100x128xf32, #tpu.memory_space<vmem>>)
      %scan3A_636 = arith.constant 0 : i32
      %scan3A_637 = arith.constant 0 : i32
      %scan3A_638 = arith.constant 100 : i32
      %scan3A_639 = arith.addi %scan3A_637, %scan3A_638 : i32
      %scan3A_640 = arith.constant 1 : i32
      scf.for %scan3A_690 = %scan3A_637 to %scan3A_639 step %scan3A_640  : i32 {
        %jit3A = arith.constant 16 : i32
        %div3A = arith.divsi %scan3A_690, %jit3A : i32
        %sign3A = arith.constant 0 : i32
        %sign3A_691 = arith.cmpi sgt, %scan3A_690, %sign3A : i32
        %sign3A_692 = arith.extui %sign3A_691 : i1 to i32
        %sign3A_693 = arith.constant 0 : i32
        %sign3A_694 = arith.cmpi slt, %scan3A_690, %sign3A_693 : i32
        %sign3A_695 = arith.extui %sign3A_694 : i1 to i32
        %sign3A_696 = arith.subi %sign3A_692, %sign3A_695 : i32
        %sign3A_697 = arith.constant 0 : i32
        %sign3A_698 = arith.cmpi sgt, %jit3A, %sign3A_697 : i32
        %sign3A_699 = arith.extui %sign3A_698 : i1 to i32
        %sign3A_700 = arith.constant 0 : i32
        %sign3A_701 = arith.cmpi slt, %jit3A, %sign3A_700 : i32
        %sign3A_702 = arith.extui %sign3A_701 : i1 to i32
        %sign3A_703 = arith.subi %sign3A_699, %sign3A_702 : i32
        %ne3A = arith.cmpi ne, %sign3A_696, %sign3A_703 : i32
        %rem3A = arith.remsi %scan3A_690, %jit3A : i32
        %ne3A_704 = arith.constant 0 : i32
        %ne3A_705 = arith.cmpi ne, %rem3A, %ne3A_704 : i32
        %and3A = arith.andi %ne3A, %ne3A_705 : i1
        %sub3A = arith.constant 1 : i32
        %sub3A_706 = arith.subi %div3A, %sub3A : i32
        %select_n3A = arith.select %and3A, %sub3A_706, %div3A : i32
        %mul3A_707 = arith.constant 16 : i32
        %mul3A_708 = arith.muli %select_n3A, %mul3A_707 : i32
        %min3A = arith.constant 84 : i32
        %min3A_709 = arith.minsi %mul3A_708, %min3A : i32
        %get3A = arith.constant 18 : i32
        %get3A_710 = arith.index_cast %get3A : i32 to index
        %get3A_711 = arith.index_cast %min3A_709 : i32 to index
        %get3A_712 = tpu.vector_load %arg10[%get3A_710, %get3A_711] {strides = array<i32>} : memref<20x100xf32, #tpu.memory_space<vmem>>, vector<1x16xf32>,
        %get3A_713 = vector.shape_cast %get3A_712 : vector<1x16xf32> to vector<16xf32>
        %broadcast_in_dim3A = arith.constant 0 : i32
        %broadcast_in_dim3A_714 = vector.broadcast %broadcast_in_dim3A : i32 to vector<16xi32>
        %sub3A_715 = arith.subi %scan3A_690, %min3A_709 : i32
        %add3A_716 = vector.broadcast %sub3A_715 : i32 to vector<16xi32>
        %add3A_717 = arith.addi %broadcast_in_dim3A_714, %add3A_716 : vector<16xi32>
        %broadcast_in_dim3A_718 = vector.shape_cast %add3A_717 : vector<16xi32> to vector<16x1xi32>
        %gather3A = vector.shape_cast %broadcast_in_dim3A_718 : vector<16x1xi32> to vector<16xi32>
        %gather3A_719 = tpu.dynamic_gather %get3A_713[%gather3A] in [0] : vector<16xf32>, vector<16xi32> -> vector<16xf32>
        %get3A_720 = arith.index_cast %scan3A_690 : i32 to index
        %get3A_721 = arith.constant 0 : index
        %get3A_722 = tpu.vector_load %arg11[%get3A_720, %get3A_721] {strides = array<i32>} : memref<100x128xf32, #tpu.memory_space<vmem>>, vector<1x16xf32>,
        %get3A_723 = vector.shape_cast %get3A_722 : vector<1x16xf32> to vector<16xf32>
        %mul3A_724 = arith.mulf %get3A_723, %gather3A_719 : vector<16xf32>
        %swap3A = arith.index_cast %scan3A_690 : i32 to index
        %swap3A_725 = arith.constant 0 : index
        %swap3A_726 = tpu.vector_load %arg11[%swap3A, %swap3A_725] {strides = array<i32>} : memref<100x128xf32, #tpu.memory_space<vmem>>, vector<1x16xf32>,
        %swap3A_727 = vector.shape_cast %swap3A_726 : vector<1x16xf32> to vector<16xf32>
        %swap3A_728 = vector.shape_cast %mul3A_724 : vector<16xf32> to vector<1x16xf32>
        tpu.vector_store %arg11[%swap3A, %swap3A_725], %swap3A_728 {strides = array<i32>} : memref<100x128xf32, #tpu.memory_space<vmem>>, vector<1x16xf32>,
        %get3A_729 = arith.index_cast %scan3A_690 : i32 to index
        %get3A_730 = arith.constant 16 : index
        %get3A_731 = tpu.vector_load %arg11[%get3A_729, %get3A_730] {strides = array<i32>} : memref<100x128xf32, #tpu.memory_space<vmem>>, vector<1x16xf32>,
        %get3A_732 = vector.shape_cast %get3A_731 : vector<1x16xf32> to vector<16xf32>
        %mul3A_733 = arith.mulf %get3A_732, %gather3A_719 : vector<16xf32>
        %swap3A_734 = arith.index_cast %scan3A_690 : i32 to index
        %swap3A_735 = arith.constant 16 : index
        %swap3A_736 = tpu.vector_load %arg11[%swap3A_734, %swap3A_735] {strides = array<i32>} : memref<100x128xf32, #tpu.memory_space<vmem>>, vector<1x16xf32>,
        %swap3A_737 = vector.shape_cast %swap3A_736 : vector<1x16xf32> to vector<16xf32>
        %swap3A_738 = vector.shape_cast %mul3A_733 : vector<16xf32> to vector<1x16xf32>
        tpu.vector_store %arg11[%swap3A_734, %swap3A_735], %swap3A_738 {strides = array<i32>} : memref<100x128xf32, #tpu.memory_space<vmem>>, vector<1x16xf32>,
        %get3A_739 = arith.index_cast %scan3A_690 : i32 to index
        %get3A_740 = arith.constant 32 : index
        %get3A_741 = tpu.vector_load %arg11[%get3A_739, %get3A_740] {strides = array<i32>} : memref<100x128xf32, #tpu.memory_space<vmem>>, vector<1x16xf32>,
        %get3A_742 = vector.shape_cast %get3A_741 : vector<1x16xf32> to vector<16xf32>
        %mul3A_743 = arith.mulf %get3A_742, %gather3A_719 : vector<16xf32>
        %swap3A_744 = arith.index_cast %scan3A_690 : i32 to index
        %swap3A_745 = arith.constant 32 : index
        %swap3A_746 = tpu.vector_load %arg11[%swap3A_744, %swap3A_745] {strides = array<i32>} : memref<100x128xf32, #tpu.memory_space<vmem>>, vector<1x16xf32>,
        %swap3A_747 = vector.shape_cast %swap3A_746 : vector<1x16xf32> to vector<16xf32>
        %swap3A_748 = vector.shape_cast %mul3A_743 : vector<16xf32> to vector<1x16xf32>
        tpu.vector_store %arg11[%swap3A_744, %swap3A_745], %swap3A_748 {strides = array<i32>} : memref<100x128xf32, #tpu.memory_space<vmem>>, vector<1x16xf32>,
        %get3A_749 = arith.index_cast %scan3A_690 : i32 to index
        %get3A_750 = arith.constant 48 : index
        %get3A_751 = tpu.vector_load %arg11[%get3A_749, %get3A_750] {strides = array<i32>} : memref<100x128xf32, #tpu.memory_space<vmem>>, vector<1x16xf32>,
        %get3A_752 = vector.shape_cast %get3A_751 : vector<1x16xf32> to vector<16xf32>
        %mul3A_753 = arith.mulf %get3A_752, %gather3A_719 : vector<16xf32>
        %swap3A_754 = arith.index_cast %scan3A_690 : i32 to index
        %swap3A_755 = arith.constant 48 : index
        %swap3A_756 = tpu.vector_load %arg11[%swap3A_754, %swap3A_755] {strides = array<i32>} : memref<100x128xf32, #tpu.memory_space<vmem>>, vector<1x16xf32>,
        %swap3A_757 = vector.shape_cast %swap3A_756 : vector<1x16xf32> to vector<16xf32>
        %swap3A_758 = vector.shape_cast %mul3A_753 : vector<16xf32> to vector<1x16xf32>
        tpu.vector_store %arg11[%swap3A_754, %swap3A_755], %swap3A_758 {strides = array<i32>} : memref<100x128xf32, #tpu.memory_space<vmem>>, vector<1x16xf32>,
        %get3A_759 = arith.index_cast %scan3A_690 : i32 to index
        %get3A_760 = arith.constant 64 : index
        %get3A_761 = tpu.vector_load %arg11[%get3A_759, %get3A_760] {strides = array<i32>} : memref<100x128xf32, #tpu.memory_space<vmem>>, vector<1x16xf32>,
        %get3A_762 = vector.shape_cast %get3A_761 : vector<1x16xf32> to vector<16xf32>
        %mul3A_763 = arith.mulf %get3A_762, %gather3A_719 : vector<16xf32>
        %swap3A_764 = arith.index_cast %scan3A_690 : i32 to index
        %swap3A_765 = arith.constant 64 : index
        %swap3A_766 = tpu.vector_load %arg11[%swap3A_764, %swap3A_765] {strides = array<i32>} : memref<100x128xf32, #tpu.memory_space<vmem>>, vector<1x16xf32>,
        %swap3A_767 = vector.shape_cast %swap3A_766 : vector<1x16xf32> to vector<16xf32>
        %swap3A_768 = vector.shape_cast %mul3A_763 : vector<16xf32> to vector<1x16xf32>
        tpu.vector_store %arg11[%swap3A_764, %swap3A_765], %swap3A_768 {strides = array<i32>} : memref<100x128xf32, #tpu.memory_space<vmem>>, vector<1x16xf32>,
        %get3A_769 = arith.index_cast %scan3A_690 : i32 to index
        %get3A_770 = arith.constant 80 : index
        %get3A_771 = tpu.vector_load %arg11[%get3A_769, %get3A_770] {strides = array<i32>} : memref<100x128xf32, #tpu.memory_space<vmem>>, vector<1x16xf32>,
        %get3A_772 = vector.shape_cast %get3A_771 : vector<1x16xf32> to vector<16xf32>
        %mul3A_773 = arith.mulf %get3A_772, %gather3A_719 : vector<16xf32>
        %swap3A_774 = arith.index_cast %scan3A_690 : i32 to index
        %swap3A_775 = arith.constant 80 : index
        %swap3A_776 = tpu.vector_load %arg11[%swap3A_774, %swap3A_775] {strides = array<i32>} : memref<100x128xf32, #tpu.memory_space<vmem>>, vector<1x16xf32>,
        %swap3A_777 = vector.shape_cast %swap3A_776 : vector<1x16xf32> to vector<16xf32>
        %swap3A_778 = vector.shape_cast %mul3A_773 : vector<16xf32> to vector<1x16xf32>
        tpu.vector_store %arg11[%swap3A_774, %swap3A_775], %swap3A_778 {strides = array<i32>} : memref<100x128xf32, #tpu.memory_space<vmem>>, vector<1x16xf32>,
        %get3A_779 = arith.index_cast %scan3A_690 : i32 to index
        %get3A_780 = arith.constant 96 : index
        %get3A_781 = tpu.vector_load %arg11[%get3A_779, %get3A_780] {strides = array<i32>} : memref<100x128xf32, #tpu.memory_space<vmem>>, vector<1x16xf32>,
        %get3A_782 = vector.shape_cast %get3A_781 : vector<1x16xf32> to vector<16xf32>
        %mul3A_783 = arith.mulf %get3A_782, %gather3A_719 : vector<16xf32>
        %swap3A_784 = arith.index_cast %scan3A_690 : i32 to index
        %swap3A_785 = arith.constant 96 : index
        %swap3A_786 = tpu.vector_load %arg11[%swap3A_784, %swap3A_785] {strides = array<i32>} : memref<100x128xf32, #tpu.memory_space<vmem>>, vector<1x16xf32>,
        %swap3A_787 = vector.shape_cast %swap3A_786 : vector<1x16xf32> to vector<16xf32>
        %swap3A_788 = vector.shape_cast %mul3A_783 : vector<16xf32> to vector<1x16xf32>
        tpu.vector_store %arg11[%swap3A_784, %swap3A_785], %swap3A_788 {strides = array<i32>} : memref<100x128xf32, #tpu.memory_space<vmem>>, vector<1x16xf32>,
        %get3A_789 = arith.index_cast %scan3A_690 : i32 to index
        %get3A_790 = arith.constant 112 : index
        %get3A_791 = tpu.vector_load %arg11[%get3A_789, %get3A_790] {strides = array<i32>} : memref<100x128xf32, #tpu.memory_space<vmem>>, vector<1x16xf32>,
        %get3A_792 = vector.shape_cast %get3A_791 : vector<1x16xf32> to vector<16xf32>
        %mul3A_793 = arith.mulf %get3A_792, %gather3A_719 : vector<16xf32>
        %swap3A_794 = arith.index_cast %scan3A_690 : i32 to index
        %swap3A_795 = arith.constant 112 : index
        %swap3A_796 = tpu.vector_load %arg11[%swap3A_794, %swap3A_795] {strides = array<i32>} : memref<100x128xf32, #tpu.memory_space<vmem>>, vector<1x16xf32>,
        %swap3A_797 = vector.shape_cast %swap3A_796 : vector<1x16xf32> to vector<16xf32>
        %swap3A_798 = vector.shape_cast %mul3A_793 : vector<16xf32> to vector<1x16xf32>
        tpu.vector_store %arg11[%swap3A_794, %swap3A_795], %swap3A_798 {strides = array<i32>} : memref<100x128xf32, #tpu.memory_space<vmem>>, vector<1x16xf32>,
      }
      %scan3A_641 = arith.constant 100 : i32
      %dma_start3A_642 = arith.constant 18 : i32
      %dma_start3A_643 = arith.constant 0 : i32
      %dma_start3A_644 = tpu.memref_slice %arg9[%dma_start3A_642, %dma_start3A_643] : memref<20x100xi32, #tpu.memory_space<vmem>> -> memref<1x100xi32, #tpu.memory_space<vmem>>
      %dma_start3A_645 = tpu.memref_squeeze %dma_start3A_644 : memref<1x100xi32, #tpu.memory_space<vmem>> -> memref<100xi32, #tpu.memory_space<vmem>>
      %dma_start3A_646 = arith.constant 0 : i32
      %dma_start3A_647 = arith.constant 0 : i32
      %dma_start3A_648 = tpu.memref_slice %arg14[%dma_start3A_646, %dma_start3A_647] : memref<10000x128xf32, #tpu.memory_space<vmem_shared>> -> memref<10000x128xf32, #tpu.memory_space<vmem_shared>>
      tpu.enqueue_indirect_dma source(%arg11 : memref<100x128xf32, #tpu.memory_space<vmem>>) target(%dma_start3A_648 : memref<10000x128xf32, #tpu.memory_space<vmem_shared>>) offsets(%dma_start3A_645 : memref<100xi32, #tpu.memory_space<vmem>>) semaphore(%arg18 : memref<!tpu.dma_semaphore, #tpu.memory_space<semaphore_mem>>) {add = true}
      %dma_wait3A_649 = arith.constant 19 : i32
      %dma_wait3A_650 = arith.constant 0 : i32
      %dma_wait3A_651 = tpu.memref_slice %arg8[%dma_wait3A_649, %dma_wait3A_650] : memref<20x100xi32, #tpu.memory_space<vmem>> -> memref<1x100xi32, #tpu.memory_space<vmem>>
      %dma_wait3A_652 = tpu.memref_squeeze %dma_wait3A_651 : memref<1x100xi32, #tpu.memory_space<vmem>> -> memref<100xi32, #tpu.memory_space<vmem>>
      %dma_wait3A_653 = arith.constant 0 : i32
      %dma_wait3A_654 = arith.constant 0 : i32
      %dma_wait3A_655 = tpu.memref_slice %arg2[%dma_wait3A_653, %dma_wait3A_654] : memref<10000x128xf32, #tpu.memory_space<hbm>> -> memref<10000x128xf32, #tpu.memory_space<hbm>>
      tpu.wait_indirect_dma semaphore(%arg16 : memref<!tpu.dma_semaphore, #tpu.memory_space<semaphore_mem>>) src(%dma_wait3A_655 : memref<10000x128xf32, #tpu.memory_space<hbm>>) dst(%arg12 : memref<100x128xf32, #tpu.memory_space<vmem>>)
      %scan3A_656 = arith.constant 0 : i32
      %scan3A_657 = arith.constant 0 : i32
      %scan3A_658 = arith.constant 100 : i32
      %scan3A_659 = arith.addi %scan3A_657, %scan3A_658 : i32
      %scan3A_660 = arith.constant 1 : i32
      scf.for %scan3A_690 = %scan3A_657 to %scan3A_659 step %scan3A_660  : i32 {
        %jit3A = arith.constant 16 : i32
        %div3A = arith.divsi %scan3A_690, %jit3A : i32
        %sign3A = arith.constant 0 : i32
        %sign3A_691 = arith.cmpi sgt, %scan3A_690, %sign3A : i32
        %sign3A_692 = arith.extui %sign3A_691 : i1 to i32
        %sign3A_693 = arith.constant 0 : i32
        %sign3A_694 = arith.cmpi slt, %scan3A_690, %sign3A_693 : i32
        %sign3A_695 = arith.extui %sign3A_694 : i1 to i32
        %sign3A_696 = arith.subi %sign3A_692, %sign3A_695 : i32
        %sign3A_697 = arith.constant 0 : i32
        %sign3A_698 = arith.cmpi sgt, %jit3A, %sign3A_697 : i32
        %sign3A_699 = arith.extui %sign3A_698 : i1 to i32
        %sign3A_700 = arith.constant 0 : i32
        %sign3A_701 = arith.cmpi slt, %jit3A, %sign3A_700 : i32
        %sign3A_702 = arith.extui %sign3A_701 : i1 to i32
        %sign3A_703 = arith.subi %sign3A_699, %sign3A_702 : i32
        %ne3A = arith.cmpi ne, %sign3A_696, %sign3A_703 : i32
        %rem3A = arith.remsi %scan3A_690, %jit3A : i32
        %ne3A_704 = arith.constant 0 : i32
        %ne3A_705 = arith.cmpi ne, %rem3A, %ne3A_704 : i32
        %and3A = arith.andi %ne3A, %ne3A_705 : i1
        %sub3A = arith.constant 1 : i32
        %sub3A_706 = arith.subi %div3A, %sub3A : i32
        %select_n3A = arith.select %and3A, %sub3A_706, %div3A : i32
        %mul3A_707 = arith.constant 16 : i32
        %mul3A_708 = arith.muli %select_n3A, %mul3A_707 : i32
        %min3A = arith.constant 84 : i32
        %min3A_709 = arith.minsi %mul3A_708, %min3A : i32
        %get3A = arith.constant 19 : i32
        %get3A_710 = arith.index_cast %get3A : i32 to index
        %get3A_711 = arith.index_cast %min3A_709 : i32 to index
        %get3A_712 = tpu.vector_load %arg10[%get3A_710, %get3A_711] {strides = array<i32>} : memref<20x100xf32, #tpu.memory_space<vmem>>, vector<1x16xf32>,
        %get3A_713 = vector.shape_cast %get3A_712 : vector<1x16xf32> to vector<16xf32>
        %broadcast_in_dim3A = arith.constant 0 : i32
        %broadcast_in_dim3A_714 = vector.broadcast %broadcast_in_dim3A : i32 to vector<16xi32>
        %sub3A_715 = arith.subi %scan3A_690, %min3A_709 : i32
        %add3A_716 = vector.broadcast %sub3A_715 : i32 to vector<16xi32>
        %add3A_717 = arith.addi %broadcast_in_dim3A_714, %add3A_716 : vector<16xi32>
        %broadcast_in_dim3A_718 = vector.shape_cast %add3A_717 : vector<16xi32> to vector<16x1xi32>
        %gather3A = vector.shape_cast %broadcast_in_dim3A_718 : vector<16x1xi32> to vector<16xi32>
        %gather3A_719 = tpu.dynamic_gather %get3A_713[%gather3A] in [0] : vector<16xf32>, vector<16xi32> -> vector<16xf32>
        %get3A_720 = arith.index_cast %scan3A_690 : i32 to index
        %get3A_721 = arith.constant 0 : index
        %get3A_722 = tpu.vector_load %arg12[%get3A_720, %get3A_721] {strides = array<i32>} : memref<100x128xf32, #tpu.memory_space<vmem>>, vector<1x16xf32>,
        %get3A_723 = vector.shape_cast %get3A_722 : vector<1x16xf32> to vector<16xf32>
        %mul3A_724 = arith.mulf %get3A_723, %gather3A_719 : vector<16xf32>
        %swap3A = arith.index_cast %scan3A_690 : i32 to index
        %swap3A_725 = arith.constant 0 : index
        %swap3A_726 = tpu.vector_load %arg12[%swap3A, %swap3A_725] {strides = array<i32>} : memref<100x128xf32, #tpu.memory_space<vmem>>, vector<1x16xf32>,
        %swap3A_727 = vector.shape_cast %swap3A_726 : vector<1x16xf32> to vector<16xf32>
        %swap3A_728 = vector.shape_cast %mul3A_724 : vector<16xf32> to vector<1x16xf32>
        tpu.vector_store %arg12[%swap3A, %swap3A_725], %swap3A_728 {strides = array<i32>} : memref<100x128xf32, #tpu.memory_space<vmem>>, vector<1x16xf32>,
        %get3A_729 = arith.index_cast %scan3A_690 : i32 to index
        %get3A_730 = arith.constant 16 : index
        %get3A_731 = tpu.vector_load %arg12[%get3A_729, %get3A_730] {strides = array<i32>} : memref<100x128xf32, #tpu.memory_space<vmem>>, vector<1x16xf32>,
        %get3A_732 = vector.shape_cast %get3A_731 : vector<1x16xf32> to vector<16xf32>
        %mul3A_733 = arith.mulf %get3A_732, %gather3A_719 : vector<16xf32>
        %swap3A_734 = arith.index_cast %scan3A_690 : i32 to index
        %swap3A_735 = arith.constant 16 : index
        %swap3A_736 = tpu.vector_load %arg12[%swap3A_734, %swap3A_735] {strides = array<i32>} : memref<100x128xf32, #tpu.memory_space<vmem>>, vector<1x16xf32>,
        %swap3A_737 = vector.shape_cast %swap3A_736 : vector<1x16xf32> to vector<16xf32>
        %swap3A_738 = vector.shape_cast %mul3A_733 : vector<16xf32> to vector<1x16xf32>
        tpu.vector_store %arg12[%swap3A_734, %swap3A_735], %swap3A_738 {strides = array<i32>} : memref<100x128xf32, #tpu.memory_space<vmem>>, vector<1x16xf32>,
        %get3A_739 = arith.index_cast %scan3A_690 : i32 to index
        %get3A_740 = arith.constant 32 : index
        %get3A_741 = tpu.vector_load %arg12[%get3A_739, %get3A_740] {strides = array<i32>} : memref<100x128xf32, #tpu.memory_space<vmem>>, vector<1x16xf32>,
        %get3A_742 = vector.shape_cast %get3A_741 : vector<1x16xf32> to vector<16xf32>
        %mul3A_743 = arith.mulf %get3A_742, %gather3A_719 : vector<16xf32>
        %swap3A_744 = arith.index_cast %scan3A_690 : i32 to index
        %swap3A_745 = arith.constant 32 : index
        %swap3A_746 = tpu.vector_load %arg12[%swap3A_744, %swap3A_745] {strides = array<i32>} : memref<100x128xf32, #tpu.memory_space<vmem>>, vector<1x16xf32>,
        %swap3A_747 = vector.shape_cast %swap3A_746 : vector<1x16xf32> to vector<16xf32>
        %swap3A_748 = vector.shape_cast %mul3A_743 : vector<16xf32> to vector<1x16xf32>
        tpu.vector_store %arg12[%swap3A_744, %swap3A_745], %swap3A_748 {strides = array<i32>} : memref<100x128xf32, #tpu.memory_space<vmem>>, vector<1x16xf32>,
        %get3A_749 = arith.index_cast %scan3A_690 : i32 to index
        %get3A_750 = arith.constant 48 : index
        %get3A_751 = tpu.vector_load %arg12[%get3A_749, %get3A_750] {strides = array<i32>} : memref<100x128xf32, #tpu.memory_space<vmem>>, vector<1x16xf32>,
        %get3A_752 = vector.shape_cast %get3A_751 : vector<1x16xf32> to vector<16xf32>
        %mul3A_753 = arith.mulf %get3A_752, %gather3A_719 : vector<16xf32>
        %swap3A_754 = arith.index_cast %scan3A_690 : i32 to index
        %swap3A_755 = arith.constant 48 : index
        %swap3A_756 = tpu.vector_load %arg12[%swap3A_754, %swap3A_755] {strides = array<i32>} : memref<100x128xf32, #tpu.memory_space<vmem>>, vector<1x16xf32>,
        %swap3A_757 = vector.shape_cast %swap3A_756 : vector<1x16xf32> to vector<16xf32>
        %swap3A_758 = vector.shape_cast %mul3A_753 : vector<16xf32> to vector<1x16xf32>
        tpu.vector_store %arg12[%swap3A_754, %swap3A_755], %swap3A_758 {strides = array<i32>} : memref<100x128xf32, #tpu.memory_space<vmem>>, vector<1x16xf32>,
        %get3A_759 = arith.index_cast %scan3A_690 : i32 to index
        %get3A_760 = arith.constant 64 : index
        %get3A_761 = tpu.vector_load %arg12[%get3A_759, %get3A_760] {strides = array<i32>} : memref<100x128xf32, #tpu.memory_space<vmem>>, vector<1x16xf32>,
        %get3A_762 = vector.shape_cast %get3A_761 : vector<1x16xf32> to vector<16xf32>
        %mul3A_763 = arith.mulf %get3A_762, %gather3A_719 : vector<16xf32>
        %swap3A_764 = arith.index_cast %scan3A_690 : i32 to index
        %swap3A_765 = arith.constant 64 : index
        %swap3A_766 = tpu.vector_load %arg12[%swap3A_764, %swap3A_765] {strides = array<i32>} : memref<100x128xf32, #tpu.memory_space<vmem>>, vector<1x16xf32>,
        %swap3A_767 = vector.shape_cast %swap3A_766 : vector<1x16xf32> to vector<16xf32>
        %swap3A_768 = vector.shape_cast %mul3A_763 : vector<16xf32> to vector<1x16xf32>
        tpu.vector_store %arg12[%swap3A_764, %swap3A_765], %swap3A_768 {strides = array<i32>} : memref<100x128xf32, #tpu.memory_space<vmem>>, vector<1x16xf32>,
        %get3A_769 = arith.index_cast %scan3A_690 : i32 to index
        %get3A_770 = arith.constant 80 : index
        %get3A_771 = tpu.vector_load %arg12[%get3A_769, %get3A_770] {strides = array<i32>} : memref<100x128xf32, #tpu.memory_space<vmem>>, vector<1x16xf32>,
        %get3A_772 = vector.shape_cast %get3A_771 : vector<1x16xf32> to vector<16xf32>
        %mul3A_773 = arith.mulf %get3A_772, %gather3A_719 : vector<16xf32>
        %swap3A_774 = arith.index_cast %scan3A_690 : i32 to index
        %swap3A_775 = arith.constant 80 : index
        %swap3A_776 = tpu.vector_load %arg12[%swap3A_774, %swap3A_775] {strides = array<i32>} : memref<100x128xf32, #tpu.memory_space<vmem>>, vector<1x16xf32>,
        %swap3A_777 = vector.shape_cast %swap3A_776 : vector<1x16xf32> to vector<16xf32>
        %swap3A_778 = vector.shape_cast %mul3A_773 : vector<16xf32> to vector<1x16xf32>
        tpu.vector_store %arg12[%swap3A_774, %swap3A_775], %swap3A_778 {strides = array<i32>} : memref<100x128xf32, #tpu.memory_space<vmem>>, vector<1x16xf32>,
        %get3A_779 = arith.index_cast %scan3A_690 : i32 to index
        %get3A_780 = arith.constant 96 : index
        %get3A_781 = tpu.vector_load %arg12[%get3A_779, %get3A_780] {strides = array<i32>} : memref<100x128xf32, #tpu.memory_space<vmem>>, vector<1x16xf32>,
        %get3A_782 = vector.shape_cast %get3A_781 : vector<1x16xf32> to vector<16xf32>
        %mul3A_783 = arith.mulf %get3A_782, %gather3A_719 : vector<16xf32>
        %swap3A_784 = arith.index_cast %scan3A_690 : i32 to index
        %swap3A_785 = arith.constant 96 : index
        %swap3A_786 = tpu.vector_load %arg12[%swap3A_784, %swap3A_785] {strides = array<i32>} : memref<100x128xf32, #tpu.memory_space<vmem>>, vector<1x16xf32>,
        %swap3A_787 = vector.shape_cast %swap3A_786 : vector<1x16xf32> to vector<16xf32>
        %swap3A_788 = vector.shape_cast %mul3A_783 : vector<16xf32> to vector<1x16xf32>
        tpu.vector_store %arg12[%swap3A_784, %swap3A_785], %swap3A_788 {strides = array<i32>} : memref<100x128xf32, #tpu.memory_space<vmem>>, vector<1x16xf32>,
        %get3A_789 = arith.index_cast %scan3A_690 : i32 to index
        %get3A_790 = arith.constant 112 : index
        %get3A_791 = tpu.vector_load %arg12[%get3A_789, %get3A_790] {strides = array<i32>} : memref<100x128xf32, #tpu.memory_space<vmem>>, vector<1x16xf32>,
        %get3A_792 = vector.shape_cast %get3A_791 : vector<1x16xf32> to vector<16xf32>
        %mul3A_793 = arith.mulf %get3A_792, %gather3A_719 : vector<16xf32>
        %swap3A_794 = arith.index_cast %scan3A_690 : i32 to index
        %swap3A_795 = arith.constant 112 : index
        %swap3A_796 = tpu.vector_load %arg12[%swap3A_794, %swap3A_795] {strides = array<i32>} : memref<100x128xf32, #tpu.memory_space<vmem>>, vector<1x16xf32>,
        %swap3A_797 = vector.shape_cast %swap3A_796 : vector<1x16xf32> to vector<16xf32>
        %swap3A_798 = vector.shape_cast %mul3A_793 : vector<16xf32> to vector<1x16xf32>
        tpu.vector_store %arg12[%swap3A_794, %swap3A_795], %swap3A_798 {strides = array<i32>} : memref<100x128xf32, #tpu.memory_space<vmem>>, vector<1x16xf32>,
      }
      %scan3A_661 = arith.constant 100 : i32
      %dma_start3A_662 = arith.constant 19 : i32
      %dma_start3A_663 = arith.constant 0 : i32
      %dma_start3A_664 = tpu.memref_slice %arg9[%dma_start3A_662, %dma_start3A_663] : memref<20x100xi32, #tpu.memory_space<vmem>> -> memref<1x100xi32, #tpu.memory_space<vmem>>
      %dma_start3A_665 = tpu.memref_squeeze %dma_start3A_664 : memref<1x100xi32, #tpu.memory_space<vmem>> -> memref<100xi32, #tpu.memory_space<vmem>>
      %dma_start3A_666 = arith.constant 0 : i32
      %dma_start3A_667 = arith.constant 0 : i32
      %dma_start3A_668 = tpu.memref_slice %arg14[%dma_start3A_666, %dma_start3A_667] : memref<10000x128xf32, #tpu.memory_space<vmem_shared>> -> memref<10000x128xf32, #tpu.memory_space<vmem_shared>>
      tpu.enqueue_indirect_dma source(%arg12 : memref<100x128xf32, #tpu.memory_space<vmem>>) target(%dma_start3A_668 : memref<10000x128xf32, #tpu.memory_space<vmem_shared>>) offsets(%dma_start3A_665 : memref<100xi32, #tpu.memory_space<vmem>>) semaphore(%arg19 : memref<!tpu.dma_semaphore, #tpu.memory_space<semaphore_mem>>) {add = true}
      %dma_wait3A_669 = arith.constant 17 : i32
      %dma_wait3A_670 = arith.constant 0 : i32
      %dma_wait3A_671 = tpu.memref_slice %arg9[%dma_wait3A_669, %dma_wait3A_670] : memref<20x100xi32, #tpu.memory_space<vmem>> -> memref<1x100xi32, #tpu.memory_space<vmem>>
      %dma_wait3A_672 = tpu.memref_squeeze %dma_wait3A_671 : memref<1x100xi32, #tpu.memory_space<vmem>> -> memref<100xi32, #tpu.memory_space<vmem>>
      %dma_wait3A_673 = arith.constant 0 : i32
      %dma_wait3A_674 = arith.constant 0 : i32
      %dma_wait3A_675 = tpu.memref_slice %arg14[%dma_wait3A_673, %dma_wait3A_674] : memref<10000x128xf32, #tpu.memory_space<vmem_shared>> -> memref<10000x128xf32, #tpu.memory_space<vmem_shared>>
      tpu.wait_indirect_dma semaphore(%arg20 : memref<!tpu.dma_semaphore, #tpu.memory_space<semaphore_mem>>) src(%arg13 : memref<100x128xf32, #tpu.memory_space<vmem>>) dst(%dma_wait3A_675 : memref<10000x128xf32, #tpu.memory_space<vmem_shared>>)
      %dma_wait3A_676 = arith.constant 18 : i32
      %dma_wait3A_677 = arith.constant 0 : i32
      %dma_wait3A_678 = tpu.memref_slice %arg9[%dma_wait3A_676, %dma_wait3A_677] : memref<20x100xi32, #tpu.memory_space<vmem>> -> memref<1x100xi32, #tpu.memory_space<vmem>>
      %dma_wait3A_679 = tpu.memref_squeeze %dma_wait3A_678 : memref<1x100xi32, #tpu.memory_space<vmem>> -> memref<100xi32, #tpu.memory_space<vmem>>
      %dma_wait3A_680 = arith.constant 0 : i32
      %dma_wait3A_681 = arith.constant 0 : i32
      %dma_wait3A_682 = tpu.memref_slice %arg14[%dma_wait3A_680, %dma_wait3A_681] : memref<10000x128xf32, #tpu.memory_space<vmem_shared>> -> memref<10000x128xf32, #tpu.memory_space<vmem_shared>>
      tpu.wait_indirect_dma semaphore(%arg18 : memref<!tpu.dma_semaphore, #tpu.memory_space<semaphore_mem>>) src(%arg11 : memref<100x128xf32, #tpu.memory_space<vmem>>) dst(%dma_wait3A_682 : memref<10000x128xf32, #tpu.memory_space<vmem_shared>>)
      %dma_wait3A_683 = arith.constant 19 : i32
      %dma_wait3A_684 = arith.constant 0 : i32
      %dma_wait3A_685 = tpu.memref_slice %arg9[%dma_wait3A_683, %dma_wait3A_684] : memref<20x100xi32, #tpu.memory_space<vmem>> -> memref<1x100xi32, #tpu.memory_space<vmem>>
      %dma_wait3A_686 = tpu.memref_squeeze %dma_wait3A_685 : memref<1x100xi32, #tpu.memory_space<vmem>> -> memref<100xi32, #tpu.memory_space<vmem>>
      %dma_wait3A_687 = arith.constant 0 : i32
      %dma_wait3A_688 = arith.constant 0 : i32
      %dma_wait3A_689 = tpu.memref_slice %arg14[%dma_wait3A_687, %dma_wait3A_688] : memref<10000x128xf32, #tpu.memory_space<vmem_shared>> -> memref<10000x128xf32, #tpu.memory_space<vmem_shared>>
      tpu.wait_indirect_dma semaphore(%arg19 : memref<!tpu.dma_semaphore, #tpu.memory_space<semaphore_mem>>) src(%arg12 : memref<100x128xf32, #tpu.memory_space<vmem>>) dst(%dma_wait3A_689 : memref<10000x128xf32, #tpu.memory_space<vmem_shared>>)
    }
    %scan3A_7 = arith.constant 5 : i32
    %barrier3A_8 = arith.constant 0 : index
    tpu.barrier barrier_id(%barrier3A_8)
    %mul3A_9 = arith.constant 625 : i32
    %mul3A_10 = arith.muli %arg1, %mul3A_9 : i32
    "tpu.region"() ({
      %run_scoped3A = tpu.sem_alloc : memref<!tpu.dma_semaphore, #tpu.memory_space<semaphore_mem>>
      %dma_start3A = arith.constant 0 : i32
      %dma_start3A_11 = arith.constant 0 : i32
      %dma_start3A_12 = tpu.memref_slice %arg7[%arg0, %arg1, %dma_start3A, %dma_start3A_11] : memref<2x16x625x128xf32, #tpu.memory_space<hbm>> -> memref<1x1x625x128xf32, #tpu.memory_space<hbm>>
      %dma_start3A_13 = tpu.memref_squeeze %dma_start3A_12 : memref<1x1x625x128xf32, #tpu.memory_space<hbm>> -> memref<625x128xf32, #tpu.memory_space<hbm>>
      %dma_start3A_14 = arith.constant 0 : i32
      %dma_start3A_15 = tpu.memref_slice %arg14[%mul3A_10, %dma_start3A_14] : memref<10000x128xf32, #tpu.memory_space<vmem_shared>> -> memref<625x128xf32, #tpu.memory_space<vmem_shared>>
      tpu.enqueue_dma source(%dma_start3A_15 : memref<625x128xf32, #tpu.memory_space<vmem_shared>>) target(%dma_start3A_13 : memref<625x128xf32, #tpu.memory_space<hbm>>) target_semaphore(%run_scoped3A : memref<!tpu.dma_semaphore, #tpu.memory_space<semaphore_mem>>)
      %dma_wait3A = arith.constant 0 : i32
      %dma_wait3A_16 = arith.constant 0 : i32
      %dma_wait3A_17 = tpu.memref_slice %arg7[%arg0, %arg1, %dma_wait3A, %dma_wait3A_16] : memref<2x16x625x128xf32, #tpu.memory_space<hbm>> -> memref<1x1x625x128xf32, #tpu.memory_space<hbm>>
      %dma_wait3A_18 = tpu.memref_squeeze %dma_wait3A_17 : memref<1x1x625x128xf32, #tpu.memory_space<hbm>> -> memref<625x128xf32, #tpu.memory_space<hbm>>
      %dma_wait3A_19 = arith.constant 0 : i32
      %dma_wait3A_20 = tpu.memref_slice %arg14[%mul3A_10, %dma_wait3A_19] : memref<10000x128xf32, #tpu.memory_space<vmem_shared>> -> memref<625x128xf32, #tpu.memory_space<vmem_shared>>
      tpu.wait_dma2 semaphore(%run_scoped3A : memref<!tpu.dma_semaphore, #tpu.memory_space<semaphore_mem>>) src(%dma_wait3A_20 : memref<625x128xf32, #tpu.memory_space<vmem_shared>>) dst(%dma_wait3A_18 : memref<625x128xf32, #tpu.memory_space<hbm>>)
      tpu.yield
    }) : () -> ()
    return
  }
}

module attributes {stable_mosaic.version = 14 : i64} {
  func.func @_tc_body(%arg0: i32, %arg1: memref<2x1000x128xf32, #tpu.memory_space<vmem>>, %arg2: memref<128x128xf32, #tpu.memory_space<vmem>>, %arg3: memref<1000x128xf32, #tpu.memory_space<vmem>>) attributes {dimension_semantics = [#tpu.dimension_semantics<arbitrary>], iteration_bounds = array<i64: 10>, scalar_prefetch = 0 : i64, scratch_operands = 0 : i64, tpu.core_type = #tpu.core_type<tc>, window_params = [{transform_indices = @transform_0, window_bounds = array<i64: 2, 1000, 128>}, {pipeline_mode = #tpu.pipeline_mode<synchronous>, transform_indices = @transform_1, window_bounds = array<i64: 128, 128>}, {transform_indices = @transform_2, window_bounds = array<i64: 1000, 128>}]} {
    %get3A = arith.constant 0 : index
    %get3A_0 = arith.constant 0 : index
    %get3A_1 = arith.constant 0 : index
    %get3A_2 = vector.load %arg1[%get3A, %get3A_0, %get3A_1] : memref<2x1000x128xf32, #tpu.memory_space<vmem>>, vector<1x1000x128xf32>
    %get3A_3 = vector.shape_cast %get3A_2 : vector<1x1000x128xf32> to vector<1000x128xf32>
    %get3A_4 = arith.constant 1 : index
    %get3A_5 = arith.constant 0 : index
    %get3A_6 = arith.constant 0 : index
    %get3A_7 = vector.load %arg1[%get3A_4, %get3A_5, %get3A_6] : memref<2x1000x128xf32, #tpu.memory_space<vmem>>, vector<1x1000x128xf32>
    %get3A_8 = vector.shape_cast %get3A_7 : vector<1x1000x128xf32> to vector<1000x128xf32>
    %add3A = arith.addf %get3A_3, %get3A_8 : vector<1000x128xf32>
    %get3A_9 = arith.constant 0 : index
    %get3A_10 = arith.constant 0 : index
    %get3A_11 = vector.load %arg2[%get3A_9, %get3A_10] : memref<128x128xf32, #tpu.memory_space<vmem>>, vector<128x128xf32>
    %dot_general3A = arith.constant dense<0.000000e+00> : vector<1000x128xf32>
    %dot_general3A_12 = tpu.matmul %add3A, %get3A_11, %dot_general3A {dimension_numbers = #tpu.dot_dimension_numbers<[1], [0], [0], [1], [0, 0, 1, 1], [], []>, transpose_lhs_hint = false} : vector<1000x128xf32>, vector<128x128xf32>, vector<1000x128xf32> -> vector<1000x128xf32>
    %max3A = arith.constant 0.000000e+00 : f32
    %max3A_13 = vector.broadcast %max3A : f32 to vector<1000x128xf32>
    %max3A_14 = arith.maximumf %dot_general3A_12, %max3A_13 : vector<1000x128xf32>
    %swap3A = arith.constant 0 : index
    %swap3A_15 = arith.constant 0 : index
    %swap3A_16 = vector.load %arg3[%swap3A, %swap3A_15] : memref<1000x128xf32, #tpu.memory_space<vmem>>, vector<1000x128xf32>
    tpu.vector_store %arg3[%swap3A, %swap3A_15], %max3A_14 {strides = array<i32>} : memref<1000x128xf32, #tpu.memory_space<vmem>>, vector<1000x128xf32>,
    return
  }
  func.func @transform_0(%arg0: i32) -> (i32, i32, i32) {
    %c0_i32 = arith.constant 0 : i32
    %c0_i32_0 = arith.constant 0 : i32
    %c0_i32_1 = arith.constant 0 : i32
    return %c0_i32, %arg0, %c0_i32_0 : i32, i32, i32
  }
  func.func @transform_1(%arg0: i32) -> (i32, i32) {
    %c0_i32 = arith.constant 0 : i32
    %c0_i32_0 = arith.constant 0 : i32
    %c0_i32_1 = arith.constant 0 : i32
    return %c0_i32, %c0_i32_0 : i32, i32
  }
  func.func @transform_2(%arg0: i32) -> (i32, i32) {
    %c0_i32 = arith.constant 0 : i32
    %c0_i32_0 = arith.constant 0 : i32
    return %arg0, %c0_i32 : i32, i32
  }
}

</mosaic_0001>

<sc_bundles>
// kernel: kernel.4.cloned.1.call-start
scs
__scs_entry_jumppad:
0x0: {  	(pc) =	sbr.rel $0x88, $3  }
0x1: {  	(tag) =	ssettag $0x0;
	lr =	simm.s32 $0x1  }
0x2: {  	[smem:$0x3F9D] =	sst lr;
	_ =	strace $0xD0000000  }
0x3: {  	_ = 	snop  }
0x4: {  	_ = 	snop  }
0x5: {  	_ = 	snop  }
0x6: {  	_ = 	snop  }
0x7: {  	_ = 	snop  }
__scs_overlays_trampoline_lowered:
0x8: {  	[smem:$0x3FAC] =	sst s0  }
0x9: {  	[smem:$0x3FAD] =	sst s1  }
0xa: {  	[smem:$0x3FAE] =	sst s2  }
0xb: {  	[smem:$0x3FAF] =	sst s3  }
0xc: {  	[smem:$0x3FB0] =	sst s4  }
0xd: {  	[smem:$0x3FB1] =	sst s5  }
0xe: {  	[smem:$0x3FB2] =	sst s6  }
0xf: {  	[smem:$0x3FB3] =	sst s7  }
0x10: {  	[smem:$0x3FB4] =	sst s8  }
0x11: {  	[smem:$0x3FB5] =	sst s9;
	s0 =	simm.s32 @!p0 $0x0  }
0x12: {  	s1 =	sld [smem:$0x3F9B];
	s0 =	simm.s32 @p0 $0x1  }
0x13: {  	[smem:$0x3FB6] =	sst s0;
	s0 =	simm.s32 @!p1 $0x0  }
0x14: {  	s2 =	sld [smem:$0x3F9A];
	s0 =	simm.s32 @p1 $0x1  }
0x15: {  	[smem:$0x3FB7] =	sst s0;
	s0 =	simm.s32 @!p2 $0x0  }
0x16: {  	s3 =	sld [smem:$0x3FDB];
	s0 =	simm.s32 @p2 $0x1  }
0x17: {  	s4 =	simm.s32 $0x1BF5;
	[smem:$0x3FB9] =	sst s0  }
0x18: {  	s0 =	sld [smem:$0x3F9C];
	_ =	swait.ge [sflag:s4], $0x0  }
0x19: {  	s7 =	sld [smem:$0x3F9D]  }
0x1a: {  	s8 =	sadd.s32 $0xFFFFE003, lr  }
0x1b: {  	s9 =	sadd.s32 $0xFFFFFEF7, lr;
	s5 =	simm.s32 $0xFFFFFFFF;
	p2 =	slt.u32 s8, $0xFFFFF086  }
0x1c: {  	p1 =	slt.u32 s9, $0xF7A;
	s5 =	simm.s32 @!p2 $0x0  }
0x1d: {  	s5 =	simm.s32 @p1 $0x1;
	p0 =	seq.s32 s7, s2  }
0x1e: {  	s7 =	smul.u32 @!p0 $0xF7A, s2;
	p2 =	seq.s32 @!p0 s5, $0x0  }
0x1f: {  	s9 =	smul.u32 $0xF7A, s1;
	s8 =	simm.s32 @!p0 $0x1BF5;
	p2 =	por !p2, p0  }
0x20: {  	[sflag:s8] =	ssyncset.s32 @!p0 $0xFFFFF086;
	s6 =	sadd.s32 @!p0 s3, s7;
	s7 =	simm.s32 @!p0 $0x108  }
0x21: {  	s3 =	sadd.s32 s3, s9;
	s6 =	sadd.s32 @!p0 $0x88, s6;
	s7 =	simm.s32 @p2 $0x1082  }
0x22: {  	[simem:s7], [sflag:s8] =	dma.local @!p0 [hbm:s6], $0xF7A  }
0x23: {  	s9 =	sor.u32 $0xD0000000, s2;
	s6 =	simm.s32 $0x108;
	_ =	swait.ge @!p0 [sflag:s8], $0x0  }
0x24: {  	s3 =	sadd.s32 $0x88, s3;
	s6 =	simm.s32 @!p1 $0x1082;
	[sflag:s4] =	ssyncset.s32 $0xFFFFF086  }
0x25: {  	[simem:s6], [sflag:s4] =	dma.local [hbm:s3], $0xF7A  }
0x26: {  	[smem:$0x3F9D] =	sst s1;
	(tag) =	ssettag s2;
	_ =	strace s9  }
0x27: {  	s1 =	sld [smem:$0x3FAD]  }
0x28: {  	s2 =	sld [smem:$0x3FAE]  }
0x29: {  	s4 =	sld [smem:$0x3FB0]  }
0x2a: {  	p0 =	seq.s32 s5, $0x0;
	s5 =	sld [smem:$0x3FB1]  }
0x2b: {  	s6 =	sld [smem:$0x3FB2]  }
0x2c: {  	s7 =	sld [smem:$0x3FB3]  }
0x2d: {  	s3 =	simm.s32 $0x108;
	s8 =	sld [smem:$0x3FB4]  }
0x2e: {  	s3 =	simm.s32 @!p0 $0x1082;
	s9 =	sld [smem:$0x3FB5]  }
0x2f: {  	lr =	sadd.s32 s0, s3;
	s0 =	sld [smem:$0x3FAC]  }
0x30: {  	s3 =	sld [smem:$0x3FAF]  }
0x31: {  	[smem:$0x3FB8] =	sst s10  }
0x32: {  	s10 =	sld [smem:$0x3FB6];
	_ =	sdelay $0x3  }
0x33: {  	p0 =	seq.s32 s10, $0x1;
	s10 =	sld [smem:$0x3FB8];
	_ =	sdelay $0x3  }
0x34: {  	[smem:$0x3FB8] =	sst s10  }
0x35: {  	s10 =	sld [smem:$0x3FB7];
	_ =	sdelay $0x3  }
0x36: {  	p1 =	seq.s32 s10, $0x1;
	s10 =	sld [smem:$0x3FB8];
	_ =	sdelay $0x3  }
0x37: {  	[smem:$0x3FB8] =	sst s10  }
0x38: {  	s10 =	sld [smem:$0x3FB9]  }
0x39: {  	_ = 	snop;
	(pc) =	sbr.ind lr, $3  }
0x3a: {  	_ = 	snop  }
0x3b: {  	_ = 	snop  }
0x3c: {  	p2 =	seq.s32 s10, $0x1;
	s10 =	sld [smem:$0x3FB8]  }
0x3d: {  	_ =	shalt  }
0x3e: {  	_ =	shalt  }
0x3f: {  	_ =	shalt  }
0x40: {  	_ =	shalt  }
0x41: {  	_ =	shalt  }
0x42: {  	_ =	shalt  }
0x43: {  	_ =	shalt  }
0x44: {  	_ =	shalt  }
0x45: {  	_ =	shalt  }
0x46: {  	_ =	shalt  }
0x47: {  	_ =	shalt  }
0x48: {  	_ =	shalt  }
0x49: {  	_ =	shalt  }
0x4a: {  	_ =	shalt  }
0x4b: {  	_ =	shalt  }
0x4c: {  	_ =	shalt  }
0x4d: {  	_ =	shalt  }
0x4e: {  	_ =	shalt  }
0x4f: {  	_ =	shalt  }
0x50: {  	_ =	shalt  }
0x51: {  	_ =	shalt  }
0x52: {  	_ =	shalt  }
0x53: {  	_ =	shalt  }
0x54: {  	_ =	shalt  }
0x55: {  	_ =	shalt  }
0x56: {  	_ =	shalt  }
0x57: {  	_ =	shalt  }
0x58: {  	_ =	shalt  }
0x59: {  	_ =	shalt  }
0x5a: {  	_ =	shalt  }
0x5b: {  	_ =	shalt  }
0x5c: {  	_ =	shalt  }
0x5d: {  	_ =	shalt  }
0x5e: {  	_ =	shalt  }
0x5f: {  	_ =	shalt  }
0x60: {  	_ =	shalt  }
0x61: {  	_ =	shalt  }
0x62: {  	_ =	shalt  }
0x63: {  	_ =	shalt  }
0x64: {  	_ =	shalt  }
0x65: {  	_ =	shalt  }
0x66: {  	_ =	shalt  }
0x67: {  	_ =	shalt  }
0x68: {  	_ =	shalt  }
0x69: {  	_ =	shalt  }
0x6a: {  	_ =	shalt  }
0x6b: {  	_ =	shalt  }
0x6c: {  	_ =	shalt  }
0x6d: {  	_ =	shalt  }
0x6e: {  	_ =	shalt  }
0x6f: {  	_ =	shalt  }
0x70: {  	_ =	shalt  }
0x71: {  	_ =	shalt  }
0x72: {  	_ =	shalt  }
0x73: {  	_ =	shalt  }
0x74: {  	_ =	shalt  }
0x75: {  	_ =	shalt  }
0x76: {  	_ =	shalt  }
0x77: {  	_ =	shalt  }
0x78: {  	_ =	shalt  }
0x79: {  	_ =	shalt  }
0x7a: {  	_ =	shalt  }
0x7b: {  	_ =	shalt  }
0x7c: {  	_ =	shalt  }
0x7d: {  	_ =	shalt  }
0x7e: {  	_ =	shalt  }
0x7f: {  	_ =	shalt  }
0x80: {  	_ =	shalt  }
0x81: {  	_ =	shalt  }
0x82: {  	_ =	shalt  }
0x83: {  	_ =	shalt  }
0x84: {  	_ =	shalt  }
0x85: {  	_ =	shalt  }
0x86: {  	_ =	shalt  }
0x87: {  	_ =	shalt  }
.Lfunc_end0:
.L_simem_size_0:
called_computation_lowered:
.L_overlay_start_0:
0x88: {  	s2 =	sld [smem:$0x3FD9]  }
0x89: {  	s3 =	sld [smem:$0x3FFE];
	_ =	sdelay $0x1  }
0x8a: {  	s1 =	srdreg.scid  }
0x8b: {  	s0 =	sand.u32 $0x1, s1  }
0x8c: {  	s17 =	sshll.u32 s0, $0xA;
	s2 =	sadd.s32 s3, s2  }
0x8d: {  	s2 =	sadd.s32 s2, s17  }
0x8e: {  	[smem:$0x3FC4] =	sst s2  }
0x8f: {  	_ = 	snop  }
0x90: {  	s2 =	sld [smem:$0x3FC9]  }
0x91: {  	s18 =	sld [smem:$0x3FD0];
	(tm) =	ssettm $0x1  }
0x92: {  	s4 =	sld [smem:$0x3FFB];
	_ =	sdelay $0x3  }
0x93: {  	_ =	strace s4  }
0x94: {  	s4 =	sld [smem:$0x3FFC];
	_ =	sdelay $0x3  }
0x95: {  	_ =	strace s4  }
0x96: {  	s4 =	sld [smem:$0x3FFD];
	_ =	sdelay $0x3  }
0x97: {  	_ =	strace s4  }
0x98: {  	_ =	strace $0x8FFFFFFF  }
0x99: {  	s19 =	sld [smem:$0x3FDB];
	_ =	sdelay $0x1  }
0x9a: {  	s5 =	simm.s32 $_scs_section_size  }
0x9b: {  	s6 =	simm.s32 $_size__tile_overlayer_lowered;
	s7 =	simm.s32 $_tile_overlayer_lowered  }
0x9c: {  	s22 =	simm.s32 $0x1BFF;
	s21 =	sshll.u32 s7, $0x1;
	s4 =	sadd.s32 s5, s19  }
0x9d: {  	s8 =	simm.s32 $0x0;
	s20 =	sshll.u32 s6, $0x1;
	s6 =	sadd.s32 s21, s4  }
0x9e: {  	[timem:s8], [sflag:s22] =	dma.local [hbm:s6], s20  }
0x9f: {  	_ =	swait.ge [sflag:s22], s20  }
0xa0: {  	s5 =	ssub.s32 $0x0, s20;
	[sflag:s22] =	ssyncset.done $0x0  }
0xa1: {  	[sflag:s22] =	ssyncadd.s32 s5;
	_ =	sdelay $0x1  }
0xa2: {  	s23 =	simm.s32 $0x1B8B  }
0xa3: {  	_ =	swait.ge [sflag:s23], $0x1  }
0xa4: {  	[sflag:s23] =	ssyncset.done $0x0  }
0xa5: {  	s25 =	simm.s32 $0x1B8E;
	s24 =	sld [smem:$0x3FFE];
	[sflag:s23] =	ssyncadd.s32 $0xFFFFFFFF  }
0xa6: {  	s26 =	simm.s32 $execute0_lowered;
	[smem:$0x3FD2] =	sst s25  }
0xa7: {  	s6 =	sshll.u32 s26, $0x1;
	_ =	strace $0x80000046;
	[dreg:$0x1] =	wrdreg $0xFFFFFFFF  }
0xa8: {  	s28 =	simm.s32 $_size_execute0_lowered;
	s4 =	sadd.s32 s4, s6;
	[dreg:$0x0] =	wrdreg $0x0  }
0xa9: {  	s6 =	sshll.u32 s28, $0x1;
	[dreg:$0x2] =	wrdreg s4  }
0xaa: {  	[dreg:$0x3] =	wrdreg s6  }
0xab: {  	[dreg:$0x4] =	wrdreg $0xC0  }
0xac: {  	_ =	task [dreg:s8], $0x5FFFF  }
0xad: {  	[dreg:$0x1] =	wrdreg $0xFFFFFFFF  }
0xae: {  	[dreg:$0x0] =	wrdreg $0x60  }
0xaf: {  	[dreg:$0x2] =	wrdreg s2  }
0xb0: {  	[dreg:$0x3] =	wrdreg s18  }
0xb1: {  	[dreg:$0x4] =	wrdreg s24  }
0xb2: {  	[dreg:$0x5] =	wrdreg $0xC0000  }
0xb3: {  	[dreg:$0x6] =	wrdreg $0x9  }
0xb4: {  	_ =	task.clear_ibuf [dreg:s8], $0x7FFFF;
	_ =	strace $0x90000046  }
0xb5: {  	s29 =	simm.s32 $0x9;
	_ =	strace $0x80000048  }
0xb6: {  	_ =	swait.ge [sflag:s29], $0x1  }
0xb7: {  	[sflag:s29] =	ssyncadd.s32 $0xFFFFFFFF  }
0xb8: {  	_ =	strace $0x90000048  }
0xb9: {  	_ =	sfence  }
0xba: {  	s30 =	sld [smem:$0x0];
	_ =	sdelay $0x2  }
0xbb: {  	s31 =	sshll.u32 s1, $0xD;
	s1 =	sshrl.u32 s1, $0x2  }
0xbc: {  	s3 =	sand.u32 $0x4000, s31;
	s1 =	sadd.s32 s1, s30  }
0xbd: {  	s0 =	sor.u32 s3, s0;
	s1 =	sshll.u32 s1, $0x11  }
0xbe: {  	s0 =	sor.u32 s1, s0  }
0xbf: {  	s0 =	sadd.s32 $0x8F2B, s0  }
0xc0: {  	[sflag:s0] =	ssyncadd.remote.s32 $0x1  }
0xc1: {  	_ =	sfence.sel $0xFFFF  }
0xc2: {  	[dreg:$0x0] =	wrdreg $0xFFFFFFFF;
	(pc) =	sbr.abs _section_cstart, $3  }
0xc3: {  	[dreg:$0x1] =	wrdreg $0xFFFFFFFF  }
0xc4: {  	_ =	task.clear_ibuf [dreg:s8], $0x2FFFF;
	_ =	strace $0x9FFFFFFF  }
0xc5: {  	(tm) =	ssettm $0x7FFFFFFF  }
tec
execute0_lowered:
.L_overlay_start_1:
0x0: {  	(tag) =	ssettag $0x1  }
0x1: {  	s1 =	rddreg [dreg:$0x0]  }
0x2: {  	s8 =	rddreg [dreg:$0x2]  }
0x3: {  	s4 =	rddreg [dreg:$0x3];
	s0 =	srdreg.scid;
	s12 =	simm.s32 $0x0  }
0x4: {  	s9 =	stileid.u32;
	s14 =	simm.s32 $0x7;
	s15 =	simm.s32 $0xC00  }
0x5: {  	s17 =	simm.s32 $0x64;
	s18 =	simm.s32 $0x2400;
	s29 =	simm.s32 $0x3  }
0x6: {  	s30 =	simm.s32 $0x5;
	s16 =	simm.s32 $0x1300;
	s19 =	simm.s32 $0x880  }
0x7: {  	s28 =	simm.s32 $0x1400;
	s31 =	simm.s32 $0x980;
	s11 =	simm.s32 $0x1580  }
0x8: {  	s0 =	sand.u32 $0x1, s0;
	[smem:$0x7FF] =	sst s12;
	s3 =	smul.u32 $0x13C00, s9  }
0x9: {  	s7 =	sadd.s32 $0xF000, s8;
	s5 =	sadd.s32 $0x1E000, s8;
	s6 =	smul.u32 $0x4E200, s9  }
0xa: {  	s22 =	sshll.u32 s9, $0x1;
	s24 =	sshll.u32 s9, $0x6;
	s2 =	smul.u32 $0x13C000, s0  }
0xb: {  	_ =	strace $0x80000047;
	[dreg:$0x6] =	wrdreg s5;
	s20 =	ssub.s32 $0x2, s0  }
0xc: {  	s0 =	sor.u32 s0, s22;
	s22 =	simm.s32 $0x1380;
	s21 =	sshrl.u32 s20, $0x1  }
0xd: {  	s23 =	sshrl.u32 s6, $0x2;
	s6 =	sor.u32 $0x1C07, s24;
	s10 =	smul.u32 $0x3C00, s0  }
0xe: {  	s24 =	simm.s32 $0x2;
	s0 =	simm.s32 $0x1480;
	s2 =	sadd.s32 s3, s2  }
0xf: {  	s3 =	ssub.s32 s20, s21;
	s5 =	sadd.s32 s23, s4;
	s20 =	simm.s32 $0x5800  }
0x10: {  	s21 =	simm.s32 $0x1;
	s23 =	simm.s32 $0x8C00;
	[dreg:$0x7] =	wrdreg s6  }
0x11: {  	s2 =	sshrl.u32 s2, $0x3;
	s26 =	smax.u32 s3, $0x1;
	s3 =	sshrl.u32 s5, $0x3  }
0x12: {  	s5 =	simm.s32 $0x6;
	s2 =	sadd.s32 s2, s8;
	[dreg:$0x9] =	wrdreg s26  }
0x13: {  	s26 =	simm.s32 $0x900;
	[dreg:$0xa] =	wrdreg s3;
	s25 =	sadd.s32 $0x20800, s2  }
0x14: {  	s8 =	simm.s32 $0x1500;
	[dreg:$0x8] =	wrdreg s25;
	s25 =	simm.s32 $0x4  }
.LBB2_1:
0x15: {  	[dreg:$0x5] =	wrdreg s12  }
0x16: {  	s2 =	rddreg [dreg:$0x6]  }
0x17: {  	[spmem:s3], [sflag:s6] =	dma.local [hbm:s2], $0x2710  }
0x18: {  	_ =	swait.ge [sflag:s14], $0x2710  }
0x19: {  	[sflag:s14] =	ssyncset.done $0x0  }
0x1a: {  	[sflag:s14] =	ssyncadd.s32 $0xFFFFD8F0  }
0x1b: {  	s12 =	simm.s32 $0x0;
	[bflag:$0x0] =	sbarrier.arrive $0xFFFF  }
.LBB2_2:
0x1c: {  	s6 =	smul.u32 $0xC00, s12;
	_ =	sdelay $0x1  }
0x1d: {  	s6 =	sadd.s32 s10, s6  }
0x1e: {  	s2 =	rddreg [dreg:$0x1];
	s6 =	sshrl.u32 s6, $0x3  }
0x1f: {  	s13 =	simm.s32 $0x0;
	s9 =	sadd.s32 s2, s6  }
0x20: {  	[tilespmem:s13], [sflag:$0x7] =	stream.linear.gather [hbm4b:s9+s13], $0xA00, $0x38;
	[tilespmem:$0x1F880] =	vst v63  }
0x21: {  	_ =	swait.ge [sflag:s14], $0xA00  }
0x22: {  	[sflag:s14] =	ssyncset.done $0x0  }
0x23: {  	s3 =	sadd.s32 s7, s6;
	[sflag:s14] =	ssyncadd.s32 $0xFFFFF600  }
0x24: {  	[tilespmem:s15], [sflag:$0x7] =	stream.linear.gather [hbm4b:s3+s13], $0xA00, $0x38;
	[tilespmem:$0x1F880] =	vst v63  }
0x25: {  	_ =	swait.ge [sflag:s14], $0xA00  }
0x26: {  	[sflag:s14] =	ssyncset.done $0x0  }
0x27: {  	[sflag:s14] =	ssyncadd.s32 $0xFFFFF600  }
0x28: {  	s9 =	rddreg [dreg:$0x2]  }
0x29: {  	s3 =	simm.s32 $0x1800;
	s6 =	sadd.s32 s9, s6  }
0x2a: {  	[tilespmem:s3], [sflag:$0x7] =	stream.linear.gather [hbm4b:s6+s13], $0xA00, $0x38;
	[tilespmem:$0x1F880] =	vst v63  }
0x2b: {  	_ =	swait.ge [sflag:s14], $0xA00  }
0x2c: {  	[sflag:s14] =	ssyncset.done $0x0  }
0x2d: {  	[sflag:s14] =	ssyncadd.s32 $0xFFFFF600  }
0x2e: {  	[tilespmem:s18], [sflag:$0x1] =	stream.indirect.gather [hbm4b:s1+s17], $0x80, s13, s17, $0xb8;
	[tilespmem:$0x1F880] =	vst v63  }
0x2f: {  	s9 =	simm.s32 $0x80  }
0x30: {  	[tilespmem:s20], [sflag:$0x2] =	stream.indirect.gather [hbm4b:s1+s17], $0x80, s9, s17, $0xb8;
	[tilespmem:$0x1F880] =	vst v63  }
0x31: {  	_ =	swait.ge [sflag:s21], $0x3200  }
0x32: {  	[sflag:s21] =	ssyncset.done $0x0  }
0x33: {  	s3 =	sand.u32 $0x70, s13;
	s9 =	simm.s32 $0x2440;
	[sflag:s21] =	ssyncadd.s32 $0xFFFFCE00  }
0x34: {  	s6 =	smin.u32 s3, $0x54;
	v4 =	vld [tilespmem:s9+$0x30]  }
0x35: {  	v1 =	vld [tilespmem:s6+$0x1800]  }
0x36: {  	s13 =	sand.u32 $0xFFFFFFF0, s13;
	v7 =	vld [tilespmem:s9+$0x10]  }
0x37: {  	v5 =	vld [tilespmem:s9+$0xFFFFFFC0];
	s6 =	smin.u32 s13, $0x54  }
0x38: {  	v9 =	vld [tilespmem:s9+$0xFFFFFFE0];
	s6 =	ssub.s32 $0x0, s6  }
0x39: {  	v0 =	vld [tilespmem:s9+$0xFFFFFFF0];
	v2 =	vmov s6  }
0x3a: {  	v3 =	vld [tilespmem:s9+$0xFFFFFFD0];
	v1 =	vperm.xlane v1, v2  }
0x3b: {  	v2 =	vld [tilespmem:s9+$0x20]  }
0x3c: {  	v8 =	vmul.f32 v4, v1;
	v4 =	vld [tilespmem:s9+$0x0]  }
0x3d: {  	v6 =	vmul.f32 v5, v1  }
0x3e: {  	s13 =	simm.s32 $0x1;
	s6 =	simm.s32 $0x2440;
	v5 =	vmul.f32 v9, v1;
	v7 =	vmul.f32 v7, v1  }
.LBB2_3:
0x3f: {  	p0 =	sne.s32 s13, $0x63  }
0x40: {  	v3 =	vmul.f32 v3, v1;
	v2 =	vmul.f32 v2, v1;
	[tilespmem:s9+$0x30] =	vst v8;
	s6 =	sadd.s32 $0x80, s6;
	s2 =	smov.u32 s13;
	s13 =	sadd.s32 $0x1, s13  }
0x41: {  	v0 =	vmul.f32 v0, v1;
	[tilespmem:s9+$0xFFFFFFC0] =	vst v6;
	v1 =	vmul.f32 v4, v1  }
0x42: {  	[tilespmem:s9+$0x10] =	vst v7  }
0x43: {  	[tilespmem:s9+$0xFFFFFFE0] =	vst v5  }
0x44: {  	[tilespmem:s9+$0xFFFFFFF0] =	vst v0  }
0x45: {  	v0 =	vld [tilespmem:s6+$0xFFFFFFF0];
	[tilespmem:s9+$0x0] =	vst v1  }
0x46: {  	s3 =	sand.u32 $0x70, s2;
	v5 =	vld [tilespmem:s6+$0x30];
	[tilespmem:s9+$0x20] =	vst v2  }
0x47: {  	s3 =	smin.u32 s3, $0x54;
	v7 =	vld [tilespmem:s6+$0x10];
	[tilespmem:s9+$0xFFFFFFD0] =	vst v3;
	s9 =	smov.u32 s6  }
0x48: {  	v1 =	vld [tilespmem:s3+$0x1800]  }
0x49: {  	s3 =	sand.u32 $0xFFFFFFF0, s2;
	v6 =	vld [tilespmem:s6+$0xFFFFFFC0]  }
0x4a: {  	s3 =	smin.u32 s3, $0x54;
	v9 =	vld [tilespmem:s6+$0xFFFFFFE0]  }
0x4b: {  	s2 =	ssub.s32 s2, s3;
	v2 =	vld [tilespmem:s6+$0x20]  }
.Ltmp0:
0x4c: {  	v4 =	vmov s2;
	v3 =	vld [tilespmem:s6+$0xFFFFFFD0];
	(pc) =	sbr.rel @p0 .LBB2_3-.Ltmp0, $3  }
0x4d: {  	v1 =	vperm.xlane v1, v4;
	v4 =	vld [tilespmem:s6+$0x0];
	_ =	sdelay $0x1  }
0x4e: {  	v6 =	vmul.f32 v6, v1;
	v8 =	vmul.f32 v5, v1  }
0x4f: {  	v5 =	vmul.f32 v9, v1;
	v7 =	vmul.f32 v7, v1  }
0x50: {  	[tilespmem:s9+$0x30] =	vst v8  }
0x51: {  	[tilespmem:s9+$0xFFFFFFC0] =	vst v6  }
0x52: {  	v0 =	vmul.f32 v0, v1;
	[tilespmem:s9+$0x10] =	vst v7  }
0x53: {  	v2 =	vmul.f32 v2, v1;
	[tilespmem:s9+$0xFFFFFFE0] =	vst v5  }
0x54: {  	v4 =	vmul.f32 v4, v1;
	[tilespmem:s9+$0xFFFFFFF0] =	vst v0  }
0x55: {  	v0 =	vmul.f32 v3, v1;
	[tilespmem:s9+$0x20] =	vst v2  }
0x56: {  	[tilespmem:s9+$0x0] =	vst v4  }
0x57: {  	s2 =	simm.s32 $0x100;
	[tilespmem:s9+$0xFFFFFFD0] =	vst v0  }
0x58: {  	[tilespmem:s23], [sflag:$0x3] =	stream.indirect.gather [hbm4b:s1+s17], $0x80, s2, s17, $0xb8;
	[tilespmem:$0x1F880] =	vst v63  }
0x59: {  	_ = 	snop  }
0x5a: {  	[spmem:s4] =	stream.indirect.scatter.add.f32 [tilespmem:s18], [sflag:$0x4], $0x80, s15, s17, $0xb8;
	[tilespmem:$0x1F880] =	vst v63  }
0x5b: {  	_ =	swait.ge [sflag:s24], $0x3200  }
0x5c: {  	s13 =	simm.s32 $0x0;
	[sflag:s24] =	ssyncset.done $0x0  }
0x5d: {  	s3 =	sand.u32 $0x70, s13;
	s9 =	simm.s32 $0x5840;
	[sflag:s24] =	ssyncadd.s32 $0xFFFFCE00  }
0x5e: {  	s3 =	smin.u32 s3, $0x54;
	v4 =	vld [tilespmem:s9+$0x30]  }
0x5f: {  	v1 =	vld [tilespmem:s3+$0x1880]  }
0x60: {  	s2 =	sand.u32 $0xFFFFFFF0, s13;
	v7 =	vld [tilespmem:s9+$0x10]  }
0x61: {  	s2 =	smin.u32 s2, $0x54;
	v5 =	vld [tilespmem:s9+$0xFFFFFFC0]  }
0x62: {  	s2 =	ssub.s32 $0x0, s2;
	v9 =	vld [tilespmem:s9+$0xFFFFFFE0]  }
0x63: {  	v2 =	vmov s2;
	v0 =	vld [tilespmem:s9+$0xFFFFFFF0]  }
0x64: {  	v3 =	vld [tilespmem:s9+$0xFFFFFFD0];
	v1 =	vperm.xlane v1, v2  }
0x65: {  	v2 =	vld [tilespmem:s9+$0x20]  }
0x66: {  	v8 =	vmul.f32 v4, v1;
	v4 =	vld [tilespmem:s9+$0x0]  }
0x67: {  	v6 =	vmul.f32 v5, v1  }
0x68: {  	s6 =	simm.s32 $0x5840;
	s13 =	simm.s32 $0x1;
	v5 =	vmul.f32 v9, v1;
	v7 =	vmul.f32 v7, v1  }
.LBB2_5:
0x69: {  	p0 =	sne.s32 s13, $0x63  }
0x6a: {  	v3 =	vmul.f32 v3, v1;
	v2 =	vmul.f32 v2, v1;
	[tilespmem:s9+$0x30] =	vst v8;
	s6 =	sadd.s32 $0x80, s6;
	s2 =	smov.u32 s13;
	s13 =	sadd.s32 $0x1, s13  }
0x6b: {  	v0 =	vmul.f32 v0, v1;
	[tilespmem:s9+$0xFFFFFFC0] =	vst v6;
	v1 =	vmul.f32 v4, v1  }
0x6c: {  	[tilespmem:s9+$0x10] =	vst v7  }
0x6d: {  	[tilespmem:s9+$0xFFFFFFE0] =	vst v5  }
0x6e: {  	[tilespmem:s9+$0xFFFFFFF0] =	vst v0  }
0x6f: {  	v0 =	vld [tilespmem:s6+$0xFFFFFFF0];
	[tilespmem:s9+$0x0] =	vst v1  }
0x70: {  	s3 =	sand.u32 $0x70, s2;
	v5 =	vld [tilespmem:s6+$0x30];
	[tilespmem:s9+$0x20] =	vst v2  }
0x71: {  	s3 =	smin.u32 s3, $0x54;
	v7 =	vld [tilespmem:s6+$0x10];
	[tilespmem:s9+$0xFFFFFFD0] =	vst v3;
	s9 =	smov.u32 s6  }
0x72: {  	v1 =	vld [tilespmem:s3+$0x1880]  }
0x73: {  	s3 =	sand.u32 $0xFFFFFFF0, s2;
	v6 =	vld [tilespmem:s6+$0xFFFFFFC0]  }
0x74: {  	s3 =	smin.u32 s3, $0x54;
	v9 =	vld [tilespmem:s6+$0xFFFFFFE0]  }
0x75: {  	s2 =	ssub.s32 s2, s3;
	v2 =	vld [tilespmem:s6+$0x20]  }
.Ltmp1:
0x76: {  	v4 =	vmov s2;
	v3 =	vld [tilespmem:s6+$0xFFFFFFD0];
	(pc) =	sbr.rel @p0 .LBB2_5-.Ltmp1, $3  }
0x77: {  	v1 =	vperm.xlane v1, v4;
	v4 =	vld [tilespmem:s6+$0x0];
	_ =	sdelay $0x1  }
0x78: {  	v6 =	vmul.f32 v6, v1;
	v8 =	vmul.f32 v5, v1  }
0x79: {  	v5 =	vmul.f32 v9, v1;
	v7 =	vmul.f32 v7, v1  }
0x7a: {  	[tilespmem:s9+$0x30] =	vst v8  }
0x7b: {  	[tilespmem:s9+$0xFFFFFFC0] =	vst v6  }
0x7c: {  	v0 =	vmul.f32 v0, v1;
	[tilespmem:s9+$0x10] =	vst v7  }
0x7d: {  	v2 =	vmul.f32 v2, v1;
	[tilespmem:s9+$0xFFFFFFE0] =	vst v5  }
0x7e: {  	v4 =	vmul.f32 v4, v1;
	[tilespmem:s9+$0xFFFFFFF0] =	vst v0  }
0x7f: {  	v0 =	vmul.f32 v3, v1;
	[tilespmem:s9+$0x20] =	vst v2  }
0x80: {  	[tilespmem:s9+$0x0] =	vst v4  }
0x81: {  	[tilespmem:s9+$0xFFFFFFD0] =	vst v0  }
0x82: {  	_ =	swait.ge [sflag:s25], $0x3200  }
0x83: {  	[sflag:s25] =	ssyncset.done $0x0  }
0x84: {  	s2 =	simm.s32 $0x180;
	[sflag:s25] =	ssyncadd.s32 $0xFFFFCE00  }
0x85: {  	[tilespmem:s18], [sflag:$0x1] =	stream.indirect.gather [hbm4b:s1+s17], $0x80, s2, s17, $0xb8;
	[tilespmem:$0x1F880] =	vst v63  }
0x86: {  	s9 =	simm.s32 $0xC80  }
0x87: {  	[spmem:s4] =	stream.indirect.scatter.add.f32 [tilespmem:s20], [sflag:$0x5], $0x80, s9, s17, $0xb8;
	[tilespmem:$0x1F880] =	vst v63  }
0x88: {  	_ =	swait.ge [sflag:s29], $0x3200  }
0x89: {  	s13 =	simm.s32 $0x0;
	[sflag:s29] =	ssyncset.done $0x0  }
0x8a: {  	s3 =	sand.u32 $0x70, s13;
	s9 =	simm.s32 $0x8C40;
	[sflag:s29] =	ssyncadd.s32 $0xFFFFCE00  }
0x8b: {  	s3 =	smin.u32 s3, $0x54;
	v4 =	vld [tilespmem:s9+$0x30]  }
0x8c: {  	v1 =	vld [tilespmem:s3+$0x1900]  }
0x8d: {  	s2 =	sand.u32 $0xFFFFFFF0, s13;
	v7 =	vld [tilespmem:s9+$0x10]  }
0x8e: {  	s2 =	smin.u32 s2, $0x54;
	v5 =	vld [tilespmem:s9+$0xFFFFFFC0]  }
0x8f: {  	s2 =	ssub.s32 $0x0, s2;
	v9 =	vld [tilespmem:s9+$0xFFFFFFE0]  }
0x90: {  	v2 =	vmov s2;
	v0 =	vld [tilespmem:s9+$0xFFFFFFF0]  }
0x91: {  	v3 =	vld [tilespmem:s9+$0xFFFFFFD0];
	v1 =	vperm.xlane v1, v2  }
0x92: {  	v2 =	vld [tilespmem:s9+$0x20]  }
0x93: {  	v8 =	vmul.f32 v4, v1;
	v4 =	vld [tilespmem:s9+$0x0]  }
0x94: {  	v6 =	vmul.f32 v5, v1  }
0x95: {  	s6 =	simm.s32 $0x8C40;
	s13 =	simm.s32 $0x1;
	v5 =	vmul.f32 v9, v1;
	v7 =	vmul.f32 v7, v1  }
.LBB2_7:
0x96: {  	p0 =	sne.s32 s13, $0x63  }
0x97: {  	v3 =	vmul.f32 v3, v1;
	v2 =	vmul.f32 v2, v1;
	[tilespmem:s9+$0x30] =	vst v8;
	s6 =	sadd.s32 $0x80, s6;
	s2 =	smov.u32 s13;
	s13 =	sadd.s32 $0x1, s13  }
0x98: {  	v0 =	vmul.f32 v0, v1;
	[tilespmem:s9+$0xFFFFFFC0] =	vst v6;
	v1 =	vmul.f32 v4, v1  }
0x99: {  	[tilespmem:s9+$0x10] =	vst v7  }
0x9a: {  	[tilespmem:s9+$0xFFFFFFE0] =	vst v5  }
0x9b: {  	[tilespmem:s9+$0xFFFFFFF0] =	vst v0  }
0x9c: {  	v0 =	vld [tilespmem:s6+$0xFFFFFFF0];
	[tilespmem:s9+$0x0] =	vst v1  }
0x9d: {  	s3 =	sand.u32 $0x70, s2;
	v5 =	vld [tilespmem:s6+$0x30];
	[tilespmem:s9+$0x20] =	vst v2  }
0x9e: {  	s3 =	smin.u32 s3, $0x54;
	v7 =	vld [tilespmem:s6+$0x10];
	[tilespmem:s9+$0xFFFFFFD0] =	vst v3;
	s9 =	smov.u32 s6  }
0x9f: {  	v1 =	vld [tilespmem:s3+$0x1900]  }
0xa0: {  	s3 =	sand.u32 $0xFFFFFFF0, s2;
	v6 =	vld [tilespmem:s6+$0xFFFFFFC0]  }
0xa1: {  	s3 =	smin.u32 s3, $0x54;
	v9 =	vld [tilespmem:s6+$0xFFFFFFE0]  }
0xa2: {  	s2 =	ssub.s32 s2, s3;
	v2 =	vld [tilespmem:s6+$0x20]  }
.Ltmp2:
0xa3: {  	v4 =	vmov s2;
	v3 =	vld [tilespmem:s6+$0xFFFFFFD0];
	(pc) =	sbr.rel @p0 .LBB2_7-.Ltmp2, $3  }
0xa4: {  	v1 =	vperm.xlane v1, v4;
	v4 =	vld [tilespmem:s6+$0x0];
	_ =	sdelay $0x1  }
0xa5: {  	v6 =	vmul.f32 v6, v1;
	v8 =	vmul.f32 v5, v1  }
0xa6: {  	v5 =	vmul.f32 v9, v1;
	v7 =	vmul.f32 v7, v1  }
0xa7: {  	[tilespmem:s9+$0x30] =	vst v8  }
0xa8: {  	[tilespmem:s9+$0xFFFFFFC0] =	vst v6  }
0xa9: {  	v0 =	vmul.f32 v0, v1;
	[tilespmem:s9+$0x10] =	vst v7  }
0xaa: {  	v2 =	vmul.f32 v2, v1;
	[tilespmem:s9+$0xFFFFFFE0] =	vst v5  }
0xab: {  	v4 =	vmul.f32 v4, v1;
	[tilespmem:s9+$0xFFFFFFF0] =	vst v0  }
0xac: {  	v0 =	vmul.f32 v3, v1;
	[tilespmem:s9+$0x20] =	vst v2  }
0xad: {  	[tilespmem:s9+$0x0] =	vst v4  }
0xae: {  	[tilespmem:s9+$0xFFFFFFD0] =	vst v0  }
0xaf: {  	_ =	swait.ge [sflag:s30], $0x3200  }
0xb0: {  	[sflag:s30] =	ssyncset.done $0x0  }
0xb1: {  	s2 =	simm.s32 $0x200;
	[sflag:s30] =	ssyncadd.s32 $0xFFFFCE00  }
0xb2: {  	[tilespmem:s20], [sflag:$0x2] =	stream.indirect.gather [hbm4b:s1+s17], $0x80, s2, s17, $0xb8;
	[tilespmem:$0x1F880] =	vst v63  }
0xb3: {  	s9 =	simm.s32 $0xD00  }
0xb4: {  	[spmem:s4] =	stream.indirect.scatter.add.f32 [tilespmem:s23], [sflag:$0x6], $0x80, s9, s17, $0xb8;
	[tilespmem:$0x1F880] =	vst v63  }
0xb5: {  	_ =	swait.ge [sflag:s21], $0x3200  }
0xb6: {  	s13 =	simm.s32 $0x0;
	[sflag:s21] =	ssyncset.done $0x0  }
0xb7: {  	s3 =	sand.u32 $0x70, s13;
	s9 =	simm.s32 $0x2440;
	[sflag:s21] =	ssyncadd.s32 $0xFFFFCE00  }
0xb8: {  	s3 =	smin.u32 s3, $0x54;
	v4 =	vld [tilespmem:s9+$0x30]  }
0xb9: {  	v1 =	vld [tilespmem:s3+$0x1980]  }
0xba: {  	s2 =	sand.u32 $0xFFFFFFF0, s13;
	v7 =	vld [tilespmem:s9+$0x10]  }
0xbb: {  	s2 =	smin.u32 s2, $0x54;
	v5 =	vld [tilespmem:s9+$0xFFFFFFC0]  }
0xbc: {  	s2 =	ssub.s32 $0x0, s2;
	v9 =	vld [tilespmem:s9+$0xFFFFFFE0]  }
0xbd: {  	v2 =	vmov s2;
	v0 =	vld [tilespmem:s9+$0xFFFFFFF0]  }
0xbe: {  	v3 =	vld [tilespmem:s9+$0xFFFFFFD0];
	v1 =	vperm.xlane v1, v2  }
0xbf: {  	v2 =	vld [tilespmem:s9+$0x20]  }
0xc0: {  	v8 =	vmul.f32 v4, v1;
	v4 =	vld [tilespmem:s9+$0x0]  }
0xc1: {  	v6 =	vmul.f32 v5, v1  }
0xc2: {  	s6 =	simm.s32 $0x2440;
	s13 =	simm.s32 $0x1;
	v5 =	vmul.f32 v9, v1;
	v7 =	vmul.f32 v7, v1  }
.LBB2_9:
0xc3: {  	p0 =	sne.s32 s13, $0x63  }
0xc4: {  	v3 =	vmul.f32 v3, v1;
	v2 =	vmul.f32 v2, v1;
	[tilespmem:s9+$0x30] =	vst v8;
	s6 =	sadd.s32 $0x80, s6;
	s2 =	smov.u32 s13;
	s13 =	sadd.s32 $0x1, s13  }
0xc5: {  	v0 =	vmul.f32 v0, v1;
	[tilespmem:s9+$0xFFFFFFC0] =	vst v6;
	v1 =	vmul.f32 v4, v1  }
0xc6: {  	[tilespmem:s9+$0x10] =	vst v7  }
0xc7: {  	[tilespmem:s9+$0xFFFFFFE0] =	vst v5  }
0xc8: {  	[tilespmem:s9+$0xFFFFFFF0] =	vst v0  }
0xc9: {  	v0 =	vld [tilespmem:s6+$0xFFFFFFF0];
	[tilespmem:s9+$0x0] =	vst v1  }
0xca: {  	s3 =	sand.u32 $0x70, s2;
	v5 =	vld [tilespmem:s6+$0x30];
	[tilespmem:s9+$0x20] =	vst v2  }
0xcb: {  	s3 =	smin.u32 s3, $0x54;
	v7 =	vld [tilespmem:s6+$0x10];
	[tilespmem:s9+$0xFFFFFFD0] =	vst v3;
	s9 =	smov.u32 s6  }
0xcc: {  	v1 =	vld [tilespmem:s3+$0x1980]  }
0xcd: {  	s3 =	sand.u32 $0xFFFFFFF0, s2;
	v6 =	vld [tilespmem:s6+$0xFFFFFFC0]  }
0xce: {  	s3 =	smin.u32 s3, $0x54;
	v9 =	vld [tilespmem:s6+$0xFFFFFFE0]  }
0xcf: {  	s2 =	ssub.s32 s2, s3;
	v2 =	vld [tilespmem:s6+$0x20]  }
.Ltmp3:
0xd0: {  	v4 =	vmov s2;
	v3 =	vld [tilespmem:s6+$0xFFFFFFD0];
	(pc) =	sbr.rel @p0 .LBB2_9-.Ltmp3, $3  }
0xd1: {  	v1 =	vperm.xlane v1, v4;
	v4 =	vld [tilespmem:s6+$0x0];
	_ =	sdelay $0x1  }
0xd2: {  	v6 =	vmul.f32 v6, v1;
	v8 =	vmul.f32 v5, v1  }
0xd3: {  	v5 =	vmul.f32 v9, v1;
	v7 =	vmul.f32 v7, v1  }
0xd4: {  	[tilespmem:s9+$0x30] =	vst v8  }
0xd5: {  	[tilespmem:s9+$0xFFFFFFC0] =	vst v6  }
0xd6: {  	v0 =	vmul.f32 v0, v1;
	[tilespmem:s9+$0x10] =	vst v7  }
0xd7: {  	v2 =	vmul.f32 v2, v1;
	[tilespmem:s9+$0xFFFFFFE0] =	vst v5  }
0xd8: {  	v4 =	vmul.f32 v4, v1;
	[tilespmem:s9+$0xFFFFFFF0] =	vst v0  }
0xd9: {  	v0 =	vmul.f32 v3, v1;
	[tilespmem:s9+$0x20] =	vst v2  }
0xda: {  	[tilespmem:s9+$0x0] =	vst v4  }
0xdb: {  	[tilespmem:s9+$0xFFFFFFD0] =	vst v0  }
0xdc: {  	_ =	swait.ge [sflag:s5], $0x3200  }
0xdd: {  	[sflag:s5] =	ssyncset.done $0x0  }
0xde: {  	s2 =	simm.s32 $0x280;
	[sflag:s5] =	ssyncadd.s32 $0xFFFFCE00  }
0xdf: {  	[tilespmem:s23], [sflag:$0x3] =	stream.indirect.gather [hbm4b:s1+s17], $0x80, s2, s17, $0xb8;
	[tilespmem:$0x1F880] =	vst v63  }
0xe0: {  	s9 =	simm.s32 $0xD80  }
0xe1: {  	[spmem:s4] =	stream.indirect.scatter.add.f32 [tilespmem:s18], [sflag:$0x4], $0x80, s9, s17, $0xb8;
	[tilespmem:$0x1F880] =	vst v63  }
0xe2: {  	_ =	swait.ge [sflag:s24], $0x3200  }
0xe3: {  	s13 =	simm.s32 $0x0;
	[sflag:s24] =	ssyncset.done $0x0  }
0xe4: {  	s3 =	sand.u32 $0x70, s13;
	s9 =	simm.s32 $0x5840;
	[sflag:s24] =	ssyncadd.s32 $0xFFFFCE00  }
0xe5: {  	s3 =	smin.u32 s3, $0x54;
	v4 =	vld [tilespmem:s9+$0x30]  }
0xe6: {  	v1 =	vld [tilespmem:s3+$0x1A00]  }
0xe7: {  	s2 =	sand.u32 $0xFFFFFFF0, s13;
	v7 =	vld [tilespmem:s9+$0x10]  }
0xe8: {  	s2 =	smin.u32 s2, $0x54;
	v5 =	vld [tilespmem:s9+$0xFFFFFFC0]  }
0xe9: {  	s2 =	ssub.s32 $0x0, s2;
	v9 =	vld [tilespmem:s9+$0xFFFFFFE0]  }
0xea: {  	v2 =	vmov s2;
	v0 =	vld [tilespmem:s9+$0xFFFFFFF0]  }
0xeb: {  	v3 =	vld [tilespmem:s9+$0xFFFFFFD0];
	v1 =	vperm.xlane v1, v2  }
0xec: {  	v2 =	vld [tilespmem:s9+$0x20]  }
0xed: {  	v8 =	vmul.f32 v4, v1;
	v4 =	vld [tilespmem:s9+$0x0]  }
0xee: {  	v6 =	vmul.f32 v5, v1  }
0xef: {  	s6 =	simm.s32 $0x5840;
	s13 =	simm.s32 $0x1;
	v5 =	vmul.f32 v9, v1;
	v7 =	vmul.f32 v7, v1  }
.LBB2_11:
0xf0: {  	p0 =	sne.s32 s13, $0x63  }
0xf1: {  	v3 =	vmul.f32 v3, v1;
	v2 =	vmul.f32 v2, v1;
	[tilespmem:s9+$0x30] =	vst v8;
	s6 =	sadd.s32 $0x80, s6;
	s2 =	smov.u32 s13;
	s13 =	sadd.s32 $0x1, s13  }
0xf2: {  	v0 =	vmul.f32 v0, v1;
	[tilespmem:s9+$0xFFFFFFC0] =	vst v6;
	v1 =	vmul.f32 v4, v1  }
0xf3: {  	[tilespmem:s9+$0x10] =	vst v7  }
0xf4: {  	[tilespmem:s9+$0xFFFFFFE0] =	vst v5  }
0xf5: {  	[tilespmem:s9+$0xFFFFFFF0] =	vst v0  }
0xf6: {  	v0 =	vld [tilespmem:s6+$0xFFFFFFF0];
	[tilespmem:s9+$0x0] =	vst v1  }
0xf7: {  	s3 =	sand.u32 $0x70, s2;
	v5 =	vld [tilespmem:s6+$0x30];
	[tilespmem:s9+$0x20] =	vst v2  }
0xf8: {  	s3 =	smin.u32 s3, $0x54;
	v7 =	vld [tilespmem:s6+$0x10];
	[tilespmem:s9+$0xFFFFFFD0] =	vst v3;
	s9 =	smov.u32 s6  }
0xf9: {  	v1 =	vld [tilespmem:s3+$0x1A00]  }
0xfa: {  	s3 =	sand.u32 $0xFFFFFFF0, s2;
	v6 =	vld [tilespmem:s6+$0xFFFFFFC0]  }
0xfb: {  	s3 =	smin.u32 s3, $0x54;
	v9 =	vld [tilespmem:s6+$0xFFFFFFE0]  }
0xfc: {  	s2 =	ssub.s32 s2, s3;
	v2 =	vld [tilespmem:s6+$0x20]  }
.Ltmp4:
0xfd: {  	v4 =	vmov s2;
	v3 =	vld [tilespmem:s6+$0xFFFFFFD0];
	(pc) =	sbr.rel @p0 .LBB2_11-.Ltmp4, $3  }
0xfe: {  	v1 =	vperm.xlane v1, v4;
	v4 =	vld [tilespmem:s6+$0x0];
	_ =	sdelay $0x1  }
0xff: {  	v6 =	vmul.f32 v6, v1;
	v8 =	vmul.f32 v5, v1  }
0x100: {  	v5 =	vmul.f32 v9, v1;
	v7 =	vmul.f32 v7, v1  }
0x101: {  	[tilespmem:s9+$0x30] =	vst v8  }
0x102: {  	[tilespmem:s9+$0xFFFFFFC0] =	vst v6  }
0x103: {  	v0 =	vmul.f32 v0, v1;
	[tilespmem:s9+$0x10] =	vst v7  }
0x104: {  	v2 =	vmul.f32 v2, v1;
	[tilespmem:s9+$0xFFFFFFE0] =	vst v5  }
0x105: {  	v4 =	vmul.f32 v4, v1;
	[tilespmem:s9+$0xFFFFFFF0] =	vst v0  }
0x106: {  	v0 =	vmul.f32 v3, v1;
	[tilespmem:s9+$0x20] =	vst v2  }
0x107: {  	[tilespmem:s9+$0x0] =	vst v4  }
0x108: {  	[tilespmem:s9+$0xFFFFFFD0] =	vst v0  }
0x109: {  	_ =	swait.ge [sflag:s25], $0x3200  }
0x10a: {  	[sflag:s25] =	ssyncset.done $0x0  }
0x10b: {  	s2 =	simm.s32 $0x300;
	[sflag:s25] =	ssyncadd.s32 $0xFFFFCE00  }
0x10c: {  	[tilespmem:s18], [sflag:$0x1] =	stream.indirect.gather [hbm4b:s1+s17], $0x80, s2, s17, $0xb8;
	[tilespmem:$0x1F880] =	vst v63  }
0x10d: {  	s9 =	simm.s32 $0xE00  }
0x10e: {  	[spmem:s4] =	stream.indirect.scatter.add.f32 [tilespmem:s20], [sflag:$0x5], $0x80, s9, s17, $0xb8;
	[tilespmem:$0x1F880] =	vst v63  }
0x10f: {  	_ =	swait.ge [sflag:s29], $0x3200  }
0x110: {  	s13 =	simm.s32 $0x0;
	[sflag:s29] =	ssyncset.done $0x0  }
0x111: {  	s3 =	sand.u32 $0x70, s13;
	s9 =	simm.s32 $0x8C40;
	[sflag:s29] =	ssyncadd.s32 $0xFFFFCE00  }
0x112: {  	s3 =	smin.u32 s3, $0x54;
	v4 =	vld [tilespmem:s9+$0x30]  }
0x113: {  	v1 =	vld [tilespmem:s3+$0x1A80]  }
0x114: {  	s2 =	sand.u32 $0xFFFFFFF0, s13;
	v7 =	vld [tilespmem:s9+$0x10]  }
0x115: {  	s2 =	smin.u32 s2, $0x54;
	v5 =	vld [tilespmem:s9+$0xFFFFFFC0]  }
0x116: {  	s2 =	ssub.s32 $0x0, s2;
	v9 =	vld [tilespmem:s9+$0xFFFFFFE0]  }
0x117: {  	v2 =	vmov s2;
	v0 =	vld [tilespmem:s9+$0xFFFFFFF0]  }
0x118: {  	v3 =	vld [tilespmem:s9+$0xFFFFFFD0];
	v1 =	vperm.xlane v1, v2  }
0x119: {  	v2 =	vld [tilespmem:s9+$0x20]  }
0x11a: {  	v8 =	vmul.f32 v4, v1;
	v4 =	vld [tilespmem:s9+$0x0]  }
0x11b: {  	v6 =	vmul.f32 v5, v1  }
0x11c: {  	s6 =	simm.s32 $0x8C40;
	s13 =	simm.s32 $0x1;
	v5 =	vmul.f32 v9, v1;
	v7 =	vmul.f32 v7, v1  }
.LBB2_13:
0x11d: {  	p0 =	sne.s32 s13, $0x63  }
0x11e: {  	v3 =	vmul.f32 v3, v1;
	v2 =	vmul.f32 v2, v1;
	[tilespmem:s9+$0x30] =	vst v8;
	s6 =	sadd.s32 $0x80, s6;
	s2 =	smov.u32 s13;
	s13 =	sadd.s32 $0x1, s13  }
0x11f: {  	v0 =	vmul.f32 v0, v1;
	[tilespmem:s9+$0xFFFFFFC0] =	vst v6;
	v1 =	vmul.f32 v4, v1  }
0x120: {  	[tilespmem:s9+$0x10] =	vst v7  }
0x121: {  	[tilespmem:s9+$0xFFFFFFE0] =	vst v5  }
0x122: {  	[tilespmem:s9+$0xFFFFFFF0] =	vst v0  }
0x123: {  	v0 =	vld [tilespmem:s6+$0xFFFFFFF0];
	[tilespmem:s9+$0x0] =	vst v1  }
0x124: {  	s3 =	sand.u32 $0x70, s2;
	v5 =	vld [tilespmem:s6+$0x30];
	[tilespmem:s9+$0x20] =	vst v2  }
0x125: {  	s3 =	smin.u32 s3, $0x54;
	v7 =	vld [tilespmem:s6+$0x10];
	[tilespmem:s9+$0xFFFFFFD0] =	vst v3;
	s9 =	smov.u32 s6  }
0x126: {  	v1 =	vld [tilespmem:s3+$0x1A80]  }
0x127: {  	s3 =	sand.u32 $0xFFFFFFF0, s2;
	v6 =	vld [tilespmem:s6+$0xFFFFFFC0]  }
0x128: {  	s3 =	smin.u32 s3, $0x54;
	v9 =	vld [tilespmem:s6+$0xFFFFFFE0]  }
0x129: {  	s2 =	ssub.s32 s2, s3;
	v2 =	vld [tilespmem:s6+$0x20]  }
.Ltmp5:
0x12a: {  	v4 =	vmov s2;
	v3 =	vld [tilespmem:s6+$0xFFFFFFD0];
	(pc) =	sbr.rel @p0 .LBB2_13-.Ltmp5, $3  }
0x12b: {  	v1 =	vperm.xlane v1, v4;
	v4 =	vld [tilespmem:s6+$0x0];
	_ =	sdelay $0x1  }
0x12c: {  	v6 =	vmul.f32 v6, v1;
	v8 =	vmul.f32 v5, v1  }
0x12d: {  	v5 =	vmul.f32 v9, v1;
	v7 =	vmul.f32 v7, v1  }
0x12e: {  	[tilespmem:s9+$0x30] =	vst v8  }
0x12f: {  	[tilespmem:s9+$0xFFFFFFC0] =	vst v6  }
0x130: {  	v0 =	vmul.f32 v0, v1;
	[tilespmem:s9+$0x10] =	vst v7  }
0x131: {  	v2 =	vmul.f32 v2, v1;
	[tilespmem:s9+$0xFFFFFFE0] =	vst v5  }
0x132: {  	v4 =	vmul.f32 v4, v1;
	[tilespmem:s9+$0xFFFFFFF0] =	vst v0  }
0x133: {  	v0 =	vmul.f32 v3, v1;
	[tilespmem:s9+$0x20] =	vst v2  }
0x134: {  	[tilespmem:s9+$0x0] =	vst v4  }
0x135: {  	[tilespmem:s9+$0xFFFFFFD0] =	vst v0  }
0x136: {  	_ =	swait.ge [sflag:s30], $0x3200  }
0x137: {  	[sflag:s30] =	ssyncset.done $0x0  }
0x138: {  	s2 =	simm.s32 $0x380;
	[sflag:s30] =	ssyncadd.s32 $0xFFFFCE00  }
0x139: {  	[tilespmem:s20], [sflag:$0x2] =	stream.indirect.gather [hbm4b:s1+s17], $0x80, s2, s17, $0xb8;
	[tilespmem:$0x1F880] =	vst v63  }
0x13a: {  	s9 =	simm.s32 $0xE80  }
0x13b: {  	[spmem:s4] =	stream.indirect.scatter.add.f32 [tilespmem:s23], [sflag:$0x6], $0x80, s9, s17, $0xb8;
	[tilespmem:$0x1F880] =	vst v63  }
0x13c: {  	_ =	swait.ge [sflag:s21], $0x3200  }
0x13d: {  	s13 =	simm.s32 $0x0;
	[sflag:s21] =	ssyncset.done $0x0  }
0x13e: {  	s3 =	sand.u32 $0x70, s13;
	s9 =	simm.s32 $0x2440;
	[sflag:s21] =	ssyncadd.s32 $0xFFFFCE00  }
0x13f: {  	s3 =	smin.u32 s3, $0x54;
	v4 =	vld [tilespmem:s9+$0x30]  }
0x140: {  	v1 =	vld [tilespmem:s3+$0x1B00]  }
0x141: {  	s2 =	sand.u32 $0xFFFFFFF0, s13;
	v7 =	vld [tilespmem:s9+$0x10]  }
0x142: {  	s2 =	smin.u32 s2, $0x54;
	v5 =	vld [tilespmem:s9+$0xFFFFFFC0]  }
0x143: {  	s2 =	ssub.s32 $0x0, s2;
	v9 =	vld [tilespmem:s9+$0xFFFFFFE0]  }
0x144: {  	v2 =	vmov s2;
	v0 =	vld [tilespmem:s9+$0xFFFFFFF0]  }
0x145: {  	v3 =	vld [tilespmem:s9+$0xFFFFFFD0];
	v1 =	vperm.xlane v1, v2  }
0x146: {  	v2 =	vld [tilespmem:s9+$0x20]  }
0x147: {  	v8 =	vmul.f32 v4, v1;
	v4 =	vld [tilespmem:s9+$0x0]  }
0x148: {  	v6 =	vmul.f32 v5, v1  }
0x149: {  	s6 =	simm.s32 $0x2440;
	s13 =	simm.s32 $0x1;
	v5 =	vmul.f32 v9, v1;
	v7 =	vmul.f32 v7, v1  }
.LBB2_15:
0x14a: {  	p0 =	sne.s32 s13, $0x63  }
0x14b: {  	v3 =	vmul.f32 v3, v1;
	v2 =	vmul.f32 v2, v1;
	[tilespmem:s9+$0x30] =	vst v8;
	s6 =	sadd.s32 $0x80, s6;
	s2 =	smov.u32 s13;
	s13 =	sadd.s32 $0x1, s13  }
0x14c: {  	v0 =	vmul.f32 v0, v1;
	[tilespmem:s9+$0xFFFFFFC0] =	vst v6;
	v1 =	vmul.f32 v4, v1  }
0x14d: {  	[tilespmem:s9+$0x10] =	vst v7  }
0x14e: {  	[tilespmem:s9+$0xFFFFFFE0] =	vst v5  }
0x14f: {  	[tilespmem:s9+$0xFFFFFFF0] =	vst v0  }
0x150: {  	v0 =	vld [tilespmem:s6+$0xFFFFFFF0];
	[tilespmem:s9+$0x0] =	vst v1  }
0x151: {  	s3 =	sand.u32 $0x70, s2;
	v5 =	vld [tilespmem:s6+$0x30];
	[tilespmem:s9+$0x20] =	vst v2  }
0x152: {  	s3 =	smin.u32 s3, $0x54;
	v7 =	vld [tilespmem:s6+$0x10];
	[tilespmem:s9+$0xFFFFFFD0] =	vst v3;
	s9 =	smov.u32 s6  }
0x153: {  	v1 =	vld [tilespmem:s3+$0x1B00]  }
0x154: {  	s3 =	sand.u32 $0xFFFFFFF0, s2;
	v6 =	vld [tilespmem:s6+$0xFFFFFFC0]  }
0x155: {  	s3 =	smin.u32 s3, $0x54;
	v9 =	vld [tilespmem:s6+$0xFFFFFFE0]  }
0x156: {  	s2 =	ssub.s32 s2, s3;
	v2 =	vld [tilespmem:s6+$0x20]  }
.Ltmp6:
0x157: {  	v4 =	vmov s2;
	v3 =	vld [tilespmem:s6+$0xFFFFFFD0];
	(pc) =	sbr.rel @p0 .LBB2_15-.Ltmp6, $3  }
0x158: {  	v1 =	vperm.xlane v1, v4;
	v4 =	vld [tilespmem:s6+$0x0];
	_ =	sdelay $0x1  }
0x159: {  	v6 =	vmul.f32 v6, v1;
	v8 =	vmul.f32 v5, v1  }
0x15a: {  	v5 =	vmul.f32 v9, v1;
	v7 =	vmul.f32 v7, v1  }
0x15b: {  	[tilespmem:s9+$0x30] =	vst v8  }
0x15c: {  	[tilespmem:s9+$0xFFFFFFC0] =	vst v6  }
0x15d: {  	v0 =	vmul.f32 v0, v1;
	[tilespmem:s9+$0x10] =	vst v7  }
0x15e: {  	v2 =	vmul.f32 v2, v1;
	[tilespmem:s9+$0xFFFFFFE0] =	vst v5  }
0x15f: {  	v4 =	vmul.f32 v4, v1;
	[tilespmem:s9+$0xFFFFFFF0] =	vst v0  }
0x160: {  	v0 =	vmul.f32 v3, v1;
	[tilespmem:s9+$0x20] =	vst v2  }
0x161: {  	[tilespmem:s9+$0x0] =	vst v4  }
0x162: {  	[tilespmem:s9+$0xFFFFFFD0] =	vst v0  }
0x163: {  	_ =	swait.ge [sflag:s5], $0x3200  }
0x164: {  	[sflag:s5] =	ssyncset.done $0x0  }
0x165: {  	s2 =	simm.s32 $0x400;
	[sflag:s5] =	ssyncadd.s32 $0xFFFFCE00  }
0x166: {  	[tilespmem:s23], [sflag:$0x3] =	stream.indirect.gather [hbm4b:s1+s17], $0x80, s2, s17, $0xb8;
	[tilespmem:$0x1F880] =	vst v63  }
0x167: {  	s9 =	simm.s32 $0xF00  }
0x168: {  	[spmem:s4] =	stream.indirect.scatter.add.f32 [tilespmem:s18], [sflag:$0x4], $0x80, s9, s17, $0xb8;
	[tilespmem:$0x1F880] =	vst v63  }
0x169: {  	_ =	swait.ge [sflag:s24], $0x3200  }
0x16a: {  	s13 =	simm.s32 $0x0;
	[sflag:s24] =	ssyncset.done $0x0  }
0x16b: {  	s3 =	sand.u32 $0x70, s13;
	s9 =	simm.s32 $0x5840;
	[sflag:s24] =	ssyncadd.s32 $0xFFFFCE00  }
0x16c: {  	s3 =	smin.u32 s3, $0x54;
	v4 =	vld [tilespmem:s9+$0x30]  }
0x16d: {  	v1 =	vld [tilespmem:s3+$0x1B80]  }
0x16e: {  	s2 =	sand.u32 $0xFFFFFFF0, s13;
	v7 =	vld [tilespmem:s9+$0x10]  }
0x16f: {  	s2 =	smin.u32 s2, $0x54;
	v5 =	vld [tilespmem:s9+$0xFFFFFFC0]  }
0x170: {  	s2 =	ssub.s32 $0x0, s2;
	v9 =	vld [tilespmem:s9+$0xFFFFFFE0]  }
0x171: {  	v2 =	vmov s2;
	v0 =	vld [tilespmem:s9+$0xFFFFFFF0]  }
0x172: {  	v3 =	vld [tilespmem:s9+$0xFFFFFFD0];
	v1 =	vperm.xlane v1, v2  }
0x173: {  	v2 =	vld [tilespmem:s9+$0x20]  }
0x174: {  	v8 =	vmul.f32 v4, v1;
	v4 =	vld [tilespmem:s9+$0x0]  }
0x175: {  	v6 =	vmul.f32 v5, v1  }
0x176: {  	s6 =	simm.s32 $0x5840;
	s13 =	simm.s32 $0x1;
	v5 =	vmul.f32 v9, v1;
	v7 =	vmul.f32 v7, v1  }
.LBB2_17:
0x177: {  	p0 =	sne.s32 s13, $0x63  }
0x178: {  	v3 =	vmul.f32 v3, v1;
	v2 =	vmul.f32 v2, v1;
	[tilespmem:s9+$0x30] =	vst v8;
	s6 =	sadd.s32 $0x80, s6;
	s2 =	smov.u32 s13;
	s13 =	sadd.s32 $0x1, s13  }
0x179: {  	v0 =	vmul.f32 v0, v1;
	[tilespmem:s9+$0xFFFFFFC0] =	vst v6;
	v1 =	vmul.f32 v4, v1  }
0x17a: {  	[tilespmem:s9+$0x10] =	vst v7  }
0x17b: {  	[tilespmem:s9+$0xFFFFFFE0] =	vst v5  }
0x17c: {  	[tilespmem:s9+$0xFFFFFFF0] =	vst v0  }
0x17d: {  	v0 =	vld [tilespmem:s6+$0xFFFFFFF0];
	[tilespmem:s9+$0x0] =	vst v1  }
0x17e: {  	s3 =	sand.u32 $0x70, s2;
	v5 =	vld [tilespmem:s6+$0x30];
	[tilespmem:s9+$0x20] =	vst v2  }
0x17f: {  	s3 =	smin.u32 s3, $0x54;
	v7 =	vld [tilespmem:s6+$0x10];
	[tilespmem:s9+$0xFFFFFFD0] =	vst v3;
	s9 =	smov.u32 s6  }
0x180: {  	v1 =	vld [tilespmem:s3+$0x1B80]  }
0x181: {  	s3 =	sand.u32 $0xFFFFFFF0, s2;
	v6 =	vld [tilespmem:s6+$0xFFFFFFC0]  }
0x182: {  	s3 =	smin.u32 s3, $0x54;
	v9 =	vld [tilespmem:s6+$0xFFFFFFE0]  }
0x183: {  	s2 =	ssub.s32 s2, s3;
	v2 =	vld [tilespmem:s6+$0x20]  }
.Ltmp7:
0x184: {  	v4 =	vmov s2;
	v3 =	vld [tilespmem:s6+$0xFFFFFFD0];
	(pc) =	sbr.rel @p0 .LBB2_17-.Ltmp7, $3  }
0x185: {  	v1 =	vperm.xlane v1, v4;
	v4 =	vld [tilespmem:s6+$0x0];
	_ =	sdelay $0x1  }
0x186: {  	v6 =	vmul.f32 v6, v1;
	v8 =	vmul.f32 v5, v1  }
0x187: {  	v5 =	vmul.f32 v9, v1;
	v7 =	vmul.f32 v7, v1  }
0x188: {  	[tilespmem:s9+$0x30] =	vst v8  }
0x189: {  	[tilespmem:s9+$0xFFFFFFC0] =	vst v6  }
0x18a: {  	v0 =	vmul.f32 v0, v1;
	[tilespmem:s9+$0x10] =	vst v7  }
0x18b: {  	v2 =	vmul.f32 v2, v1;
	[tilespmem:s9+$0xFFFFFFE0] =	vst v5  }
0x18c: {  	v4 =	vmul.f32 v4, v1;
	[tilespmem:s9+$0xFFFFFFF0] =	vst v0  }
0x18d: {  	v0 =	vmul.f32 v3, v1;
	[tilespmem:s9+$0x20] =	vst v2  }
0x18e: {  	[tilespmem:s9+$0x0] =	vst v4  }
0x18f: {  	[tilespmem:s9+$0xFFFFFFD0] =	vst v0  }
0x190: {  	_ =	swait.ge [sflag:s25], $0x3200  }
0x191: {  	[sflag:s25] =	ssyncset.done $0x0  }
0x192: {  	s2 =	simm.s32 $0x480;
	[sflag:s25] =	ssyncadd.s32 $0xFFFFCE00  }
0x193: {  	[tilespmem:s18], [sflag:$0x1] =	stream.indirect.gather [hbm4b:s1+s17], $0x80, s2, s17, $0xb8;
	[tilespmem:$0x1F880] =	vst v63  }
0x194: {  	s9 =	simm.s32 $0xF80  }
0x195: {  	[spmem:s4] =	stream.indirect.scatter.add.f32 [tilespmem:s20], [sflag:$0x5], $0x80, s9, s17, $0xb8;
	[tilespmem:$0x1F880] =	vst v63  }
0x196: {  	_ =	swait.ge [sflag:s29], $0x3200  }
0x197: {  	s13 =	simm.s32 $0x0;
	[sflag:s29] =	ssyncset.done $0x0  }
0x198: {  	s3 =	sand.u32 $0x70, s13;
	s9 =	simm.s32 $0x8C40;
	[sflag:s29] =	ssyncadd.s32 $0xFFFFCE00  }
0x199: {  	s3 =	smin.u32 s3, $0x54;
	v4 =	vld [tilespmem:s9+$0x30]  }
0x19a: {  	v1 =	vld [tilespmem:s3+$0x1C00]  }
0x19b: {  	s2 =	sand.u32 $0xFFFFFFF0, s13;
	v7 =	vld [tilespmem:s9+$0x10]  }
0x19c: {  	s2 =	smin.u32 s2, $0x54;
	v5 =	vld [tilespmem:s9+$0xFFFFFFC0]  }
0x19d: {  	s2 =	ssub.s32 $0x0, s2;
	v9 =	vld [tilespmem:s9+$0xFFFFFFE0]  }
0x19e: {  	v2 =	vmov s2;
	v0 =	vld [tilespmem:s9+$0xFFFFFFF0]  }
0x19f: {  	v3 =	vld [tilespmem:s9+$0xFFFFFFD0];
	v1 =	vperm.xlane v1, v2  }
0x1a0: {  	v2 =	vld [tilespmem:s9+$0x20]  }
0x1a1: {  	v8 =	vmul.f32 v4, v1;
	v4 =	vld [tilespmem:s9+$0x0]  }
0x1a2: {  	v6 =	vmul.f32 v5, v1  }
0x1a3: {  	s6 =	simm.s32 $0x8C40;
	s13 =	simm.s32 $0x1;
	v5 =	vmul.f32 v9, v1;
	v7 =	vmul.f32 v7, v1  }
.LBB2_19:
0x1a4: {  	p0 =	sne.s32 s13, $0x63  }
0x1a5: {  	v3 =	vmul.f32 v3, v1;
	v2 =	vmul.f32 v2, v1;
	[tilespmem:s9+$0x30] =	vst v8;
	s6 =	sadd.s32 $0x80, s6;
	s2 =	smov.u32 s13;
	s13 =	sadd.s32 $0x1, s13  }
0x1a6: {  	v0 =	vmul.f32 v0, v1;
	[tilespmem:s9+$0xFFFFFFC0] =	vst v6;
	v1 =	vmul.f32 v4, v1  }
0x1a7: {  	[tilespmem:s9+$0x10] =	vst v7  }
0x1a8: {  	[tilespmem:s9+$0xFFFFFFE0] =	vst v5  }
0x1a9: {  	[tilespmem:s9+$0xFFFFFFF0] =	vst v0  }
0x1aa: {  	v0 =	vld [tilespmem:s6+$0xFFFFFFF0];
	[tilespmem:s9+$0x0] =	vst v1  }
0x1ab: {  	s3 =	sand.u32 $0x70, s2;
	v5 =	vld [tilespmem:s6+$0x30];
	[tilespmem:s9+$0x20] =	vst v2  }
0x1ac: {  	s3 =	smin.u32 s3, $0x54;
	v7 =	vld [tilespmem:s6+$0x10];
	[tilespmem:s9+$0xFFFFFFD0] =	vst v3;
	s9 =	smov.u32 s6  }
0x1ad: {  	v1 =	vld [tilespmem:s3+$0x1C00]  }
0x1ae: {  	s3 =	sand.u32 $0xFFFFFFF0, s2;
	v6 =	vld [tilespmem:s6+$0xFFFFFFC0]  }
0x1af: {  	s3 =	smin.u32 s3, $0x54;
	v9 =	vld [tilespmem:s6+$0xFFFFFFE0]  }
0x1b0: {  	s2 =	ssub.s32 s2, s3;
	v2 =	vld [tilespmem:s6+$0x20]  }
.Ltmp8:
0x1b1: {  	v4 =	vmov s2;
	v3 =	vld [tilespmem:s6+$0xFFFFFFD0];
	(pc) =	sbr.rel @p0 .LBB2_19-.Ltmp8, $3  }
0x1b2: {  	v1 =	vperm.xlane v1, v4;
	v4 =	vld [tilespmem:s6+$0x0];
	_ =	sdelay $0x1  }
0x1b3: {  	v6 =	vmul.f32 v6, v1;
	v8 =	vmul.f32 v5, v1  }
0x1b4: {  	v5 =	vmul.f32 v9, v1;
	v7 =	vmul.f32 v7, v1  }
0x1b5: {  	[tilespmem:s9+$0x30] =	vst v8  }
0x1b6: {  	[tilespmem:s9+$0xFFFFFFC0] =	vst v6  }
0x1b7: {  	v0 =	vmul.f32 v0, v1;
	[tilespmem:s9+$0x10] =	vst v7  }
0x1b8: {  	v2 =	vmul.f32 v2, v1;
	[tilespmem:s9+$0xFFFFFFE0] =	vst v5  }
0x1b9: {  	v4 =	vmul.f32 v4, v1;
	[tilespmem:s9+$0xFFFFFFF0] =	vst v0  }
0x1ba: {  	v0 =	vmul.f32 v3, v1;
	[tilespmem:s9+$0x20] =	vst v2  }
0x1bb: {  	[tilespmem:s9+$0x0] =	vst v4  }
0x1bc: {  	[tilespmem:s9+$0xFFFFFFD0] =	vst v0  }
0x1bd: {  	_ =	swait.ge [sflag:s30], $0x3200  }
0x1be: {  	[sflag:s30] =	ssyncset.done $0x0  }
0x1bf: {  	s2 =	simm.s32 $0x500;
	[sflag:s30] =	ssyncadd.s32 $0xFFFFCE00  }
0x1c0: {  	[tilespmem:s20], [sflag:$0x2] =	stream.indirect.gather [hbm4b:s1+s17], $0x80, s2, s17, $0xb8;
	[tilespmem:$0x1F880] =	vst v63  }
0x1c1: {  	s9 =	simm.s32 $0x1000  }
0x1c2: {  	[spmem:s4] =	stream.indirect.scatter.add.f32 [tilespmem:s23], [sflag:$0x6], $0x80, s9, s17, $0xb8;
	[tilespmem:$0x1F880] =	vst v63  }
0x1c3: {  	_ =	swait.ge [sflag:s21], $0x3200  }
0x1c4: {  	s13 =	simm.s32 $0x0;
	[sflag:s21] =	ssyncset.done $0x0  }
0x1c5: {  	s3 =	sand.u32 $0x70, s13;
	s9 =	simm.s32 $0x2440;
	[sflag:s21] =	ssyncadd.s32 $0xFFFFCE00  }
0x1c6: {  	s3 =	smin.u32 s3, $0x54;
	v4 =	vld [tilespmem:s9+$0x30]  }
0x1c7: {  	v1 =	vld [tilespmem:s3+$0x1C80]  }
0x1c8: {  	s2 =	sand.u32 $0xFFFFFFF0, s13;
	v7 =	vld [tilespmem:s9+$0x10]  }
0x1c9: {  	s2 =	smin.u32 s2, $0x54;
	v5 =	vld [tilespmem:s9+$0xFFFFFFC0]  }
0x1ca: {  	s2 =	ssub.s32 $0x0, s2;
	v9 =	vld [tilespmem:s9+$0xFFFFFFE0]  }
0x1cb: {  	v2 =	vmov s2;
	v0 =	vld [tilespmem:s9+$0xFFFFFFF0]  }
0x1cc: {  	v3 =	vld [tilespmem:s9+$0xFFFFFFD0];
	v1 =	vperm.xlane v1, v2  }
0x1cd: {  	v2 =	vld [tilespmem:s9+$0x20]  }
0x1ce: {  	v8 =	vmul.f32 v4, v1;
	v4 =	vld [tilespmem:s9+$0x0]  }
0x1cf: {  	v6 =	vmul.f32 v5, v1  }
0x1d0: {  	s6 =	simm.s32 $0x2440;
	s13 =	simm.s32 $0x1;
	v5 =	vmul.f32 v9, v1;
	v7 =	vmul.f32 v7, v1  }
.LBB2_21:
0x1d1: {  	p0 =	sne.s32 s13, $0x63  }
0x1d2: {  	v3 =	vmul.f32 v3, v1;
	v2 =	vmul.f32 v2, v1;
	[tilespmem:s9+$0x30] =	vst v8;
	s6 =	sadd.s32 $0x80, s6;
	s2 =	smov.u32 s13;
	s13 =	sadd.s32 $0x1, s13  }
0x1d3: {  	v0 =	vmul.f32 v0, v1;
	[tilespmem:s9+$0xFFFFFFC0] =	vst v6;
	v1 =	vmul.f32 v4, v1  }
0x1d4: {  	[tilespmem:s9+$0x10] =	vst v7  }
0x1d5: {  	[tilespmem:s9+$0xFFFFFFE0] =	vst v5  }
0x1d6: {  	[tilespmem:s9+$0xFFFFFFF0] =	vst v0  }
0x1d7: {  	v0 =	vld [tilespmem:s6+$0xFFFFFFF0];
	[tilespmem:s9+$0x0] =	vst v1  }
0x1d8: {  	s3 =	sand.u32 $0x70, s2;
	v5 =	vld [tilespmem:s6+$0x30];
	[tilespmem:s9+$0x20] =	vst v2  }
0x1d9: {  	s3 =	smin.u32 s3, $0x54;
	v7 =	vld [tilespmem:s6+$0x10];
	[tilespmem:s9+$0xFFFFFFD0] =	vst v3;
	s9 =	smov.u32 s6  }
0x1da: {  	v1 =	vld [tilespmem:s3+$0x1C80]  }
0x1db: {  	s3 =	sand.u32 $0xFFFFFFF0, s2;
	v6 =	vld [tilespmem:s6+$0xFFFFFFC0]  }
0x1dc: {  	s3 =	smin.u32 s3, $0x54;
	v9 =	vld [tilespmem:s6+$0xFFFFFFE0]  }
0x1dd: {  	s2 =	ssub.s32 s2, s3;
	v2 =	vld [tilespmem:s6+$0x20]  }
.Ltmp9:
0x1de: {  	v4 =	vmov s2;
	v3 =	vld [tilespmem:s6+$0xFFFFFFD0];
	(pc) =	sbr.rel @p0 .LBB2_21-.Ltmp9, $3  }
0x1df: {  	v1 =	vperm.xlane v1, v4;
	v4 =	vld [tilespmem:s6+$0x0];
	_ =	sdelay $0x1  }
0x1e0: {  	v6 =	vmul.f32 v6, v1;
	v8 =	vmul.f32 v5, v1  }
0x1e1: {  	v5 =	vmul.f32 v9, v1;
	v7 =	vmul.f32 v7, v1  }
0x1e2: {  	[tilespmem:s9+$0x30] =	vst v8  }
0x1e3: {  	[tilespmem:s9+$0xFFFFFFC0] =	vst v6  }
0x1e4: {  	v0 =	vmul.f32 v0, v1;
	[tilespmem:s9+$0x10] =	vst v7  }
0x1e5: {  	v2 =	vmul.f32 v2, v1;
	[tilespmem:s9+$0xFFFFFFE0] =	vst v5  }
0x1e6: {  	v4 =	vmul.f32 v4, v1;
	[tilespmem:s9+$0xFFFFFFF0] =	vst v0  }
0x1e7: {  	v0 =	vmul.f32 v3, v1;
	[tilespmem:s9+$0x20] =	vst v2  }
0x1e8: {  	[tilespmem:s9+$0x0] =	vst v4  }
0x1e9: {  	[tilespmem:s9+$0xFFFFFFD0] =	vst v0  }
0x1ea: {  	_ =	swait.ge [sflag:s5], $0x3200  }
0x1eb: {  	[sflag:s5] =	ssyncset.done $0x0  }
0x1ec: {  	s2 =	simm.s32 $0x580;
	[sflag:s5] =	ssyncadd.s32 $0xFFFFCE00  }
0x1ed: {  	[tilespmem:s23], [sflag:$0x3] =	stream.indirect.gather [hbm4b:s1+s17], $0x80, s2, s17, $0xb8;
	[tilespmem:$0x1F880] =	vst v63  }
0x1ee: {  	s9 =	simm.s32 $0x1080  }
0x1ef: {  	[spmem:s4] =	stream.indirect.scatter.add.f32 [tilespmem:s18], [sflag:$0x4], $0x80, s9, s17, $0xb8;
	[tilespmem:$0x1F880] =	vst v63  }
0x1f0: {  	_ =	swait.ge [sflag:s24], $0x3200  }
0x1f1: {  	s13 =	simm.s32 $0x0;
	[sflag:s24] =	ssyncset.done $0x0  }
0x1f2: {  	s3 =	sand.u32 $0x70, s13;
	s9 =	simm.s32 $0x5840;
	[sflag:s24] =	ssyncadd.s32 $0xFFFFCE00  }
0x1f3: {  	s3 =	smin.u32 s3, $0x54;
	v4 =	vld [tilespmem:s9+$0x30]  }
0x1f4: {  	v1 =	vld [tilespmem:s3+$0x1D00]  }
0x1f5: {  	s2 =	sand.u32 $0xFFFFFFF0, s13;
	v7 =	vld [tilespmem:s9+$0x10]  }
0x1f6: {  	s2 =	smin.u32 s2, $0x54;
	v5 =	vld [tilespmem:s9+$0xFFFFFFC0]  }
0x1f7: {  	s2 =	ssub.s32 $0x0, s2;
	v9 =	vld [tilespmem:s9+$0xFFFFFFE0]  }
0x1f8: {  	v2 =	vmov s2;
	v0 =	vld [tilespmem:s9+$0xFFFFFFF0]  }
0x1f9: {  	v3 =	vld [tilespmem:s9+$0xFFFFFFD0];
	v1 =	vperm.xlane v1, v2  }
0x1fa: {  	v2 =	vld [tilespmem:s9+$0x20]  }
0x1fb: {  	v8 =	vmul.f32 v4, v1;
	v4 =	vld [tilespmem:s9+$0x0]  }
0x1fc: {  	v6 =	vmul.f32 v5, v1  }
0x1fd: {  	s6 =	simm.s32 $0x5840;
	s13 =	simm.s32 $0x1;
	v5 =	vmul.f32 v9, v1;
	v7 =	vmul.f32 v7, v1  }
.LBB2_23:
0x1fe: {  	p0 =	sne.s32 s13, $0x63  }
0x1ff: {  	v3 =	vmul.f32 v3, v1;
	v2 =	vmul.f32 v2, v1;
	[tilespmem:s9+$0x30] =	vst v8;
	s6 =	sadd.s32 $0x80, s6;
	s2 =	smov.u32 s13;
	s13 =	sadd.s32 $0x1, s13  }
0x200: {  	v0 =	vmul.f32 v0, v1;
	[tilespmem:s9+$0xFFFFFFC0] =	vst v6;
	v1 =	vmul.f32 v4, v1  }
0x201: {  	[tilespmem:s9+$0x10] =	vst v7  }
0x202: {  	[tilespmem:s9+$0xFFFFFFE0] =	vst v5  }
0x203: {  	[tilespmem:s9+$0xFFFFFFF0] =	vst v0  }
0x204: {  	v0 =	vld [tilespmem:s6+$0xFFFFFFF0];
	[tilespmem:s9+$0x0] =	vst v1  }
0x205: {  	s3 =	sand.u32 $0x70, s2;
	v5 =	vld [tilespmem:s6+$0x30];
	[tilespmem:s9+$0x20] =	vst v2  }
0x206: {  	s3 =	smin.u32 s3, $0x54;
	v7 =	vld [tilespmem:s6+$0x10];
	[tilespmem:s9+$0xFFFFFFD0] =	vst v3;
	s9 =	smov.u32 s6  }
0x207: {  	v1 =	vld [tilespmem:s3+$0x1D00]  }
0x208: {  	s3 =	sand.u32 $0xFFFFFFF0, s2;
	v6 =	vld [tilespmem:s6+$0xFFFFFFC0]  }
0x209: {  	s3 =	smin.u32 s3, $0x54;
	v9 =	vld [tilespmem:s6+$0xFFFFFFE0]  }
0x20a: {  	s2 =	ssub.s32 s2, s3;
	v2 =	vld [tilespmem:s6+$0x20]  }
.Ltmp10:
0x20b: {  	v4 =	vmov s2;
	v3 =	vld [tilespmem:s6+$0xFFFFFFD0];
	(pc) =	sbr.rel @p0 .LBB2_23-.Ltmp10, $3  }
0x20c: {  	v1 =	vperm.xlane v1, v4;
	v4 =	vld [tilespmem:s6+$0x0];
	_ =	sdelay $0x1  }
0x20d: {  	v6 =	vmul.f32 v6, v1;
	v8 =	vmul.f32 v5, v1  }
0x20e: {  	v5 =	vmul.f32 v9, v1;
	v7 =	vmul.f32 v7, v1  }
0x20f: {  	[tilespmem:s9+$0x30] =	vst v8  }
0x210: {  	[tilespmem:s9+$0xFFFFFFC0] =	vst v6  }
0x211: {  	v0 =	vmul.f32 v0, v1;
	[tilespmem:s9+$0x10] =	vst v7  }
0x212: {  	v2 =	vmul.f32 v2, v1;
	[tilespmem:s9+$0xFFFFFFE0] =	vst v5  }
0x213: {  	v4 =	vmul.f32 v4, v1;
	[tilespmem:s9+$0xFFFFFFF0] =	vst v0  }
0x214: {  	v0 =	vmul.f32 v3, v1;
	[tilespmem:s9+$0x20] =	vst v2  }
0x215: {  	[tilespmem:s9+$0x0] =	vst v4  }
0x216: {  	[tilespmem:s9+$0xFFFFFFD0] =	vst v0  }
0x217: {  	_ =	swait.ge [sflag:s25], $0x3200  }
0x218: {  	[sflag:s25] =	ssyncset.done $0x0  }
0x219: {  	s2 =	simm.s32 $0x600;
	[sflag:s25] =	ssyncadd.s32 $0xFFFFCE00  }
0x21a: {  	[tilespmem:s18], [sflag:$0x1] =	stream.indirect.gather [hbm4b:s1+s17], $0x80, s2, s17, $0xb8;
	[tilespmem:$0x1F880] =	vst v63  }
0x21b: {  	s9 =	simm.s32 $0x1100  }
0x21c: {  	[spmem:s4] =	stream.indirect.scatter.add.f32 [tilespmem:s20], [sflag:$0x5], $0x80, s9, s17, $0xb8;
	[tilespmem:$0x1F880] =	vst v63  }
0x21d: {  	_ =	swait.ge [sflag:s29], $0x3200  }
0x21e: {  	s13 =	simm.s32 $0x0;
	[sflag:s29] =	ssyncset.done $0x0  }
0x21f: {  	s3 =	sand.u32 $0x70, s13;
	s9 =	simm.s32 $0x8C40;
	[sflag:s29] =	ssyncadd.s32 $0xFFFFCE00  }
0x220: {  	s3 =	smin.u32 s3, $0x54;
	v4 =	vld [tilespmem:s9+$0x30]  }
0x221: {  	v1 =	vld [tilespmem:s3+$0x1D80]  }
0x222: {  	s2 =	sand.u32 $0xFFFFFFF0, s13;
	v7 =	vld [tilespmem:s9+$0x10]  }
0x223: {  	s2 =	smin.u32 s2, $0x54;
	v5 =	vld [tilespmem:s9+$0xFFFFFFC0]  }
0x224: {  	s2 =	ssub.s32 $0x0, s2;
	v9 =	vld [tilespmem:s9+$0xFFFFFFE0]  }
0x225: {  	v2 =	vmov s2;
	v0 =	vld [tilespmem:s9+$0xFFFFFFF0]  }
0x226: {  	v3 =	vld [tilespmem:s9+$0xFFFFFFD0];
	v1 =	vperm.xlane v1, v2  }
0x227: {  	v2 =	vld [tilespmem:s9+$0x20]  }
0x228: {  	v8 =	vmul.f32 v4, v1;
	v4 =	vld [tilespmem:s9+$0x0]  }
0x229: {  	v6 =	vmul.f32 v5, v1  }
0x22a: {  	s6 =	simm.s32 $0x8C40;
	s13 =	simm.s32 $0x1;
	v5 =	vmul.f32 v9, v1;
	v7 =	vmul.f32 v7, v1  }
.LBB2_25:
0x22b: {  	p0 =	sne.s32 s13, $0x63  }
0x22c: {  	v3 =	vmul.f32 v3, v1;
	v2 =	vmul.f32 v2, v1;
	[tilespmem:s9+$0x30] =	vst v8;
	s6 =	sadd.s32 $0x80, s6;
	s2 =	smov.u32 s13;
	s13 =	sadd.s32 $0x1, s13  }
0x22d: {  	v0 =	vmul.f32 v0, v1;
	[tilespmem:s9+$0xFFFFFFC0] =	vst v6;
	v1 =	vmul.f32 v4, v1  }
0x22e: {  	[tilespmem:s9+$0x10] =	vst v7  }
0x22f: {  	[tilespmem:s9+$0xFFFFFFE0] =	vst v5  }
0x230: {  	[tilespmem:s9+$0xFFFFFFF0] =	vst v0  }
0x231: {  	v0 =	vld [tilespmem:s6+$0xFFFFFFF0];
	[tilespmem:s9+$0x0] =	vst v1  }
0x232: {  	s3 =	sand.u32 $0x70, s2;
	v5 =	vld [tilespmem:s6+$0x30];
	[tilespmem:s9+$0x20] =	vst v2  }
0x233: {  	s3 =	smin.u32 s3, $0x54;
	v7 =	vld [tilespmem:s6+$0x10];
	[tilespmem:s9+$0xFFFFFFD0] =	vst v3;
	s9 =	smov.u32 s6  }
0x234: {  	v1 =	vld [tilespmem:s3+$0x1D80]  }
0x235: {  	s3 =	sand.u32 $0xFFFFFFF0, s2;
	v6 =	vld [tilespmem:s6+$0xFFFFFFC0]  }
0x236: {  	s3 =	smin.u32 s3, $0x54;
	v9 =	vld [tilespmem:s6+$0xFFFFFFE0]  }
0x237: {  	s2 =	ssub.s32 s2, s3;
	v2 =	vld [tilespmem:s6+$0x20]  }
.Ltmp11:
0x238: {  	v4 =	vmov s2;
	v3 =	vld [tilespmem:s6+$0xFFFFFFD0];
	(pc) =	sbr.rel @p0 .LBB2_25-.Ltmp11, $3  }
0x239: {  	v1 =	vperm.xlane v1, v4;
	v4 =	vld [tilespmem:s6+$0x0];
	_ =	sdelay $0x1  }
0x23a: {  	v6 =	vmul.f32 v6, v1;
	v8 =	vmul.f32 v5, v1  }
0x23b: {  	v5 =	vmul.f32 v9, v1;
	v7 =	vmul.f32 v7, v1  }
0x23c: {  	[tilespmem:s9+$0x30] =	vst v8  }
0x23d: {  	[tilespmem:s9+$0xFFFFFFC0] =	vst v6  }
0x23e: {  	v0 =	vmul.f32 v0, v1;
	[tilespmem:s9+$0x10] =	vst v7  }
0x23f: {  	v2 =	vmul.f32 v2, v1;
	[tilespmem:s9+$0xFFFFFFE0] =	vst v5  }
0x240: {  	v4 =	vmul.f32 v4, v1;
	[tilespmem:s9+$0xFFFFFFF0] =	vst v0  }
0x241: {  	v0 =	vmul.f32 v3, v1;
	[tilespmem:s9+$0x20] =	vst v2  }
0x242: {  	[tilespmem:s9+$0x0] =	vst v4  }
0x243: {  	[tilespmem:s9+$0xFFFFFFD0] =	vst v0  }
0x244: {  	_ =	swait.ge [sflag:s30], $0x3200  }
0x245: {  	[sflag:s30] =	ssyncset.done $0x0  }
0x246: {  	s2 =	simm.s32 $0x680;
	[sflag:s30] =	ssyncadd.s32 $0xFFFFCE00  }
0x247: {  	[tilespmem:s20], [sflag:$0x2] =	stream.indirect.gather [hbm4b:s1+s17], $0x80, s2, s17, $0xb8;
	[tilespmem:$0x1F880] =	vst v63  }
0x248: {  	s9 =	simm.s32 $0x1180  }
0x249: {  	[spmem:s4] =	stream.indirect.scatter.add.f32 [tilespmem:s23], [sflag:$0x6], $0x80, s9, s17, $0xb8;
	[tilespmem:$0x1F880] =	vst v63  }
0x24a: {  	_ =	swait.ge [sflag:s21], $0x3200  }
0x24b: {  	s13 =	simm.s32 $0x0;
	[sflag:s21] =	ssyncset.done $0x0  }
0x24c: {  	s3 =	sand.u32 $0x70, s13;
	s9 =	simm.s32 $0x2440;
	[sflag:s21] =	ssyncadd.s32 $0xFFFFCE00  }
0x24d: {  	s3 =	smin.u32 s3, $0x54;
	v4 =	vld [tilespmem:s9+$0x30]  }
0x24e: {  	v1 =	vld [tilespmem:s3+$0x1E00]  }
0x24f: {  	s2 =	sand.u32 $0xFFFFFFF0, s13;
	v7 =	vld [tilespmem:s9+$0x10]  }
0x250: {  	s2 =	smin.u32 s2, $0x54;
	v5 =	vld [tilespmem:s9+$0xFFFFFFC0]  }
0x251: {  	s2 =	ssub.s32 $0x0, s2;
	v9 =	vld [tilespmem:s9+$0xFFFFFFE0]  }
0x252: {  	v2 =	vmov s2;
	v0 =	vld [tilespmem:s9+$0xFFFFFFF0]  }
0x253: {  	v3 =	vld [tilespmem:s9+$0xFFFFFFD0];
	v1 =	vperm.xlane v1, v2  }
0x254: {  	v2 =	vld [tilespmem:s9+$0x20]  }
0x255: {  	v8 =	vmul.f32 v4, v1;
	v4 =	vld [tilespmem:s9+$0x0]  }
0x256: {  	v6 =	vmul.f32 v5, v1  }
0x257: {  	s6 =	simm.s32 $0x2440;
	s13 =	simm.s32 $0x1;
	v5 =	vmul.f32 v9, v1;
	v7 =	vmul.f32 v7, v1  }
.LBB2_27:
0x258: {  	p0 =	sne.s32 s13, $0x63  }
0x259: {  	v3 =	vmul.f32 v3, v1;
	v2 =	vmul.f32 v2, v1;
	[tilespmem:s9+$0x30] =	vst v8;
	s6 =	sadd.s32 $0x80, s6;
	s2 =	smov.u32 s13;
	s13 =	sadd.s32 $0x1, s13  }
0x25a: {  	v0 =	vmul.f32 v0, v1;
	[tilespmem:s9+$0xFFFFFFC0] =	vst v6;
	v1 =	vmul.f32 v4, v1  }
0x25b: {  	[tilespmem:s9+$0x10] =	vst v7  }
0x25c: {  	[tilespmem:s9+$0xFFFFFFE0] =	vst v5  }
0x25d: {  	[tilespmem:s9+$0xFFFFFFF0] =	vst v0  }
0x25e: {  	v0 =	vld [tilespmem:s6+$0xFFFFFFF0];
	[tilespmem:s9+$0x0] =	vst v1  }
0x25f: {  	s3 =	sand.u32 $0x70, s2;
	v5 =	vld [tilespmem:s6+$0x30];
	[tilespmem:s9+$0x20] =	vst v2  }
0x260: {  	s3 =	smin.u32 s3, $0x54;
	v7 =	vld [tilespmem:s6+$0x10];
	[tilespmem:s9+$0xFFFFFFD0] =	vst v3;
	s9 =	smov.u32 s6  }
0x261: {  	v1 =	vld [tilespmem:s3+$0x1E00]  }
0x262: {  	s3 =	sand.u32 $0xFFFFFFF0, s2;
	v6 =	vld [tilespmem:s6+$0xFFFFFFC0]  }
0x263: {  	s3 =	smin.u32 s3, $0x54;
	v9 =	vld [tilespmem:s6+$0xFFFFFFE0]  }
0x264: {  	s2 =	ssub.s32 s2, s3;
	v2 =	vld [tilespmem:s6+$0x20]  }
.Ltmp12:
0x265: {  	v4 =	vmov s2;
	v3 =	vld [tilespmem:s6+$0xFFFFFFD0];
	(pc) =	sbr.rel @p0 .LBB2_27-.Ltmp12, $3  }
0x266: {  	v1 =	vperm.xlane v1, v4;
	v4 =	vld [tilespmem:s6+$0x0];
	_ =	sdelay $0x1  }
0x267: {  	v6 =	vmul.f32 v6, v1;
	v8 =	vmul.f32 v5, v1  }
0x268: {  	v5 =	vmul.f32 v9, v1;
	v7 =	vmul.f32 v7, v1  }
0x269: {  	[tilespmem:s9+$0x30] =	vst v8  }
0x26a: {  	[tilespmem:s9+$0xFFFFFFC0] =	vst v6  }
0x26b: {  	v0 =	vmul.f32 v0, v1;
	[tilespmem:s9+$0x10] =	vst v7  }
0x26c: {  	v2 =	vmul.f32 v2, v1;
	[tilespmem:s9+$0xFFFFFFE0] =	vst v5  }
0x26d: {  	v4 =	vmul.f32 v4, v1;
	[tilespmem:s9+$0xFFFFFFF0] =	vst v0  }
0x26e: {  	v0 =	vmul.f32 v3, v1;
	[tilespmem:s9+$0x20] =	vst v2  }
0x26f: {  	[tilespmem:s9+$0x0] =	vst v4  }
0x270: {  	[tilespmem:s9+$0xFFFFFFD0] =	vst v0  }
0x271: {  	_ =	swait.ge [sflag:s5], $0x3200  }
0x272: {  	[sflag:s5] =	ssyncset.done $0x0  }
0x273: {  	s2 =	simm.s32 $0x700;
	[sflag:s5] =	ssyncadd.s32 $0xFFFFCE00  }
0x274: {  	[tilespmem:s23], [sflag:$0x3] =	stream.indirect.gather [hbm4b:s1+s17], $0x80, s2, s17, $0xb8;
	[tilespmem:$0x1F880] =	vst v63  }
0x275: {  	s9 =	simm.s32 $0x1200  }
0x276: {  	[spmem:s4] =	stream.indirect.scatter.add.f32 [tilespmem:s18], [sflag:$0x4], $0x80, s9, s17, $0xb8;
	[tilespmem:$0x1F880] =	vst v63  }
0x277: {  	_ =	swait.ge [sflag:s24], $0x3200  }
0x278: {  	s13 =	simm.s32 $0x0;
	[sflag:s24] =	ssyncset.done $0x0  }
0x279: {  	s3 =	sand.u32 $0x70, s13;
	s9 =	simm.s32 $0x5840;
	[sflag:s24] =	ssyncadd.s32 $0xFFFFCE00  }
0x27a: {  	s3 =	smin.u32 s3, $0x54;
	v4 =	vld [tilespmem:s9+$0x30]  }
0x27b: {  	v1 =	vld [tilespmem:s3+$0x1E80]  }
0x27c: {  	s2 =	sand.u32 $0xFFFFFFF0, s13;
	v7 =	vld [tilespmem:s9+$0x10]  }
0x27d: {  	s2 =	smin.u32 s2, $0x54;
	v5 =	vld [tilespmem:s9+$0xFFFFFFC0]  }
0x27e: {  	s2 =	ssub.s32 $0x0, s2;
	v9 =	vld [tilespmem:s9+$0xFFFFFFE0]  }
0x27f: {  	v2 =	vmov s2;
	v0 =	vld [tilespmem:s9+$0xFFFFFFF0]  }
0x280: {  	v3 =	vld [tilespmem:s9+$0xFFFFFFD0];
	v1 =	vperm.xlane v1, v2  }
0x281: {  	v2 =	vld [tilespmem:s9+$0x20]  }
0x282: {  	v8 =	vmul.f32 v4, v1;
	v4 =	vld [tilespmem:s9+$0x0]  }
0x283: {  	v6 =	vmul.f32 v5, v1  }
0x284: {  	s6 =	simm.s32 $0x5840;
	s13 =	simm.s32 $0x1;
	v5 =	vmul.f32 v9, v1;
	v7 =	vmul.f32 v7, v1  }
.LBB2_29:
0x285: {  	p0 =	sne.s32 s13, $0x63  }
0x286: {  	v3 =	vmul.f32 v3, v1;
	v2 =	vmul.f32 v2, v1;
	[tilespmem:s9+$0x30] =	vst v8;
	s6 =	sadd.s32 $0x80, s6;
	s2 =	smov.u32 s13;
	s13 =	sadd.s32 $0x1, s13  }
0x287: {  	v0 =	vmul.f32 v0, v1;
	[tilespmem:s9+$0xFFFFFFC0] =	vst v6;
	v1 =	vmul.f32 v4, v1  }
0x288: {  	[tilespmem:s9+$0x10] =	vst v7  }
0x289: {  	[tilespmem:s9+$0xFFFFFFE0] =	vst v5  }
0x28a: {  	[tilespmem:s9+$0xFFFFFFF0] =	vst v0  }
0x28b: {  	v0 =	vld [tilespmem:s6+$0xFFFFFFF0];
	[tilespmem:s9+$0x0] =	vst v1  }
0x28c: {  	s3 =	sand.u32 $0x70, s2;
	v5 =	vld [tilespmem:s6+$0x30];
	[tilespmem:s9+$0x20] =	vst v2  }
0x28d: {  	s3 =	smin.u32 s3, $0x54;
	v7 =	vld [tilespmem:s6+$0x10];
	[tilespmem:s9+$0xFFFFFFD0] =	vst v3;
	s9 =	smov.u32 s6  }
0x28e: {  	v1 =	vld [tilespmem:s3+$0x1E80]  }
0x28f: {  	s3 =	sand.u32 $0xFFFFFFF0, s2;
	v6 =	vld [tilespmem:s6+$0xFFFFFFC0]  }
0x290: {  	s3 =	smin.u32 s3, $0x54;
	v9 =	vld [tilespmem:s6+$0xFFFFFFE0]  }
0x291: {  	s2 =	ssub.s32 s2, s3;
	v2 =	vld [tilespmem:s6+$0x20]  }
.Ltmp13:
0x292: {  	v4 =	vmov s2;
	v3 =	vld [tilespmem:s6+$0xFFFFFFD0];
	(pc) =	sbr.rel @p0 .LBB2_29-.Ltmp13, $3  }
0x293: {  	v1 =	vperm.xlane v1, v4;
	v4 =	vld [tilespmem:s6+$0x0];
	_ =	sdelay $0x1  }
0x294: {  	v6 =	vmul.f32 v6, v1;
	v8 =	vmul.f32 v5, v1  }
0x295: {  	v5 =	vmul.f32 v9, v1;
	v7 =	vmul.f32 v7, v1  }
0x296: {  	[tilespmem:s9+$0x30] =	vst v8  }
0x297: {  	[tilespmem:s9+$0xFFFFFFC0] =	vst v6  }
0x298: {  	v0 =	vmul.f32 v0, v1;
	[tilespmem:s9+$0x10] =	vst v7  }
0x299: {  	v2 =	vmul.f32 v2, v1;
	[tilespmem:s9+$0xFFFFFFE0] =	vst v5  }
0x29a: {  	v4 =	vmul.f32 v4, v1;
	[tilespmem:s9+$0xFFFFFFF0] =	vst v0  }
0x29b: {  	v0 =	vmul.f32 v3, v1;
	[tilespmem:s9+$0x20] =	vst v2  }
0x29c: {  	[tilespmem:s9+$0x0] =	vst v4  }
0x29d: {  	[tilespmem:s9+$0xFFFFFFD0] =	vst v0  }
0x29e: {  	_ =	swait.ge [sflag:s25], $0x3200  }
0x29f: {  	[sflag:s25] =	ssyncset.done $0x0  }
0x2a0: {  	s2 =	simm.s32 $0x780;
	[sflag:s25] =	ssyncadd.s32 $0xFFFFCE00  }
0x2a1: {  	[tilespmem:s18], [sflag:$0x1] =	stream.indirect.gather [hbm4b:s1+s17], $0x80, s2, s17, $0xb8;
	[tilespmem:$0x1F880] =	vst v63  }
0x2a2: {  	s9 =	simm.s32 $0x1280  }
0x2a3: {  	[spmem:s4] =	stream.indirect.scatter.add.f32 [tilespmem:s20], [sflag:$0x5], $0x80, s9, s17, $0xb8;
	[tilespmem:$0x1F880] =	vst v63  }
0x2a4: {  	_ =	swait.ge [sflag:s29], $0x3200  }
0x2a5: {  	s13 =	simm.s32 $0x0;
	[sflag:s29] =	ssyncset.done $0x0  }
0x2a6: {  	s3 =	sand.u32 $0x70, s13;
	s9 =	simm.s32 $0x8C40;
	[sflag:s29] =	ssyncadd.s32 $0xFFFFCE00  }
0x2a7: {  	s3 =	smin.u32 s3, $0x54;
	v4 =	vld [tilespmem:s9+$0x30]  }
0x2a8: {  	v1 =	vld [tilespmem:s3+$0x1F00]  }
0x2a9: {  	s2 =	sand.u32 $0xFFFFFFF0, s13;
	v7 =	vld [tilespmem:s9+$0x10]  }
0x2aa: {  	s2 =	smin.u32 s2, $0x54;
	v5 =	vld [tilespmem:s9+$0xFFFFFFC0]  }
0x2ab: {  	s2 =	ssub.s32 $0x0, s2;
	v9 =	vld [tilespmem:s9+$0xFFFFFFE0]  }
0x2ac: {  	v2 =	vmov s2;
	v0 =	vld [tilespmem:s9+$0xFFFFFFF0]  }
0x2ad: {  	v3 =	vld [tilespmem:s9+$0xFFFFFFD0];
	v1 =	vperm.xlane v1, v2  }
0x2ae: {  	v2 =	vld [tilespmem:s9+$0x20]  }
0x2af: {  	v8 =	vmul.f32 v4, v1;
	v4 =	vld [tilespmem:s9+$0x0]  }
0x2b0: {  	v6 =	vmul.f32 v5, v1  }
0x2b1: {  	s6 =	simm.s32 $0x8C40;
	s13 =	simm.s32 $0x1;
	v5 =	vmul.f32 v9, v1;
	v7 =	vmul.f32 v7, v1  }
.LBB2_31:
0x2b2: {  	p0 =	sne.s32 s13, $0x63  }
0x2b3: {  	v3 =	vmul.f32 v3, v1;
	v2 =	vmul.f32 v2, v1;
	[tilespmem:s9+$0x30] =	vst v8;
	s6 =	sadd.s32 $0x80, s6;
	s2 =	smov.u32 s13;
	s13 =	sadd.s32 $0x1, s13  }
0x2b4: {  	v0 =	vmul.f32 v0, v1;
	[tilespmem:s9+$0xFFFFFFC0] =	vst v6;
	v1 =	vmul.f32 v4, v1  }
0x2b5: {  	[tilespmem:s9+$0x10] =	vst v7  }
0x2b6: {  	[tilespmem:s9+$0xFFFFFFE0] =	vst v5  }
0x2b7: {  	[tilespmem:s9+$0xFFFFFFF0] =	vst v0  }
0x2b8: {  	v0 =	vld [tilespmem:s6+$0xFFFFFFF0];
	[tilespmem:s9+$0x0] =	vst v1  }
0x2b9: {  	s3 =	sand.u32 $0x70, s2;
	v5 =	vld [tilespmem:s6+$0x30];
	[tilespmem:s9+$0x20] =	vst v2  }
0x2ba: {  	s3 =	smin.u32 s3, $0x54;
	v7 =	vld [tilespmem:s6+$0x10];
	[tilespmem:s9+$0xFFFFFFD0] =	vst v3;
	s9 =	smov.u32 s6  }
0x2bb: {  	v1 =	vld [tilespmem:s3+$0x1F00]  }
0x2bc: {  	s3 =	sand.u32 $0xFFFFFFF0, s2;
	v6 =	vld [tilespmem:s6+$0xFFFFFFC0]  }
0x2bd: {  	s3 =	smin.u32 s3, $0x54;
	v9 =	vld [tilespmem:s6+$0xFFFFFFE0]  }
0x2be: {  	s2 =	ssub.s32 s2, s3;
	v2 =	vld [tilespmem:s6+$0x20]  }
.Ltmp14:
0x2bf: {  	v4 =	vmov s2;
	v3 =	vld [tilespmem:s6+$0xFFFFFFD0];
	(pc) =	sbr.rel @p0 .LBB2_31-.Ltmp14, $3  }
0x2c0: {  	v1 =	vperm.xlane v1, v4;
	v4 =	vld [tilespmem:s6+$0x0];
	_ =	sdelay $0x1  }
0x2c1: {  	v6 =	vmul.f32 v6, v1;
	v8 =	vmul.f32 v5, v1  }
0x2c2: {  	v5 =	vmul.f32 v9, v1;
	v7 =	vmul.f32 v7, v1  }
0x2c3: {  	[tilespmem:s9+$0x30] =	vst v8  }
0x2c4: {  	[tilespmem:s9+$0xFFFFFFC0] =	vst v6  }
0x2c5: {  	v0 =	vmul.f32 v0, v1;
	[tilespmem:s9+$0x10] =	vst v7  }
0x2c6: {  	v2 =	vmul.f32 v2, v1;
	[tilespmem:s9+$0xFFFFFFE0] =	vst v5  }
0x2c7: {  	v4 =	vmul.f32 v4, v1;
	[tilespmem:s9+$0xFFFFFFF0] =	vst v0  }
0x2c8: {  	v0 =	vmul.f32 v3, v1;
	[tilespmem:s9+$0x20] =	vst v2  }
0x2c9: {  	[tilespmem:s9+$0x0] =	vst v4  }
0x2ca: {  	[tilespmem:s9+$0xFFFFFFD0] =	vst v0  }
0x2cb: {  	_ =	swait.ge [sflag:s30], $0x3200  }
0x2cc: {  	[sflag:s30] =	ssyncset.done $0x0  }
0x2cd: {  	s2 =	simm.s32 $0x800;
	[sflag:s30] =	ssyncadd.s32 $0xFFFFCE00  }
0x2ce: {  	[tilespmem:s20], [sflag:$0x2] =	stream.indirect.gather [hbm4b:s1+s17], $0x80, s2, s17, $0xb8;
	[tilespmem:$0x1F880] =	vst v63  }
0x2cf: {  	_ = 	snop  }
0x2d0: {  	[spmem:s4] =	stream.indirect.scatter.add.f32 [tilespmem:s23], [sflag:$0x6], $0x80, s16, s17, $0xb8;
	[tilespmem:$0x1F880] =	vst v63  }
0x2d1: {  	_ =	swait.ge [sflag:s21], $0x3200  }
0x2d2: {  	s13 =	simm.s32 $0x0;
	[sflag:s21] =	ssyncset.done $0x0  }
0x2d3: {  	s3 =	sand.u32 $0x70, s13;
	s9 =	simm.s32 $0x2440;
	[sflag:s21] =	ssyncadd.s32 $0xFFFFCE00  }
0x2d4: {  	s3 =	smin.u32 s3, $0x54;
	v4 =	vld [tilespmem:s9+$0x30]  }
0x2d5: {  	v1 =	vld [tilespmem:s3+$0x1F80]  }
0x2d6: {  	s2 =	sand.u32 $0xFFFFFFF0, s13;
	v7 =	vld [tilespmem:s9+$0x10]  }
0x2d7: {  	s2 =	smin.u32 s2, $0x54;
	v5 =	vld [tilespmem:s9+$0xFFFFFFC0]  }
0x2d8: {  	s2 =	ssub.s32 $0x0, s2;
	v9 =	vld [tilespmem:s9+$0xFFFFFFE0]  }
0x2d9: {  	v2 =	vmov s2;
	v0 =	vld [tilespmem:s9+$0xFFFFFFF0]  }
0x2da: {  	v3 =	vld [tilespmem:s9+$0xFFFFFFD0];
	v1 =	vperm.xlane v1, v2  }
0x2db: {  	v2 =	vld [tilespmem:s9+$0x20]  }
0x2dc: {  	v8 =	vmul.f32 v4, v1;
	v4 =	vld [tilespmem:s9+$0x0]  }
0x2dd: {  	v6 =	vmul.f32 v5, v1  }
0x2de: {  	s6 =	simm.s32 $0x2440;
	s13 =	simm.s32 $0x1;
	v5 =	vmul.f32 v9, v1;
	v7 =	vmul.f32 v7, v1  }
.LBB2_33:
0x2df: {  	p0 =	sne.s32 s13, $0x63  }
0x2e0: {  	v3 =	vmul.f32 v3, v1;
	v2 =	vmul.f32 v2, v1;
	[tilespmem:s9+$0x30] =	vst v8;
	s6 =	sadd.s32 $0x80, s6;
	s2 =	smov.u32 s13;
	s13 =	sadd.s32 $0x1, s13  }
0x2e1: {  	v0 =	vmul.f32 v0, v1;
	[tilespmem:s9+$0xFFFFFFC0] =	vst v6;
	v1 =	vmul.f32 v4, v1  }
0x2e2: {  	[tilespmem:s9+$0x10] =	vst v7  }
0x2e3: {  	[tilespmem:s9+$0xFFFFFFE0] =	vst v5  }
0x2e4: {  	[tilespmem:s9+$0xFFFFFFF0] =	vst v0  }
0x2e5: {  	v0 =	vld [tilespmem:s6+$0xFFFFFFF0];
	[tilespmem:s9+$0x0] =	vst v1  }
0x2e6: {  	s3 =	sand.u32 $0x70, s2;
	v5 =	vld [tilespmem:s6+$0x30];
	[tilespmem:s9+$0x20] =	vst v2  }
0x2e7: {  	s3 =	smin.u32 s3, $0x54;
	v7 =	vld [tilespmem:s6+$0x10];
	[tilespmem:s9+$0xFFFFFFD0] =	vst v3;
	s9 =	smov.u32 s6  }
0x2e8: {  	v1 =	vld [tilespmem:s3+$0x1F80]  }
0x2e9: {  	s3 =	sand.u32 $0xFFFFFFF0, s2;
	v6 =	vld [tilespmem:s6+$0xFFFFFFC0]  }
0x2ea: {  	s3 =	smin.u32 s3, $0x54;
	v9 =	vld [tilespmem:s6+$0xFFFFFFE0]  }
0x2eb: {  	s2 =	ssub.s32 s2, s3;
	v2 =	vld [tilespmem:s6+$0x20]  }
.Ltmp15:
0x2ec: {  	v4 =	vmov s2;
	v3 =	vld [tilespmem:s6+$0xFFFFFFD0];
	(pc) =	sbr.rel @p0 .LBB2_33-.Ltmp15, $3  }
0x2ed: {  	v1 =	vperm.xlane v1, v4;
	v4 =	vld [tilespmem:s6+$0x0];
	_ =	sdelay $0x1  }
0x2ee: {  	v6 =	vmul.f32 v6, v1;
	v8 =	vmul.f32 v5, v1  }
0x2ef: {  	v5 =	vmul.f32 v9, v1;
	v7 =	vmul.f32 v7, v1  }
0x2f0: {  	[tilespmem:s9+$0x30] =	vst v8  }
0x2f1: {  	[tilespmem:s9+$0xFFFFFFC0] =	vst v6  }
0x2f2: {  	v0 =	vmul.f32 v0, v1;
	[tilespmem:s9+$0x10] =	vst v7  }
0x2f3: {  	v2 =	vmul.f32 v2, v1;
	[tilespmem:s9+$0xFFFFFFE0] =	vst v5  }
0x2f4: {  	v4 =	vmul.f32 v4, v1;
	[tilespmem:s9+$0xFFFFFFF0] =	vst v0  }
0x2f5: {  	v0 =	vmul.f32 v3, v1;
	[tilespmem:s9+$0x20] =	vst v2  }
0x2f6: {  	[tilespmem:s9+$0x0] =	vst v4  }
0x2f7: {  	[tilespmem:s9+$0xFFFFFFD0] =	vst v0  }
0x2f8: {  	_ =	swait.ge [sflag:s5], $0x3200  }
0x2f9: {  	[sflag:s5] =	ssyncset.done $0x0  }
0x2fa: {  	[sflag:s5] =	ssyncadd.s32 $0xFFFFCE00  }
0x2fb: {  	[tilespmem:s23], [sflag:$0x3] =	stream.indirect.gather [hbm4b:s1+s17], $0x80, s19, s17, $0xb8;
	[tilespmem:$0x1F880] =	vst v63  }
0x2fc: {  	_ = 	snop  }
0x2fd: {  	[spmem:s4] =	stream.indirect.scatter.add.f32 [tilespmem:s18], [sflag:$0x4], $0x80, s22, s17, $0xb8;
	[tilespmem:$0x1F880] =	vst v63  }
0x2fe: {  	_ =	swait.ge [sflag:s24], $0x3200  }
0x2ff: {  	s2 =	simm.s32 $0x0;
	[sflag:s24] =	ssyncset.done $0x0  }
0x300: {  	s3 =	sand.u32 $0x70, s2;
	s9 =	simm.s32 $0x5840;
	[sflag:s24] =	ssyncadd.s32 $0xFFFFCE00  }
0x301: {  	s3 =	smin.u32 s3, $0x54;
	v4 =	vld [tilespmem:s9+$0x30]  }
0x302: {  	v1 =	vld [tilespmem:s3+$0x2000]  }
0x303: {  	s2 =	sand.u32 $0xFFFFFFF0, s2;
	v7 =	vld [tilespmem:s9+$0x10]  }
0x304: {  	s2 =	smin.u32 s2, $0x54;
	v5 =	vld [tilespmem:s9+$0xFFFFFFC0]  }
0x305: {  	s2 =	ssub.s32 $0x0, s2;
	v9 =	vld [tilespmem:s9+$0xFFFFFFE0]  }
0x306: {  	v2 =	vmov s2;
	v0 =	vld [tilespmem:s9+$0xFFFFFFF0]  }
0x307: {  	v3 =	vld [tilespmem:s9+$0xFFFFFFD0];
	v1 =	vperm.xlane v1, v2  }
0x308: {  	v2 =	vld [tilespmem:s9+$0x20]  }
0x309: {  	v8 =	vmul.f32 v4, v1;
	v4 =	vld [tilespmem:s9+$0x0]  }
0x30a: {  	v6 =	vmul.f32 v5, v1  }
0x30b: {  	s13 =	simm.s32 $0x1;
	s6 =	simm.s32 $0x5840;
	v5 =	vmul.f32 v9, v1;
	v7 =	vmul.f32 v7, v1  }
.LBB2_35:
0x30c: {  	p0 =	sne.s32 s13, $0x63  }
0x30d: {  	v3 =	vmul.f32 v3, v1;
	v2 =	vmul.f32 v2, v1;
	[tilespmem:s9+$0x30] =	vst v8;
	s6 =	sadd.s32 $0x80, s6;
	s2 =	smov.u32 s13;
	s13 =	sadd.s32 $0x1, s13  }
0x30e: {  	v0 =	vmul.f32 v0, v1;
	[tilespmem:s9+$0xFFFFFFC0] =	vst v6;
	v1 =	vmul.f32 v4, v1  }
0x30f: {  	[tilespmem:s9+$0x10] =	vst v7  }
0x310: {  	[tilespmem:s9+$0xFFFFFFE0] =	vst v5  }
0x311: {  	[tilespmem:s9+$0xFFFFFFF0] =	vst v0  }
0x312: {  	v0 =	vld [tilespmem:s6+$0xFFFFFFF0];
	[tilespmem:s9+$0x0] =	vst v1  }
0x313: {  	s3 =	sand.u32 $0x70, s2;
	v5 =	vld [tilespmem:s6+$0x30];
	[tilespmem:s9+$0x20] =	vst v2  }
0x314: {  	s3 =	smin.u32 s3, $0x54;
	v7 =	vld [tilespmem:s6+$0x10];
	[tilespmem:s9+$0xFFFFFFD0] =	vst v3;
	s9 =	smov.u32 s6  }
0x315: {  	v1 =	vld [tilespmem:s3+$0x2000]  }
0x316: {  	s3 =	sand.u32 $0xFFFFFFF0, s2;
	v6 =	vld [tilespmem:s6+$0xFFFFFFC0]  }
0x317: {  	s3 =	smin.u32 s3, $0x54;
	v9 =	vld [tilespmem:s6+$0xFFFFFFE0]  }
0x318: {  	s2 =	ssub.s32 s2, s3;
	v2 =	vld [tilespmem:s6+$0x20]  }
.Ltmp16:
0x319: {  	v4 =	vmov s2;
	v3 =	vld [tilespmem:s6+$0xFFFFFFD0];
	(pc) =	sbr.rel @p0 .LBB2_35-.Ltmp16, $3  }
0x31a: {  	v1 =	vperm.xlane v1, v4;
	v4 =	vld [tilespmem:s6+$0x0];
	_ =	sdelay $0x1  }
0x31b: {  	v6 =	vmul.f32 v6, v1;
	v8 =	vmul.f32 v5, v1  }
0x31c: {  	v5 =	vmul.f32 v9, v1;
	v7 =	vmul.f32 v7, v1  }
0x31d: {  	[tilespmem:s9+$0x30] =	vst v8  }
0x31e: {  	[tilespmem:s9+$0xFFFFFFC0] =	vst v6  }
0x31f: {  	v0 =	vmul.f32 v0, v1;
	[tilespmem:s9+$0x10] =	vst v7  }
0x320: {  	v2 =	vmul.f32 v2, v1;
	[tilespmem:s9+$0xFFFFFFE0] =	vst v5  }
0x321: {  	v4 =	vmul.f32 v4, v1;
	[tilespmem:s9+$0xFFFFFFF0] =	vst v0  }
0x322: {  	v0 =	vmul.f32 v3, v1;
	[tilespmem:s9+$0x20] =	vst v2  }
0x323: {  	[tilespmem:s9+$0x0] =	vst v4  }
0x324: {  	[tilespmem:s9+$0xFFFFFFD0] =	vst v0  }
0x325: {  	_ =	swait.ge [sflag:s25], $0x3200  }
0x326: {  	[sflag:s25] =	ssyncset.done $0x0  }
0x327: {  	[sflag:s25] =	ssyncadd.s32 $0xFFFFCE00  }
0x328: {  	[tilespmem:s18], [sflag:$0x1] =	stream.indirect.gather [hbm4b:s1+s17], $0x80, s26, s17, $0xb8;
	[tilespmem:$0x1F880] =	vst v63  }
0x329: {  	_ = 	snop  }
0x32a: {  	[spmem:s4] =	stream.indirect.scatter.add.f32 [tilespmem:s20], [sflag:$0x5], $0x80, s28, s17, $0xb8;
	[tilespmem:$0x1F880] =	vst v63  }
0x32b: {  	_ =	swait.ge [sflag:s29], $0x3200  }
0x32c: {  	s2 =	simm.s32 $0x0;
	[sflag:s29] =	ssyncset.done $0x0  }
0x32d: {  	s3 =	sand.u32 $0x70, s2;
	s9 =	simm.s32 $0x8C40;
	[sflag:s29] =	ssyncadd.s32 $0xFFFFCE00  }
0x32e: {  	s3 =	smin.u32 s3, $0x54;
	v4 =	vld [tilespmem:s9+$0x30]  }
0x32f: {  	v1 =	vld [tilespmem:s3+$0x2080]  }
0x330: {  	s2 =	sand.u32 $0xFFFFFFF0, s2;
	v7 =	vld [tilespmem:s9+$0x10]  }
0x331: {  	s2 =	smin.u32 s2, $0x54;
	v5 =	vld [tilespmem:s9+$0xFFFFFFC0]  }
0x332: {  	s2 =	ssub.s32 $0x0, s2;
	v9 =	vld [tilespmem:s9+$0xFFFFFFE0]  }
0x333: {  	v2 =	vmov s2;
	v0 =	vld [tilespmem:s9+$0xFFFFFFF0]  }
0x334: {  	v3 =	vld [tilespmem:s9+$0xFFFFFFD0];
	v1 =	vperm.xlane v1, v2  }
0x335: {  	v2 =	vld [tilespmem:s9+$0x20]  }
0x336: {  	v8 =	vmul.f32 v4, v1;
	v4 =	vld [tilespmem:s9+$0x0]  }
0x337: {  	v6 =	vmul.f32 v5, v1  }
0x338: {  	s13 =	simm.s32 $0x1;
	s6 =	simm.s32 $0x8C40;
	v5 =	vmul.f32 v9, v1;
	v7 =	vmul.f32 v7, v1  }
.LBB2_37:
0x339: {  	p0 =	sne.s32 s13, $0x63  }
0x33a: {  	v3 =	vmul.f32 v3, v1;
	v2 =	vmul.f32 v2, v1;
	[tilespmem:s9+$0x30] =	vst v8;
	s6 =	sadd.s32 $0x80, s6;
	s2 =	smov.u32 s13;
	s13 =	sadd.s32 $0x1, s13  }
0x33b: {  	v0 =	vmul.f32 v0, v1;
	[tilespmem:s9+$0xFFFFFFC0] =	vst v6;
	v1 =	vmul.f32 v4, v1  }
0x33c: {  	[tilespmem:s9+$0x10] =	vst v7  }
0x33d: {  	[tilespmem:s9+$0xFFFFFFE0] =	vst v5  }
0x33e: {  	[tilespmem:s9+$0xFFFFFFF0] =	vst v0  }
0x33f: {  	v0 =	vld [tilespmem:s6+$0xFFFFFFF0];
	[tilespmem:s9+$0x0] =	vst v1  }
0x340: {  	s3 =	sand.u32 $0x70, s2;
	v5 =	vld [tilespmem:s6+$0x30];
	[tilespmem:s9+$0x20] =	vst v2  }
0x341: {  	s3 =	smin.u32 s3, $0x54;
	v7 =	vld [tilespmem:s6+$0x10];
	[tilespmem:s9+$0xFFFFFFD0] =	vst v3;
	s9 =	smov.u32 s6  }
0x342: {  	v1 =	vld [tilespmem:s3+$0x2080]  }
0x343: {  	s3 =	sand.u32 $0xFFFFFFF0, s2;
	v6 =	vld [tilespmem:s6+$0xFFFFFFC0]  }
0x344: {  	s3 =	smin.u32 s3, $0x54;
	v9 =	vld [tilespmem:s6+$0xFFFFFFE0]  }
0x345: {  	s2 =	ssub.s32 s2, s3;
	v2 =	vld [tilespmem:s6+$0x20]  }
.Ltmp17:
0x346: {  	v4 =	vmov s2;
	v3 =	vld [tilespmem:s6+$0xFFFFFFD0];
	(pc) =	sbr.rel @p0 .LBB2_37-.Ltmp17, $3  }
0x347: {  	v1 =	vperm.xlane v1, v4;
	v4 =	vld [tilespmem:s6+$0x0];
	_ =	sdelay $0x1  }
0x348: {  	v6 =	vmul.f32 v6, v1;
	v8 =	vmul.f32 v5, v1  }
0x349: {  	v5 =	vmul.f32 v9, v1;
	v7 =	vmul.f32 v7, v1  }
0x34a: {  	[tilespmem:s9+$0x30] =	vst v8  }
0x34b: {  	[tilespmem:s9+$0xFFFFFFC0] =	vst v6  }
0x34c: {  	v0 =	vmul.f32 v0, v1;
	[tilespmem:s9+$0x10] =	vst v7  }
0x34d: {  	v2 =	vmul.f32 v2, v1;
	[tilespmem:s9+$0xFFFFFFE0] =	vst v5  }
0x34e: {  	v4 =	vmul.f32 v4, v1;
	[tilespmem:s9+$0xFFFFFFF0] =	vst v0  }
0x34f: {  	v0 =	vmul.f32 v3, v1;
	[tilespmem:s9+$0x20] =	vst v2  }
0x350: {  	[tilespmem:s9+$0x0] =	vst v4  }
0x351: {  	[tilespmem:s9+$0xFFFFFFD0] =	vst v0  }
0x352: {  	_ =	swait.ge [sflag:s30], $0x3200  }
0x353: {  	[sflag:s30] =	ssyncset.done $0x0  }
0x354: {  	[sflag:s30] =	ssyncadd.s32 $0xFFFFCE00  }
0x355: {  	[tilespmem:s20], [sflag:$0x2] =	stream.indirect.gather [hbm4b:s1+s17], $0x80, s31, s17, $0xb8;
	[tilespmem:$0x1F880] =	vst v63  }
0x356: {  	_ = 	snop  }
0x357: {  	[spmem:s4] =	stream.indirect.scatter.add.f32 [tilespmem:s23], [sflag:$0x6], $0x80, s0, s17, $0xb8;
	[tilespmem:$0x1F880] =	vst v63  }
0x358: {  	_ =	swait.ge [sflag:s21], $0x3200  }
0x359: {  	s2 =	simm.s32 $0x0;
	[sflag:s21] =	ssyncset.done $0x0  }
0x35a: {  	s3 =	sand.u32 $0x70, s2;
	s9 =	simm.s32 $0x2440;
	[sflag:s21] =	ssyncadd.s32 $0xFFFFCE00  }
0x35b: {  	s3 =	smin.u32 s3, $0x54;
	v4 =	vld [tilespmem:s9+$0x30]  }
0x35c: {  	v1 =	vld [tilespmem:s3+$0x2100]  }
0x35d: {  	s2 =	sand.u32 $0xFFFFFFF0, s2;
	v7 =	vld [tilespmem:s9+$0x10]  }
0x35e: {  	s2 =	smin.u32 s2, $0x54;
	v5 =	vld [tilespmem:s9+$0xFFFFFFC0]  }
0x35f: {  	s2 =	ssub.s32 $0x0, s2;
	v9 =	vld [tilespmem:s9+$0xFFFFFFE0]  }
0x360: {  	v2 =	vmov s2;
	v0 =	vld [tilespmem:s9+$0xFFFFFFF0]  }
0x361: {  	v3 =	vld [tilespmem:s9+$0xFFFFFFD0];
	v1 =	vperm.xlane v1, v2  }
0x362: {  	v2 =	vld [tilespmem:s9+$0x20]  }
0x363: {  	v8 =	vmul.f32 v4, v1;
	v4 =	vld [tilespmem:s9+$0x0]  }
0x364: {  	v6 =	vmul.f32 v5, v1  }
0x365: {  	s13 =	simm.s32 $0x1;
	s6 =	simm.s32 $0x2440;
	v5 =	vmul.f32 v9, v1;
	v7 =	vmul.f32 v7, v1  }
.LBB2_39:
0x366: {  	p0 =	sne.s32 s13, $0x63  }
0x367: {  	v3 =	vmul.f32 v3, v1;
	v2 =	vmul.f32 v2, v1;
	[tilespmem:s9+$0x30] =	vst v8;
	s6 =	sadd.s32 $0x80, s6;
	s2 =	smov.u32 s13;
	s13 =	sadd.s32 $0x1, s13  }
0x368: {  	v0 =	vmul.f32 v0, v1;
	[tilespmem:s9+$0xFFFFFFC0] =	vst v6;
	v1 =	vmul.f32 v4, v1  }
0x369: {  	[tilespmem:s9+$0x10] =	vst v7  }
0x36a: {  	[tilespmem:s9+$0xFFFFFFE0] =	vst v5  }
0x36b: {  	[tilespmem:s9+$0xFFFFFFF0] =	vst v0  }
0x36c: {  	v0 =	vld [tilespmem:s6+$0xFFFFFFF0];
	[tilespmem:s9+$0x0] =	vst v1  }
0x36d: {  	s3 =	sand.u32 $0x70, s2;
	v5 =	vld [tilespmem:s6+$0x30];
	[tilespmem:s9+$0x20] =	vst v2  }
0x36e: {  	s3 =	smin.u32 s3, $0x54;
	v7 =	vld [tilespmem:s6+$0x10];
	[tilespmem:s9+$0xFFFFFFD0] =	vst v3;
	s9 =	smov.u32 s6  }
0x36f: {  	v1 =	vld [tilespmem:s3+$0x2100]  }
0x370: {  	s3 =	sand.u32 $0xFFFFFFF0, s2;
	v6 =	vld [tilespmem:s6+$0xFFFFFFC0]  }
0x371: {  	s3 =	smin.u32 s3, $0x54;
	v9 =	vld [tilespmem:s6+$0xFFFFFFE0]  }
0x372: {  	s2 =	ssub.s32 s2, s3;
	v2 =	vld [tilespmem:s6+$0x20]  }
.Ltmp18:
0x373: {  	v4 =	vmov s2;
	v3 =	vld [tilespmem:s6+$0xFFFFFFD0];
	(pc) =	sbr.rel @p0 .LBB2_39-.Ltmp18, $3  }
0x374: {  	v1 =	vperm.xlane v1, v4;
	v4 =	vld [tilespmem:s6+$0x0];
	_ =	sdelay $0x1  }
0x375: {  	v6 =	vmul.f32 v6, v1;
	v8 =	vmul.f32 v5, v1  }
0x376: {  	v5 =	vmul.f32 v9, v1;
	v7 =	vmul.f32 v7, v1  }
0x377: {  	[tilespmem:s9+$0x30] =	vst v8  }
0x378: {  	[tilespmem:s9+$0xFFFFFFC0] =	vst v6  }
0x379: {  	v0 =	vmul.f32 v0, v1;
	[tilespmem:s9+$0x10] =	vst v7  }
0x37a: {  	v2 =	vmul.f32 v2, v1;
	[tilespmem:s9+$0xFFFFFFE0] =	vst v5  }
0x37b: {  	v4 =	vmul.f32 v4, v1;
	[tilespmem:s9+$0xFFFFFFF0] =	vst v0  }
0x37c: {  	v0 =	vmul.f32 v3, v1;
	[tilespmem:s9+$0x20] =	vst v2  }
0x37d: {  	[tilespmem:s9+$0x0] =	vst v4  }
0x37e: {  	[tilespmem:s9+$0xFFFFFFD0] =	vst v0  }
0x37f: {  	[spmem:s4] =	stream.indirect.scatter.add.f32 [tilespmem:s18], [sflag:$0x4], $0x80, s8, s17, $0xb8;
	[tilespmem:$0x1F880] =	vst v63  }
0x380: {  	_ =	swait.ge [sflag:s24], $0x3200  }
0x381: {  	s2 =	simm.s32 $0x0;
	[sflag:s24] =	ssyncset.done $0x0  }
0x382: {  	s3 =	sand.u32 $0x70, s2;
	s9 =	simm.s32 $0x5840;
	[sflag:s24] =	ssyncadd.s32 $0xFFFFCE00  }
0x383: {  	s3 =	smin.u32 s3, $0x54;
	v4 =	vld [tilespmem:s9+$0x30]  }
0x384: {  	v1 =	vld [tilespmem:s3+$0x2180]  }
0x385: {  	s2 =	sand.u32 $0xFFFFFFF0, s2;
	v7 =	vld [tilespmem:s9+$0x10]  }
0x386: {  	s2 =	smin.u32 s2, $0x54;
	v5 =	vld [tilespmem:s9+$0xFFFFFFC0]  }
0x387: {  	s2 =	ssub.s32 $0x0, s2;
	v9 =	vld [tilespmem:s9+$0xFFFFFFE0]  }
0x388: {  	v2 =	vmov s2;
	v0 =	vld [tilespmem:s9+$0xFFFFFFF0]  }
0x389: {  	v3 =	vld [tilespmem:s9+$0xFFFFFFD0];
	v1 =	vperm.xlane v1, v2  }
0x38a: {  	v2 =	vld [tilespmem:s9+$0x20]  }
0x38b: {  	v8 =	vmul.f32 v4, v1;
	v4 =	vld [tilespmem:s9+$0x0]  }
0x38c: {  	v6 =	vmul.f32 v5, v1  }
0x38d: {  	s13 =	simm.s32 $0x1;
	s6 =	simm.s32 $0x5840;
	v5 =	vmul.f32 v9, v1;
	v7 =	vmul.f32 v7, v1  }
.LBB2_41:
0x38e: {  	p0 =	sne.s32 s13, $0x63  }
0x38f: {  	v3 =	vmul.f32 v3, v1;
	v2 =	vmul.f32 v2, v1;
	[tilespmem:s9+$0x30] =	vst v8;
	s6 =	sadd.s32 $0x80, s6;
	s2 =	smov.u32 s13;
	s13 =	sadd.s32 $0x1, s13  }
0x390: {  	v0 =	vmul.f32 v0, v1;
	[tilespmem:s9+$0xFFFFFFC0] =	vst v6;
	v1 =	vmul.f32 v4, v1  }
0x391: {  	[tilespmem:s9+$0x10] =	vst v7  }
0x392: {  	[tilespmem:s9+$0xFFFFFFE0] =	vst v5  }
0x393: {  	[tilespmem:s9+$0xFFFFFFF0] =	vst v0  }
0x394: {  	v0 =	vld [tilespmem:s6+$0xFFFFFFF0];
	[tilespmem:s9+$0x0] =	vst v1  }
0x395: {  	s3 =	sand.u32 $0x70, s2;
	v5 =	vld [tilespmem:s6+$0x30];
	[tilespmem:s9+$0x20] =	vst v2  }
0x396: {  	s3 =	smin.u32 s3, $0x54;
	v7 =	vld [tilespmem:s6+$0x10];
	[tilespmem:s9+$0xFFFFFFD0] =	vst v3;
	s9 =	smov.u32 s6  }
0x397: {  	v1 =	vld [tilespmem:s3+$0x2180]  }
0x398: {  	s3 =	sand.u32 $0xFFFFFFF0, s2;
	v6 =	vld [tilespmem:s6+$0xFFFFFFC0]  }
0x399: {  	s3 =	smin.u32 s3, $0x54;
	v9 =	vld [tilespmem:s6+$0xFFFFFFE0]  }
0x39a: {  	s2 =	ssub.s32 s2, s3;
	v2 =	vld [tilespmem:s6+$0x20]  }
.Ltmp19:
0x39b: {  	v4 =	vmov s2;
	v3 =	vld [tilespmem:s6+$0xFFFFFFD0];
	(pc) =	sbr.rel @p0 .LBB2_41-.Ltmp19, $3  }
0x39c: {  	v1 =	vperm.xlane v1, v4;
	v4 =	vld [tilespmem:s6+$0x0];
	_ =	sdelay $0x1  }
0x39d: {  	v6 =	vmul.f32 v6, v1;
	v8 =	vmul.f32 v5, v1  }
0x39e: {  	v5 =	vmul.f32 v9, v1;
	v7 =	vmul.f32 v7, v1  }
0x39f: {  	[tilespmem:s9+$0x30] =	vst v8  }
0x3a0: {  	[tilespmem:s9+$0xFFFFFFC0] =	vst v6  }
0x3a1: {  	v0 =	vmul.f32 v0, v1;
	[tilespmem:s9+$0x10] =	vst v7  }
0x3a2: {  	v2 =	vmul.f32 v2, v1;
	[tilespmem:s9+$0xFFFFFFE0] =	vst v5  }
0x3a3: {  	v63 =	vmul.f32 v3, v1;
	[tilespmem:s9+$0xFFFFFFF0] =	vst v0  }
0x3a4: {  	v4 =	vmul.f32 v4, v1;
	[tilespmem:s9+$0x20] =	vst v2  }
0x3a5: {  	[tilespmem:s9+$0xFFFFFFD0] =	vst v63  }
0x3a6: {  	[tilespmem:s9+$0x0] =	vst v4  }
0x3a7: {  	[spmem:s4] =	stream.indirect.scatter.add.f32 [tilespmem:s20], [sflag:$0x5], $0x80, s11, s17, $0xb8;
	[tilespmem:$0x1F880] =	vst v63  }
0x3a8: {  	_ =	swait.ge [sflag:s5], $0x3200  }
0x3a9: {  	[sflag:s5] =	ssyncset.done $0x0  }
0x3aa: {  	s12 =	sadd.s32 $0x1, s12;
	[sflag:s5] =	ssyncadd.s32 $0xFFFFCE00  }
0x3ab: {  	p0 =	sne.s32 s12, $0x5;
	_ =	swait.ge [sflag:s25], $0x3200  }
.Ltmp20:
0x3ac: {  	[sflag:s25] =	ssyncset.done $0x0;
	(pc) =	sbr.rel @p0 .LBB2_2-.Ltmp20, $4  }
0x3ad: {  	[sflag:s25] =	ssyncadd.s32 $0xFFFFCE00  }
0x3ae: {  	_ =	swait.ge [sflag:s30], $0x3200  }
0x3af: {  	[sflag:s30] =	ssyncset.done $0x0  }
0x3b0: {  	[sflag:s30] =	ssyncadd.s32 $0xFFFFCE00  }
0x3b1: {  	[bflag:$0x0] =	sbarrier.arrive $0xFFFF  }
0x3b2: {  	s6 =	rddreg [dreg:$0x7]  }
0x3b3: {  	s2 =	rddreg [dreg:$0x8]  }
0x3b4: {  	s3 =	rddreg [dreg:$0xa]  }
0x3b5: {  	[hbm:s2], [sflag:s6] =	dma.local [spmem:s3], $0x2710  }
0x3b6: {  	_ =	swait.ge [sflag:s14], $0x2710  }
0x3b7: {  	s12 =	rddreg [dreg:$0x5]  }
0x3b8: {  	s13 =	rddreg [dreg:$0x9];
	s12 =	sadd.s32 $0x1, s12  }
0x3b9: {  	p0 =	sne.s32 s12, s13  }
.Ltmp21:
0x3ba: {  	_ = 	snop;
	(pc) =	sbr.rel @p0 .LBB2_1-.Ltmp21, $3  }
0x3bb: {  	_ =	sdelay $0x1  }
0x3bc: {  	[sflag:s14] =	ssyncset.done $0x0  }
0x3bd: {  	[sflag:s14] =	ssyncadd.s32 $0xFFFFD8F0  }
0x3be: {  	_ =	sfence.sel $0x180000  }
0x3bf: {  	[bflag:$0x0] =	sbarrier.arrive $0xFFFF  }
0x3c0: {  	_ =	strace $0x90000047  }
0x3c1: {  	s0 =	stileid.u32;
	[bflag:$0x2] =	sbarrier.arrive $0xFFFF  }
0x3c2: {  	p0 =	sne.s32 s0, $0x0;
	s0 =	rddreg [dreg:$0x4]  }
0x3c3: {  	s0 =	sadd.s32 @!p0 $0x100000, s0  }
0x3c4: {  	[sflag:s0] =	ssyncadd.tile.s32 @!p0 $0x1;
	_ =	shalt  }
.Lfunc_end2:
_tile_overlayer_lowered:
.L_overlay_start_2:
0x3c5: {  	(tag) =	ssettag $0x2  }
0x3c6: {  	s0 =	rddreg [dreg:$0x0];
	s2 =	stileid.u32  }
0x3c7: {  	s1 =	rddreg [dreg:$0x1];
	p0 =	sne.s32 s2, $0x0  }
0x3c8: {  	s3 =	rddreg [dreg:$0x2];
	[bflag:$0x3] =	sbarrier.arrive $0xFFFF;
	s2 =	simm.s32 @!p0 $0x1C07  }
0x3c9: {  	[timem:s3], [sflag:s2] =	dma.local @!p0 [hbm:s0], s1  }
0x3ca: {  	s0 =	simm.s32 @!p0 $0x7  }
0x3cb: {  	_ =	swait.ge @!p0 [sflag:s0], s1  }
0x3cc: {  	s1 =	ssub.s32 @!p0 $0x0, s1;
	[sflag:s0] =	ssyncset.done @!p0 $0x0  }
0x3cd: {  	[sflag:s0] =	ssyncadd.s32 @!p0 s1  }
0x3ce: {  	[bflag:$0x3] =	sbarrier.arrive $0xFFFF  }
0x3cf: {  	_ =	shalt  }

</sc_bundles>
